<compile_context>
chip_gen: v7x
topology: tpu7x:2x2x1
jax: 0.10.2.dev20260603
libtpu: 0.0.44.dev20260713+nightly
codegen_flags: <defaults>
</compile_context>

<pallas_src>
import jax
import jax.numpy as jnp
from jax import lax
from jax.experimental import pallas as pl
from jax.experimental.pallas import tpu as pltpu
from jax.experimental.pallas import tpu_sc as plsc

B, T, D = 16, 512, 256
L = 2048
MAX_DUR = 8

NC, NS = 2, 16
HALF = L // 2
CHUNK = 64
NCHUNK = HALF // CHUNK
NBUF = 2
SROWS = CHUNK + 8
ZROW = SROWS
LANES = 16
LPAD = L + 2 * LANES


def _body(enc_hbm, dur_hbm, out_hbm, dur_v, idx_v, *bufs_and_sems):
  stbufs = bufs_and_sems[:NBUF]
  obufs = bufs_and_sems[NBUF:2 * NBUF]
  ssems = bufs_and_sems[2 * NBUF:3 * NBUF]
  osems = bufs_and_sems[3 * NBUF:4 * NBUF]
  cid = lax.axis_index("c")
  sid = lax.axis_index("s")
  wid = sid * NC + cid
  b = wid // 2
  half = wid % 2
  row0 = b * T

  pltpu.sync_copy(dur_hbm.at[b], dur_v)

  zf = jnp.zeros((LANES,), jnp.float32)

  for stb in stbufs:
    for j in range(D // LANES):
      stb[ZROW, pl.ds(j * LANES, LANES)] = zf

  zi = jnp.full((LANES,), row0, jnp.int32)
  for j in range(LPAD // LANES):
    idx_v[pl.ds(j * LANES, LANES)] = zi

  t_iota = lax.iota(jnp.int32, LANES)
  carry = jnp.int32(0)
  for i in range(T // LANES):
    v = dur_v[pl.ds(i * LANES, LANES)]
    inc = plsc.cumsum(v)
    start = inc - v + carry
    carry = carry + inc[LANES - 1]
    val = t_iota + (row0 + i * LANES)
    for k in range(MAX_DUR - 1):
      pos = start + k
      mask = (v > k) & (pos < L)
      plsc.store_scatter(idx_v, [pos], val, mask=mask)
  total = carry

  def _off(ci):
    return (2 * ci + half) * CHUNK

  def _stage_base(ci):
    off = _off(jnp.minimum(ci, NCHUNK - 1))
    t0g = idx_v[pl.ds(off, LANES)][0]
    sbl = jnp.clip(t0g - row0, 0, T - SROWS)
    return pl.multiple_of(jnp.bitwise_and(sbl, -8), 8)

  def _stage_issue(sb, stbuf, sem):
    pltpu.async_copy(
        enc_hbm.at[pl.ds(row0 + sb, SROWS), :], stbuf.at[pl.ds(0, SROWS), :], sem
    )

  sb_list = []
  for s in range(NBUF):
    sb = _stage_base(jnp.int32(s))
    _stage_issue(sb, stbufs[s], ssems[s])
    sb_list.append(sb)

  def _outer(oi, sbs):
    new_sbs = []
    for s in range(NBUF):
      ci = oi * NBUF + s
      off = _off(ci)
      stb = stbufs[s]
      ob = obufs[s]
      sb = sbs[s]

      pltpu.make_async_copy(
          enc_hbm.at[pl.ds(row0, SROWS), :], stb.at[pl.ds(0, SROWS), :], ssems[s]
      ).wait()

      @pl.when(oi > 0)
      def _drain():
        pltpu.make_async_copy(ob, out_hbm.at[pl.ds(b * L + off, CHUNK), :], osems[s]).wait()

      base = row0 + sb

      @plsc.parallel_loop(0, CHUNK, unroll=4)
      def _expand(fr):
        lv = idx_v[pl.ds(off + fr, LANES)][0] - base
        lt = jnp.where(off + fr >= total, ZROW, jnp.clip(lv, 0, SROWS - 1))
        vals = [stb[lt, pl.ds(j * LANES, LANES)] for j in range(D // LANES)]
        for j in range(D // LANES):
          ob[fr, pl.ds(j * LANES, LANES)] = vals[j]

      sb_next = _stage_base(ci + NBUF)

      @pl.when(oi < NCHUNK // NBUF - 1)
      def _refill():
        _stage_issue(sb_next, stb, ssems[s])

      new_sbs.append(sb_next)

      pltpu.async_copy(ob, out_hbm.at[pl.ds(b * L + off, CHUNK), :], osems[s])
    return tuple(new_sbs)

  lax.fori_loop(0, NCHUNK // NBUF, _outer, tuple(sb_list))

  for s in range(NBUF):
    pltpu.make_async_copy(obufs[s], out_hbm.at[pl.ds(b * L, CHUNK), :], osems[s]).wait()


@jax.jit
def kernel(encoder_output, durations):
  enc_flat = encoder_output.reshape(B * T, D)
  dur32 = durations.astype(jnp.int32)
  mesh = plsc.VectorSubcoreMesh(
      core_axis_name="c", subcore_axis_name="s", num_cores=NC, num_subcores=NS
  )
  run = pl.kernel(
      _body,
      out_type=jax.ShapeDtypeStruct((B * L, D), jnp.float32),
      mesh=mesh,
      scratch_types=(
          [pltpu.VMEM((T,), jnp.int32), pltpu.VMEM((LPAD,), jnp.int32)]
          + [pltpu.VMEM((SROWS + 1, D), jnp.float32)] * NBUF
          + [pltpu.VMEM((CHUNK, D), jnp.float32)] * NBUF
          + [pltpu.SemaphoreType.DMA] * (2 * NBUF)
      ),
      compiler_params=pltpu.CompilerParams(needs_layout_passes=False),
  )
  out = run(enc_flat, dur32)
  return out.reshape(B, L, D)

# --- scband reference (transcript-rebuilt; emitter-appended) ---
"""Pipeline reference for scband-length-regulator-63728724738803 (READ-ONLY COPY).

The authoritative reference and input builder live on the scoring server;
editing this copy changes nothing except your own understanding.
"""

import jax, jax.numpy as jnp
import numpy as np

OUTPUT_LENGTH = 2048


def setup_inputs(seed: int = 0) -> dict:
    key = jax.random.key(seed)
    k1, k2 = jax.random.split(key)
    encoder_output = jax.random.normal(k1, (16, 512, 256), dtype=jnp.float32)
    durations = jax.random.randint(k2, (16, 512), 0, 8, dtype=jnp.int64)
    return {"encoder_output": encoder_output, "durations": durations}


def reference(encoder_output, durations):
    # Length regulation (FastSpeech): repeat each phoneme's encoder vector
    # `durations[b, t]` times, then pad/truncate to OUTPUT_LENGTH frames.
    # Implemented as a gather: for each output frame position p, find the
    # phoneme index whose cumulative-duration interval contains p.
    B, T, D = encoder_output.shape
    csum = jnp.cumsum(durations, axis=1)            # [B, T] exclusive-right cumsum
    total = csum[:, -1]                             # [B] total expanded length
    positions = jnp.arange(OUTPUT_LENGTH)           # [L]
    # idx[b, p] = number of cumsum entries <= p  (searchsorted right)
    idx = jax.vmap(lambda c: jnp.searchsorted(c, positions, side="right"))(csum)  # [B, L]
    idx_clipped = jnp.clip(idx, 0, T - 1)
    gathered = jnp.take_along_axis(encoder_output, idx_clipped[:, :, None], axis=1)  # [B, L, D]
    mask = (positions[None, :] < total[:, None]).astype(encoder_output.dtype)        # [B, L]
    return gathered * mask[:, :, None]


if False:  # reference __main__ guard neutralized (emitter)
    inp = setup_inputs()
    out = reference(**inp)
    print(out.shape, out.dtype)

if __name__ == "__main__":
    import jax
    _d = setup_inputs()
    print(jax.jit(kernel)(*tuple(_d.values())))

</pallas_src>

<mosaic_0001>
#map = affine_map<(d0, d1) -> (0, 0)>
module attributes {stable_mosaic.version = 14 : i64} {
  func.func @_body(%arg0: i32, %arg1: i32, %arg2: memref<8192x256xf32, #tpu.memory_space<hbm>>, %arg3: memref<16x512xi32, #tpu.memory_space<hbm>>, %arg4: memref<32768x256xf32, #tpu.memory_space<hbm>>, %arg5: memref<512xi32, #tpu.memory_space<vmem>>, %arg6: memref<2080xi32, #tpu.memory_space<vmem>>, %arg7: memref<73x256xf32, #tpu.memory_space<vmem>>, %arg8: memref<73x256xf32, #tpu.memory_space<vmem>>, %arg9: memref<64x256xf32, #tpu.memory_space<vmem>>, %arg10: memref<64x256xf32, #tpu.memory_space<vmem>>, %arg11: memref<!tpu.dma_semaphore, #tpu.memory_space<semaphore_mem>>, %arg12: memref<!tpu.dma_semaphore, #tpu.memory_space<semaphore_mem>>, %arg13: memref<!tpu.dma_semaphore, #tpu.memory_space<semaphore_mem>>, %arg14: memref<!tpu.dma_semaphore, #tpu.memory_space<semaphore_mem>>) attributes {dimension_semantics = [#tpu.dimension_semantics<core_parallel>, #tpu.dimension_semantics<subcore_parallel>], iteration_bounds = array<i64: 2, 16>, scalar_prefetch = 0 : i64, scratch_operands = 10 : i64, tpu.core_type = #tpu.core_type<sc_vector_subcore>, window_params = [{transform_indices = #map}, {transform_indices = #map}, {transform_indices = #map}]} {
    %mul3A = arith.constant 2 : i32
    %mul3A_0 = arith.muli %arg1, %mul3A : i32
    %add3A = arith.addi %mul3A_0, %arg0 : i32
    %jit3A = arith.constant 2 : i32
    %div3A = arith.divsi %add3A, %jit3A : i32
    %sign3A = arith.constant 0 : i32
    %sign3A_1 = arith.cmpi sgt, %add3A, %sign3A : i32
    %sign3A_2 = arith.extui %sign3A_1 : i1 to i32
    %sign3A_3 = arith.constant 0 : i32
    %sign3A_4 = arith.cmpi slt, %add3A, %sign3A_3 : i32
    %sign3A_5 = arith.extui %sign3A_4 : i1 to i32
    %sign3A_6 = arith.subi %sign3A_2, %sign3A_5 : i32
    %sign3A_7 = arith.constant 0 : i32
    %sign3A_8 = arith.cmpi sgt, %jit3A, %sign3A_7 : i32
    %sign3A_9 = arith.extui %sign3A_8 : i1 to i32
    %sign3A_10 = arith.constant 0 : i32
    %sign3A_11 = arith.cmpi slt, %jit3A, %sign3A_10 : i32
    %sign3A_12 = arith.extui %sign3A_11 : i1 to i32
    %sign3A_13 = arith.subi %sign3A_9, %sign3A_12 : i32
    %ne3A = arith.cmpi ne, %sign3A_6, %sign3A_13 : i32
    %rem3A = arith.remsi %add3A, %jit3A : i32
    %ne3A_14 = arith.constant 0 : i32
    %ne3A_15 = arith.cmpi ne, %rem3A, %ne3A_14 : i32
    %and3A = arith.andi %ne3A, %ne3A_15 : i1
    %sub3A = arith.constant 1 : i32
    %sub3A_16 = arith.subi %div3A, %sub3A : i32
    %select_n3A = arith.select %and3A, %sub3A_16, %div3A : i32
    %jit3A_17 = arith.constant 2 : i32
    %eq3A = arith.constant 0 : i32
    %eq3A_18 = arith.cmpi eq, %jit3A_17, %eq3A : i32
    %jit3A_19 = arith.constant 1 : i32
    %select_n3A_20 = arith.select %eq3A_18, %jit3A_19, %jit3A_17 : i32
    %rem3A_21 = arith.remsi %add3A, %select_n3A_20 : i32
    %ne3A_22 = arith.constant 0 : i32
    %ne3A_23 = arith.cmpi ne, %rem3A_21, %ne3A_22 : i32
    %lt3A = arith.constant 0 : i32
    %lt3A_24 = arith.cmpi slt, %rem3A_21, %lt3A : i32
    %lt3A_25 = arith.constant 0 : i32
    %lt3A_26 = arith.cmpi slt, %select_n3A_20, %lt3A_25 : i32
    %ne3A_27 = arith.xori %lt3A_24, %lt3A_26 : i1
    %and3A_28 = arith.andi %ne3A_27, %ne3A_23 : i1
    %add3A_29 = arith.addi %rem3A_21, %select_n3A_20 : i32
    %select_n3A_30 = arith.select %and3A_28, %add3A_29, %rem3A_21 : i32
    %mul3A_31 = arith.constant 512 : i32
    %mul3A_32 = arith.muli %select_n3A, %mul3A_31 : i32
    "tpu.region"() ({
      %run_scoped3A = tpu.sem_alloc : memref<!tpu.dma_semaphore, #tpu.memory_space<semaphore_mem>>
      %dma_start3A_3213 = arith.constant 0 : i32
      %dma_start3A_3214 = tpu.memref_slice %arg3[%select_n3A, %dma_start3A_3213] : memref<16x512xi32, #tpu.memory_space<hbm>> -> memref<1x512xi32, #tpu.memory_space<hbm>>
      %dma_start3A_3215 = tpu.memref_squeeze %dma_start3A_3214 : memref<1x512xi32, #tpu.memory_space<hbm>> -> memref<512xi32, #tpu.memory_space<hbm>>
      %dma_start3A_3216 = arith.constant 0 : i32
      %dma_start3A_3217 = tpu.memref_slice %arg3[%select_n3A, %dma_start3A_3216] : memref<16x512xi32, #tpu.memory_space<hbm>> -> memref<1x512xi32, #tpu.memory_space<hbm>>
      %dma_start3A_3218 = tpu.memref_squeeze %dma_start3A_3217 : memref<1x512xi32, #tpu.memory_space<hbm>> -> memref<512xi32, #tpu.memory_space<hbm>>
      tpu.enqueue_dma source(%dma_start3A_3218 : memref<512xi32, #tpu.memory_space<hbm>>) target(%arg5 : memref<512xi32, #tpu.memory_space<vmem>>) target_semaphore(%run_scoped3A : memref<!tpu.dma_semaphore, #tpu.memory_space<semaphore_mem>>)
      %dma_wait3A_3219 = arith.constant 0 : i32
      %dma_wait3A_3220 = tpu.memref_slice %arg3[%select_n3A, %dma_wait3A_3219] : memref<16x512xi32, #tpu.memory_space<hbm>> -> memref<1x512xi32, #tpu.memory_space<hbm>>
      %dma_wait3A_3221 = tpu.memref_squeeze %dma_wait3A_3220 : memref<1x512xi32, #tpu.memory_space<hbm>> -> memref<512xi32, #tpu.memory_space<hbm>>
      %dma_wait3A_3222 = arith.constant 0 : i32
      %dma_wait3A_3223 = tpu.memref_slice %arg3[%select_n3A, %dma_wait3A_3222] : memref<16x512xi32, #tpu.memory_space<hbm>> -> memref<1x512xi32, #tpu.memory_space<hbm>>
      %dma_wait3A_3224 = tpu.memref_squeeze %dma_wait3A_3223 : memref<1x512xi32, #tpu.memory_space<hbm>> -> memref<512xi32, #tpu.memory_space<hbm>>
      tpu.wait_dma2 semaphore(%run_scoped3A : memref<!tpu.dma_semaphore, #tpu.memory_space<semaphore_mem>>) src(%dma_wait3A_3224 : memref<512xi32, #tpu.memory_space<hbm>>) dst(%arg5 : memref<512xi32, #tpu.memory_space<vmem>>)
      tpu.yield
    }) : () -> ()
    %broadcast_in_dim3A = arith.constant 0.000000e+00 : f32
    %broadcast_in_dim3A_33 = vector.broadcast %broadcast_in_dim3A : f32 to vector<16xf32>
    %swap3A = arith.constant 72 : i32
    %swap3A_34 = arith.index_cast %swap3A : i32 to index
    %swap3A_35 = arith.constant 0 : index
    %swap3A_36 = tpu.vector_load %arg7[%swap3A_34, %swap3A_35] {strides = array<i32>} : memref<73x256xf32, #tpu.memory_space<vmem>>, vector<16xf32>,
    tpu.vector_store %arg7[%swap3A_34, %swap3A_35], %broadcast_in_dim3A_33 {strides = array<i32>} : memref<73x256xf32, #tpu.memory_space<vmem>>, vector<16xf32>,
    %swap3A_37 = arith.constant 72 : i32
    %swap3A_38 = arith.index_cast %swap3A_37 : i32 to index
    %swap3A_39 = arith.constant 16 : index
    %swap3A_40 = tpu.vector_load %arg7[%swap3A_38, %swap3A_39] {strides = array<i32>} : memref<73x256xf32, #tpu.memory_space<vmem>>, vector<16xf32>,
    tpu.vector_store %arg7[%swap3A_38, %swap3A_39], %broadcast_in_dim3A_33 {strides = array<i32>} : memref<73x256xf32, #tpu.memory_space<vmem>>, vector<16xf32>,
    %swap3A_41 = arith.constant 72 : i32
    %swap3A_42 = arith.index_cast %swap3A_41 : i32 to index
    %swap3A_43 = arith.constant 32 : index
    %swap3A_44 = tpu.vector_load %arg7[%swap3A_42, %swap3A_43] {strides = array<i32>} : memref<73x256xf32, #tpu.memory_space<vmem>>, vector<16xf32>,
    tpu.vector_store %arg7[%swap3A_42, %swap3A_43], %broadcast_in_dim3A_33 {strides = array<i32>} : memref<73x256xf32, #tpu.memory_space<vmem>>, vector<16xf32>,
    %swap3A_45 = arith.constant 72 : i32
    %swap3A_46 = arith.index_cast %swap3A_45 : i32 to index
    %swap3A_47 = arith.constant 48 : index
    %swap3A_48 = tpu.vector_load %arg7[%swap3A_46, %swap3A_47] {strides = array<i32>} : memref<73x256xf32, #tpu.memory_space<vmem>>, vector<16xf32>,
    tpu.vector_store %arg7[%swap3A_46, %swap3A_47], %broadcast_in_dim3A_33 {strides = array<i32>} : memref<73x256xf32, #tpu.memory_space<vmem>>, vector<16xf32>,
    %swap3A_49 = arith.constant 72 : i32
    %swap3A_50 = arith.index_cast %swap3A_49 : i32 to index
    %swap3A_51 = arith.constant 64 : index
    %swap3A_52 = tpu.vector_load %arg7[%swap3A_50, %swap3A_51] {strides = array<i32>} : memref<73x256xf32, #tpu.memory_space<vmem>>, vector<16xf32>,
    tpu.vector_store %arg7[%swap3A_50, %swap3A_51], %broadcast_in_dim3A_33 {strides = array<i32>} : memref<73x256xf32, #tpu.memory_space<vmem>>, vector<16xf32>,
    %swap3A_53 = arith.constant 72 : i32
    %swap3A_54 = arith.index_cast %swap3A_53 : i32 to index
    %swap3A_55 = arith.constant 80 : index
    %swap3A_56 = tpu.vector_load %arg7[%swap3A_54, %swap3A_55] {strides = array<i32>} : memref<73x256xf32, #tpu.memory_space<vmem>>, vector<16xf32>,
    tpu.vector_store %arg7[%swap3A_54, %swap3A_55], %broadcast_in_dim3A_33 {strides = array<i32>} : memref<73x256xf32, #tpu.memory_space<vmem>>, vector<16xf32>,
    %swap3A_57 = arith.constant 72 : i32
    %swap3A_58 = arith.index_cast %swap3A_57 : i32 to index
    %swap3A_59 = arith.constant 96 : index
    %swap3A_60 = tpu.vector_load %arg7[%swap3A_58, %swap3A_59] {strides = array<i32>} : memref<73x256xf32, #tpu.memory_space<vmem>>, vector<16xf32>,
    tpu.vector_store %arg7[%swap3A_58, %swap3A_59], %broadcast_in_dim3A_33 {strides = array<i32>} : memref<73x256xf32, #tpu.memory_space<vmem>>, vector<16xf32>,
    %swap3A_61 = arith.constant 72 : i32
    %swap3A_62 = arith.index_cast %swap3A_61 : i32 to index
    %swap3A_63 = arith.constant 112 : index
    %swap3A_64 = tpu.vector_load %arg7[%swap3A_62, %swap3A_63] {strides = array<i32>} : memref<73x256xf32, #tpu.memory_space<vmem>>, vector<16xf32>,
    tpu.vector_store %arg7[%swap3A_62, %swap3A_63], %broadcast_in_dim3A_33 {strides = array<i32>} : memref<73x256xf32, #tpu.memory_space<vmem>>, vector<16xf32>,
    %swap3A_65 = arith.constant 72 : i32
    %swap3A_66 = arith.index_cast %swap3A_65 : i32 to index
    %swap3A_67 = arith.constant 128 : index
    %swap3A_68 = tpu.vector_load %arg7[%swap3A_66, %swap3A_67] {strides = array<i32>} : memref<73x256xf32, #tpu.memory_space<vmem>>, vector<16xf32>,
    tpu.vector_store %arg7[%swap3A_66, %swap3A_67], %broadcast_in_dim3A_33 {strides = array<i32>} : memref<73x256xf32, #tpu.memory_space<vmem>>, vector<16xf32>,
    %swap3A_69 = arith.constant 72 : i32
    %swap3A_70 = arith.index_cast %swap3A_69 : i32 to index
    %swap3A_71 = arith.constant 144 : index
    %swap3A_72 = tpu.vector_load %arg7[%swap3A_70, %swap3A_71] {strides = array<i32>} : memref<73x256xf32, #tpu.memory_space<vmem>>, vector<16xf32>,
    tpu.vector_store %arg7[%swap3A_70, %swap3A_71], %broadcast_in_dim3A_33 {strides = array<i32>} : memref<73x256xf32, #tpu.memory_space<vmem>>, vector<16xf32>,
    %swap3A_73 = arith.constant 72 : i32
    %swap3A_74 = arith.index_cast %swap3A_73 : i32 to index
    %swap3A_75 = arith.constant 160 : index
    %swap3A_76 = tpu.vector_load %arg7[%swap3A_74, %swap3A_75] {strides = array<i32>} : memref<73x256xf32, #tpu.memory_space<vmem>>, vector<16xf32>,
    tpu.vector_store %arg7[%swap3A_74, %swap3A_75], %broadcast_in_dim3A_33 {strides = array<i32>} : memref<73x256xf32, #tpu.memory_space<vmem>>, vector<16xf32>,
    %swap3A_77 = arith.constant 72 : i32
    %swap3A_78 = arith.index_cast %swap3A_77 : i32 to index
    %swap3A_79 = arith.constant 176 : index
    %swap3A_80 = tpu.vector_load %arg7[%swap3A_78, %swap3A_79] {strides = array<i32>} : memref<73x256xf32, #tpu.memory_space<vmem>>, vector<16xf32>,
    tpu.vector_store %arg7[%swap3A_78, %swap3A_79], %broadcast_in_dim3A_33 {strides = array<i32>} : memref<73x256xf32, #tpu.memory_space<vmem>>, vector<16xf32>,
    %swap3A_81 = arith.constant 72 : i32
    %swap3A_82 = arith.index_cast %swap3A_81 : i32 to index
    %swap3A_83 = arith.constant 192 : index
    %swap3A_84 = tpu.vector_load %arg7[%swap3A_82, %swap3A_83] {strides = array<i32>} : memref<73x256xf32, #tpu.memory_space<vmem>>, vector<16xf32>,
    tpu.vector_store %arg7[%swap3A_82, %swap3A_83], %broadcast_in_dim3A_33 {strides = array<i32>} : memref<73x256xf32, #tpu.memory_space<vmem>>, vector<16xf32>,
    %swap3A_85 = arith.constant 72 : i32
    %swap3A_86 = arith.index_cast %swap3A_85 : i32 to index
    %swap3A_87 = arith.constant 208 : index
    %swap3A_88 = tpu.vector_load %arg7[%swap3A_86, %swap3A_87] {strides = array<i32>} : memref<73x256xf32, #tpu.memory_space<vmem>>, vector<16xf32>,
    tpu.vector_store %arg7[%swap3A_86, %swap3A_87], %broadcast_in_dim3A_33 {strides = array<i32>} : memref<73x256xf32, #tpu.memory_space<vmem>>, vector<16xf32>,
    %swap3A_89 = arith.constant 72 : i32
    %swap3A_90 = arith.index_cast %swap3A_89 : i32 to index
    %swap3A_91 = arith.constant 224 : index
    %swap3A_92 = tpu.vector_load %arg7[%swap3A_90, %swap3A_91] {strides = array<i32>} : memref<73x256xf32, #tpu.memory_space<vmem>>, vector<16xf32>,
    tpu.vector_store %arg7[%swap3A_90, %swap3A_91], %broadcast_in_dim3A_33 {strides = array<i32>} : memref<73x256xf32, #tpu.memory_space<vmem>>, vector<16xf32>,
    %swap3A_93 = arith.constant 72 : i32
    %swap3A_94 = arith.index_cast %swap3A_93 : i32 to index
    %swap3A_95 = arith.constant 240 : index
    %swap3A_96 = tpu.vector_load %arg7[%swap3A_94, %swap3A_95] {strides = array<i32>} : memref<73x256xf32, #tpu.memory_space<vmem>>, vector<16xf32>,
    tpu.vector_store %arg7[%swap3A_94, %swap3A_95], %broadcast_in_dim3A_33 {strides = array<i32>} : memref<73x256xf32, #tpu.memory_space<vmem>>, vector<16xf32>,
    %swap3A_97 = arith.constant 72 : i32
    %swap3A_98 = arith.index_cast %swap3A_97 : i32 to index
    %swap3A_99 = arith.constant 0 : index
    %swap3A_100 = tpu.vector_load %arg8[%swap3A_98, %swap3A_99] {strides = array<i32>} : memref<73x256xf32, #tpu.memory_space<vmem>>, vector<16xf32>,
    tpu.vector_store %arg8[%swap3A_98, %swap3A_99], %broadcast_in_dim3A_33 {strides = array<i32>} : memref<73x256xf32, #tpu.memory_space<vmem>>, vector<16xf32>,
    %swap3A_101 = arith.constant 72 : i32
    %swap3A_102 = arith.index_cast %swap3A_101 : i32 to index
    %swap3A_103 = arith.constant 16 : index
    %swap3A_104 = tpu.vector_load %arg8[%swap3A_102, %swap3A_103] {strides = array<i32>} : memref<73x256xf32, #tpu.memory_space<vmem>>, vector<16xf32>,
    tpu.vector_store %arg8[%swap3A_102, %swap3A_103], %broadcast_in_dim3A_33 {strides = array<i32>} : memref<73x256xf32, #tpu.memory_space<vmem>>, vector<16xf32>,
    %swap3A_105 = arith.constant 72 : i32
    %swap3A_106 = arith.index_cast %swap3A_105 : i32 to index
    %swap3A_107 = arith.constant 32 : index
    %swap3A_108 = tpu.vector_load %arg8[%swap3A_106, %swap3A_107] {strides = array<i32>} : memref<73x256xf32, #tpu.memory_space<vmem>>, vector<16xf32>,
    tpu.vector_store %arg8[%swap3A_106, %swap3A_107], %broadcast_in_dim3A_33 {strides = array<i32>} : memref<73x256xf32, #tpu.memory_space<vmem>>, vector<16xf32>,
    %swap3A_109 = arith.constant 72 : i32
    %swap3A_110 = arith.index_cast %swap3A_109 : i32 to index
    %swap3A_111 = arith.constant 48 : index
    %swap3A_112 = tpu.vector_load %arg8[%swap3A_110, %swap3A_111] {strides = array<i32>} : memref<73x256xf32, #tpu.memory_space<vmem>>, vector<16xf32>,
    tpu.vector_store %arg8[%swap3A_110, %swap3A_111], %broadcast_in_dim3A_33 {strides = array<i32>} : memref<73x256xf32, #tpu.memory_space<vmem>>, vector<16xf32>,
    %swap3A_113 = arith.constant 72 : i32
    %swap3A_114 = arith.index_cast %swap3A_113 : i32 to index
    %swap3A_115 = arith.constant 64 : index
    %swap3A_116 = tpu.vector_load %arg8[%swap3A_114, %swap3A_115] {strides = array<i32>} : memref<73x256xf32, #tpu.memory_space<vmem>>, vector<16xf32>,
    tpu.vector_store %arg8[%swap3A_114, %swap3A_115], %broadcast_in_dim3A_33 {strides = array<i32>} : memref<73x256xf32, #tpu.memory_space<vmem>>, vector<16xf32>,
    %swap3A_117 = arith.constant 72 : i32
    %swap3A_118 = arith.index_cast %swap3A_117 : i32 to index
    %swap3A_119 = arith.constant 80 : index
    %swap3A_120 = tpu.vector_load %arg8[%swap3A_118, %swap3A_119] {strides = array<i32>} : memref<73x256xf32, #tpu.memory_space<vmem>>, vector<16xf32>,
    tpu.vector_store %arg8[%swap3A_118, %swap3A_119], %broadcast_in_dim3A_33 {strides = array<i32>} : memref<73x256xf32, #tpu.memory_space<vmem>>, vector<16xf32>,
    %swap3A_121 = arith.constant 72 : i32
    %swap3A_122 = arith.index_cast %swap3A_121 : i32 to index
    %swap3A_123 = arith.constant 96 : index
    %swap3A_124 = tpu.vector_load %arg8[%swap3A_122, %swap3A_123] {strides = array<i32>} : memref<73x256xf32, #tpu.memory_space<vmem>>, vector<16xf32>,
    tpu.vector_store %arg8[%swap3A_122, %swap3A_123], %broadcast_in_dim3A_33 {strides = array<i32>} : memref<73x256xf32, #tpu.memory_space<vmem>>, vector<16xf32>,
    %swap3A_125 = arith.constant 72 : i32
    %swap3A_126 = arith.index_cast %swap3A_125 : i32 to index
    %swap3A_127 = arith.constant 112 : index
    %swap3A_128 = tpu.vector_load %arg8[%swap3A_126, %swap3A_127] {strides = array<i32>} : memref<73x256xf32, #tpu.memory_space<vmem>>, vector<16xf32>,
    tpu.vector_store %arg8[%swap3A_126, %swap3A_127], %broadcast_in_dim3A_33 {strides = array<i32>} : memref<73x256xf32, #tpu.memory_space<vmem>>, vector<16xf32>,
    %swap3A_129 = arith.constant 72 : i32
    %swap3A_130 = arith.index_cast %swap3A_129 : i32 to index
    %swap3A_131 = arith.constant 128 : index
    %swap3A_132 = tpu.vector_load %arg8[%swap3A_130, %swap3A_131] {strides = array<i32>} : memref<73x256xf32, #tpu.memory_space<vmem>>, vector<16xf32>,
    tpu.vector_store %arg8[%swap3A_130, %swap3A_131], %broadcast_in_dim3A_33 {strides = array<i32>} : memref<73x256xf32, #tpu.memory_space<vmem>>, vector<16xf32>,
    %swap3A_133 = arith.constant 72 : i32
    %swap3A_134 = arith.index_cast %swap3A_133 : i32 to index
    %swap3A_135 = arith.constant 144 : index
    %swap3A_136 = tpu.vector_load %arg8[%swap3A_134, %swap3A_135] {strides = array<i32>} : memref<73x256xf32, #tpu.memory_space<vmem>>, vector<16xf32>,
    tpu.vector_store %arg8[%swap3A_134, %swap3A_135], %broadcast_in_dim3A_33 {strides = array<i32>} : memref<73x256xf32, #tpu.memory_space<vmem>>, vector<16xf32>,
    %swap3A_137 = arith.constant 72 : i32
    %swap3A_138 = arith.index_cast %swap3A_137 : i32 to index
    %swap3A_139 = arith.constant 160 : index
    %swap3A_140 = tpu.vector_load %arg8[%swap3A_138, %swap3A_139] {strides = array<i32>} : memref<73x256xf32, #tpu.memory_space<vmem>>, vector<16xf32>,
    tpu.vector_store %arg8[%swap3A_138, %swap3A_139], %broadcast_in_dim3A_33 {strides = array<i32>} : memref<73x256xf32, #tpu.memory_space<vmem>>, vector<16xf32>,
    %swap3A_141 = arith.constant 72 : i32
    %swap3A_142 = arith.index_cast %swap3A_141 : i32 to index
    %swap3A_143 = arith.constant 176 : index
    %swap3A_144 = tpu.vector_load %arg8[%swap3A_142, %swap3A_143] {strides = array<i32>} : memref<73x256xf32, #tpu.memory_space<vmem>>, vector<16xf32>,
    tpu.vector_store %arg8[%swap3A_142, %swap3A_143], %broadcast_in_dim3A_33 {strides = array<i32>} : memref<73x256xf32, #tpu.memory_space<vmem>>, vector<16xf32>,
    %swap3A_145 = arith.constant 72 : i32
    %swap3A_146 = arith.index_cast %swap3A_145 : i32 to index
    %swap3A_147 = arith.constant 192 : index
    %swap3A_148 = tpu.vector_load %arg8[%swap3A_146, %swap3A_147] {strides = array<i32>} : memref<73x256xf32, #tpu.memory_space<vmem>>, vector<16xf32>,
    tpu.vector_store %arg8[%swap3A_146, %swap3A_147], %broadcast_in_dim3A_33 {strides = array<i32>} : memref<73x256xf32, #tpu.memory_space<vmem>>, vector<16xf32>,
    %swap3A_149 = arith.constant 72 : i32
    %swap3A_150 = arith.index_cast %swap3A_149 : i32 to index
    %swap3A_151 = arith.constant 208 : index
    %swap3A_152 = tpu.vector_load %arg8[%swap3A_150, %swap3A_151] {strides = array<i32>} : memref<73x256xf32, #tpu.memory_space<vmem>>, vector<16xf32>,
    tpu.vector_store %arg8[%swap3A_150, %swap3A_151], %broadcast_in_dim3A_33 {strides = array<i32>} : memref<73x256xf32, #tpu.memory_space<vmem>>, vector<16xf32>,
    %swap3A_153 = arith.constant 72 : i32
    %swap3A_154 = arith.index_cast %swap3A_153 : i32 to index
    %swap3A_155 = arith.constant 224 : index
    %swap3A_156 = tpu.vector_load %arg8[%swap3A_154, %swap3A_155] {strides = array<i32>} : memref<73x256xf32, #tpu.memory_space<vmem>>, vector<16xf32>,
    tpu.vector_store %arg8[%swap3A_154, %swap3A_155], %broadcast_in_dim3A_33 {strides = array<i32>} : memref<73x256xf32, #tpu.memory_space<vmem>>, vector<16xf32>,
    %swap3A_157 = arith.constant 72 : i32
    %swap3A_158 = arith.index_cast %swap3A_157 : i32 to index
    %swap3A_159 = arith.constant 240 : index
    %swap3A_160 = tpu.vector_load %arg8[%swap3A_158, %swap3A_159] {strides = array<i32>} : memref<73x256xf32, #tpu.memory_space<vmem>>, vector<16xf32>,
    tpu.vector_store %arg8[%swap3A_158, %swap3A_159], %broadcast_in_dim3A_33 {strides = array<i32>} : memref<73x256xf32, #tpu.memory_space<vmem>>, vector<16xf32>,
    %broadcast_in_dim3A_161 = vector.broadcast %mul3A_32 : i32 to vector<16xi32>
    %swap3A_162 = arith.constant 0 : index
    %swap3A_163 = tpu.vector_load %arg6[%swap3A_162] {strides = array<i32>} : memref<2080xi32, #tpu.memory_space<vmem>>, vector<16xi32>,
    tpu.vector_store %arg6[%swap3A_162], %broadcast_in_dim3A_161 {strides = array<i32>} : memref<2080xi32, #tpu.memory_space<vmem>>, vector<16xi32>,
    %swap3A_164 = arith.constant 16 : index
    %swap3A_165 = tpu.vector_load %arg6[%swap3A_164] {strides = array<i32>} : memref<2080xi32, #tpu.memory_space<vmem>>, vector<16xi32>,
    tpu.vector_store %arg6[%swap3A_164], %broadcast_in_dim3A_161 {strides = array<i32>} : memref<2080xi32, #tpu.memory_space<vmem>>, vector<16xi32>,
    %swap3A_166 = arith.constant 32 : index
    %swap3A_167 = tpu.vector_load %arg6[%swap3A_166] {strides = array<i32>} : memref<2080xi32, #tpu.memory_space<vmem>>, vector<16xi32>,
    tpu.vector_store %arg6[%swap3A_166], %broadcast_in_dim3A_161 {strides = array<i32>} : memref<2080xi32, #tpu.memory_space<vmem>>, vector<16xi32>,
    %swap3A_168 = arith.constant 48 : index
    %swap3A_169 = tpu.vector_load %arg6[%swap3A_168] {strides = array<i32>} : memref<2080xi32, #tpu.memory_space<vmem>>, vector<16xi32>,
    tpu.vector_store %arg6[%swap3A_168], %broadcast_in_dim3A_161 {strides = array<i32>} : memref<2080xi32, #tpu.memory_space<vmem>>, vector<16xi32>,
    %swap3A_170 = arith.constant 64 : index
    %swap3A_171 = tpu.vector_load %arg6[%swap3A_170] {strides = array<i32>} : memref<2080xi32, #tpu.memory_space<vmem>>, vector<16xi32>,
    tpu.vector_store %arg6[%swap3A_170], %broadcast_in_dim3A_161 {strides = array<i32>} : memref<2080xi32, #tpu.memory_space<vmem>>, vector<16xi32>,
    %swap3A_172 = arith.constant 80 : index
    %swap3A_173 = tpu.vector_load %arg6[%swap3A_172] {strides = array<i32>} : memref<2080xi32, #tpu.memory_space<vmem>>, vector<16xi32>,
    tpu.vector_store %arg6[%swap3A_172], %broadcast_in_dim3A_161 {strides = array<i32>} : memref<2080xi32, #tpu.memory_space<vmem>>, vector<16xi32>,
    %swap3A_174 = arith.constant 96 : index
    %swap3A_175 = tpu.vector_load %arg6[%swap3A_174] {strides = array<i32>} : memref<2080xi32, #tpu.memory_space<vmem>>, vector<16xi32>,
    tpu.vector_store %arg6[%swap3A_174], %broadcast_in_dim3A_161 {strides = array<i32>} : memref<2080xi32, #tpu.memory_space<vmem>>, vector<16xi32>,
    %swap3A_176 = arith.constant 112 : index
    %swap3A_177 = tpu.vector_load %arg6[%swap3A_176] {strides = array<i32>} : memref<2080xi32, #tpu.memory_space<vmem>>, vector<16xi32>,
    tpu.vector_store %arg6[%swap3A_176], %broadcast_in_dim3A_161 {strides = array<i32>} : memref<2080xi32, #tpu.memory_space<vmem>>, vector<16xi32>,
    %swap3A_178 = arith.constant 128 : index
    %swap3A_179 = tpu.vector_load %arg6[%swap3A_178] {strides = array<i32>} : memref<2080xi32, #tpu.memory_space<vmem>>, vector<16xi32>,
    tpu.vector_store %arg6[%swap3A_178], %broadcast_in_dim3A_161 {strides = array<i32>} : memref<2080xi32, #tpu.memory_space<vmem>>, vector<16xi32>,
    %swap3A_180 = arith.constant 144 : index
    %swap3A_181 = tpu.vector_load %arg6[%swap3A_180] {strides = array<i32>} : memref<2080xi32, #tpu.memory_space<vmem>>, vector<16xi32>,
    tpu.vector_store %arg6[%swap3A_180], %broadcast_in_dim3A_161 {strides = array<i32>} : memref<2080xi32, #tpu.memory_space<vmem>>, vector<16xi32>,
    %swap3A_182 = arith.constant 160 : index
    %swap3A_183 = tpu.vector_load %arg6[%swap3A_182] {strides = array<i32>} : memref<2080xi32, #tpu.memory_space<vmem>>, vector<16xi32>,
    tpu.vector_store %arg6[%swap3A_182], %broadcast_in_dim3A_161 {strides = array<i32>} : memref<2080xi32, #tpu.memory_space<vmem>>, vector<16xi32>,
    %swap3A_184 = arith.constant 176 : index
    %swap3A_185 = tpu.vector_load %arg6[%swap3A_184] {strides = array<i32>} : memref<2080xi32, #tpu.memory_space<vmem>>, vector<16xi32>,
    tpu.vector_store %arg6[%swap3A_184], %broadcast_in_dim3A_161 {strides = array<i32>} : memref<2080xi32, #tpu.memory_space<vmem>>, vector<16xi32>,
    %swap3A_186 = arith.constant 192 : index
    %swap3A_187 = tpu.vector_load %arg6[%swap3A_186] {strides = array<i32>} : memref<2080xi32, #tpu.memory_space<vmem>>, vector<16xi32>,
    tpu.vector_store %arg6[%swap3A_186], %broadcast_in_dim3A_161 {strides = array<i32>} : memref<2080xi32, #tpu.memory_space<vmem>>, vector<16xi32>,
    %swap3A_188 = arith.constant 208 : index
    %swap3A_189 = tpu.vector_load %arg6[%swap3A_188] {strides = array<i32>} : memref<2080xi32, #tpu.memory_space<vmem>>, vector<16xi32>,
    tpu.vector_store %arg6[%swap3A_188], %broadcast_in_dim3A_161 {strides = array<i32>} : memref<2080xi32, #tpu.memory_space<vmem>>, vector<16xi32>,
    %swap3A_190 = arith.constant 224 : index
    %swap3A_191 = tpu.vector_load %arg6[%swap3A_190] {strides = array<i32>} : memref<2080xi32, #tpu.memory_space<vmem>>, vector<16xi32>,
    tpu.vector_store %arg6[%swap3A_190], %broadcast_in_dim3A_161 {strides = array<i32>} : memref<2080xi32, #tpu.memory_space<vmem>>, vector<16xi32>,
    %swap3A_192 = arith.constant 240 : index
    %swap3A_193 = tpu.vector_load %arg6[%swap3A_192] {strides = array<i32>} : memref<2080xi32, #tpu.memory_space<vmem>>, vector<16xi32>,
    tpu.vector_store %arg6[%swap3A_192], %broadcast_in_dim3A_161 {strides = array<i32>} : memref<2080xi32, #tpu.memory_space<vmem>>, vector<16xi32>,
    %swap3A_194 = arith.constant 256 : index
    %swap3A_195 = tpu.vector_load %arg6[%swap3A_194] {strides = array<i32>} : memref<2080xi32, #tpu.memory_space<vmem>>, vector<16xi32>,
    tpu.vector_store %arg6[%swap3A_194], %broadcast_in_dim3A_161 {strides = array<i32>} : memref<2080xi32, #tpu.memory_space<vmem>>, vector<16xi32>,
    %swap3A_196 = arith.constant 272 : index
    %swap3A_197 = tpu.vector_load %arg6[%swap3A_196] {strides = array<i32>} : memref<2080xi32, #tpu.memory_space<vmem>>, vector<16xi32>,
    tpu.vector_store %arg6[%swap3A_196], %broadcast_in_dim3A_161 {strides = array<i32>} : memref<2080xi32, #tpu.memory_space<vmem>>, vector<16xi32>,
    %swap3A_198 = arith.constant 288 : index
    %swap3A_199 = tpu.vector_load %arg6[%swap3A_198] {strides = array<i32>} : memref<2080xi32, #tpu.memory_space<vmem>>, vector<16xi32>,
    tpu.vector_store %arg6[%swap3A_198], %broadcast_in_dim3A_161 {strides = array<i32>} : memref<2080xi32, #tpu.memory_space<vmem>>, vector<16xi32>,
    %swap3A_200 = arith.constant 304 : index
    %swap3A_201 = tpu.vector_load %arg6[%swap3A_200] {strides = array<i32>} : memref<2080xi32, #tpu.memory_space<vmem>>, vector<16xi32>,
    tpu.vector_store %arg6[%swap3A_200], %broadcast_in_dim3A_161 {strides = array<i32>} : memref<2080xi32, #tpu.memory_space<vmem>>, vector<16xi32>,
    %swap3A_202 = arith.constant 320 : index
    %swap3A_203 = tpu.vector_load %arg6[%swap3A_202] {strides = array<i32>} : memref<2080xi32, #tpu.memory_space<vmem>>, vector<16xi32>,
    tpu.vector_store %arg6[%swap3A_202], %broadcast_in_dim3A_161 {strides = array<i32>} : memref<2080xi32, #tpu.memory_space<vmem>>, vector<16xi32>,
    %swap3A_204 = arith.constant 336 : index
    %swap3A_205 = tpu.vector_load %arg6[%swap3A_204] {strides = array<i32>} : memref<2080xi32, #tpu.memory_space<vmem>>, vector<16xi32>,
    tpu.vector_store %arg6[%swap3A_204], %broadcast_in_dim3A_161 {strides = array<i32>} : memref<2080xi32, #tpu.memory_space<vmem>>, vector<16xi32>,
    %swap3A_206 = arith.constant 352 : index
    %swap3A_207 = tpu.vector_load %arg6[%swap3A_206] {strides = array<i32>} : memref<2080xi32, #tpu.memory_space<vmem>>, vector<16xi32>,
    tpu.vector_store %arg6[%swap3A_206], %broadcast_in_dim3A_161 {strides = array<i32>} : memref<2080xi32, #tpu.memory_space<vmem>>, vector<16xi32>,
    %swap3A_208 = arith.constant 368 : index
    %swap3A_209 = tpu.vector_load %arg6[%swap3A_208] {strides = array<i32>} : memref<2080xi32, #tpu.memory_space<vmem>>, vector<16xi32>,
    tpu.vector_store %arg6[%swap3A_208], %broadcast_in_dim3A_161 {strides = array<i32>} : memref<2080xi32, #tpu.memory_space<vmem>>, vector<16xi32>,
    %swap3A_210 = arith.constant 384 : index
    %swap3A_211 = tpu.vector_load %arg6[%swap3A_210] {strides = array<i32>} : memref<2080xi32, #tpu.memory_space<vmem>>, vector<16xi32>,
    tpu.vector_store %arg6[%swap3A_210], %broadcast_in_dim3A_161 {strides = array<i32>} : memref<2080xi32, #tpu.memory_space<vmem>>, vector<16xi32>,
    %swap3A_212 = arith.constant 400 : index
    %swap3A_213 = tpu.vector_load %arg6[%swap3A_212] {strides = array<i32>} : memref<2080xi32, #tpu.memory_space<vmem>>, vector<16xi32>,
    tpu.vector_store %arg6[%swap3A_212], %broadcast_in_dim3A_161 {strides = array<i32>} : memref<2080xi32, #tpu.memory_space<vmem>>, vector<16xi32>,
    %swap3A_214 = arith.constant 416 : index
    %swap3A_215 = tpu.vector_load %arg6[%swap3A_214] {strides = array<i32>} : memref<2080xi32, #tpu.memory_space<vmem>>, vector<16xi32>,
    tpu.vector_store %arg6[%swap3A_214], %broadcast_in_dim3A_161 {strides = array<i32>} : memref<2080xi32, #tpu.memory_space<vmem>>, vector<16xi32>,
    %swap3A_216 = arith.constant 432 : index
    %swap3A_217 = tpu.vector_load %arg6[%swap3A_216] {strides = array<i32>} : memref<2080xi32, #tpu.memory_space<vmem>>, vector<16xi32>,
    tpu.vector_store %arg6[%swap3A_216], %broadcast_in_dim3A_161 {strides = array<i32>} : memref<2080xi32, #tpu.memory_space<vmem>>, vector<16xi32>,
    %swap3A_218 = arith.constant 448 : index
    %swap3A_219 = tpu.vector_load %arg6[%swap3A_218] {strides = array<i32>} : memref<2080xi32, #tpu.memory_space<vmem>>, vector<16xi32>,
    tpu.vector_store %arg6[%swap3A_218], %broadcast_in_dim3A_161 {strides = array<i32>} : memref<2080xi32, #tpu.memory_space<vmem>>, vector<16xi32>,
    %swap3A_220 = arith.constant 464 : index
    %swap3A_221 = tpu.vector_load %arg6[%swap3A_220] {strides = array<i32>} : memref<2080xi32, #tpu.memory_space<vmem>>, vector<16xi32>,
    tpu.vector_store %arg6[%swap3A_220], %broadcast_in_dim3A_161 {strides = array<i32>} : memref<2080xi32, #tpu.memory_space<vmem>>, vector<16xi32>,
    %swap3A_222 = arith.constant 480 : index
    %swap3A_223 = tpu.vector_load %arg6[%swap3A_222] {strides = array<i32>} : memref<2080xi32, #tpu.memory_space<vmem>>, vector<16xi32>,
    tpu.vector_store %arg6[%swap3A_222], %broadcast_in_dim3A_161 {strides = array<i32>} : memref<2080xi32, #tpu.memory_space<vmem>>, vector<16xi32>,
    %swap3A_224 = arith.constant 496 : index
    %swap3A_225 = tpu.vector_load %arg6[%swap3A_224] {strides = array<i32>} : memref<2080xi32, #tpu.memory_space<vmem>>, vector<16xi32>,
    tpu.vector_store %arg6[%swap3A_224], %broadcast_in_dim3A_161 {strides = array<i32>} : memref<2080xi32, #tpu.memory_space<vmem>>, vector<16xi32>,
    %swap3A_226 = arith.constant 512 : index
    %swap3A_227 = tpu.vector_load %arg6[%swap3A_226] {strides = array<i32>} : memref<2080xi32, #tpu.memory_space<vmem>>, vector<16xi32>,
    tpu.vector_store %arg6[%swap3A_226], %broadcast_in_dim3A_161 {strides = array<i32>} : memref<2080xi32, #tpu.memory_space<vmem>>, vector<16xi32>,
    %swap3A_228 = arith.constant 528 : index
    %swap3A_229 = tpu.vector_load %arg6[%swap3A_228] {strides = array<i32>} : memref<2080xi32, #tpu.memory_space<vmem>>, vector<16xi32>,
    tpu.vector_store %arg6[%swap3A_228], %broadcast_in_dim3A_161 {strides = array<i32>} : memref<2080xi32, #tpu.memory_space<vmem>>, vector<16xi32>,
    %swap3A_230 = arith.constant 544 : index
    %swap3A_231 = tpu.vector_load %arg6[%swap3A_230] {strides = array<i32>} : memref<2080xi32, #tpu.memory_space<vmem>>, vector<16xi32>,
    tpu.vector_store %arg6[%swap3A_230], %broadcast_in_dim3A_161 {strides = array<i32>} : memref<2080xi32, #tpu.memory_space<vmem>>, vector<16xi32>,
    %swap3A_232 = arith.constant 560 : index
    %swap3A_233 = tpu.vector_load %arg6[%swap3A_232] {strides = array<i32>} : memref<2080xi32, #tpu.memory_space<vmem>>, vector<16xi32>,
    tpu.vector_store %arg6[%swap3A_232], %broadcast_in_dim3A_161 {strides = array<i32>} : memref<2080xi32, #tpu.memory_space<vmem>>, vector<16xi32>,
    %swap3A_234 = arith.constant 576 : index
    %swap3A_235 = tpu.vector_load %arg6[%swap3A_234] {strides = array<i32>} : memref<2080xi32, #tpu.memory_space<vmem>>, vector<16xi32>,
    tpu.vector_store %arg6[%swap3A_234], %broadcast_in_dim3A_161 {strides = array<i32>} : memref<2080xi32, #tpu.memory_space<vmem>>, vector<16xi32>,
    %swap3A_236 = arith.constant 592 : index
    %swap3A_237 = tpu.vector_load %arg6[%swap3A_236] {strides = array<i32>} : memref<2080xi32, #tpu.memory_space<vmem>>, vector<16xi32>,
    tpu.vector_store %arg6[%swap3A_236], %broadcast_in_dim3A_161 {strides = array<i32>} : memref<2080xi32, #tpu.memory_space<vmem>>, vector<16xi32>,
    %swap3A_238 = arith.constant 608 : index
    %swap3A_239 = tpu.vector_load %arg6[%swap3A_238] {strides = array<i32>} : memref<2080xi32, #tpu.memory_space<vmem>>, vector<16xi32>,
    tpu.vector_store %arg6[%swap3A_238], %broadcast_in_dim3A_161 {strides = array<i32>} : memref<2080xi32, #tpu.memory_space<vmem>>, vector<16xi32>,
    %swap3A_240 = arith.constant 624 : index
    %swap3A_241 = tpu.vector_load %arg6[%swap3A_240] {strides = array<i32>} : memref<2080xi32, #tpu.memory_space<vmem>>, vector<16xi32>,
    tpu.vector_store %arg6[%swap3A_240], %broadcast_in_dim3A_161 {strides = array<i32>} : memref<2080xi32, #tpu.memory_space<vmem>>, vector<16xi32>,
    %swap3A_242 = arith.constant 640 : index
    %swap3A_243 = tpu.vector_load %arg6[%swap3A_242] {strides = array<i32>} : memref<2080xi32, #tpu.memory_space<vmem>>, vector<16xi32>,
    tpu.vector_store %arg6[%swap3A_242], %broadcast_in_dim3A_161 {strides = array<i32>} : memref<2080xi32, #tpu.memory_space<vmem>>, vector<16xi32>,
    %swap3A_244 = arith.constant 656 : index
    %swap3A_245 = tpu.vector_load %arg6[%swap3A_244] {strides = array<i32>} : memref<2080xi32, #tpu.memory_space<vmem>>, vector<16xi32>,
    tpu.vector_store %arg6[%swap3A_244], %broadcast_in_dim3A_161 {strides = array<i32>} : memref<2080xi32, #tpu.memory_space<vmem>>, vector<16xi32>,
    %swap3A_246 = arith.constant 672 : index
    %swap3A_247 = tpu.vector_load %arg6[%swap3A_246] {strides = array<i32>} : memref<2080xi32, #tpu.memory_space<vmem>>, vector<16xi32>,
    tpu.vector_store %arg6[%swap3A_246], %broadcast_in_dim3A_161 {strides = array<i32>} : memref<2080xi32, #tpu.memory_space<vmem>>, vector<16xi32>,
    %swap3A_248 = arith.constant 688 : index
    %swap3A_249 = tpu.vector_load %arg6[%swap3A_248] {strides = array<i32>} : memref<2080xi32, #tpu.memory_space<vmem>>, vector<16xi32>,
    tpu.vector_store %arg6[%swap3A_248], %broadcast_in_dim3A_161 {strides = array<i32>} : memref<2080xi32, #tpu.memory_space<vmem>>, vector<16xi32>,
    %swap3A_250 = arith.constant 704 : index
    %swap3A_251 = tpu.vector_load %arg6[%swap3A_250] {strides = array<i32>} : memref<2080xi32, #tpu.memory_space<vmem>>, vector<16xi32>,
    tpu.vector_store %arg6[%swap3A_250], %broadcast_in_dim3A_161 {strides = array<i32>} : memref<2080xi32, #tpu.memory_space<vmem>>, vector<16xi32>,
    %swap3A_252 = arith.constant 720 : index
    %swap3A_253 = tpu.vector_load %arg6[%swap3A_252] {strides = array<i32>} : memref<2080xi32, #tpu.memory_space<vmem>>, vector<16xi32>,
    tpu.vector_store %arg6[%swap3A_252], %broadcast_in_dim3A_161 {strides = array<i32>} : memref<2080xi32, #tpu.memory_space<vmem>>, vector<16xi32>,
    %swap3A_254 = arith.constant 736 : index
    %swap3A_255 = tpu.vector_load %arg6[%swap3A_254] {strides = array<i32>} : memref<2080xi32, #tpu.memory_space<vmem>>, vector<16xi32>,
    tpu.vector_store %arg6[%swap3A_254], %broadcast_in_dim3A_161 {strides = array<i32>} : memref<2080xi32, #tpu.memory_space<vmem>>, vector<16xi32>,
    %swap3A_256 = arith.constant 752 : index
    %swap3A_257 = tpu.vector_load %arg6[%swap3A_256] {strides = array<i32>} : memref<2080xi32, #tpu.memory_space<vmem>>, vector<16xi32>,
    tpu.vector_store %arg6[%swap3A_256], %broadcast_in_dim3A_161 {strides = array<i32>} : memref<2080xi32, #tpu.memory_space<vmem>>, vector<16xi32>,
    %swap3A_258 = arith.constant 768 : index
    %swap3A_259 = tpu.vector_load %arg6[%swap3A_258] {strides = array<i32>} : memref<2080xi32, #tpu.memory_space<vmem>>, vector<16xi32>,
    tpu.vector_store %arg6[%swap3A_258], %broadcast_in_dim3A_161 {strides = array<i32>} : memref<2080xi32, #tpu.memory_space<vmem>>, vector<16xi32>,
    %swap3A_260 = arith.constant 784 : index
    %swap3A_261 = tpu.vector_load %arg6[%swap3A_260] {strides = array<i32>} : memref<2080xi32, #tpu.memory_space<vmem>>, vector<16xi32>,
    tpu.vector_store %arg6[%swap3A_260], %broadcast_in_dim3A_161 {strides = array<i32>} : memref<2080xi32, #tpu.memory_space<vmem>>, vector<16xi32>,
    %swap3A_262 = arith.constant 800 : index
    %swap3A_263 = tpu.vector_load %arg6[%swap3A_262] {strides = array<i32>} : memref<2080xi32, #tpu.memory_space<vmem>>, vector<16xi32>,
    tpu.vector_store %arg6[%swap3A_262], %broadcast_in_dim3A_161 {strides = array<i32>} : memref<2080xi32, #tpu.memory_space<vmem>>, vector<16xi32>,
    %swap3A_264 = arith.constant 816 : index
    %swap3A_265 = tpu.vector_load %arg6[%swap3A_264] {strides = array<i32>} : memref<2080xi32, #tpu.memory_space<vmem>>, vector<16xi32>,
    tpu.vector_store %arg6[%swap3A_264], %broadcast_in_dim3A_161 {strides = array<i32>} : memref<2080xi32, #tpu.memory_space<vmem>>, vector<16xi32>,
    %swap3A_266 = arith.constant 832 : index
    %swap3A_267 = tpu.vector_load %arg6[%swap3A_266] {strides = array<i32>} : memref<2080xi32, #tpu.memory_space<vmem>>, vector<16xi32>,
    tpu.vector_store %arg6[%swap3A_266], %broadcast_in_dim3A_161 {strides = array<i32>} : memref<2080xi32, #tpu.memory_space<vmem>>, vector<16xi32>,
    %swap3A_268 = arith.constant 848 : index
    %swap3A_269 = tpu.vector_load %arg6[%swap3A_268] {strides = array<i32>} : memref<2080xi32, #tpu.memory_space<vmem>>, vector<16xi32>,
    tpu.vector_store %arg6[%swap3A_268], %broadcast_in_dim3A_161 {strides = array<i32>} : memref<2080xi32, #tpu.memory_space<vmem>>, vector<16xi32>,
    %swap3A_270 = arith.constant 864 : index
    %swap3A_271 = tpu.vector_load %arg6[%swap3A_270] {strides = array<i32>} : memref<2080xi32, #tpu.memory_space<vmem>>, vector<16xi32>,
    tpu.vector_store %arg6[%swap3A_270], %broadcast_in_dim3A_161 {strides = array<i32>} : memref<2080xi32, #tpu.memory_space<vmem>>, vector<16xi32>,
    %swap3A_272 = arith.constant 880 : index
    %swap3A_273 = tpu.vector_load %arg6[%swap3A_272] {strides = array<i32>} : memref<2080xi32, #tpu.memory_space<vmem>>, vector<16xi32>,
    tpu.vector_store %arg6[%swap3A_272], %broadcast_in_dim3A_161 {strides = array<i32>} : memref<2080xi32, #tpu.memory_space<vmem>>, vector<16xi32>,
    %swap3A_274 = arith.constant 896 : index
    %swap3A_275 = tpu.vector_load %arg6[%swap3A_274] {strides = array<i32>} : memref<2080xi32, #tpu.memory_space<vmem>>, vector<16xi32>,
    tpu.vector_store %arg6[%swap3A_274], %broadcast_in_dim3A_161 {strides = array<i32>} : memref<2080xi32, #tpu.memory_space<vmem>>, vector<16xi32>,
    %swap3A_276 = arith.constant 912 : index
    %swap3A_277 = tpu.vector_load %arg6[%swap3A_276] {strides = array<i32>} : memref<2080xi32, #tpu.memory_space<vmem>>, vector<16xi32>,
    tpu.vector_store %arg6[%swap3A_276], %broadcast_in_dim3A_161 {strides = array<i32>} : memref<2080xi32, #tpu.memory_space<vmem>>, vector<16xi32>,
    %swap3A_278 = arith.constant 928 : index
    %swap3A_279 = tpu.vector_load %arg6[%swap3A_278] {strides = array<i32>} : memref<2080xi32, #tpu.memory_space<vmem>>, vector<16xi32>,
    tpu.vector_store %arg6[%swap3A_278], %broadcast_in_dim3A_161 {strides = array<i32>} : memref<2080xi32, #tpu.memory_space<vmem>>, vector<16xi32>,
    %swap3A_280 = arith.constant 944 : index
    %swap3A_281 = tpu.vector_load %arg6[%swap3A_280] {strides = array<i32>} : memref<2080xi32, #tpu.memory_space<vmem>>, vector<16xi32>,
    tpu.vector_store %arg6[%swap3A_280], %broadcast_in_dim3A_161 {strides = array<i32>} : memref<2080xi32, #tpu.memory_space<vmem>>, vector<16xi32>,
    %swap3A_282 = arith.constant 960 : index
    %swap3A_283 = tpu.vector_load %arg6[%swap3A_282] {strides = array<i32>} : memref<2080xi32, #tpu.memory_space<vmem>>, vector<16xi32>,
    tpu.vector_store %arg6[%swap3A_282], %broadcast_in_dim3A_161 {strides = array<i32>} : memref<2080xi32, #tpu.memory_space<vmem>>, vector<16xi32>,
    %swap3A_284 = arith.constant 976 : index
    %swap3A_285 = tpu.vector_load %arg6[%swap3A_284] {strides = array<i32>} : memref<2080xi32, #tpu.memory_space<vmem>>, vector<16xi32>,
    tpu.vector_store %arg6[%swap3A_284], %broadcast_in_dim3A_161 {strides = array<i32>} : memref<2080xi32, #tpu.memory_space<vmem>>, vector<16xi32>,
    %swap3A_286 = arith.constant 992 : index
    %swap3A_287 = tpu.vector_load %arg6[%swap3A_286] {strides = array<i32>} : memref<2080xi32, #tpu.memory_space<vmem>>, vector<16xi32>,
    tpu.vector_store %arg6[%swap3A_286], %broadcast_in_dim3A_161 {strides = array<i32>} : memref<2080xi32, #tpu.memory_space<vmem>>, vector<16xi32>,
    %swap3A_288 = arith.constant 1008 : index
    %swap3A_289 = tpu.vector_load %arg6[%swap3A_288] {strides = array<i32>} : memref<2080xi32, #tpu.memory_space<vmem>>, vector<16xi32>,
    tpu.vector_store %arg6[%swap3A_288], %broadcast_in_dim3A_161 {strides = array<i32>} : memref<2080xi32, #tpu.memory_space<vmem>>, vector<16xi32>,
    %swap3A_290 = arith.constant 1024 : index
    %swap3A_291 = tpu.vector_load %arg6[%swap3A_290] {strides = array<i32>} : memref<2080xi32, #tpu.memory_space<vmem>>, vector<16xi32>,
    tpu.vector_store %arg6[%swap3A_290], %broadcast_in_dim3A_161 {strides = array<i32>} : memref<2080xi32, #tpu.memory_space<vmem>>, vector<16xi32>,
    %swap3A_292 = arith.constant 1040 : index
    %swap3A_293 = tpu.vector_load %arg6[%swap3A_292] {strides = array<i32>} : memref<2080xi32, #tpu.memory_space<vmem>>, vector<16xi32>,
    tpu.vector_store %arg6[%swap3A_292], %broadcast_in_dim3A_161 {strides = array<i32>} : memref<2080xi32, #tpu.memory_space<vmem>>, vector<16xi32>,
    %swap3A_294 = arith.constant 1056 : index
    %swap3A_295 = tpu.vector_load %arg6[%swap3A_294] {strides = array<i32>} : memref<2080xi32, #tpu.memory_space<vmem>>, vector<16xi32>,
    tpu.vector_store %arg6[%swap3A_294], %broadcast_in_dim3A_161 {strides = array<i32>} : memref<2080xi32, #tpu.memory_space<vmem>>, vector<16xi32>,
    %swap3A_296 = arith.constant 1072 : index
    %swap3A_297 = tpu.vector_load %arg6[%swap3A_296] {strides = array<i32>} : memref<2080xi32, #tpu.memory_space<vmem>>, vector<16xi32>,
    tpu.vector_store %arg6[%swap3A_296], %broadcast_in_dim3A_161 {strides = array<i32>} : memref<2080xi32, #tpu.memory_space<vmem>>, vector<16xi32>,
    %swap3A_298 = arith.constant 1088 : index
    %swap3A_299 = tpu.vector_load %arg6[%swap3A_298] {strides = array<i32>} : memref<2080xi32, #tpu.memory_space<vmem>>, vector<16xi32>,
    tpu.vector_store %arg6[%swap3A_298], %broadcast_in_dim3A_161 {strides = array<i32>} : memref<2080xi32, #tpu.memory_space<vmem>>, vector<16xi32>,
    %swap3A_300 = arith.constant 1104 : index
    %swap3A_301 = tpu.vector_load %arg6[%swap3A_300] {strides = array<i32>} : memref<2080xi32, #tpu.memory_space<vmem>>, vector<16xi32>,
    tpu.vector_store %arg6[%swap3A_300], %broadcast_in_dim3A_161 {strides = array<i32>} : memref<2080xi32, #tpu.memory_space<vmem>>, vector<16xi32>,
    %swap3A_302 = arith.constant 1120 : index
    %swap3A_303 = tpu.vector_load %arg6[%swap3A_302] {strides = array<i32>} : memref<2080xi32, #tpu.memory_space<vmem>>, vector<16xi32>,
    tpu.vector_store %arg6[%swap3A_302], %broadcast_in_dim3A_161 {strides = array<i32>} : memref<2080xi32, #tpu.memory_space<vmem>>, vector<16xi32>,
    %swap3A_304 = arith.constant 1136 : index
    %swap3A_305 = tpu.vector_load %arg6[%swap3A_304] {strides = array<i32>} : memref<2080xi32, #tpu.memory_space<vmem>>, vector<16xi32>,
    tpu.vector_store %arg6[%swap3A_304], %broadcast_in_dim3A_161 {strides = array<i32>} : memref<2080xi32, #tpu.memory_space<vmem>>, vector<16xi32>,
    %swap3A_306 = arith.constant 1152 : index
    %swap3A_307 = tpu.vector_load %arg6[%swap3A_306] {strides = array<i32>} : memref<2080xi32, #tpu.memory_space<vmem>>, vector<16xi32>,
    tpu.vector_store %arg6[%swap3A_306], %broadcast_in_dim3A_161 {strides = array<i32>} : memref<2080xi32, #tpu.memory_space<vmem>>, vector<16xi32>,
    %swap3A_308 = arith.constant 1168 : index
    %swap3A_309 = tpu.vector_load %arg6[%swap3A_308] {strides = array<i32>} : memref<2080xi32, #tpu.memory_space<vmem>>, vector<16xi32>,
    tpu.vector_store %arg6[%swap3A_308], %broadcast_in_dim3A_161 {strides = array<i32>} : memref<2080xi32, #tpu.memory_space<vmem>>, vector<16xi32>,
    %swap3A_310 = arith.constant 1184 : index
    %swap3A_311 = tpu.vector_load %arg6[%swap3A_310] {strides = array<i32>} : memref<2080xi32, #tpu.memory_space<vmem>>, vector<16xi32>,
    tpu.vector_store %arg6[%swap3A_310], %broadcast_in_dim3A_161 {strides = array<i32>} : memref<2080xi32, #tpu.memory_space<vmem>>, vector<16xi32>,
    %swap3A_312 = arith.constant 1200 : index
    %swap3A_313 = tpu.vector_load %arg6[%swap3A_312] {strides = array<i32>} : memref<2080xi32, #tpu.memory_space<vmem>>, vector<16xi32>,
    tpu.vector_store %arg6[%swap3A_312], %broadcast_in_dim3A_161 {strides = array<i32>} : memref<2080xi32, #tpu.memory_space<vmem>>, vector<16xi32>,
    %swap3A_314 = arith.constant 1216 : index
    %swap3A_315 = tpu.vector_load %arg6[%swap3A_314] {strides = array<i32>} : memref<2080xi32, #tpu.memory_space<vmem>>, vector<16xi32>,
    tpu.vector_store %arg6[%swap3A_314], %broadcast_in_dim3A_161 {strides = array<i32>} : memref<2080xi32, #tpu.memory_space<vmem>>, vector<16xi32>,
    %swap3A_316 = arith.constant 1232 : index
    %swap3A_317 = tpu.vector_load %arg6[%swap3A_316] {strides = array<i32>} : memref<2080xi32, #tpu.memory_space<vmem>>, vector<16xi32>,
    tpu.vector_store %arg6[%swap3A_316], %broadcast_in_dim3A_161 {strides = array<i32>} : memref<2080xi32, #tpu.memory_space<vmem>>, vector<16xi32>,
    %swap3A_318 = arith.constant 1248 : index
    %swap3A_319 = tpu.vector_load %arg6[%swap3A_318] {strides = array<i32>} : memref<2080xi32, #tpu.memory_space<vmem>>, vector<16xi32>,
    tpu.vector_store %arg6[%swap3A_318], %broadcast_in_dim3A_161 {strides = array<i32>} : memref<2080xi32, #tpu.memory_space<vmem>>, vector<16xi32>,
    %swap3A_320 = arith.constant 1264 : index
    %swap3A_321 = tpu.vector_load %arg6[%swap3A_320] {strides = array<i32>} : memref<2080xi32, #tpu.memory_space<vmem>>, vector<16xi32>,
    tpu.vector_store %arg6[%swap3A_320], %broadcast_in_dim3A_161 {strides = array<i32>} : memref<2080xi32, #tpu.memory_space<vmem>>, vector<16xi32>,
    %swap3A_322 = arith.constant 1280 : index
    %swap3A_323 = tpu.vector_load %arg6[%swap3A_322] {strides = array<i32>} : memref<2080xi32, #tpu.memory_space<vmem>>, vector<16xi32>,
    tpu.vector_store %arg6[%swap3A_322], %broadcast_in_dim3A_161 {strides = array<i32>} : memref<2080xi32, #tpu.memory_space<vmem>>, vector<16xi32>,
    %swap3A_324 = arith.constant 1296 : index
    %swap3A_325 = tpu.vector_load %arg6[%swap3A_324] {strides = array<i32>} : memref<2080xi32, #tpu.memory_space<vmem>>, vector<16xi32>,
    tpu.vector_store %arg6[%swap3A_324], %broadcast_in_dim3A_161 {strides = array<i32>} : memref<2080xi32, #tpu.memory_space<vmem>>, vector<16xi32>,
    %swap3A_326 = arith.constant 1312 : index
    %swap3A_327 = tpu.vector_load %arg6[%swap3A_326] {strides = array<i32>} : memref<2080xi32, #tpu.memory_space<vmem>>, vector<16xi32>,
    tpu.vector_store %arg6[%swap3A_326], %broadcast_in_dim3A_161 {strides = array<i32>} : memref<2080xi32, #tpu.memory_space<vmem>>, vector<16xi32>,
    %swap3A_328 = arith.constant 1328 : index
    %swap3A_329 = tpu.vector_load %arg6[%swap3A_328] {strides = array<i32>} : memref<2080xi32, #tpu.memory_space<vmem>>, vector<16xi32>,
    tpu.vector_store %arg6[%swap3A_328], %broadcast_in_dim3A_161 {strides = array<i32>} : memref<2080xi32, #tpu.memory_space<vmem>>, vector<16xi32>,
    %swap3A_330 = arith.constant 1344 : index
    %swap3A_331 = tpu.vector_load %arg6[%swap3A_330] {strides = array<i32>} : memref<2080xi32, #tpu.memory_space<vmem>>, vector<16xi32>,
    tpu.vector_store %arg6[%swap3A_330], %broadcast_in_dim3A_161 {strides = array<i32>} : memref<2080xi32, #tpu.memory_space<vmem>>, vector<16xi32>,
    %swap3A_332 = arith.constant 1360 : index
    %swap3A_333 = tpu.vector_load %arg6[%swap3A_332] {strides = array<i32>} : memref<2080xi32, #tpu.memory_space<vmem>>, vector<16xi32>,
    tpu.vector_store %arg6[%swap3A_332], %broadcast_in_dim3A_161 {strides = array<i32>} : memref<2080xi32, #tpu.memory_space<vmem>>, vector<16xi32>,
    %swap3A_334 = arith.constant 1376 : index
    %swap3A_335 = tpu.vector_load %arg6[%swap3A_334] {strides = array<i32>} : memref<2080xi32, #tpu.memory_space<vmem>>, vector<16xi32>,
    tpu.vector_store %arg6[%swap3A_334], %broadcast_in_dim3A_161 {strides = array<i32>} : memref<2080xi32, #tpu.memory_space<vmem>>, vector<16xi32>,
    %swap3A_336 = arith.constant 1392 : index
    %swap3A_337 = tpu.vector_load %arg6[%swap3A_336] {strides = array<i32>} : memref<2080xi32, #tpu.memory_space<vmem>>, vector<16xi32>,
    tpu.vector_store %arg6[%swap3A_336], %broadcast_in_dim3A_161 {strides = array<i32>} : memref<2080xi32, #tpu.memory_space<vmem>>, vector<16xi32>,
    %swap3A_338 = arith.constant 1408 : index
    %swap3A_339 = tpu.vector_load %arg6[%swap3A_338] {strides = array<i32>} : memref<2080xi32, #tpu.memory_space<vmem>>, vector<16xi32>,
    tpu.vector_store %arg6[%swap3A_338], %broadcast_in_dim3A_161 {strides = array<i32>} : memref<2080xi32, #tpu.memory_space<vmem>>, vector<16xi32>,
    %swap3A_340 = arith.constant 1424 : index
    %swap3A_341 = tpu.vector_load %arg6[%swap3A_340] {strides = array<i32>} : memref<2080xi32, #tpu.memory_space<vmem>>, vector<16xi32>,
    tpu.vector_store %arg6[%swap3A_340], %broadcast_in_dim3A_161 {strides = array<i32>} : memref<2080xi32, #tpu.memory_space<vmem>>, vector<16xi32>,
    %swap3A_342 = arith.constant 1440 : index
    %swap3A_343 = tpu.vector_load %arg6[%swap3A_342] {strides = array<i32>} : memref<2080xi32, #tpu.memory_space<vmem>>, vector<16xi32>,
    tpu.vector_store %arg6[%swap3A_342], %broadcast_in_dim3A_161 {strides = array<i32>} : memref<2080xi32, #tpu.memory_space<vmem>>, vector<16xi32>,
    %swap3A_344 = arith.constant 1456 : index
    %swap3A_345 = tpu.vector_load %arg6[%swap3A_344] {strides = array<i32>} : memref<2080xi32, #tpu.memory_space<vmem>>, vector<16xi32>,
    tpu.vector_store %arg6[%swap3A_344], %broadcast_in_dim3A_161 {strides = array<i32>} : memref<2080xi32, #tpu.memory_space<vmem>>, vector<16xi32>,
    %swap3A_346 = arith.constant 1472 : index
    %swap3A_347 = tpu.vector_load %arg6[%swap3A_346] {strides = array<i32>} : memref<2080xi32, #tpu.memory_space<vmem>>, vector<16xi32>,
    tpu.vector_store %arg6[%swap3A_346], %broadcast_in_dim3A_161 {strides = array<i32>} : memref<2080xi32, #tpu.memory_space<vmem>>, vector<16xi32>,
    %swap3A_348 = arith.constant 1488 : index
    %swap3A_349 = tpu.vector_load %arg6[%swap3A_348] {strides = array<i32>} : memref<2080xi32, #tpu.memory_space<vmem>>, vector<16xi32>,
    tpu.vector_store %arg6[%swap3A_348], %broadcast_in_dim3A_161 {strides = array<i32>} : memref<2080xi32, #tpu.memory_space<vmem>>, vector<16xi32>,
    %swap3A_350 = arith.constant 1504 : index
    %swap3A_351 = tpu.vector_load %arg6[%swap3A_350] {strides = array<i32>} : memref<2080xi32, #tpu.memory_space<vmem>>, vector<16xi32>,
    tpu.vector_store %arg6[%swap3A_350], %broadcast_in_dim3A_161 {strides = array<i32>} : memref<2080xi32, #tpu.memory_space<vmem>>, vector<16xi32>,
    %swap3A_352 = arith.constant 1520 : index
    %swap3A_353 = tpu.vector_load %arg6[%swap3A_352] {strides = array<i32>} : memref<2080xi32, #tpu.memory_space<vmem>>, vector<16xi32>,
    tpu.vector_store %arg6[%swap3A_352], %broadcast_in_dim3A_161 {strides = array<i32>} : memref<2080xi32, #tpu.memory_space<vmem>>, vector<16xi32>,
    %swap3A_354 = arith.constant 1536 : index
    %swap3A_355 = tpu.vector_load %arg6[%swap3A_354] {strides = array<i32>} : memref<2080xi32, #tpu.memory_space<vmem>>, vector<16xi32>,
    tpu.vector_store %arg6[%swap3A_354], %broadcast_in_dim3A_161 {strides = array<i32>} : memref<2080xi32, #tpu.memory_space<vmem>>, vector<16xi32>,
    %swap3A_356 = arith.constant 1552 : index
    %swap3A_357 = tpu.vector_load %arg6[%swap3A_356] {strides = array<i32>} : memref<2080xi32, #tpu.memory_space<vmem>>, vector<16xi32>,
    tpu.vector_store %arg6[%swap3A_356], %broadcast_in_dim3A_161 {strides = array<i32>} : memref<2080xi32, #tpu.memory_space<vmem>>, vector<16xi32>,
    %swap3A_358 = arith.constant 1568 : index
    %swap3A_359 = tpu.vector_load %arg6[%swap3A_358] {strides = array<i32>} : memref<2080xi32, #tpu.memory_space<vmem>>, vector<16xi32>,
    tpu.vector_store %arg6[%swap3A_358], %broadcast_in_dim3A_161 {strides = array<i32>} : memref<2080xi32, #tpu.memory_space<vmem>>, vector<16xi32>,
    %swap3A_360 = arith.constant 1584 : index
    %swap3A_361 = tpu.vector_load %arg6[%swap3A_360] {strides = array<i32>} : memref<2080xi32, #tpu.memory_space<vmem>>, vector<16xi32>,
    tpu.vector_store %arg6[%swap3A_360], %broadcast_in_dim3A_161 {strides = array<i32>} : memref<2080xi32, #tpu.memory_space<vmem>>, vector<16xi32>,
    %swap3A_362 = arith.constant 1600 : index
    %swap3A_363 = tpu.vector_load %arg6[%swap3A_362] {strides = array<i32>} : memref<2080xi32, #tpu.memory_space<vmem>>, vector<16xi32>,
    tpu.vector_store %arg6[%swap3A_362], %broadcast_in_dim3A_161 {strides = array<i32>} : memref<2080xi32, #tpu.memory_space<vmem>>, vector<16xi32>,
    %swap3A_364 = arith.constant 1616 : index
    %swap3A_365 = tpu.vector_load %arg6[%swap3A_364] {strides = array<i32>} : memref<2080xi32, #tpu.memory_space<vmem>>, vector<16xi32>,
    tpu.vector_store %arg6[%swap3A_364], %broadcast_in_dim3A_161 {strides = array<i32>} : memref<2080xi32, #tpu.memory_space<vmem>>, vector<16xi32>,
    %swap3A_366 = arith.constant 1632 : index
    %swap3A_367 = tpu.vector_load %arg6[%swap3A_366] {strides = array<i32>} : memref<2080xi32, #tpu.memory_space<vmem>>, vector<16xi32>,
    tpu.vector_store %arg6[%swap3A_366], %broadcast_in_dim3A_161 {strides = array<i32>} : memref<2080xi32, #tpu.memory_space<vmem>>, vector<16xi32>,
    %swap3A_368 = arith.constant 1648 : index
    %swap3A_369 = tpu.vector_load %arg6[%swap3A_368] {strides = array<i32>} : memref<2080xi32, #tpu.memory_space<vmem>>, vector<16xi32>,
    tpu.vector_store %arg6[%swap3A_368], %broadcast_in_dim3A_161 {strides = array<i32>} : memref<2080xi32, #tpu.memory_space<vmem>>, vector<16xi32>,
    %swap3A_370 = arith.constant 1664 : index
    %swap3A_371 = tpu.vector_load %arg6[%swap3A_370] {strides = array<i32>} : memref<2080xi32, #tpu.memory_space<vmem>>, vector<16xi32>,
    tpu.vector_store %arg6[%swap3A_370], %broadcast_in_dim3A_161 {strides = array<i32>} : memref<2080xi32, #tpu.memory_space<vmem>>, vector<16xi32>,
    %swap3A_372 = arith.constant 1680 : index
    %swap3A_373 = tpu.vector_load %arg6[%swap3A_372] {strides = array<i32>} : memref<2080xi32, #tpu.memory_space<vmem>>, vector<16xi32>,
    tpu.vector_store %arg6[%swap3A_372], %broadcast_in_dim3A_161 {strides = array<i32>} : memref<2080xi32, #tpu.memory_space<vmem>>, vector<16xi32>,
    %swap3A_374 = arith.constant 1696 : index
    %swap3A_375 = tpu.vector_load %arg6[%swap3A_374] {strides = array<i32>} : memref<2080xi32, #tpu.memory_space<vmem>>, vector<16xi32>,
    tpu.vector_store %arg6[%swap3A_374], %broadcast_in_dim3A_161 {strides = array<i32>} : memref<2080xi32, #tpu.memory_space<vmem>>, vector<16xi32>,
    %swap3A_376 = arith.constant 1712 : index
    %swap3A_377 = tpu.vector_load %arg6[%swap3A_376] {strides = array<i32>} : memref<2080xi32, #tpu.memory_space<vmem>>, vector<16xi32>,
    tpu.vector_store %arg6[%swap3A_376], %broadcast_in_dim3A_161 {strides = array<i32>} : memref<2080xi32, #tpu.memory_space<vmem>>, vector<16xi32>,
    %swap3A_378 = arith.constant 1728 : index
    %swap3A_379 = tpu.vector_load %arg6[%swap3A_378] {strides = array<i32>} : memref<2080xi32, #tpu.memory_space<vmem>>, vector<16xi32>,
    tpu.vector_store %arg6[%swap3A_378], %broadcast_in_dim3A_161 {strides = array<i32>} : memref<2080xi32, #tpu.memory_space<vmem>>, vector<16xi32>,
    %swap3A_380 = arith.constant 1744 : index
    %swap3A_381 = tpu.vector_load %arg6[%swap3A_380] {strides = array<i32>} : memref<2080xi32, #tpu.memory_space<vmem>>, vector<16xi32>,
    tpu.vector_store %arg6[%swap3A_380], %broadcast_in_dim3A_161 {strides = array<i32>} : memref<2080xi32, #tpu.memory_space<vmem>>, vector<16xi32>,
    %swap3A_382 = arith.constant 1760 : index
    %swap3A_383 = tpu.vector_load %arg6[%swap3A_382] {strides = array<i32>} : memref<2080xi32, #tpu.memory_space<vmem>>, vector<16xi32>,
    tpu.vector_store %arg6[%swap3A_382], %broadcast_in_dim3A_161 {strides = array<i32>} : memref<2080xi32, #tpu.memory_space<vmem>>, vector<16xi32>,
    %swap3A_384 = arith.constant 1776 : index
    %swap3A_385 = tpu.vector_load %arg6[%swap3A_384] {strides = array<i32>} : memref<2080xi32, #tpu.memory_space<vmem>>, vector<16xi32>,
    tpu.vector_store %arg6[%swap3A_384], %broadcast_in_dim3A_161 {strides = array<i32>} : memref<2080xi32, #tpu.memory_space<vmem>>, vector<16xi32>,
    %swap3A_386 = arith.constant 1792 : index
    %swap3A_387 = tpu.vector_load %arg6[%swap3A_386] {strides = array<i32>} : memref<2080xi32, #tpu.memory_space<vmem>>, vector<16xi32>,
    tpu.vector_store %arg6[%swap3A_386], %broadcast_in_dim3A_161 {strides = array<i32>} : memref<2080xi32, #tpu.memory_space<vmem>>, vector<16xi32>,
    %swap3A_388 = arith.constant 1808 : index
    %swap3A_389 = tpu.vector_load %arg6[%swap3A_388] {strides = array<i32>} : memref<2080xi32, #tpu.memory_space<vmem>>, vector<16xi32>,
    tpu.vector_store %arg6[%swap3A_388], %broadcast_in_dim3A_161 {strides = array<i32>} : memref<2080xi32, #tpu.memory_space<vmem>>, vector<16xi32>,
    %swap3A_390 = arith.constant 1824 : index
    %swap3A_391 = tpu.vector_load %arg6[%swap3A_390] {strides = array<i32>} : memref<2080xi32, #tpu.memory_space<vmem>>, vector<16xi32>,
    tpu.vector_store %arg6[%swap3A_390], %broadcast_in_dim3A_161 {strides = array<i32>} : memref<2080xi32, #tpu.memory_space<vmem>>, vector<16xi32>,
    %swap3A_392 = arith.constant 1840 : index
    %swap3A_393 = tpu.vector_load %arg6[%swap3A_392] {strides = array<i32>} : memref<2080xi32, #tpu.memory_space<vmem>>, vector<16xi32>,
    tpu.vector_store %arg6[%swap3A_392], %broadcast_in_dim3A_161 {strides = array<i32>} : memref<2080xi32, #tpu.memory_space<vmem>>, vector<16xi32>,
    %swap3A_394 = arith.constant 1856 : index
    %swap3A_395 = tpu.vector_load %arg6[%swap3A_394] {strides = array<i32>} : memref<2080xi32, #tpu.memory_space<vmem>>, vector<16xi32>,
    tpu.vector_store %arg6[%swap3A_394], %broadcast_in_dim3A_161 {strides = array<i32>} : memref<2080xi32, #tpu.memory_space<vmem>>, vector<16xi32>,
    %swap3A_396 = arith.constant 1872 : index
    %swap3A_397 = tpu.vector_load %arg6[%swap3A_396] {strides = array<i32>} : memref<2080xi32, #tpu.memory_space<vmem>>, vector<16xi32>,
    tpu.vector_store %arg6[%swap3A_396], %broadcast_in_dim3A_161 {strides = array<i32>} : memref<2080xi32, #tpu.memory_space<vmem>>, vector<16xi32>,
    %swap3A_398 = arith.constant 1888 : index
    %swap3A_399 = tpu.vector_load %arg6[%swap3A_398] {strides = array<i32>} : memref<2080xi32, #tpu.memory_space<vmem>>, vector<16xi32>,
    tpu.vector_store %arg6[%swap3A_398], %broadcast_in_dim3A_161 {strides = array<i32>} : memref<2080xi32, #tpu.memory_space<vmem>>, vector<16xi32>,
    %swap3A_400 = arith.constant 1904 : index
    %swap3A_401 = tpu.vector_load %arg6[%swap3A_400] {strides = array<i32>} : memref<2080xi32, #tpu.memory_space<vmem>>, vector<16xi32>,
    tpu.vector_store %arg6[%swap3A_400], %broadcast_in_dim3A_161 {strides = array<i32>} : memref<2080xi32, #tpu.memory_space<vmem>>, vector<16xi32>,
    %swap3A_402 = arith.constant 1920 : index
    %swap3A_403 = tpu.vector_load %arg6[%swap3A_402] {strides = array<i32>} : memref<2080xi32, #tpu.memory_space<vmem>>, vector<16xi32>,
    tpu.vector_store %arg6[%swap3A_402], %broadcast_in_dim3A_161 {strides = array<i32>} : memref<2080xi32, #tpu.memory_space<vmem>>, vector<16xi32>,
    %swap3A_404 = arith.constant 1936 : index
    %swap3A_405 = tpu.vector_load %arg6[%swap3A_404] {strides = array<i32>} : memref<2080xi32, #tpu.memory_space<vmem>>, vector<16xi32>,
    tpu.vector_store %arg6[%swap3A_404], %broadcast_in_dim3A_161 {strides = array<i32>} : memref<2080xi32, #tpu.memory_space<vmem>>, vector<16xi32>,
    %swap3A_406 = arith.constant 1952 : index
    %swap3A_407 = tpu.vector_load %arg6[%swap3A_406] {strides = array<i32>} : memref<2080xi32, #tpu.memory_space<vmem>>, vector<16xi32>,
    tpu.vector_store %arg6[%swap3A_406], %broadcast_in_dim3A_161 {strides = array<i32>} : memref<2080xi32, #tpu.memory_space<vmem>>, vector<16xi32>,
    %swap3A_408 = arith.constant 1968 : index
    %swap3A_409 = tpu.vector_load %arg6[%swap3A_408] {strides = array<i32>} : memref<2080xi32, #tpu.memory_space<vmem>>, vector<16xi32>,
    tpu.vector_store %arg6[%swap3A_408], %broadcast_in_dim3A_161 {strides = array<i32>} : memref<2080xi32, #tpu.memory_space<vmem>>, vector<16xi32>,
    %swap3A_410 = arith.constant 1984 : index
    %swap3A_411 = tpu.vector_load %arg6[%swap3A_410] {strides = array<i32>} : memref<2080xi32, #tpu.memory_space<vmem>>, vector<16xi32>,
    tpu.vector_store %arg6[%swap3A_410], %broadcast_in_dim3A_161 {strides = array<i32>} : memref<2080xi32, #tpu.memory_space<vmem>>, vector<16xi32>,
    %swap3A_412 = arith.constant 2000 : index
    %swap3A_413 = tpu.vector_load %arg6[%swap3A_412] {strides = array<i32>} : memref<2080xi32, #tpu.memory_space<vmem>>, vector<16xi32>,
    tpu.vector_store %arg6[%swap3A_412], %broadcast_in_dim3A_161 {strides = array<i32>} : memref<2080xi32, #tpu.memory_space<vmem>>, vector<16xi32>,
    %swap3A_414 = arith.constant 2016 : index
    %swap3A_415 = tpu.vector_load %arg6[%swap3A_414] {strides = array<i32>} : memref<2080xi32, #tpu.memory_space<vmem>>, vector<16xi32>,
    tpu.vector_store %arg6[%swap3A_414], %broadcast_in_dim3A_161 {strides = array<i32>} : memref<2080xi32, #tpu.memory_space<vmem>>, vector<16xi32>,
    %swap3A_416 = arith.constant 2032 : index
    %swap3A_417 = tpu.vector_load %arg6[%swap3A_416] {strides = array<i32>} : memref<2080xi32, #tpu.memory_space<vmem>>, vector<16xi32>,
    tpu.vector_store %arg6[%swap3A_416], %broadcast_in_dim3A_161 {strides = array<i32>} : memref<2080xi32, #tpu.memory_space<vmem>>, vector<16xi32>,
    %swap3A_418 = arith.constant 2048 : index
    %swap3A_419 = tpu.vector_load %arg6[%swap3A_418] {strides = array<i32>} : memref<2080xi32, #tpu.memory_space<vmem>>, vector<16xi32>,
    tpu.vector_store %arg6[%swap3A_418], %broadcast_in_dim3A_161 {strides = array<i32>} : memref<2080xi32, #tpu.memory_space<vmem>>, vector<16xi32>,
    %swap3A_420 = arith.constant 2064 : index
    %swap3A_421 = tpu.vector_load %arg6[%swap3A_420] {strides = array<i32>} : memref<2080xi32, #tpu.memory_space<vmem>>, vector<16xi32>,
    tpu.vector_store %arg6[%swap3A_420], %broadcast_in_dim3A_161 {strides = array<i32>} : memref<2080xi32, #tpu.memory_space<vmem>>, vector<16xi32>,
    %iota3A = tpu.iota {dimensions = array<i32: 0>} : vector<16xi32>
    %get3A = arith.constant 0 : index
    %get3A_422 = tpu.vector_load %arg5[%get3A] {strides = array<i32>} : memref<512xi32, #tpu.memory_space<vmem>>, vector<16xi32>,
    %broadcast_in_dim3A_423 = arith.constant true
    %broadcast_in_dim3A_424 = vector.broadcast %broadcast_in_dim3A_423 : i1 to vector<16xi1>
    %masked_cumsum3A = tpu.scan <sum>, %get3A_422 masked %broadcast_in_dim3A_424 : vector<16xi32>, vector<16xi1> -> vector<16xi32>
    %sub3A_425 = arith.subi %masked_cumsum3A, %get3A_422 : vector<16xi32>
    %add3A_426 = arith.constant 0 : i32
    %add3A_427 = vector.broadcast %add3A_426 : i32 to vector<16xi32>
    %add3A_428 = arith.addi %sub3A_425, %add3A_427 : vector<16xi32>
    %slice3A = vector.extract_strided_slice %masked_cumsum3A {offsets = [15], sizes = [1], strides = [1]} : vector<16xi32> to vector<1xi32>
    %squeeze3A = vector.extract %slice3A[0] : i32 from vector<1xi32>
    %add3A_429 = arith.constant 0 : i32
    %add3A_430 = arith.addi %add3A_429, %squeeze3A : i32
    %add3A_431 = arith.constant 0 : i32
    %add3A_432 = arith.addi %mul3A_32, %add3A_431 : i32
    %add3A_433 = vector.broadcast %add3A_432 : i32 to vector<16xi32>
    %add3A_434 = arith.addi %iota3A, %add3A_433 : vector<16xi32>
    %add3A_435 = arith.constant 0 : i32
    %add3A_436 = vector.broadcast %add3A_435 : i32 to vector<16xi32>
    %add3A_437 = arith.addi %add3A_428, %add3A_436 : vector<16xi32>
    %gt3A = arith.constant 0 : i32
    %gt3A_438 = vector.broadcast %gt3A : i32 to vector<16xi32>
    %gt3A_439 = arith.cmpi sgt, %get3A_422, %gt3A_438 : vector<16xi32>
    %lt3A_440 = arith.constant 2048 : i32
    %lt3A_441 = vector.broadcast %lt3A_440 : i32 to vector<16xi32>
    %lt3A_442 = arith.cmpi slt, %add3A_437, %lt3A_441 : vector<16xi32>
    %and3A_443 = arith.andi %gt3A_439, %lt3A_442 : vector<16xi1>
    tpu.vector_store_idx %arg6[%add3A_437], %add3A_434 masked %and3A_443 : memref<2080xi32, #tpu.memory_space<vmem>>[vector<16xi32>], vector<16xi32>, vector<16xi1>
    %add3A_444 = arith.constant 1 : i32
    %add3A_445 = vector.broadcast %add3A_444 : i32 to vector<16xi32>
    %add3A_446 = arith.addi %add3A_428, %add3A_445 : vector<16xi32>
    %gt3A_447 = arith.constant 1 : i32
    %gt3A_448 = vector.broadcast %gt3A_447 : i32 to vector<16xi32>
    %gt3A_449 = arith.cmpi sgt, %get3A_422, %gt3A_448 : vector<16xi32>
    %lt3A_450 = arith.constant 2048 : i32
    %lt3A_451 = vector.broadcast %lt3A_450 : i32 to vector<16xi32>
    %lt3A_452 = arith.cmpi slt, %add3A_446, %lt3A_451 : vector<16xi32>
    %and3A_453 = arith.andi %gt3A_449, %lt3A_452 : vector<16xi1>
    tpu.vector_store_idx %arg6[%add3A_446], %add3A_434 masked %and3A_453 : memref<2080xi32, #tpu.memory_space<vmem>>[vector<16xi32>], vector<16xi32>, vector<16xi1>
    %add3A_454 = arith.constant 2 : i32
    %add3A_455 = vector.broadcast %add3A_454 : i32 to vector<16xi32>
    %add3A_456 = arith.addi %add3A_428, %add3A_455 : vector<16xi32>
    %gt3A_457 = arith.constant 2 : i32
    %gt3A_458 = vector.broadcast %gt3A_457 : i32 to vector<16xi32>
    %gt3A_459 = arith.cmpi sgt, %get3A_422, %gt3A_458 : vector<16xi32>
    %lt3A_460 = arith.constant 2048 : i32
    %lt3A_461 = vector.broadcast %lt3A_460 : i32 to vector<16xi32>
    %lt3A_462 = arith.cmpi slt, %add3A_456, %lt3A_461 : vector<16xi32>
    %and3A_463 = arith.andi %gt3A_459, %lt3A_462 : vector<16xi1>
    tpu.vector_store_idx %arg6[%add3A_456], %add3A_434 masked %and3A_463 : memref<2080xi32, #tpu.memory_space<vmem>>[vector<16xi32>], vector<16xi32>, vector<16xi1>
    %add3A_464 = arith.constant 3 : i32
    %add3A_465 = vector.broadcast %add3A_464 : i32 to vector<16xi32>
    %add3A_466 = arith.addi %add3A_428, %add3A_465 : vector<16xi32>
    %gt3A_467 = arith.constant 3 : i32
    %gt3A_468 = vector.broadcast %gt3A_467 : i32 to vector<16xi32>
    %gt3A_469 = arith.cmpi sgt, %get3A_422, %gt3A_468 : vector<16xi32>
    %lt3A_470 = arith.constant 2048 : i32
    %lt3A_471 = vector.broadcast %lt3A_470 : i32 to vector<16xi32>
    %lt3A_472 = arith.cmpi slt, %add3A_466, %lt3A_471 : vector<16xi32>
    %and3A_473 = arith.andi %gt3A_469, %lt3A_472 : vector<16xi1>
    tpu.vector_store_idx %arg6[%add3A_466], %add3A_434 masked %and3A_473 : memref<2080xi32, #tpu.memory_space<vmem>>[vector<16xi32>], vector<16xi32>, vector<16xi1>
    %add3A_474 = arith.constant 4 : i32
    %add3A_475 = vector.broadcast %add3A_474 : i32 to vector<16xi32>
    %add3A_476 = arith.addi %add3A_428, %add3A_475 : vector<16xi32>
    %gt3A_477 = arith.constant 4 : i32
    %gt3A_478 = vector.broadcast %gt3A_477 : i32 to vector<16xi32>
    %gt3A_479 = arith.cmpi sgt, %get3A_422, %gt3A_478 : vector<16xi32>
    %lt3A_480 = arith.constant 2048 : i32
    %lt3A_481 = vector.broadcast %lt3A_480 : i32 to vector<16xi32>
    %lt3A_482 = arith.cmpi slt, %add3A_476, %lt3A_481 : vector<16xi32>
    %and3A_483 = arith.andi %gt3A_479, %lt3A_482 : vector<16xi1>
    tpu.vector_store_idx %arg6[%add3A_476], %add3A_434 masked %and3A_483 : memref<2080xi32, #tpu.memory_space<vmem>>[vector<16xi32>], vector<16xi32>, vector<16xi1>
    %add3A_484 = arith.constant 5 : i32
    %add3A_485 = vector.broadcast %add3A_484 : i32 to vector<16xi32>
    %add3A_486 = arith.addi %add3A_428, %add3A_485 : vector<16xi32>
    %gt3A_487 = arith.constant 5 : i32
    %gt3A_488 = vector.broadcast %gt3A_487 : i32 to vector<16xi32>
    %gt3A_489 = arith.cmpi sgt, %get3A_422, %gt3A_488 : vector<16xi32>
    %lt3A_490 = arith.constant 2048 : i32
    %lt3A_491 = vector.broadcast %lt3A_490 : i32 to vector<16xi32>
    %lt3A_492 = arith.cmpi slt, %add3A_486, %lt3A_491 : vector<16xi32>
    %and3A_493 = arith.andi %gt3A_489, %lt3A_492 : vector<16xi1>
    tpu.vector_store_idx %arg6[%add3A_486], %add3A_434 masked %and3A_493 : memref<2080xi32, #tpu.memory_space<vmem>>[vector<16xi32>], vector<16xi32>, vector<16xi1>
    %add3A_494 = arith.constant 6 : i32
    %add3A_495 = vector.broadcast %add3A_494 : i32 to vector<16xi32>
    %add3A_496 = arith.addi %add3A_428, %add3A_495 : vector<16xi32>
    %gt3A_497 = arith.constant 6 : i32
    %gt3A_498 = vector.broadcast %gt3A_497 : i32 to vector<16xi32>
    %gt3A_499 = arith.cmpi sgt, %get3A_422, %gt3A_498 : vector<16xi32>
    %lt3A_500 = arith.constant 2048 : i32
    %lt3A_501 = vector.broadcast %lt3A_500 : i32 to vector<16xi32>
    %lt3A_502 = arith.cmpi slt, %add3A_496, %lt3A_501 : vector<16xi32>
    %and3A_503 = arith.andi %gt3A_499, %lt3A_502 : vector<16xi1>
    tpu.vector_store_idx %arg6[%add3A_496], %add3A_434 masked %and3A_503 : memref<2080xi32, #tpu.memory_space<vmem>>[vector<16xi32>], vector<16xi32>, vector<16xi1>
    %get3A_504 = arith.constant 16 : index
    %get3A_505 = tpu.vector_load %arg5[%get3A_504] {strides = array<i32>} : memref<512xi32, #tpu.memory_space<vmem>>, vector<16xi32>,
    %broadcast_in_dim3A_506 = arith.constant true
    %broadcast_in_dim3A_507 = vector.broadcast %broadcast_in_dim3A_506 : i1 to vector<16xi1>
    %masked_cumsum3A_508 = tpu.scan <sum>, %get3A_505 masked %broadcast_in_dim3A_507 : vector<16xi32>, vector<16xi1> -> vector<16xi32>
    %sub3A_509 = arith.subi %masked_cumsum3A_508, %get3A_505 : vector<16xi32>
    %add3A_510 = vector.broadcast %add3A_430 : i32 to vector<16xi32>
    %add3A_511 = arith.addi %sub3A_509, %add3A_510 : vector<16xi32>
    %slice3A_512 = vector.extract_strided_slice %masked_cumsum3A_508 {offsets = [15], sizes = [1], strides = [1]} : vector<16xi32> to vector<1xi32>
    %squeeze3A_513 = vector.extract %slice3A_512[0] : i32 from vector<1xi32>
    %add3A_514 = arith.addi %add3A_430, %squeeze3A_513 : i32
    %add3A_515 = arith.constant 16 : i32
    %add3A_516 = arith.addi %mul3A_32, %add3A_515 : i32
    %add3A_517 = vector.broadcast %add3A_516 : i32 to vector<16xi32>
    %add3A_518 = arith.addi %iota3A, %add3A_517 : vector<16xi32>
    %add3A_519 = arith.constant 0 : i32
    %add3A_520 = vector.broadcast %add3A_519 : i32 to vector<16xi32>
    %add3A_521 = arith.addi %add3A_511, %add3A_520 : vector<16xi32>
    %gt3A_522 = arith.constant 0 : i32
    %gt3A_523 = vector.broadcast %gt3A_522 : i32 to vector<16xi32>
    %gt3A_524 = arith.cmpi sgt, %get3A_505, %gt3A_523 : vector<16xi32>
    %lt3A_525 = arith.constant 2048 : i32
    %lt3A_526 = vector.broadcast %lt3A_525 : i32 to vector<16xi32>
    %lt3A_527 = arith.cmpi slt, %add3A_521, %lt3A_526 : vector<16xi32>
    %and3A_528 = arith.andi %gt3A_524, %lt3A_527 : vector<16xi1>
    tpu.vector_store_idx %arg6[%add3A_521], %add3A_518 masked %and3A_528 : memref<2080xi32, #tpu.memory_space<vmem>>[vector<16xi32>], vector<16xi32>, vector<16xi1>
    %add3A_529 = arith.constant 1 : i32
    %add3A_530 = vector.broadcast %add3A_529 : i32 to vector<16xi32>
    %add3A_531 = arith.addi %add3A_511, %add3A_530 : vector<16xi32>
    %gt3A_532 = arith.constant 1 : i32
    %gt3A_533 = vector.broadcast %gt3A_532 : i32 to vector<16xi32>
    %gt3A_534 = arith.cmpi sgt, %get3A_505, %gt3A_533 : vector<16xi32>
    %lt3A_535 = arith.constant 2048 : i32
    %lt3A_536 = vector.broadcast %lt3A_535 : i32 to vector<16xi32>
    %lt3A_537 = arith.cmpi slt, %add3A_531, %lt3A_536 : vector<16xi32>
    %and3A_538 = arith.andi %gt3A_534, %lt3A_537 : vector<16xi1>
    tpu.vector_store_idx %arg6[%add3A_531], %add3A_518 masked %and3A_538 : memref<2080xi32, #tpu.memory_space<vmem>>[vector<16xi32>], vector<16xi32>, vector<16xi1>
    %add3A_539 = arith.constant 2 : i32
    %add3A_540 = vector.broadcast %add3A_539 : i32 to vector<16xi32>
    %add3A_541 = arith.addi %add3A_511, %add3A_540 : vector<16xi32>
    %gt3A_542 = arith.constant 2 : i32
    %gt3A_543 = vector.broadcast %gt3A_542 : i32 to vector<16xi32>
    %gt3A_544 = arith.cmpi sgt, %get3A_505, %gt3A_543 : vector<16xi32>
    %lt3A_545 = arith.constant 2048 : i32
    %lt3A_546 = vector.broadcast %lt3A_545 : i32 to vector<16xi32>
    %lt3A_547 = arith.cmpi slt, %add3A_541, %lt3A_546 : vector<16xi32>
    %and3A_548 = arith.andi %gt3A_544, %lt3A_547 : vector<16xi1>
    tpu.vector_store_idx %arg6[%add3A_541], %add3A_518 masked %and3A_548 : memref<2080xi32, #tpu.memory_space<vmem>>[vector<16xi32>], vector<16xi32>, vector<16xi1>
    %add3A_549 = arith.constant 3 : i32
    %add3A_550 = vector.broadcast %add3A_549 : i32 to vector<16xi32>
    %add3A_551 = arith.addi %add3A_511, %add3A_550 : vector<16xi32>
    %gt3A_552 = arith.constant 3 : i32
    %gt3A_553 = vector.broadcast %gt3A_552 : i32 to vector<16xi32>
    %gt3A_554 = arith.cmpi sgt, %get3A_505, %gt3A_553 : vector<16xi32>
    %lt3A_555 = arith.constant 2048 : i32
    %lt3A_556 = vector.broadcast %lt3A_555 : i32 to vector<16xi32>
    %lt3A_557 = arith.cmpi slt, %add3A_551, %lt3A_556 : vector<16xi32>
    %and3A_558 = arith.andi %gt3A_554, %lt3A_557 : vector<16xi1>
    tpu.vector_store_idx %arg6[%add3A_551], %add3A_518 masked %and3A_558 : memref<2080xi32, #tpu.memory_space<vmem>>[vector<16xi32>], vector<16xi32>, vector<16xi1>
    %add3A_559 = arith.constant 4 : i32
    %add3A_560 = vector.broadcast %add3A_559 : i32 to vector<16xi32>
    %add3A_561 = arith.addi %add3A_511, %add3A_560 : vector<16xi32>
    %gt3A_562 = arith.constant 4 : i32
    %gt3A_563 = vector.broadcast %gt3A_562 : i32 to vector<16xi32>
    %gt3A_564 = arith.cmpi sgt, %get3A_505, %gt3A_563 : vector<16xi32>
    %lt3A_565 = arith.constant 2048 : i32
    %lt3A_566 = vector.broadcast %lt3A_565 : i32 to vector<16xi32>
    %lt3A_567 = arith.cmpi slt, %add3A_561, %lt3A_566 : vector<16xi32>
    %and3A_568 = arith.andi %gt3A_564, %lt3A_567 : vector<16xi1>
    tpu.vector_store_idx %arg6[%add3A_561], %add3A_518 masked %and3A_568 : memref<2080xi32, #tpu.memory_space<vmem>>[vector<16xi32>], vector<16xi32>, vector<16xi1>
    %add3A_569 = arith.constant 5 : i32
    %add3A_570 = vector.broadcast %add3A_569 : i32 to vector<16xi32>
    %add3A_571 = arith.addi %add3A_511, %add3A_570 : vector<16xi32>
    %gt3A_572 = arith.constant 5 : i32
    %gt3A_573 = vector.broadcast %gt3A_572 : i32 to vector<16xi32>
    %gt3A_574 = arith.cmpi sgt, %get3A_505, %gt3A_573 : vector<16xi32>
    %lt3A_575 = arith.constant 2048 : i32
    %lt3A_576 = vector.broadcast %lt3A_575 : i32 to vector<16xi32>
    %lt3A_577 = arith.cmpi slt, %add3A_571, %lt3A_576 : vector<16xi32>
    %and3A_578 = arith.andi %gt3A_574, %lt3A_577 : vector<16xi1>
    tpu.vector_store_idx %arg6[%add3A_571], %add3A_518 masked %and3A_578 : memref<2080xi32, #tpu.memory_space<vmem>>[vector<16xi32>], vector<16xi32>, vector<16xi1>
    %add3A_579 = arith.constant 6 : i32
    %add3A_580 = vector.broadcast %add3A_579 : i32 to vector<16xi32>
    %add3A_581 = arith.addi %add3A_511, %add3A_580 : vector<16xi32>
    %gt3A_582 = arith.constant 6 : i32
    %gt3A_583 = vector.broadcast %gt3A_582 : i32 to vector<16xi32>
    %gt3A_584 = arith.cmpi sgt, %get3A_505, %gt3A_583 : vector<16xi32>
    %lt3A_585 = arith.constant 2048 : i32
    %lt3A_586 = vector.broadcast %lt3A_585 : i32 to vector<16xi32>
    %lt3A_587 = arith.cmpi slt, %add3A_581, %lt3A_586 : vector<16xi32>
    %and3A_588 = arith.andi %gt3A_584, %lt3A_587 : vector<16xi1>
    tpu.vector_store_idx %arg6[%add3A_581], %add3A_518 masked %and3A_588 : memref<2080xi32, #tpu.memory_space<vmem>>[vector<16xi32>], vector<16xi32>, vector<16xi1>
    %get3A_589 = arith.constant 32 : index
    %get3A_590 = tpu.vector_load %arg5[%get3A_589] {strides = array<i32>} : memref<512xi32, #tpu.memory_space<vmem>>, vector<16xi32>,
    %broadcast_in_dim3A_591 = arith.constant true
    %broadcast_in_dim3A_592 = vector.broadcast %broadcast_in_dim3A_591 : i1 to vector<16xi1>
    %masked_cumsum3A_593 = tpu.scan <sum>, %get3A_590 masked %broadcast_in_dim3A_592 : vector<16xi32>, vector<16xi1> -> vector<16xi32>
    %sub3A_594 = arith.subi %masked_cumsum3A_593, %get3A_590 : vector<16xi32>
    %add3A_595 = vector.broadcast %add3A_514 : i32 to vector<16xi32>
    %add3A_596 = arith.addi %sub3A_594, %add3A_595 : vector<16xi32>
    %slice3A_597 = vector.extract_strided_slice %masked_cumsum3A_593 {offsets = [15], sizes = [1], strides = [1]} : vector<16xi32> to vector<1xi32>
    %squeeze3A_598 = vector.extract %slice3A_597[0] : i32 from vector<1xi32>
    %add3A_599 = arith.addi %add3A_514, %squeeze3A_598 : i32
    %add3A_600 = arith.constant 32 : i32
    %add3A_601 = arith.addi %mul3A_32, %add3A_600 : i32
    %add3A_602 = vector.broadcast %add3A_601 : i32 to vector<16xi32>
    %add3A_603 = arith.addi %iota3A, %add3A_602 : vector<16xi32>
    %add3A_604 = arith.constant 0 : i32
    %add3A_605 = vector.broadcast %add3A_604 : i32 to vector<16xi32>
    %add3A_606 = arith.addi %add3A_596, %add3A_605 : vector<16xi32>
    %gt3A_607 = arith.constant 0 : i32
    %gt3A_608 = vector.broadcast %gt3A_607 : i32 to vector<16xi32>
    %gt3A_609 = arith.cmpi sgt, %get3A_590, %gt3A_608 : vector<16xi32>
    %lt3A_610 = arith.constant 2048 : i32
    %lt3A_611 = vector.broadcast %lt3A_610 : i32 to vector<16xi32>
    %lt3A_612 = arith.cmpi slt, %add3A_606, %lt3A_611 : vector<16xi32>
    %and3A_613 = arith.andi %gt3A_609, %lt3A_612 : vector<16xi1>
    tpu.vector_store_idx %arg6[%add3A_606], %add3A_603 masked %and3A_613 : memref<2080xi32, #tpu.memory_space<vmem>>[vector<16xi32>], vector<16xi32>, vector<16xi1>
    %add3A_614 = arith.constant 1 : i32
    %add3A_615 = vector.broadcast %add3A_614 : i32 to vector<16xi32>
    %add3A_616 = arith.addi %add3A_596, %add3A_615 : vector<16xi32>
    %gt3A_617 = arith.constant 1 : i32
    %gt3A_618 = vector.broadcast %gt3A_617 : i32 to vector<16xi32>
    %gt3A_619 = arith.cmpi sgt, %get3A_590, %gt3A_618 : vector<16xi32>
    %lt3A_620 = arith.constant 2048 : i32
    %lt3A_621 = vector.broadcast %lt3A_620 : i32 to vector<16xi32>
    %lt3A_622 = arith.cmpi slt, %add3A_616, %lt3A_621 : vector<16xi32>
    %and3A_623 = arith.andi %gt3A_619, %lt3A_622 : vector<16xi1>
    tpu.vector_store_idx %arg6[%add3A_616], %add3A_603 masked %and3A_623 : memref<2080xi32, #tpu.memory_space<vmem>>[vector<16xi32>], vector<16xi32>, vector<16xi1>
    %add3A_624 = arith.constant 2 : i32
    %add3A_625 = vector.broadcast %add3A_624 : i32 to vector<16xi32>
    %add3A_626 = arith.addi %add3A_596, %add3A_625 : vector<16xi32>
    %gt3A_627 = arith.constant 2 : i32
    %gt3A_628 = vector.broadcast %gt3A_627 : i32 to vector<16xi32>
    %gt3A_629 = arith.cmpi sgt, %get3A_590, %gt3A_628 : vector<16xi32>
    %lt3A_630 = arith.constant 2048 : i32
    %lt3A_631 = vector.broadcast %lt3A_630 : i32 to vector<16xi32>
    %lt3A_632 = arith.cmpi slt, %add3A_626, %lt3A_631 : vector<16xi32>
    %and3A_633 = arith.andi %gt3A_629, %lt3A_632 : vector<16xi1>
    tpu.vector_store_idx %arg6[%add3A_626], %add3A_603 masked %and3A_633 : memref<2080xi32, #tpu.memory_space<vmem>>[vector<16xi32>], vector<16xi32>, vector<16xi1>
    %add3A_634 = arith.constant 3 : i32
    %add3A_635 = vector.broadcast %add3A_634 : i32 to vector<16xi32>
    %add3A_636 = arith.addi %add3A_596, %add3A_635 : vector<16xi32>
    %gt3A_637 = arith.constant 3 : i32
    %gt3A_638 = vector.broadcast %gt3A_637 : i32 to vector<16xi32>
    %gt3A_639 = arith.cmpi sgt, %get3A_590, %gt3A_638 : vector<16xi32>
    %lt3A_640 = arith.constant 2048 : i32
    %lt3A_641 = vector.broadcast %lt3A_640 : i32 to vector<16xi32>
    %lt3A_642 = arith.cmpi slt, %add3A_636, %lt3A_641 : vector<16xi32>
    %and3A_643 = arith.andi %gt3A_639, %lt3A_642 : vector<16xi1>
    tpu.vector_store_idx %arg6[%add3A_636], %add3A_603 masked %and3A_643 : memref<2080xi32, #tpu.memory_space<vmem>>[vector<16xi32>], vector<16xi32>, vector<16xi1>
    %add3A_644 = arith.constant 4 : i32
    %add3A_645 = vector.broadcast %add3A_644 : i32 to vector<16xi32>
    %add3A_646 = arith.addi %add3A_596, %add3A_645 : vector<16xi32>
    %gt3A_647 = arith.constant 4 : i32
    %gt3A_648 = vector.broadcast %gt3A_647 : i32 to vector<16xi32>
    %gt3A_649 = arith.cmpi sgt, %get3A_590, %gt3A_648 : vector<16xi32>
    %lt3A_650 = arith.constant 2048 : i32
    %lt3A_651 = vector.broadcast %lt3A_650 : i32 to vector<16xi32>
    %lt3A_652 = arith.cmpi slt, %add3A_646, %lt3A_651 : vector<16xi32>
    %and3A_653 = arith.andi %gt3A_649, %lt3A_652 : vector<16xi1>
    tpu.vector_store_idx %arg6[%add3A_646], %add3A_603 masked %and3A_653 : memref<2080xi32, #tpu.memory_space<vmem>>[vector<16xi32>], vector<16xi32>, vector<16xi1>
    %add3A_654 = arith.constant 5 : i32
    %add3A_655 = vector.broadcast %add3A_654 : i32 to vector<16xi32>
    %add3A_656 = arith.addi %add3A_596, %add3A_655 : vector<16xi32>
    %gt3A_657 = arith.constant 5 : i32
    %gt3A_658 = vector.broadcast %gt3A_657 : i32 to vector<16xi32>
    %gt3A_659 = arith.cmpi sgt, %get3A_590, %gt3A_658 : vector<16xi32>
    %lt3A_660 = arith.constant 2048 : i32
    %lt3A_661 = vector.broadcast %lt3A_660 : i32 to vector<16xi32>
    %lt3A_662 = arith.cmpi slt, %add3A_656, %lt3A_661 : vector<16xi32>
    %and3A_663 = arith.andi %gt3A_659, %lt3A_662 : vector<16xi1>
    tpu.vector_store_idx %arg6[%add3A_656], %add3A_603 masked %and3A_663 : memref<2080xi32, #tpu.memory_space<vmem>>[vector<16xi32>], vector<16xi32>, vector<16xi1>
    %add3A_664 = arith.constant 6 : i32
    %add3A_665 = vector.broadcast %add3A_664 : i32 to vector<16xi32>
    %add3A_666 = arith.addi %add3A_596, %add3A_665 : vector<16xi32>
    %gt3A_667 = arith.constant 6 : i32
    %gt3A_668 = vector.broadcast %gt3A_667 : i32 to vector<16xi32>
    %gt3A_669 = arith.cmpi sgt, %get3A_590, %gt3A_668 : vector<16xi32>
    %lt3A_670 = arith.constant 2048 : i32
    %lt3A_671 = vector.broadcast %lt3A_670 : i32 to vector<16xi32>
    %lt3A_672 = arith.cmpi slt, %add3A_666, %lt3A_671 : vector<16xi32>
    %and3A_673 = arith.andi %gt3A_669, %lt3A_672 : vector<16xi1>
    tpu.vector_store_idx %arg6[%add3A_666], %add3A_603 masked %and3A_673 : memref<2080xi32, #tpu.memory_space<vmem>>[vector<16xi32>], vector<16xi32>, vector<16xi1>
    %get3A_674 = arith.constant 48 : index
    %get3A_675 = tpu.vector_load %arg5[%get3A_674] {strides = array<i32>} : memref<512xi32, #tpu.memory_space<vmem>>, vector<16xi32>,
    %broadcast_in_dim3A_676 = arith.constant true
    %broadcast_in_dim3A_677 = vector.broadcast %broadcast_in_dim3A_676 : i1 to vector<16xi1>
    %masked_cumsum3A_678 = tpu.scan <sum>, %get3A_675 masked %broadcast_in_dim3A_677 : vector<16xi32>, vector<16xi1> -> vector<16xi32>
    %sub3A_679 = arith.subi %masked_cumsum3A_678, %get3A_675 : vector<16xi32>
    %add3A_680 = vector.broadcast %add3A_599 : i32 to vector<16xi32>
    %add3A_681 = arith.addi %sub3A_679, %add3A_680 : vector<16xi32>
    %slice3A_682 = vector.extract_strided_slice %masked_cumsum3A_678 {offsets = [15], sizes = [1], strides = [1]} : vector<16xi32> to vector<1xi32>
    %squeeze3A_683 = vector.extract %slice3A_682[0] : i32 from vector<1xi32>
    %add3A_684 = arith.addi %add3A_599, %squeeze3A_683 : i32
    %add3A_685 = arith.constant 48 : i32
    %add3A_686 = arith.addi %mul3A_32, %add3A_685 : i32
    %add3A_687 = vector.broadcast %add3A_686 : i32 to vector<16xi32>
    %add3A_688 = arith.addi %iota3A, %add3A_687 : vector<16xi32>
    %add3A_689 = arith.constant 0 : i32
    %add3A_690 = vector.broadcast %add3A_689 : i32 to vector<16xi32>
    %add3A_691 = arith.addi %add3A_681, %add3A_690 : vector<16xi32>
    %gt3A_692 = arith.constant 0 : i32
    %gt3A_693 = vector.broadcast %gt3A_692 : i32 to vector<16xi32>
    %gt3A_694 = arith.cmpi sgt, %get3A_675, %gt3A_693 : vector<16xi32>
    %lt3A_695 = arith.constant 2048 : i32
    %lt3A_696 = vector.broadcast %lt3A_695 : i32 to vector<16xi32>
    %lt3A_697 = arith.cmpi slt, %add3A_691, %lt3A_696 : vector<16xi32>
    %and3A_698 = arith.andi %gt3A_694, %lt3A_697 : vector<16xi1>
    tpu.vector_store_idx %arg6[%add3A_691], %add3A_688 masked %and3A_698 : memref<2080xi32, #tpu.memory_space<vmem>>[vector<16xi32>], vector<16xi32>, vector<16xi1>
    %add3A_699 = arith.constant 1 : i32
    %add3A_700 = vector.broadcast %add3A_699 : i32 to vector<16xi32>
    %add3A_701 = arith.addi %add3A_681, %add3A_700 : vector<16xi32>
    %gt3A_702 = arith.constant 1 : i32
    %gt3A_703 = vector.broadcast %gt3A_702 : i32 to vector<16xi32>
    %gt3A_704 = arith.cmpi sgt, %get3A_675, %gt3A_703 : vector<16xi32>
    %lt3A_705 = arith.constant 2048 : i32
    %lt3A_706 = vector.broadcast %lt3A_705 : i32 to vector<16xi32>
    %lt3A_707 = arith.cmpi slt, %add3A_701, %lt3A_706 : vector<16xi32>
    %and3A_708 = arith.andi %gt3A_704, %lt3A_707 : vector<16xi1>
    tpu.vector_store_idx %arg6[%add3A_701], %add3A_688 masked %and3A_708 : memref<2080xi32, #tpu.memory_space<vmem>>[vector<16xi32>], vector<16xi32>, vector<16xi1>
    %add3A_709 = arith.constant 2 : i32
    %add3A_710 = vector.broadcast %add3A_709 : i32 to vector<16xi32>
    %add3A_711 = arith.addi %add3A_681, %add3A_710 : vector<16xi32>
    %gt3A_712 = arith.constant 2 : i32
    %gt3A_713 = vector.broadcast %gt3A_712 : i32 to vector<16xi32>
    %gt3A_714 = arith.cmpi sgt, %get3A_675, %gt3A_713 : vector<16xi32>
    %lt3A_715 = arith.constant 2048 : i32
    %lt3A_716 = vector.broadcast %lt3A_715 : i32 to vector<16xi32>
    %lt3A_717 = arith.cmpi slt, %add3A_711, %lt3A_716 : vector<16xi32>
    %and3A_718 = arith.andi %gt3A_714, %lt3A_717 : vector<16xi1>
    tpu.vector_store_idx %arg6[%add3A_711], %add3A_688 masked %and3A_718 : memref<2080xi32, #tpu.memory_space<vmem>>[vector<16xi32>], vector<16xi32>, vector<16xi1>
    %add3A_719 = arith.constant 3 : i32
    %add3A_720 = vector.broadcast %add3A_719 : i32 to vector<16xi32>
    %add3A_721 = arith.addi %add3A_681, %add3A_720 : vector<16xi32>
    %gt3A_722 = arith.constant 3 : i32
    %gt3A_723 = vector.broadcast %gt3A_722 : i32 to vector<16xi32>
    %gt3A_724 = arith.cmpi sgt, %get3A_675, %gt3A_723 : vector<16xi32>
    %lt3A_725 = arith.constant 2048 : i32
    %lt3A_726 = vector.broadcast %lt3A_725 : i32 to vector<16xi32>
    %lt3A_727 = arith.cmpi slt, %add3A_721, %lt3A_726 : vector<16xi32>
    %and3A_728 = arith.andi %gt3A_724, %lt3A_727 : vector<16xi1>
    tpu.vector_store_idx %arg6[%add3A_721], %add3A_688 masked %and3A_728 : memref<2080xi32, #tpu.memory_space<vmem>>[vector<16xi32>], vector<16xi32>, vector<16xi1>
    %add3A_729 = arith.constant 4 : i32
    %add3A_730 = vector.broadcast %add3A_729 : i32 to vector<16xi32>
    %add3A_731 = arith.addi %add3A_681, %add3A_730 : vector<16xi32>
    %gt3A_732 = arith.constant 4 : i32
    %gt3A_733 = vector.broadcast %gt3A_732 : i32 to vector<16xi32>
    %gt3A_734 = arith.cmpi sgt, %get3A_675, %gt3A_733 : vector<16xi32>
    %lt3A_735 = arith.constant 2048 : i32
    %lt3A_736 = vector.broadcast %lt3A_735 : i32 to vector<16xi32>
    %lt3A_737 = arith.cmpi slt, %add3A_731, %lt3A_736 : vector<16xi32>
    %and3A_738 = arith.andi %gt3A_734, %lt3A_737 : vector<16xi1>
    tpu.vector_store_idx %arg6[%add3A_731], %add3A_688 masked %and3A_738 : memref<2080xi32, #tpu.memory_space<vmem>>[vector<16xi32>], vector<16xi32>, vector<16xi1>
    %add3A_739 = arith.constant 5 : i32
    %add3A_740 = vector.broadcast %add3A_739 : i32 to vector<16xi32>
    %add3A_741 = arith.addi %add3A_681, %add3A_740 : vector<16xi32>
    %gt3A_742 = arith.constant 5 : i32
    %gt3A_743 = vector.broadcast %gt3A_742 : i32 to vector<16xi32>
    %gt3A_744 = arith.cmpi sgt, %get3A_675, %gt3A_743 : vector<16xi32>
    %lt3A_745 = arith.constant 2048 : i32
    %lt3A_746 = vector.broadcast %lt3A_745 : i32 to vector<16xi32>
    %lt3A_747 = arith.cmpi slt, %add3A_741, %lt3A_746 : vector<16xi32>
    %and3A_748 = arith.andi %gt3A_744, %lt3A_747 : vector<16xi1>
    tpu.vector_store_idx %arg6[%add3A_741], %add3A_688 masked %and3A_748 : memref<2080xi32, #tpu.memory_space<vmem>>[vector<16xi32>], vector<16xi32>, vector<16xi1>
    %add3A_749 = arith.constant 6 : i32
    %add3A_750 = vector.broadcast %add3A_749 : i32 to vector<16xi32>
    %add3A_751 = arith.addi %add3A_681, %add3A_750 : vector<16xi32>
    %gt3A_752 = arith.constant 6 : i32
    %gt3A_753 = vector.broadcast %gt3A_752 : i32 to vector<16xi32>
    %gt3A_754 = arith.cmpi sgt, %get3A_675, %gt3A_753 : vector<16xi32>
    %lt3A_755 = arith.constant 2048 : i32
    %lt3A_756 = vector.broadcast %lt3A_755 : i32 to vector<16xi32>
    %lt3A_757 = arith.cmpi slt, %add3A_751, %lt3A_756 : vector<16xi32>
    %and3A_758 = arith.andi %gt3A_754, %lt3A_757 : vector<16xi1>
    tpu.vector_store_idx %arg6[%add3A_751], %add3A_688 masked %and3A_758 : memref<2080xi32, #tpu.memory_space<vmem>>[vector<16xi32>], vector<16xi32>, vector<16xi1>
    %get3A_759 = arith.constant 64 : index
    %get3A_760 = tpu.vector_load %arg5[%get3A_759] {strides = array<i32>} : memref<512xi32, #tpu.memory_space<vmem>>, vector<16xi32>,
    %broadcast_in_dim3A_761 = arith.constant true
    %broadcast_in_dim3A_762 = vector.broadcast %broadcast_in_dim3A_761 : i1 to vector<16xi1>
    %masked_cumsum3A_763 = tpu.scan <sum>, %get3A_760 masked %broadcast_in_dim3A_762 : vector<16xi32>, vector<16xi1> -> vector<16xi32>
    %sub3A_764 = arith.subi %masked_cumsum3A_763, %get3A_760 : vector<16xi32>
    %add3A_765 = vector.broadcast %add3A_684 : i32 to vector<16xi32>
    %add3A_766 = arith.addi %sub3A_764, %add3A_765 : vector<16xi32>
    %slice3A_767 = vector.extract_strided_slice %masked_cumsum3A_763 {offsets = [15], sizes = [1], strides = [1]} : vector<16xi32> to vector<1xi32>
    %squeeze3A_768 = vector.extract %slice3A_767[0] : i32 from vector<1xi32>
    %add3A_769 = arith.addi %add3A_684, %squeeze3A_768 : i32
    %add3A_770 = arith.constant 64 : i32
    %add3A_771 = arith.addi %mul3A_32, %add3A_770 : i32
    %add3A_772 = vector.broadcast %add3A_771 : i32 to vector<16xi32>
    %add3A_773 = arith.addi %iota3A, %add3A_772 : vector<16xi32>
    %add3A_774 = arith.constant 0 : i32
    %add3A_775 = vector.broadcast %add3A_774 : i32 to vector<16xi32>
    %add3A_776 = arith.addi %add3A_766, %add3A_775 : vector<16xi32>
    %gt3A_777 = arith.constant 0 : i32
    %gt3A_778 = vector.broadcast %gt3A_777 : i32 to vector<16xi32>
    %gt3A_779 = arith.cmpi sgt, %get3A_760, %gt3A_778 : vector<16xi32>
    %lt3A_780 = arith.constant 2048 : i32
    %lt3A_781 = vector.broadcast %lt3A_780 : i32 to vector<16xi32>
    %lt3A_782 = arith.cmpi slt, %add3A_776, %lt3A_781 : vector<16xi32>
    %and3A_783 = arith.andi %gt3A_779, %lt3A_782 : vector<16xi1>
    tpu.vector_store_idx %arg6[%add3A_776], %add3A_773 masked %and3A_783 : memref<2080xi32, #tpu.memory_space<vmem>>[vector<16xi32>], vector<16xi32>, vector<16xi1>
    %add3A_784 = arith.constant 1 : i32
    %add3A_785 = vector.broadcast %add3A_784 : i32 to vector<16xi32>
    %add3A_786 = arith.addi %add3A_766, %add3A_785 : vector<16xi32>
    %gt3A_787 = arith.constant 1 : i32
    %gt3A_788 = vector.broadcast %gt3A_787 : i32 to vector<16xi32>
    %gt3A_789 = arith.cmpi sgt, %get3A_760, %gt3A_788 : vector<16xi32>
    %lt3A_790 = arith.constant 2048 : i32
    %lt3A_791 = vector.broadcast %lt3A_790 : i32 to vector<16xi32>
    %lt3A_792 = arith.cmpi slt, %add3A_786, %lt3A_791 : vector<16xi32>
    %and3A_793 = arith.andi %gt3A_789, %lt3A_792 : vector<16xi1>
    tpu.vector_store_idx %arg6[%add3A_786], %add3A_773 masked %and3A_793 : memref<2080xi32, #tpu.memory_space<vmem>>[vector<16xi32>], vector<16xi32>, vector<16xi1>
    %add3A_794 = arith.constant 2 : i32
    %add3A_795 = vector.broadcast %add3A_794 : i32 to vector<16xi32>
    %add3A_796 = arith.addi %add3A_766, %add3A_795 : vector<16xi32>
    %gt3A_797 = arith.constant 2 : i32
    %gt3A_798 = vector.broadcast %gt3A_797 : i32 to vector<16xi32>
    %gt3A_799 = arith.cmpi sgt, %get3A_760, %gt3A_798 : vector<16xi32>
    %lt3A_800 = arith.constant 2048 : i32
    %lt3A_801 = vector.broadcast %lt3A_800 : i32 to vector<16xi32>
    %lt3A_802 = arith.cmpi slt, %add3A_796, %lt3A_801 : vector<16xi32>
    %and3A_803 = arith.andi %gt3A_799, %lt3A_802 : vector<16xi1>
    tpu.vector_store_idx %arg6[%add3A_796], %add3A_773 masked %and3A_803 : memref<2080xi32, #tpu.memory_space<vmem>>[vector<16xi32>], vector<16xi32>, vector<16xi1>
    %add3A_804 = arith.constant 3 : i32
    %add3A_805 = vector.broadcast %add3A_804 : i32 to vector<16xi32>
    %add3A_806 = arith.addi %add3A_766, %add3A_805 : vector<16xi32>
    %gt3A_807 = arith.constant 3 : i32
    %gt3A_808 = vector.broadcast %gt3A_807 : i32 to vector<16xi32>
    %gt3A_809 = arith.cmpi sgt, %get3A_760, %gt3A_808 : vector<16xi32>
    %lt3A_810 = arith.constant 2048 : i32
    %lt3A_811 = vector.broadcast %lt3A_810 : i32 to vector<16xi32>
    %lt3A_812 = arith.cmpi slt, %add3A_806, %lt3A_811 : vector<16xi32>
    %and3A_813 = arith.andi %gt3A_809, %lt3A_812 : vector<16xi1>
    tpu.vector_store_idx %arg6[%add3A_806], %add3A_773 masked %and3A_813 : memref<2080xi32, #tpu.memory_space<vmem>>[vector<16xi32>], vector<16xi32>, vector<16xi1>
    %add3A_814 = arith.constant 4 : i32
    %add3A_815 = vector.broadcast %add3A_814 : i32 to vector<16xi32>
    %add3A_816 = arith.addi %add3A_766, %add3A_815 : vector<16xi32>
    %gt3A_817 = arith.constant 4 : i32
    %gt3A_818 = vector.broadcast %gt3A_817 : i32 to vector<16xi32>
    %gt3A_819 = arith.cmpi sgt, %get3A_760, %gt3A_818 : vector<16xi32>
    %lt3A_820 = arith.constant 2048 : i32
    %lt3A_821 = vector.broadcast %lt3A_820 : i32 to vector<16xi32>
    %lt3A_822 = arith.cmpi slt, %add3A_816, %lt3A_821 : vector<16xi32>
    %and3A_823 = arith.andi %gt3A_819, %lt3A_822 : vector<16xi1>
    tpu.vector_store_idx %arg6[%add3A_816], %add3A_773 masked %and3A_823 : memref<2080xi32, #tpu.memory_space<vmem>>[vector<16xi32>], vector<16xi32>, vector<16xi1>
    %add3A_824 = arith.constant 5 : i32
    %add3A_825 = vector.broadcast %add3A_824 : i32 to vector<16xi32>
    %add3A_826 = arith.addi %add3A_766, %add3A_825 : vector<16xi32>
    %gt3A_827 = arith.constant 5 : i32
    %gt3A_828 = vector.broadcast %gt3A_827 : i32 to vector<16xi32>
    %gt3A_829 = arith.cmpi sgt, %get3A_760, %gt3A_828 : vector<16xi32>
    %lt3A_830 = arith.constant 2048 : i32
    %lt3A_831 = vector.broadcast %lt3A_830 : i32 to vector<16xi32>
    %lt3A_832 = arith.cmpi slt, %add3A_826, %lt3A_831 : vector<16xi32>
    %and3A_833 = arith.andi %gt3A_829, %lt3A_832 : vector<16xi1>
    tpu.vector_store_idx %arg6[%add3A_826], %add3A_773 masked %and3A_833 : memref<2080xi32, #tpu.memory_space<vmem>>[vector<16xi32>], vector<16xi32>, vector<16xi1>
    %add3A_834 = arith.constant 6 : i32
    %add3A_835 = vector.broadcast %add3A_834 : i32 to vector<16xi32>
    %add3A_836 = arith.addi %add3A_766, %add3A_835 : vector<16xi32>
    %gt3A_837 = arith.constant 6 : i32
    %gt3A_838 = vector.broadcast %gt3A_837 : i32 to vector<16xi32>
    %gt3A_839 = arith.cmpi sgt, %get3A_760, %gt3A_838 : vector<16xi32>
    %lt3A_840 = arith.constant 2048 : i32
    %lt3A_841 = vector.broadcast %lt3A_840 : i32 to vector<16xi32>
    %lt3A_842 = arith.cmpi slt, %add3A_836, %lt3A_841 : vector<16xi32>
    %and3A_843 = arith.andi %gt3A_839, %lt3A_842 : vector<16xi1>
    tpu.vector_store_idx %arg6[%add3A_836], %add3A_773 masked %and3A_843 : memref<2080xi32, #tpu.memory_space<vmem>>[vector<16xi32>], vector<16xi32>, vector<16xi1>
    %get3A_844 = arith.constant 80 : index
    %get3A_845 = tpu.vector_load %arg5[%get3A_844] {strides = array<i32>} : memref<512xi32, #tpu.memory_space<vmem>>, vector<16xi32>,
    %broadcast_in_dim3A_846 = arith.constant true
    %broadcast_in_dim3A_847 = vector.broadcast %broadcast_in_dim3A_846 : i1 to vector<16xi1>
    %masked_cumsum3A_848 = tpu.scan <sum>, %get3A_845 masked %broadcast_in_dim3A_847 : vector<16xi32>, vector<16xi1> -> vector<16xi32>
    %sub3A_849 = arith.subi %masked_cumsum3A_848, %get3A_845 : vector<16xi32>
    %add3A_850 = vector.broadcast %add3A_769 : i32 to vector<16xi32>
    %add3A_851 = arith.addi %sub3A_849, %add3A_850 : vector<16xi32>
    %slice3A_852 = vector.extract_strided_slice %masked_cumsum3A_848 {offsets = [15], sizes = [1], strides = [1]} : vector<16xi32> to vector<1xi32>
    %squeeze3A_853 = vector.extract %slice3A_852[0] : i32 from vector<1xi32>
    %add3A_854 = arith.addi %add3A_769, %squeeze3A_853 : i32
    %add3A_855 = arith.constant 80 : i32
    %add3A_856 = arith.addi %mul3A_32, %add3A_855 : i32
    %add3A_857 = vector.broadcast %add3A_856 : i32 to vector<16xi32>
    %add3A_858 = arith.addi %iota3A, %add3A_857 : vector<16xi32>
    %add3A_859 = arith.constant 0 : i32
    %add3A_860 = vector.broadcast %add3A_859 : i32 to vector<16xi32>
    %add3A_861 = arith.addi %add3A_851, %add3A_860 : vector<16xi32>
    %gt3A_862 = arith.constant 0 : i32
    %gt3A_863 = vector.broadcast %gt3A_862 : i32 to vector<16xi32>
    %gt3A_864 = arith.cmpi sgt, %get3A_845, %gt3A_863 : vector<16xi32>
    %lt3A_865 = arith.constant 2048 : i32
    %lt3A_866 = vector.broadcast %lt3A_865 : i32 to vector<16xi32>
    %lt3A_867 = arith.cmpi slt, %add3A_861, %lt3A_866 : vector<16xi32>
    %and3A_868 = arith.andi %gt3A_864, %lt3A_867 : vector<16xi1>
    tpu.vector_store_idx %arg6[%add3A_861], %add3A_858 masked %and3A_868 : memref<2080xi32, #tpu.memory_space<vmem>>[vector<16xi32>], vector<16xi32>, vector<16xi1>
    %add3A_869 = arith.constant 1 : i32
    %add3A_870 = vector.broadcast %add3A_869 : i32 to vector<16xi32>
    %add3A_871 = arith.addi %add3A_851, %add3A_870 : vector<16xi32>
    %gt3A_872 = arith.constant 1 : i32
    %gt3A_873 = vector.broadcast %gt3A_872 : i32 to vector<16xi32>
    %gt3A_874 = arith.cmpi sgt, %get3A_845, %gt3A_873 : vector<16xi32>
    %lt3A_875 = arith.constant 2048 : i32
    %lt3A_876 = vector.broadcast %lt3A_875 : i32 to vector<16xi32>
    %lt3A_877 = arith.cmpi slt, %add3A_871, %lt3A_876 : vector<16xi32>
    %and3A_878 = arith.andi %gt3A_874, %lt3A_877 : vector<16xi1>
    tpu.vector_store_idx %arg6[%add3A_871], %add3A_858 masked %and3A_878 : memref<2080xi32, #tpu.memory_space<vmem>>[vector<16xi32>], vector<16xi32>, vector<16xi1>
    %add3A_879 = arith.constant 2 : i32
    %add3A_880 = vector.broadcast %add3A_879 : i32 to vector<16xi32>
    %add3A_881 = arith.addi %add3A_851, %add3A_880 : vector<16xi32>
    %gt3A_882 = arith.constant 2 : i32
    %gt3A_883 = vector.broadcast %gt3A_882 : i32 to vector<16xi32>
    %gt3A_884 = arith.cmpi sgt, %get3A_845, %gt3A_883 : vector<16xi32>
    %lt3A_885 = arith.constant 2048 : i32
    %lt3A_886 = vector.broadcast %lt3A_885 : i32 to vector<16xi32>
    %lt3A_887 = arith.cmpi slt, %add3A_881, %lt3A_886 : vector<16xi32>
    %and3A_888 = arith.andi %gt3A_884, %lt3A_887 : vector<16xi1>
    tpu.vector_store_idx %arg6[%add3A_881], %add3A_858 masked %and3A_888 : memref<2080xi32, #tpu.memory_space<vmem>>[vector<16xi32>], vector<16xi32>, vector<16xi1>
    %add3A_889 = arith.constant 3 : i32
    %add3A_890 = vector.broadcast %add3A_889 : i32 to vector<16xi32>
    %add3A_891 = arith.addi %add3A_851, %add3A_890 : vector<16xi32>
    %gt3A_892 = arith.constant 3 : i32
    %gt3A_893 = vector.broadcast %gt3A_892 : i32 to vector<16xi32>
    %gt3A_894 = arith.cmpi sgt, %get3A_845, %gt3A_893 : vector<16xi32>
    %lt3A_895 = arith.constant 2048 : i32
    %lt3A_896 = vector.broadcast %lt3A_895 : i32 to vector<16xi32>
    %lt3A_897 = arith.cmpi slt, %add3A_891, %lt3A_896 : vector<16xi32>
    %and3A_898 = arith.andi %gt3A_894, %lt3A_897 : vector<16xi1>
    tpu.vector_store_idx %arg6[%add3A_891], %add3A_858 masked %and3A_898 : memref<2080xi32, #tpu.memory_space<vmem>>[vector<16xi32>], vector<16xi32>, vector<16xi1>
    %add3A_899 = arith.constant 4 : i32
    %add3A_900 = vector.broadcast %add3A_899 : i32 to vector<16xi32>
    %add3A_901 = arith.addi %add3A_851, %add3A_900 : vector<16xi32>
    %gt3A_902 = arith.constant 4 : i32
    %gt3A_903 = vector.broadcast %gt3A_902 : i32 to vector<16xi32>
    %gt3A_904 = arith.cmpi sgt, %get3A_845, %gt3A_903 : vector<16xi32>
    %lt3A_905 = arith.constant 2048 : i32
    %lt3A_906 = vector.broadcast %lt3A_905 : i32 to vector<16xi32>
    %lt3A_907 = arith.cmpi slt, %add3A_901, %lt3A_906 : vector<16xi32>
    %and3A_908 = arith.andi %gt3A_904, %lt3A_907 : vector<16xi1>
    tpu.vector_store_idx %arg6[%add3A_901], %add3A_858 masked %and3A_908 : memref<2080xi32, #tpu.memory_space<vmem>>[vector<16xi32>], vector<16xi32>, vector<16xi1>
    %add3A_909 = arith.constant 5 : i32
    %add3A_910 = vector.broadcast %add3A_909 : i32 to vector<16xi32>
    %add3A_911 = arith.addi %add3A_851, %add3A_910 : vector<16xi32>
    %gt3A_912 = arith.constant 5 : i32
    %gt3A_913 = vector.broadcast %gt3A_912 : i32 to vector<16xi32>
    %gt3A_914 = arith.cmpi sgt, %get3A_845, %gt3A_913 : vector<16xi32>
    %lt3A_915 = arith.constant 2048 : i32
    %lt3A_916 = vector.broadcast %lt3A_915 : i32 to vector<16xi32>
    %lt3A_917 = arith.cmpi slt, %add3A_911, %lt3A_916 : vector<16xi32>
    %and3A_918 = arith.andi %gt3A_914, %lt3A_917 : vector<16xi1>
    tpu.vector_store_idx %arg6[%add3A_911], %add3A_858 masked %and3A_918 : memref<2080xi32, #tpu.memory_space<vmem>>[vector<16xi32>], vector<16xi32>, vector<16xi1>
    %add3A_919 = arith.constant 6 : i32
    %add3A_920 = vector.broadcast %add3A_919 : i32 to vector<16xi32>
    %add3A_921 = arith.addi %add3A_851, %add3A_920 : vector<16xi32>
    %gt3A_922 = arith.constant 6 : i32
    %gt3A_923 = vector.broadcast %gt3A_922 : i32 to vector<16xi32>
    %gt3A_924 = arith.cmpi sgt, %get3A_845, %gt3A_923 : vector<16xi32>
    %lt3A_925 = arith.constant 2048 : i32
    %lt3A_926 = vector.broadcast %lt3A_925 : i32 to vector<16xi32>
    %lt3A_927 = arith.cmpi slt, %add3A_921, %lt3A_926 : vector<16xi32>
    %and3A_928 = arith.andi %gt3A_924, %lt3A_927 : vector<16xi1>
    tpu.vector_store_idx %arg6[%add3A_921], %add3A_858 masked %and3A_928 : memref<2080xi32, #tpu.memory_space<vmem>>[vector<16xi32>], vector<16xi32>, vector<16xi1>
    %get3A_929 = arith.constant 96 : index
    %get3A_930 = tpu.vector_load %arg5[%get3A_929] {strides = array<i32>} : memref<512xi32, #tpu.memory_space<vmem>>, vector<16xi32>,
    %broadcast_in_dim3A_931 = arith.constant true
    %broadcast_in_dim3A_932 = vector.broadcast %broadcast_in_dim3A_931 : i1 to vector<16xi1>
    %masked_cumsum3A_933 = tpu.scan <sum>, %get3A_930 masked %broadcast_in_dim3A_932 : vector<16xi32>, vector<16xi1> -> vector<16xi32>
    %sub3A_934 = arith.subi %masked_cumsum3A_933, %get3A_930 : vector<16xi32>
    %add3A_935 = vector.broadcast %add3A_854 : i32 to vector<16xi32>
    %add3A_936 = arith.addi %sub3A_934, %add3A_935 : vector<16xi32>
    %slice3A_937 = vector.extract_strided_slice %masked_cumsum3A_933 {offsets = [15], sizes = [1], strides = [1]} : vector<16xi32> to vector<1xi32>
    %squeeze3A_938 = vector.extract %slice3A_937[0] : i32 from vector<1xi32>
    %add3A_939 = arith.addi %add3A_854, %squeeze3A_938 : i32
    %add3A_940 = arith.constant 96 : i32
    %add3A_941 = arith.addi %mul3A_32, %add3A_940 : i32
    %add3A_942 = vector.broadcast %add3A_941 : i32 to vector<16xi32>
    %add3A_943 = arith.addi %iota3A, %add3A_942 : vector<16xi32>
    %add3A_944 = arith.constant 0 : i32
    %add3A_945 = vector.broadcast %add3A_944 : i32 to vector<16xi32>
    %add3A_946 = arith.addi %add3A_936, %add3A_945 : vector<16xi32>
    %gt3A_947 = arith.constant 0 : i32
    %gt3A_948 = vector.broadcast %gt3A_947 : i32 to vector<16xi32>
    %gt3A_949 = arith.cmpi sgt, %get3A_930, %gt3A_948 : vector<16xi32>
    %lt3A_950 = arith.constant 2048 : i32
    %lt3A_951 = vector.broadcast %lt3A_950 : i32 to vector<16xi32>
    %lt3A_952 = arith.cmpi slt, %add3A_946, %lt3A_951 : vector<16xi32>
    %and3A_953 = arith.andi %gt3A_949, %lt3A_952 : vector<16xi1>
    tpu.vector_store_idx %arg6[%add3A_946], %add3A_943 masked %and3A_953 : memref<2080xi32, #tpu.memory_space<vmem>>[vector<16xi32>], vector<16xi32>, vector<16xi1>
    %add3A_954 = arith.constant 1 : i32
    %add3A_955 = vector.broadcast %add3A_954 : i32 to vector<16xi32>
    %add3A_956 = arith.addi %add3A_936, %add3A_955 : vector<16xi32>
    %gt3A_957 = arith.constant 1 : i32
    %gt3A_958 = vector.broadcast %gt3A_957 : i32 to vector<16xi32>
    %gt3A_959 = arith.cmpi sgt, %get3A_930, %gt3A_958 : vector<16xi32>
    %lt3A_960 = arith.constant 2048 : i32
    %lt3A_961 = vector.broadcast %lt3A_960 : i32 to vector<16xi32>
    %lt3A_962 = arith.cmpi slt, %add3A_956, %lt3A_961 : vector<16xi32>
    %and3A_963 = arith.andi %gt3A_959, %lt3A_962 : vector<16xi1>
    tpu.vector_store_idx %arg6[%add3A_956], %add3A_943 masked %and3A_963 : memref<2080xi32, #tpu.memory_space<vmem>>[vector<16xi32>], vector<16xi32>, vector<16xi1>
    %add3A_964 = arith.constant 2 : i32
    %add3A_965 = vector.broadcast %add3A_964 : i32 to vector<16xi32>
    %add3A_966 = arith.addi %add3A_936, %add3A_965 : vector<16xi32>
    %gt3A_967 = arith.constant 2 : i32
    %gt3A_968 = vector.broadcast %gt3A_967 : i32 to vector<16xi32>
    %gt3A_969 = arith.cmpi sgt, %get3A_930, %gt3A_968 : vector<16xi32>
    %lt3A_970 = arith.constant 2048 : i32
    %lt3A_971 = vector.broadcast %lt3A_970 : i32 to vector<16xi32>
    %lt3A_972 = arith.cmpi slt, %add3A_966, %lt3A_971 : vector<16xi32>
    %and3A_973 = arith.andi %gt3A_969, %lt3A_972 : vector<16xi1>
    tpu.vector_store_idx %arg6[%add3A_966], %add3A_943 masked %and3A_973 : memref<2080xi32, #tpu.memory_space<vmem>>[vector<16xi32>], vector<16xi32>, vector<16xi1>
    %add3A_974 = arith.constant 3 : i32
    %add3A_975 = vector.broadcast %add3A_974 : i32 to vector<16xi32>
    %add3A_976 = arith.addi %add3A_936, %add3A_975 : vector<16xi32>
    %gt3A_977 = arith.constant 3 : i32
    %gt3A_978 = vector.broadcast %gt3A_977 : i32 to vector<16xi32>
    %gt3A_979 = arith.cmpi sgt, %get3A_930, %gt3A_978 : vector<16xi32>
    %lt3A_980 = arith.constant 2048 : i32
    %lt3A_981 = vector.broadcast %lt3A_980 : i32 to vector<16xi32>
    %lt3A_982 = arith.cmpi slt, %add3A_976, %lt3A_981 : vector<16xi32>
    %and3A_983 = arith.andi %gt3A_979, %lt3A_982 : vector<16xi1>
    tpu.vector_store_idx %arg6[%add3A_976], %add3A_943 masked %and3A_983 : memref<2080xi32, #tpu.memory_space<vmem>>[vector<16xi32>], vector<16xi32>, vector<16xi1>
    %add3A_984 = arith.constant 4 : i32
    %add3A_985 = vector.broadcast %add3A_984 : i32 to vector<16xi32>
    %add3A_986 = arith.addi %add3A_936, %add3A_985 : vector<16xi32>
    %gt3A_987 = arith.constant 4 : i32
    %gt3A_988 = vector.broadcast %gt3A_987 : i32 to vector<16xi32>
    %gt3A_989 = arith.cmpi sgt, %get3A_930, %gt3A_988 : vector<16xi32>
    %lt3A_990 = arith.constant 2048 : i32
    %lt3A_991 = vector.broadcast %lt3A_990 : i32 to vector<16xi32>
    %lt3A_992 = arith.cmpi slt, %add3A_986, %lt3A_991 : vector<16xi32>
    %and3A_993 = arith.andi %gt3A_989, %lt3A_992 : vector<16xi1>
    tpu.vector_store_idx %arg6[%add3A_986], %add3A_943 masked %and3A_993 : memref<2080xi32, #tpu.memory_space<vmem>>[vector<16xi32>], vector<16xi32>, vector<16xi1>
    %add3A_994 = arith.constant 5 : i32
    %add3A_995 = vector.broadcast %add3A_994 : i32 to vector<16xi32>
    %add3A_996 = arith.addi %add3A_936, %add3A_995 : vector<16xi32>
    %gt3A_997 = arith.constant 5 : i32
    %gt3A_998 = vector.broadcast %gt3A_997 : i32 to vector<16xi32>
    %gt3A_999 = arith.cmpi sgt, %get3A_930, %gt3A_998 : vector<16xi32>
    %lt3A_1000 = arith.constant 2048 : i32
    %lt3A_1001 = vector.broadcast %lt3A_1000 : i32 to vector<16xi32>
    %lt3A_1002 = arith.cmpi slt, %add3A_996, %lt3A_1001 : vector<16xi32>
    %and3A_1003 = arith.andi %gt3A_999, %lt3A_1002 : vector<16xi1>
    tpu.vector_store_idx %arg6[%add3A_996], %add3A_943 masked %and3A_1003 : memref<2080xi32, #tpu.memory_space<vmem>>[vector<16xi32>], vector<16xi32>, vector<16xi1>
    %add3A_1004 = arith.constant 6 : i32
    %add3A_1005 = vector.broadcast %add3A_1004 : i32 to vector<16xi32>
    %add3A_1006 = arith.addi %add3A_936, %add3A_1005 : vector<16xi32>
    %gt3A_1007 = arith.constant 6 : i32
    %gt3A_1008 = vector.broadcast %gt3A_1007 : i32 to vector<16xi32>
    %gt3A_1009 = arith.cmpi sgt, %get3A_930, %gt3A_1008 : vector<16xi32>
    %lt3A_1010 = arith.constant 2048 : i32
    %lt3A_1011 = vector.broadcast %lt3A_1010 : i32 to vector<16xi32>
    %lt3A_1012 = arith.cmpi slt, %add3A_1006, %lt3A_1011 : vector<16xi32>
    %and3A_1013 = arith.andi %gt3A_1009, %lt3A_1012 : vector<16xi1>
    tpu.vector_store_idx %arg6[%add3A_1006], %add3A_943 masked %and3A_1013 : memref<2080xi32, #tpu.memory_space<vmem>>[vector<16xi32>], vector<16xi32>, vector<16xi1>
    %get3A_1014 = arith.constant 112 : index
    %get3A_1015 = tpu.vector_load %arg5[%get3A_1014] {strides = array<i32>} : memref<512xi32, #tpu.memory_space<vmem>>, vector<16xi32>,
    %broadcast_in_dim3A_1016 = arith.constant true
    %broadcast_in_dim3A_1017 = vector.broadcast %broadcast_in_dim3A_1016 : i1 to vector<16xi1>
    %masked_cumsum3A_1018 = tpu.scan <sum>, %get3A_1015 masked %broadcast_in_dim3A_1017 : vector<16xi32>, vector<16xi1> -> vector<16xi32>
    %sub3A_1019 = arith.subi %masked_cumsum3A_1018, %get3A_1015 : vector<16xi32>
    %add3A_1020 = vector.broadcast %add3A_939 : i32 to vector<16xi32>
    %add3A_1021 = arith.addi %sub3A_1019, %add3A_1020 : vector<16xi32>
    %slice3A_1022 = vector.extract_strided_slice %masked_cumsum3A_1018 {offsets = [15], sizes = [1], strides = [1]} : vector<16xi32> to vector<1xi32>
    %squeeze3A_1023 = vector.extract %slice3A_1022[0] : i32 from vector<1xi32>
    %add3A_1024 = arith.addi %add3A_939, %squeeze3A_1023 : i32
    %add3A_1025 = arith.constant 112 : i32
    %add3A_1026 = arith.addi %mul3A_32, %add3A_1025 : i32
    %add3A_1027 = vector.broadcast %add3A_1026 : i32 to vector<16xi32>
    %add3A_1028 = arith.addi %iota3A, %add3A_1027 : vector<16xi32>
    %add3A_1029 = arith.constant 0 : i32
    %add3A_1030 = vector.broadcast %add3A_1029 : i32 to vector<16xi32>
    %add3A_1031 = arith.addi %add3A_1021, %add3A_1030 : vector<16xi32>
    %gt3A_1032 = arith.constant 0 : i32
    %gt3A_1033 = vector.broadcast %gt3A_1032 : i32 to vector<16xi32>
    %gt3A_1034 = arith.cmpi sgt, %get3A_1015, %gt3A_1033 : vector<16xi32>
    %lt3A_1035 = arith.constant 2048 : i32
    %lt3A_1036 = vector.broadcast %lt3A_1035 : i32 to vector<16xi32>
    %lt3A_1037 = arith.cmpi slt, %add3A_1031, %lt3A_1036 : vector<16xi32>
    %and3A_1038 = arith.andi %gt3A_1034, %lt3A_1037 : vector<16xi1>
    tpu.vector_store_idx %arg6[%add3A_1031], %add3A_1028 masked %and3A_1038 : memref<2080xi32, #tpu.memory_space<vmem>>[vector<16xi32>], vector<16xi32>, vector<16xi1>
    %add3A_1039 = arith.constant 1 : i32
    %add3A_1040 = vector.broadcast %add3A_1039 : i32 to vector<16xi32>
    %add3A_1041 = arith.addi %add3A_1021, %add3A_1040 : vector<16xi32>
    %gt3A_1042 = arith.constant 1 : i32
    %gt3A_1043 = vector.broadcast %gt3A_1042 : i32 to vector<16xi32>
    %gt3A_1044 = arith.cmpi sgt, %get3A_1015, %gt3A_1043 : vector<16xi32>
    %lt3A_1045 = arith.constant 2048 : i32
    %lt3A_1046 = vector.broadcast %lt3A_1045 : i32 to vector<16xi32>
    %lt3A_1047 = arith.cmpi slt, %add3A_1041, %lt3A_1046 : vector<16xi32>
    %and3A_1048 = arith.andi %gt3A_1044, %lt3A_1047 : vector<16xi1>
    tpu.vector_store_idx %arg6[%add3A_1041], %add3A_1028 masked %and3A_1048 : memref<2080xi32, #tpu.memory_space<vmem>>[vector<16xi32>], vector<16xi32>, vector<16xi1>
    %add3A_1049 = arith.constant 2 : i32
    %add3A_1050 = vector.broadcast %add3A_1049 : i32 to vector<16xi32>
    %add3A_1051 = arith.addi %add3A_1021, %add3A_1050 : vector<16xi32>
    %gt3A_1052 = arith.constant 2 : i32
    %gt3A_1053 = vector.broadcast %gt3A_1052 : i32 to vector<16xi32>
    %gt3A_1054 = arith.cmpi sgt, %get3A_1015, %gt3A_1053 : vector<16xi32>
    %lt3A_1055 = arith.constant 2048 : i32
    %lt3A_1056 = vector.broadcast %lt3A_1055 : i32 to vector<16xi32>
    %lt3A_1057 = arith.cmpi slt, %add3A_1051, %lt3A_1056 : vector<16xi32>
    %and3A_1058 = arith.andi %gt3A_1054, %lt3A_1057 : vector<16xi1>
    tpu.vector_store_idx %arg6[%add3A_1051], %add3A_1028 masked %and3A_1058 : memref<2080xi32, #tpu.memory_space<vmem>>[vector<16xi32>], vector<16xi32>, vector<16xi1>
    %add3A_1059 = arith.constant 3 : i32
    %add3A_1060 = vector.broadcast %add3A_1059 : i32 to vector<16xi32>
    %add3A_1061 = arith.addi %add3A_1021, %add3A_1060 : vector<16xi32>
    %gt3A_1062 = arith.constant 3 : i32
    %gt3A_1063 = vector.broadcast %gt3A_1062 : i32 to vector<16xi32>
    %gt3A_1064 = arith.cmpi sgt, %get3A_1015, %gt3A_1063 : vector<16xi32>
    %lt3A_1065 = arith.constant 2048 : i32
    %lt3A_1066 = vector.broadcast %lt3A_1065 : i32 to vector<16xi32>
    %lt3A_1067 = arith.cmpi slt, %add3A_1061, %lt3A_1066 : vector<16xi32>
    %and3A_1068 = arith.andi %gt3A_1064, %lt3A_1067 : vector<16xi1>
    tpu.vector_store_idx %arg6[%add3A_1061], %add3A_1028 masked %and3A_1068 : memref<2080xi32, #tpu.memory_space<vmem>>[vector<16xi32>], vector<16xi32>, vector<16xi1>
    %add3A_1069 = arith.constant 4 : i32
    %add3A_1070 = vector.broadcast %add3A_1069 : i32 to vector<16xi32>
    %add3A_1071 = arith.addi %add3A_1021, %add3A_1070 : vector<16xi32>
    %gt3A_1072 = arith.constant 4 : i32
    %gt3A_1073 = vector.broadcast %gt3A_1072 : i32 to vector<16xi32>
    %gt3A_1074 = arith.cmpi sgt, %get3A_1015, %gt3A_1073 : vector<16xi32>
    %lt3A_1075 = arith.constant 2048 : i32
    %lt3A_1076 = vector.broadcast %lt3A_1075 : i32 to vector<16xi32>
    %lt3A_1077 = arith.cmpi slt, %add3A_1071, %lt3A_1076 : vector<16xi32>
    %and3A_1078 = arith.andi %gt3A_1074, %lt3A_1077 : vector<16xi1>
    tpu.vector_store_idx %arg6[%add3A_1071], %add3A_1028 masked %and3A_1078 : memref<2080xi32, #tpu.memory_space<vmem>>[vector<16xi32>], vector<16xi32>, vector<16xi1>
    %add3A_1079 = arith.constant 5 : i32
    %add3A_1080 = vector.broadcast %add3A_1079 : i32 to vector<16xi32>
    %add3A_1081 = arith.addi %add3A_1021, %add3A_1080 : vector<16xi32>
    %gt3A_1082 = arith.constant 5 : i32
    %gt3A_1083 = vector.broadcast %gt3A_1082 : i32 to vector<16xi32>
    %gt3A_1084 = arith.cmpi sgt, %get3A_1015, %gt3A_1083 : vector<16xi32>
    %lt3A_1085 = arith.constant 2048 : i32
    %lt3A_1086 = vector.broadcast %lt3A_1085 : i32 to vector<16xi32>
    %lt3A_1087 = arith.cmpi slt, %add3A_1081, %lt3A_1086 : vector<16xi32>
    %and3A_1088 = arith.andi %gt3A_1084, %lt3A_1087 : vector<16xi1>
    tpu.vector_store_idx %arg6[%add3A_1081], %add3A_1028 masked %and3A_1088 : memref<2080xi32, #tpu.memory_space<vmem>>[vector<16xi32>], vector<16xi32>, vector<16xi1>
    %add3A_1089 = arith.constant 6 : i32
    %add3A_1090 = vector.broadcast %add3A_1089 : i32 to vector<16xi32>
    %add3A_1091 = arith.addi %add3A_1021, %add3A_1090 : vector<16xi32>
    %gt3A_1092 = arith.constant 6 : i32
    %gt3A_1093 = vector.broadcast %gt3A_1092 : i32 to vector<16xi32>
    %gt3A_1094 = arith.cmpi sgt, %get3A_1015, %gt3A_1093 : vector<16xi32>
    %lt3A_1095 = arith.constant 2048 : i32
    %lt3A_1096 = vector.broadcast %lt3A_1095 : i32 to vector<16xi32>
    %lt3A_1097 = arith.cmpi slt, %add3A_1091, %lt3A_1096 : vector<16xi32>
    %and3A_1098 = arith.andi %gt3A_1094, %lt3A_1097 : vector<16xi1>
    tpu.vector_store_idx %arg6[%add3A_1091], %add3A_1028 masked %and3A_1098 : memref<2080xi32, #tpu.memory_space<vmem>>[vector<16xi32>], vector<16xi32>, vector<16xi1>
    %get3A_1099 = arith.constant 128 : index
    %get3A_1100 = tpu.vector_load %arg5[%get3A_1099] {strides = array<i32>} : memref<512xi32, #tpu.memory_space<vmem>>, vector<16xi32>,
    %broadcast_in_dim3A_1101 = arith.constant true
    %broadcast_in_dim3A_1102 = vector.broadcast %broadcast_in_dim3A_1101 : i1 to vector<16xi1>
    %masked_cumsum3A_1103 = tpu.scan <sum>, %get3A_1100 masked %broadcast_in_dim3A_1102 : vector<16xi32>, vector<16xi1> -> vector<16xi32>
    %sub3A_1104 = arith.subi %masked_cumsum3A_1103, %get3A_1100 : vector<16xi32>
    %add3A_1105 = vector.broadcast %add3A_1024 : i32 to vector<16xi32>
    %add3A_1106 = arith.addi %sub3A_1104, %add3A_1105 : vector<16xi32>
    %slice3A_1107 = vector.extract_strided_slice %masked_cumsum3A_1103 {offsets = [15], sizes = [1], strides = [1]} : vector<16xi32> to vector<1xi32>
    %squeeze3A_1108 = vector.extract %slice3A_1107[0] : i32 from vector<1xi32>
    %add3A_1109 = arith.addi %add3A_1024, %squeeze3A_1108 : i32
    %add3A_1110 = arith.constant 128 : i32
    %add3A_1111 = arith.addi %mul3A_32, %add3A_1110 : i32
    %add3A_1112 = vector.broadcast %add3A_1111 : i32 to vector<16xi32>
    %add3A_1113 = arith.addi %iota3A, %add3A_1112 : vector<16xi32>
    %add3A_1114 = arith.constant 0 : i32
    %add3A_1115 = vector.broadcast %add3A_1114 : i32 to vector<16xi32>
    %add3A_1116 = arith.addi %add3A_1106, %add3A_1115 : vector<16xi32>
    %gt3A_1117 = arith.constant 0 : i32
    %gt3A_1118 = vector.broadcast %gt3A_1117 : i32 to vector<16xi32>
    %gt3A_1119 = arith.cmpi sgt, %get3A_1100, %gt3A_1118 : vector<16xi32>
    %lt3A_1120 = arith.constant 2048 : i32
    %lt3A_1121 = vector.broadcast %lt3A_1120 : i32 to vector<16xi32>
    %lt3A_1122 = arith.cmpi slt, %add3A_1116, %lt3A_1121 : vector<16xi32>
    %and3A_1123 = arith.andi %gt3A_1119, %lt3A_1122 : vector<16xi1>
    tpu.vector_store_idx %arg6[%add3A_1116], %add3A_1113 masked %and3A_1123 : memref<2080xi32, #tpu.memory_space<vmem>>[vector<16xi32>], vector<16xi32>, vector<16xi1>
    %add3A_1124 = arith.constant 1 : i32
    %add3A_1125 = vector.broadcast %add3A_1124 : i32 to vector<16xi32>
    %add3A_1126 = arith.addi %add3A_1106, %add3A_1125 : vector<16xi32>
    %gt3A_1127 = arith.constant 1 : i32
    %gt3A_1128 = vector.broadcast %gt3A_1127 : i32 to vector<16xi32>
    %gt3A_1129 = arith.cmpi sgt, %get3A_1100, %gt3A_1128 : vector<16xi32>
    %lt3A_1130 = arith.constant 2048 : i32
    %lt3A_1131 = vector.broadcast %lt3A_1130 : i32 to vector<16xi32>
    %lt3A_1132 = arith.cmpi slt, %add3A_1126, %lt3A_1131 : vector<16xi32>
    %and3A_1133 = arith.andi %gt3A_1129, %lt3A_1132 : vector<16xi1>
    tpu.vector_store_idx %arg6[%add3A_1126], %add3A_1113 masked %and3A_1133 : memref<2080xi32, #tpu.memory_space<vmem>>[vector<16xi32>], vector<16xi32>, vector<16xi1>
    %add3A_1134 = arith.constant 2 : i32
    %add3A_1135 = vector.broadcast %add3A_1134 : i32 to vector<16xi32>
    %add3A_1136 = arith.addi %add3A_1106, %add3A_1135 : vector<16xi32>
    %gt3A_1137 = arith.constant 2 : i32
    %gt3A_1138 = vector.broadcast %gt3A_1137 : i32 to vector<16xi32>
    %gt3A_1139 = arith.cmpi sgt, %get3A_1100, %gt3A_1138 : vector<16xi32>
    %lt3A_1140 = arith.constant 2048 : i32
    %lt3A_1141 = vector.broadcast %lt3A_1140 : i32 to vector<16xi32>
    %lt3A_1142 = arith.cmpi slt, %add3A_1136, %lt3A_1141 : vector<16xi32>
    %and3A_1143 = arith.andi %gt3A_1139, %lt3A_1142 : vector<16xi1>
    tpu.vector_store_idx %arg6[%add3A_1136], %add3A_1113 masked %and3A_1143 : memref<2080xi32, #tpu.memory_space<vmem>>[vector<16xi32>], vector<16xi32>, vector<16xi1>
    %add3A_1144 = arith.constant 3 : i32
    %add3A_1145 = vector.broadcast %add3A_1144 : i32 to vector<16xi32>
    %add3A_1146 = arith.addi %add3A_1106, %add3A_1145 : vector<16xi32>
    %gt3A_1147 = arith.constant 3 : i32
    %gt3A_1148 = vector.broadcast %gt3A_1147 : i32 to vector<16xi32>
    %gt3A_1149 = arith.cmpi sgt, %get3A_1100, %gt3A_1148 : vector<16xi32>
    %lt3A_1150 = arith.constant 2048 : i32
    %lt3A_1151 = vector.broadcast %lt3A_1150 : i32 to vector<16xi32>
    %lt3A_1152 = arith.cmpi slt, %add3A_1146, %lt3A_1151 : vector<16xi32>
    %and3A_1153 = arith.andi %gt3A_1149, %lt3A_1152 : vector<16xi1>
    tpu.vector_store_idx %arg6[%add3A_1146], %add3A_1113 masked %and3A_1153 : memref<2080xi32, #tpu.memory_space<vmem>>[vector<16xi32>], vector<16xi32>, vector<16xi1>
    %add3A_1154 = arith.constant 4 : i32
    %add3A_1155 = vector.broadcast %add3A_1154 : i32 to vector<16xi32>
    %add3A_1156 = arith.addi %add3A_1106, %add3A_1155 : vector<16xi32>
    %gt3A_1157 = arith.constant 4 : i32
    %gt3A_1158 = vector.broadcast %gt3A_1157 : i32 to vector<16xi32>
    %gt3A_1159 = arith.cmpi sgt, %get3A_1100, %gt3A_1158 : vector<16xi32>
    %lt3A_1160 = arith.constant 2048 : i32
    %lt3A_1161 = vector.broadcast %lt3A_1160 : i32 to vector<16xi32>
    %lt3A_1162 = arith.cmpi slt, %add3A_1156, %lt3A_1161 : vector<16xi32>
    %and3A_1163 = arith.andi %gt3A_1159, %lt3A_1162 : vector<16xi1>
    tpu.vector_store_idx %arg6[%add3A_1156], %add3A_1113 masked %and3A_1163 : memref<2080xi32, #tpu.memory_space<vmem>>[vector<16xi32>], vector<16xi32>, vector<16xi1>
    %add3A_1164 = arith.constant 5 : i32
    %add3A_1165 = vector.broadcast %add3A_1164 : i32 to vector<16xi32>
    %add3A_1166 = arith.addi %add3A_1106, %add3A_1165 : vector<16xi32>
    %gt3A_1167 = arith.constant 5 : i32
    %gt3A_1168 = vector.broadcast %gt3A_1167 : i32 to vector<16xi32>
    %gt3A_1169 = arith.cmpi sgt, %get3A_1100, %gt3A_1168 : vector<16xi32>
    %lt3A_1170 = arith.constant 2048 : i32
    %lt3A_1171 = vector.broadcast %lt3A_1170 : i32 to vector<16xi32>
    %lt3A_1172 = arith.cmpi slt, %add3A_1166, %lt3A_1171 : vector<16xi32>
    %and3A_1173 = arith.andi %gt3A_1169, %lt3A_1172 : vector<16xi1>
    tpu.vector_store_idx %arg6[%add3A_1166], %add3A_1113 masked %and3A_1173 : memref<2080xi32, #tpu.memory_space<vmem>>[vector<16xi32>], vector<16xi32>, vector<16xi1>
    %add3A_1174 = arith.constant 6 : i32
    %add3A_1175 = vector.broadcast %add3A_1174 : i32 to vector<16xi32>
    %add3A_1176 = arith.addi %add3A_1106, %add3A_1175 : vector<16xi32>
    %gt3A_1177 = arith.constant 6 : i32
    %gt3A_1178 = vector.broadcast %gt3A_1177 : i32 to vector<16xi32>
    %gt3A_1179 = arith.cmpi sgt, %get3A_1100, %gt3A_1178 : vector<16xi32>
    %lt3A_1180 = arith.constant 2048 : i32
    %lt3A_1181 = vector.broadcast %lt3A_1180 : i32 to vector<16xi32>
    %lt3A_1182 = arith.cmpi slt, %add3A_1176, %lt3A_1181 : vector<16xi32>
    %and3A_1183 = arith.andi %gt3A_1179, %lt3A_1182 : vector<16xi1>
    tpu.vector_store_idx %arg6[%add3A_1176], %add3A_1113 masked %and3A_1183 : memref<2080xi32, #tpu.memory_space<vmem>>[vector<16xi32>], vector<16xi32>, vector<16xi1>
    %get3A_1184 = arith.constant 144 : index
    %get3A_1185 = tpu.vector_load %arg5[%get3A_1184] {strides = array<i32>} : memref<512xi32, #tpu.memory_space<vmem>>, vector<16xi32>,
    %broadcast_in_dim3A_1186 = arith.constant true
    %broadcast_in_dim3A_1187 = vector.broadcast %broadcast_in_dim3A_1186 : i1 to vector<16xi1>
    %masked_cumsum3A_1188 = tpu.scan <sum>, %get3A_1185 masked %broadcast_in_dim3A_1187 : vector<16xi32>, vector<16xi1> -> vector<16xi32>
    %sub3A_1189 = arith.subi %masked_cumsum3A_1188, %get3A_1185 : vector<16xi32>
    %add3A_1190 = vector.broadcast %add3A_1109 : i32 to vector<16xi32>
    %add3A_1191 = arith.addi %sub3A_1189, %add3A_1190 : vector<16xi32>
    %slice3A_1192 = vector.extract_strided_slice %masked_cumsum3A_1188 {offsets = [15], sizes = [1], strides = [1]} : vector<16xi32> to vector<1xi32>
    %squeeze3A_1193 = vector.extract %slice3A_1192[0] : i32 from vector<1xi32>
    %add3A_1194 = arith.addi %add3A_1109, %squeeze3A_1193 : i32
    %add3A_1195 = arith.constant 144 : i32
    %add3A_1196 = arith.addi %mul3A_32, %add3A_1195 : i32
    %add3A_1197 = vector.broadcast %add3A_1196 : i32 to vector<16xi32>
    %add3A_1198 = arith.addi %iota3A, %add3A_1197 : vector<16xi32>
    %add3A_1199 = arith.constant 0 : i32
    %add3A_1200 = vector.broadcast %add3A_1199 : i32 to vector<16xi32>
    %add3A_1201 = arith.addi %add3A_1191, %add3A_1200 : vector<16xi32>
    %gt3A_1202 = arith.constant 0 : i32
    %gt3A_1203 = vector.broadcast %gt3A_1202 : i32 to vector<16xi32>
    %gt3A_1204 = arith.cmpi sgt, %get3A_1185, %gt3A_1203 : vector<16xi32>
    %lt3A_1205 = arith.constant 2048 : i32
    %lt3A_1206 = vector.broadcast %lt3A_1205 : i32 to vector<16xi32>
    %lt3A_1207 = arith.cmpi slt, %add3A_1201, %lt3A_1206 : vector<16xi32>
    %and3A_1208 = arith.andi %gt3A_1204, %lt3A_1207 : vector<16xi1>
    tpu.vector_store_idx %arg6[%add3A_1201], %add3A_1198 masked %and3A_1208 : memref<2080xi32, #tpu.memory_space<vmem>>[vector<16xi32>], vector<16xi32>, vector<16xi1>
    %add3A_1209 = arith.constant 1 : i32
    %add3A_1210 = vector.broadcast %add3A_1209 : i32 to vector<16xi32>
    %add3A_1211 = arith.addi %add3A_1191, %add3A_1210 : vector<16xi32>
    %gt3A_1212 = arith.constant 1 : i32
    %gt3A_1213 = vector.broadcast %gt3A_1212 : i32 to vector<16xi32>
    %gt3A_1214 = arith.cmpi sgt, %get3A_1185, %gt3A_1213 : vector<16xi32>
    %lt3A_1215 = arith.constant 2048 : i32
    %lt3A_1216 = vector.broadcast %lt3A_1215 : i32 to vector<16xi32>
    %lt3A_1217 = arith.cmpi slt, %add3A_1211, %lt3A_1216 : vector<16xi32>
    %and3A_1218 = arith.andi %gt3A_1214, %lt3A_1217 : vector<16xi1>
    tpu.vector_store_idx %arg6[%add3A_1211], %add3A_1198 masked %and3A_1218 : memref<2080xi32, #tpu.memory_space<vmem>>[vector<16xi32>], vector<16xi32>, vector<16xi1>
    %add3A_1219 = arith.constant 2 : i32
    %add3A_1220 = vector.broadcast %add3A_1219 : i32 to vector<16xi32>
    %add3A_1221 = arith.addi %add3A_1191, %add3A_1220 : vector<16xi32>
    %gt3A_1222 = arith.constant 2 : i32
    %gt3A_1223 = vector.broadcast %gt3A_1222 : i32 to vector<16xi32>
    %gt3A_1224 = arith.cmpi sgt, %get3A_1185, %gt3A_1223 : vector<16xi32>
    %lt3A_1225 = arith.constant 2048 : i32
    %lt3A_1226 = vector.broadcast %lt3A_1225 : i32 to vector<16xi32>
    %lt3A_1227 = arith.cmpi slt, %add3A_1221, %lt3A_1226 : vector<16xi32>
    %and3A_1228 = arith.andi %gt3A_1224, %lt3A_1227 : vector<16xi1>
    tpu.vector_store_idx %arg6[%add3A_1221], %add3A_1198 masked %and3A_1228 : memref<2080xi32, #tpu.memory_space<vmem>>[vector<16xi32>], vector<16xi32>, vector<16xi1>
    %add3A_1229 = arith.constant 3 : i32
    %add3A_1230 = vector.broadcast %add3A_1229 : i32 to vector<16xi32>
    %add3A_1231 = arith.addi %add3A_1191, %add3A_1230 : vector<16xi32>
    %gt3A_1232 = arith.constant 3 : i32
    %gt3A_1233 = vector.broadcast %gt3A_1232 : i32 to vector<16xi32>
    %gt3A_1234 = arith.cmpi sgt, %get3A_1185, %gt3A_1233 : vector<16xi32>
    %lt3A_1235 = arith.constant 2048 : i32
    %lt3A_1236 = vector.broadcast %lt3A_1235 : i32 to vector<16xi32>
    %lt3A_1237 = arith.cmpi slt, %add3A_1231, %lt3A_1236 : vector<16xi32>
    %and3A_1238 = arith.andi %gt3A_1234, %lt3A_1237 : vector<16xi1>
    tpu.vector_store_idx %arg6[%add3A_1231], %add3A_1198 masked %and3A_1238 : memref<2080xi32, #tpu.memory_space<vmem>>[vector<16xi32>], vector<16xi32>, vector<16xi1>
    %add3A_1239 = arith.constant 4 : i32
    %add3A_1240 = vector.broadcast %add3A_1239 : i32 to vector<16xi32>
    %add3A_1241 = arith.addi %add3A_1191, %add3A_1240 : vector<16xi32>
    %gt3A_1242 = arith.constant 4 : i32
    %gt3A_1243 = vector.broadcast %gt3A_1242 : i32 to vector<16xi32>
    %gt3A_1244 = arith.cmpi sgt, %get3A_1185, %gt3A_1243 : vector<16xi32>
    %lt3A_1245 = arith.constant 2048 : i32
    %lt3A_1246 = vector.broadcast %lt3A_1245 : i32 to vector<16xi32>
    %lt3A_1247 = arith.cmpi slt, %add3A_1241, %lt3A_1246 : vector<16xi32>
    %and3A_1248 = arith.andi %gt3A_1244, %lt3A_1247 : vector<16xi1>
    tpu.vector_store_idx %arg6[%add3A_1241], %add3A_1198 masked %and3A_1248 : memref<2080xi32, #tpu.memory_space<vmem>>[vector<16xi32>], vector<16xi32>, vector<16xi1>
    %add3A_1249 = arith.constant 5 : i32
    %add3A_1250 = vector.broadcast %add3A_1249 : i32 to vector<16xi32>
    %add3A_1251 = arith.addi %add3A_1191, %add3A_1250 : vector<16xi32>
    %gt3A_1252 = arith.constant 5 : i32
    %gt3A_1253 = vector.broadcast %gt3A_1252 : i32 to vector<16xi32>
    %gt3A_1254 = arith.cmpi sgt, %get3A_1185, %gt3A_1253 : vector<16xi32>
    %lt3A_1255 = arith.constant 2048 : i32
    %lt3A_1256 = vector.broadcast %lt3A_1255 : i32 to vector<16xi32>
    %lt3A_1257 = arith.cmpi slt, %add3A_1251, %lt3A_1256 : vector<16xi32>
    %and3A_1258 = arith.andi %gt3A_1254, %lt3A_1257 : vector<16xi1>
    tpu.vector_store_idx %arg6[%add3A_1251], %add3A_1198 masked %and3A_1258 : memref<2080xi32, #tpu.memory_space<vmem>>[vector<16xi32>], vector<16xi32>, vector<16xi1>
    %add3A_1259 = arith.constant 6 : i32
    %add3A_1260 = vector.broadcast %add3A_1259 : i32 to vector<16xi32>
    %add3A_1261 = arith.addi %add3A_1191, %add3A_1260 : vector<16xi32>
    %gt3A_1262 = arith.constant 6 : i32
    %gt3A_1263 = vector.broadcast %gt3A_1262 : i32 to vector<16xi32>
    %gt3A_1264 = arith.cmpi sgt, %get3A_1185, %gt3A_1263 : vector<16xi32>
    %lt3A_1265 = arith.constant 2048 : i32
    %lt3A_1266 = vector.broadcast %lt3A_1265 : i32 to vector<16xi32>
    %lt3A_1267 = arith.cmpi slt, %add3A_1261, %lt3A_1266 : vector<16xi32>
    %and3A_1268 = arith.andi %gt3A_1264, %lt3A_1267 : vector<16xi1>
    tpu.vector_store_idx %arg6[%add3A_1261], %add3A_1198 masked %and3A_1268 : memref<2080xi32, #tpu.memory_space<vmem>>[vector<16xi32>], vector<16xi32>, vector<16xi1>
    %get3A_1269 = arith.constant 160 : index
    %get3A_1270 = tpu.vector_load %arg5[%get3A_1269] {strides = array<i32>} : memref<512xi32, #tpu.memory_space<vmem>>, vector<16xi32>,
    %broadcast_in_dim3A_1271 = arith.constant true
    %broadcast_in_dim3A_1272 = vector.broadcast %broadcast_in_dim3A_1271 : i1 to vector<16xi1>
    %masked_cumsum3A_1273 = tpu.scan <sum>, %get3A_1270 masked %broadcast_in_dim3A_1272 : vector<16xi32>, vector<16xi1> -> vector<16xi32>
    %sub3A_1274 = arith.subi %masked_cumsum3A_1273, %get3A_1270 : vector<16xi32>
    %add3A_1275 = vector.broadcast %add3A_1194 : i32 to vector<16xi32>
    %add3A_1276 = arith.addi %sub3A_1274, %add3A_1275 : vector<16xi32>
    %slice3A_1277 = vector.extract_strided_slice %masked_cumsum3A_1273 {offsets = [15], sizes = [1], strides = [1]} : vector<16xi32> to vector<1xi32>
    %squeeze3A_1278 = vector.extract %slice3A_1277[0] : i32 from vector<1xi32>
    %add3A_1279 = arith.addi %add3A_1194, %squeeze3A_1278 : i32
    %add3A_1280 = arith.constant 160 : i32
    %add3A_1281 = arith.addi %mul3A_32, %add3A_1280 : i32
    %add3A_1282 = vector.broadcast %add3A_1281 : i32 to vector<16xi32>
    %add3A_1283 = arith.addi %iota3A, %add3A_1282 : vector<16xi32>
    %add3A_1284 = arith.constant 0 : i32
    %add3A_1285 = vector.broadcast %add3A_1284 : i32 to vector<16xi32>
    %add3A_1286 = arith.addi %add3A_1276, %add3A_1285 : vector<16xi32>
    %gt3A_1287 = arith.constant 0 : i32
    %gt3A_1288 = vector.broadcast %gt3A_1287 : i32 to vector<16xi32>
    %gt3A_1289 = arith.cmpi sgt, %get3A_1270, %gt3A_1288 : vector<16xi32>
    %lt3A_1290 = arith.constant 2048 : i32
    %lt3A_1291 = vector.broadcast %lt3A_1290 : i32 to vector<16xi32>
    %lt3A_1292 = arith.cmpi slt, %add3A_1286, %lt3A_1291 : vector<16xi32>
    %and3A_1293 = arith.andi %gt3A_1289, %lt3A_1292 : vector<16xi1>
    tpu.vector_store_idx %arg6[%add3A_1286], %add3A_1283 masked %and3A_1293 : memref<2080xi32, #tpu.memory_space<vmem>>[vector<16xi32>], vector<16xi32>, vector<16xi1>
    %add3A_1294 = arith.constant 1 : i32
    %add3A_1295 = vector.broadcast %add3A_1294 : i32 to vector<16xi32>
    %add3A_1296 = arith.addi %add3A_1276, %add3A_1295 : vector<16xi32>
    %gt3A_1297 = arith.constant 1 : i32
    %gt3A_1298 = vector.broadcast %gt3A_1297 : i32 to vector<16xi32>
    %gt3A_1299 = arith.cmpi sgt, %get3A_1270, %gt3A_1298 : vector<16xi32>
    %lt3A_1300 = arith.constant 2048 : i32
    %lt3A_1301 = vector.broadcast %lt3A_1300 : i32 to vector<16xi32>
    %lt3A_1302 = arith.cmpi slt, %add3A_1296, %lt3A_1301 : vector<16xi32>
    %and3A_1303 = arith.andi %gt3A_1299, %lt3A_1302 : vector<16xi1>
    tpu.vector_store_idx %arg6[%add3A_1296], %add3A_1283 masked %and3A_1303 : memref<2080xi32, #tpu.memory_space<vmem>>[vector<16xi32>], vector<16xi32>, vector<16xi1>
    %add3A_1304 = arith.constant 2 : i32
    %add3A_1305 = vector.broadcast %add3A_1304 : i32 to vector<16xi32>
    %add3A_1306 = arith.addi %add3A_1276, %add3A_1305 : vector<16xi32>
    %gt3A_1307 = arith.constant 2 : i32
    %gt3A_1308 = vector.broadcast %gt3A_1307 : i32 to vector<16xi32>
    %gt3A_1309 = arith.cmpi sgt, %get3A_1270, %gt3A_1308 : vector<16xi32>
    %lt3A_1310 = arith.constant 2048 : i32
    %lt3A_1311 = vector.broadcast %lt3A_1310 : i32 to vector<16xi32>
    %lt3A_1312 = arith.cmpi slt, %add3A_1306, %lt3A_1311 : vector<16xi32>
    %and3A_1313 = arith.andi %gt3A_1309, %lt3A_1312 : vector<16xi1>
    tpu.vector_store_idx %arg6[%add3A_1306], %add3A_1283 masked %and3A_1313 : memref<2080xi32, #tpu.memory_space<vmem>>[vector<16xi32>], vector<16xi32>, vector<16xi1>
    %add3A_1314 = arith.constant 3 : i32
    %add3A_1315 = vector.broadcast %add3A_1314 : i32 to vector<16xi32>
    %add3A_1316 = arith.addi %add3A_1276, %add3A_1315 : vector<16xi32>
    %gt3A_1317 = arith.constant 3 : i32
    %gt3A_1318 = vector.broadcast %gt3A_1317 : i32 to vector<16xi32>
    %gt3A_1319 = arith.cmpi sgt, %get3A_1270, %gt3A_1318 : vector<16xi32>
    %lt3A_1320 = arith.constant 2048 : i32
    %lt3A_1321 = vector.broadcast %lt3A_1320 : i32 to vector<16xi32>
    %lt3A_1322 = arith.cmpi slt, %add3A_1316, %lt3A_1321 : vector<16xi32>
    %and3A_1323 = arith.andi %gt3A_1319, %lt3A_1322 : vector<16xi1>
    tpu.vector_store_idx %arg6[%add3A_1316], %add3A_1283 masked %and3A_1323 : memref<2080xi32, #tpu.memory_space<vmem>>[vector<16xi32>], vector<16xi32>, vector<16xi1>
    %add3A_1324 = arith.constant 4 : i32
    %add3A_1325 = vector.broadcast %add3A_1324 : i32 to vector<16xi32>
    %add3A_1326 = arith.addi %add3A_1276, %add3A_1325 : vector<16xi32>
    %gt3A_1327 = arith.constant 4 : i32
    %gt3A_1328 = vector.broadcast %gt3A_1327 : i32 to vector<16xi32>
    %gt3A_1329 = arith.cmpi sgt, %get3A_1270, %gt3A_1328 : vector<16xi32>
    %lt3A_1330 = arith.constant 2048 : i32
    %lt3A_1331 = vector.broadcast %lt3A_1330 : i32 to vector<16xi32>
    %lt3A_1332 = arith.cmpi slt, %add3A_1326, %lt3A_1331 : vector<16xi32>
    %and3A_1333 = arith.andi %gt3A_1329, %lt3A_1332 : vector<16xi1>
    tpu.vector_store_idx %arg6[%add3A_1326], %add3A_1283 masked %and3A_1333 : memref<2080xi32, #tpu.memory_space<vmem>>[vector<16xi32>], vector<16xi32>, vector<16xi1>
    %add3A_1334 = arith.constant 5 : i32
    %add3A_1335 = vector.broadcast %add3A_1334 : i32 to vector<16xi32>
    %add3A_1336 = arith.addi %add3A_1276, %add3A_1335 : vector<16xi32>
    %gt3A_1337 = arith.constant 5 : i32
    %gt3A_1338 = vector.broadcast %gt3A_1337 : i32 to vector<16xi32>
    %gt3A_1339 = arith.cmpi sgt, %get3A_1270, %gt3A_1338 : vector<16xi32>
    %lt3A_1340 = arith.constant 2048 : i32
    %lt3A_1341 = vector.broadcast %lt3A_1340 : i32 to vector<16xi32>
    %lt3A_1342 = arith.cmpi slt, %add3A_1336, %lt3A_1341 : vector<16xi32>
    %and3A_1343 = arith.andi %gt3A_1339, %lt3A_1342 : vector<16xi1>
    tpu.vector_store_idx %arg6[%add3A_1336], %add3A_1283 masked %and3A_1343 : memref<2080xi32, #tpu.memory_space<vmem>>[vector<16xi32>], vector<16xi32>, vector<16xi1>
    %add3A_1344 = arith.constant 6 : i32
    %add3A_1345 = vector.broadcast %add3A_1344 : i32 to vector<16xi32>
    %add3A_1346 = arith.addi %add3A_1276, %add3A_1345 : vector<16xi32>
    %gt3A_1347 = arith.constant 6 : i32
    %gt3A_1348 = vector.broadcast %gt3A_1347 : i32 to vector<16xi32>
    %gt3A_1349 = arith.cmpi sgt, %get3A_1270, %gt3A_1348 : vector<16xi32>
    %lt3A_1350 = arith.constant 2048 : i32
    %lt3A_1351 = vector.broadcast %lt3A_1350 : i32 to vector<16xi32>
    %lt3A_1352 = arith.cmpi slt, %add3A_1346, %lt3A_1351 : vector<16xi32>
    %and3A_1353 = arith.andi %gt3A_1349, %lt3A_1352 : vector<16xi1>
    tpu.vector_store_idx %arg6[%add3A_1346], %add3A_1283 masked %and3A_1353 : memref<2080xi32, #tpu.memory_space<vmem>>[vector<16xi32>], vector<16xi32>, vector<16xi1>
    %get3A_1354 = arith.constant 176 : index
    %get3A_1355 = tpu.vector_load %arg5[%get3A_1354] {strides = array<i32>} : memref<512xi32, #tpu.memory_space<vmem>>, vector<16xi32>,
    %broadcast_in_dim3A_1356 = arith.constant true
    %broadcast_in_dim3A_1357 = vector.broadcast %broadcast_in_dim3A_1356 : i1 to vector<16xi1>
    %masked_cumsum3A_1358 = tpu.scan <sum>, %get3A_1355 masked %broadcast_in_dim3A_1357 : vector<16xi32>, vector<16xi1> -> vector<16xi32>
    %sub3A_1359 = arith.subi %masked_cumsum3A_1358, %get3A_1355 : vector<16xi32>
    %add3A_1360 = vector.broadcast %add3A_1279 : i32 to vector<16xi32>
    %add3A_1361 = arith.addi %sub3A_1359, %add3A_1360 : vector<16xi32>
    %slice3A_1362 = vector.extract_strided_slice %masked_cumsum3A_1358 {offsets = [15], sizes = [1], strides = [1]} : vector<16xi32> to vector<1xi32>
    %squeeze3A_1363 = vector.extract %slice3A_1362[0] : i32 from vector<1xi32>
    %add3A_1364 = arith.addi %add3A_1279, %squeeze3A_1363 : i32
    %add3A_1365 = arith.constant 176 : i32
    %add3A_1366 = arith.addi %mul3A_32, %add3A_1365 : i32
    %add3A_1367 = vector.broadcast %add3A_1366 : i32 to vector<16xi32>
    %add3A_1368 = arith.addi %iota3A, %add3A_1367 : vector<16xi32>
    %add3A_1369 = arith.constant 0 : i32
    %add3A_1370 = vector.broadcast %add3A_1369 : i32 to vector<16xi32>
    %add3A_1371 = arith.addi %add3A_1361, %add3A_1370 : vector<16xi32>
    %gt3A_1372 = arith.constant 0 : i32
    %gt3A_1373 = vector.broadcast %gt3A_1372 : i32 to vector<16xi32>
    %gt3A_1374 = arith.cmpi sgt, %get3A_1355, %gt3A_1373 : vector<16xi32>
    %lt3A_1375 = arith.constant 2048 : i32
    %lt3A_1376 = vector.broadcast %lt3A_1375 : i32 to vector<16xi32>
    %lt3A_1377 = arith.cmpi slt, %add3A_1371, %lt3A_1376 : vector<16xi32>
    %and3A_1378 = arith.andi %gt3A_1374, %lt3A_1377 : vector<16xi1>
    tpu.vector_store_idx %arg6[%add3A_1371], %add3A_1368 masked %and3A_1378 : memref<2080xi32, #tpu.memory_space<vmem>>[vector<16xi32>], vector<16xi32>, vector<16xi1>
    %add3A_1379 = arith.constant 1 : i32
    %add3A_1380 = vector.broadcast %add3A_1379 : i32 to vector<16xi32>
    %add3A_1381 = arith.addi %add3A_1361, %add3A_1380 : vector<16xi32>
    %gt3A_1382 = arith.constant 1 : i32
    %gt3A_1383 = vector.broadcast %gt3A_1382 : i32 to vector<16xi32>
    %gt3A_1384 = arith.cmpi sgt, %get3A_1355, %gt3A_1383 : vector<16xi32>
    %lt3A_1385 = arith.constant 2048 : i32
    %lt3A_1386 = vector.broadcast %lt3A_1385 : i32 to vector<16xi32>
    %lt3A_1387 = arith.cmpi slt, %add3A_1381, %lt3A_1386 : vector<16xi32>
    %and3A_1388 = arith.andi %gt3A_1384, %lt3A_1387 : vector<16xi1>
    tpu.vector_store_idx %arg6[%add3A_1381], %add3A_1368 masked %and3A_1388 : memref<2080xi32, #tpu.memory_space<vmem>>[vector<16xi32>], vector<16xi32>, vector<16xi1>
    %add3A_1389 = arith.constant 2 : i32
    %add3A_1390 = vector.broadcast %add3A_1389 : i32 to vector<16xi32>
    %add3A_1391 = arith.addi %add3A_1361, %add3A_1390 : vector<16xi32>
    %gt3A_1392 = arith.constant 2 : i32
    %gt3A_1393 = vector.broadcast %gt3A_1392 : i32 to vector<16xi32>
    %gt3A_1394 = arith.cmpi sgt, %get3A_1355, %gt3A_1393 : vector<16xi32>
    %lt3A_1395 = arith.constant 2048 : i32
    %lt3A_1396 = vector.broadcast %lt3A_1395 : i32 to vector<16xi32>
    %lt3A_1397 = arith.cmpi slt, %add3A_1391, %lt3A_1396 : vector<16xi32>
    %and3A_1398 = arith.andi %gt3A_1394, %lt3A_1397 : vector<16xi1>
    tpu.vector_store_idx %arg6[%add3A_1391], %add3A_1368 masked %and3A_1398 : memref<2080xi32, #tpu.memory_space<vmem>>[vector<16xi32>], vector<16xi32>, vector<16xi1>
    %add3A_1399 = arith.constant 3 : i32
    %add3A_1400 = vector.broadcast %add3A_1399 : i32 to vector<16xi32>
    %add3A_1401 = arith.addi %add3A_1361, %add3A_1400 : vector<16xi32>
    %gt3A_1402 = arith.constant 3 : i32
    %gt3A_1403 = vector.broadcast %gt3A_1402 : i32 to vector<16xi32>
    %gt3A_1404 = arith.cmpi sgt, %get3A_1355, %gt3A_1403 : vector<16xi32>
    %lt3A_1405 = arith.constant 2048 : i32
    %lt3A_1406 = vector.broadcast %lt3A_1405 : i32 to vector<16xi32>
    %lt3A_1407 = arith.cmpi slt, %add3A_1401, %lt3A_1406 : vector<16xi32>
    %and3A_1408 = arith.andi %gt3A_1404, %lt3A_1407 : vector<16xi1>
    tpu.vector_store_idx %arg6[%add3A_1401], %add3A_1368 masked %and3A_1408 : memref<2080xi32, #tpu.memory_space<vmem>>[vector<16xi32>], vector<16xi32>, vector<16xi1>
    %add3A_1409 = arith.constant 4 : i32
    %add3A_1410 = vector.broadcast %add3A_1409 : i32 to vector<16xi32>
    %add3A_1411 = arith.addi %add3A_1361, %add3A_1410 : vector<16xi32>
    %gt3A_1412 = arith.constant 4 : i32
    %gt3A_1413 = vector.broadcast %gt3A_1412 : i32 to vector<16xi32>
    %gt3A_1414 = arith.cmpi sgt, %get3A_1355, %gt3A_1413 : vector<16xi32>
    %lt3A_1415 = arith.constant 2048 : i32
    %lt3A_1416 = vector.broadcast %lt3A_1415 : i32 to vector<16xi32>
    %lt3A_1417 = arith.cmpi slt, %add3A_1411, %lt3A_1416 : vector<16xi32>
    %and3A_1418 = arith.andi %gt3A_1414, %lt3A_1417 : vector<16xi1>
    tpu.vector_store_idx %arg6[%add3A_1411], %add3A_1368 masked %and3A_1418 : memref<2080xi32, #tpu.memory_space<vmem>>[vector<16xi32>], vector<16xi32>, vector<16xi1>
    %add3A_1419 = arith.constant 5 : i32
    %add3A_1420 = vector.broadcast %add3A_1419 : i32 to vector<16xi32>
    %add3A_1421 = arith.addi %add3A_1361, %add3A_1420 : vector<16xi32>
    %gt3A_1422 = arith.constant 5 : i32
    %gt3A_1423 = vector.broadcast %gt3A_1422 : i32 to vector<16xi32>
    %gt3A_1424 = arith.cmpi sgt, %get3A_1355, %gt3A_1423 : vector<16xi32>
    %lt3A_1425 = arith.constant 2048 : i32
    %lt3A_1426 = vector.broadcast %lt3A_1425 : i32 to vector<16xi32>
    %lt3A_1427 = arith.cmpi slt, %add3A_1421, %lt3A_1426 : vector<16xi32>
    %and3A_1428 = arith.andi %gt3A_1424, %lt3A_1427 : vector<16xi1>
    tpu.vector_store_idx %arg6[%add3A_1421], %add3A_1368 masked %and3A_1428 : memref<2080xi32, #tpu.memory_space<vmem>>[vector<16xi32>], vector<16xi32>, vector<16xi1>
    %add3A_1429 = arith.constant 6 : i32
    %add3A_1430 = vector.broadcast %add3A_1429 : i32 to vector<16xi32>
    %add3A_1431 = arith.addi %add3A_1361, %add3A_1430 : vector<16xi32>
    %gt3A_1432 = arith.constant 6 : i32
    %gt3A_1433 = vector.broadcast %gt3A_1432 : i32 to vector<16xi32>
    %gt3A_1434 = arith.cmpi sgt, %get3A_1355, %gt3A_1433 : vector<16xi32>
    %lt3A_1435 = arith.constant 2048 : i32
    %lt3A_1436 = vector.broadcast %lt3A_1435 : i32 to vector<16xi32>
    %lt3A_1437 = arith.cmpi slt, %add3A_1431, %lt3A_1436 : vector<16xi32>
    %and3A_1438 = arith.andi %gt3A_1434, %lt3A_1437 : vector<16xi1>
    tpu.vector_store_idx %arg6[%add3A_1431], %add3A_1368 masked %and3A_1438 : memref<2080xi32, #tpu.memory_space<vmem>>[vector<16xi32>], vector<16xi32>, vector<16xi1>
    %get3A_1439 = arith.constant 192 : index
    %get3A_1440 = tpu.vector_load %arg5[%get3A_1439] {strides = array<i32>} : memref<512xi32, #tpu.memory_space<vmem>>, vector<16xi32>,
    %broadcast_in_dim3A_1441 = arith.constant true
    %broadcast_in_dim3A_1442 = vector.broadcast %broadcast_in_dim3A_1441 : i1 to vector<16xi1>
    %masked_cumsum3A_1443 = tpu.scan <sum>, %get3A_1440 masked %broadcast_in_dim3A_1442 : vector<16xi32>, vector<16xi1> -> vector<16xi32>
    %sub3A_1444 = arith.subi %masked_cumsum3A_1443, %get3A_1440 : vector<16xi32>
    %add3A_1445 = vector.broadcast %add3A_1364 : i32 to vector<16xi32>
    %add3A_1446 = arith.addi %sub3A_1444, %add3A_1445 : vector<16xi32>
    %slice3A_1447 = vector.extract_strided_slice %masked_cumsum3A_1443 {offsets = [15], sizes = [1], strides = [1]} : vector<16xi32> to vector<1xi32>
    %squeeze3A_1448 = vector.extract %slice3A_1447[0] : i32 from vector<1xi32>
    %add3A_1449 = arith.addi %add3A_1364, %squeeze3A_1448 : i32
    %add3A_1450 = arith.constant 192 : i32
    %add3A_1451 = arith.addi %mul3A_32, %add3A_1450 : i32
    %add3A_1452 = vector.broadcast %add3A_1451 : i32 to vector<16xi32>
    %add3A_1453 = arith.addi %iota3A, %add3A_1452 : vector<16xi32>
    %add3A_1454 = arith.constant 0 : i32
    %add3A_1455 = vector.broadcast %add3A_1454 : i32 to vector<16xi32>
    %add3A_1456 = arith.addi %add3A_1446, %add3A_1455 : vector<16xi32>
    %gt3A_1457 = arith.constant 0 : i32
    %gt3A_1458 = vector.broadcast %gt3A_1457 : i32 to vector<16xi32>
    %gt3A_1459 = arith.cmpi sgt, %get3A_1440, %gt3A_1458 : vector<16xi32>
    %lt3A_1460 = arith.constant 2048 : i32
    %lt3A_1461 = vector.broadcast %lt3A_1460 : i32 to vector<16xi32>
    %lt3A_1462 = arith.cmpi slt, %add3A_1456, %lt3A_1461 : vector<16xi32>
    %and3A_1463 = arith.andi %gt3A_1459, %lt3A_1462 : vector<16xi1>
    tpu.vector_store_idx %arg6[%add3A_1456], %add3A_1453 masked %and3A_1463 : memref<2080xi32, #tpu.memory_space<vmem>>[vector<16xi32>], vector<16xi32>, vector<16xi1>
    %add3A_1464 = arith.constant 1 : i32
    %add3A_1465 = vector.broadcast %add3A_1464 : i32 to vector<16xi32>
    %add3A_1466 = arith.addi %add3A_1446, %add3A_1465 : vector<16xi32>
    %gt3A_1467 = arith.constant 1 : i32
    %gt3A_1468 = vector.broadcast %gt3A_1467 : i32 to vector<16xi32>
    %gt3A_1469 = arith.cmpi sgt, %get3A_1440, %gt3A_1468 : vector<16xi32>
    %lt3A_1470 = arith.constant 2048 : i32
    %lt3A_1471 = vector.broadcast %lt3A_1470 : i32 to vector<16xi32>
    %lt3A_1472 = arith.cmpi slt, %add3A_1466, %lt3A_1471 : vector<16xi32>
    %and3A_1473 = arith.andi %gt3A_1469, %lt3A_1472 : vector<16xi1>
    tpu.vector_store_idx %arg6[%add3A_1466], %add3A_1453 masked %and3A_1473 : memref<2080xi32, #tpu.memory_space<vmem>>[vector<16xi32>], vector<16xi32>, vector<16xi1>
    %add3A_1474 = arith.constant 2 : i32
    %add3A_1475 = vector.broadcast %add3A_1474 : i32 to vector<16xi32>
    %add3A_1476 = arith.addi %add3A_1446, %add3A_1475 : vector<16xi32>
    %gt3A_1477 = arith.constant 2 : i32
    %gt3A_1478 = vector.broadcast %gt3A_1477 : i32 to vector<16xi32>
    %gt3A_1479 = arith.cmpi sgt, %get3A_1440, %gt3A_1478 : vector<16xi32>
    %lt3A_1480 = arith.constant 2048 : i32
    %lt3A_1481 = vector.broadcast %lt3A_1480 : i32 to vector<16xi32>
    %lt3A_1482 = arith.cmpi slt, %add3A_1476, %lt3A_1481 : vector<16xi32>
    %and3A_1483 = arith.andi %gt3A_1479, %lt3A_1482 : vector<16xi1>
    tpu.vector_store_idx %arg6[%add3A_1476], %add3A_1453 masked %and3A_1483 : memref<2080xi32, #tpu.memory_space<vmem>>[vector<16xi32>], vector<16xi32>, vector<16xi1>
    %add3A_1484 = arith.constant 3 : i32
    %add3A_1485 = vector.broadcast %add3A_1484 : i32 to vector<16xi32>
    %add3A_1486 = arith.addi %add3A_1446, %add3A_1485 : vector<16xi32>
    %gt3A_1487 = arith.constant 3 : i32
    %gt3A_1488 = vector.broadcast %gt3A_1487 : i32 to vector<16xi32>
    %gt3A_1489 = arith.cmpi sgt, %get3A_1440, %gt3A_1488 : vector<16xi32>
    %lt3A_1490 = arith.constant 2048 : i32
    %lt3A_1491 = vector.broadcast %lt3A_1490 : i32 to vector<16xi32>
    %lt3A_1492 = arith.cmpi slt, %add3A_1486, %lt3A_1491 : vector<16xi32>
    %and3A_1493 = arith.andi %gt3A_1489, %lt3A_1492 : vector<16xi1>
    tpu.vector_store_idx %arg6[%add3A_1486], %add3A_1453 masked %and3A_1493 : memref<2080xi32, #tpu.memory_space<vmem>>[vector<16xi32>], vector<16xi32>, vector<16xi1>
    %add3A_1494 = arith.constant 4 : i32
    %add3A_1495 = vector.broadcast %add3A_1494 : i32 to vector<16xi32>
    %add3A_1496 = arith.addi %add3A_1446, %add3A_1495 : vector<16xi32>
    %gt3A_1497 = arith.constant 4 : i32
    %gt3A_1498 = vector.broadcast %gt3A_1497 : i32 to vector<16xi32>
    %gt3A_1499 = arith.cmpi sgt, %get3A_1440, %gt3A_1498 : vector<16xi32>
    %lt3A_1500 = arith.constant 2048 : i32
    %lt3A_1501 = vector.broadcast %lt3A_1500 : i32 to vector<16xi32>
    %lt3A_1502 = arith.cmpi slt, %add3A_1496, %lt3A_1501 : vector<16xi32>
    %and3A_1503 = arith.andi %gt3A_1499, %lt3A_1502 : vector<16xi1>
    tpu.vector_store_idx %arg6[%add3A_1496], %add3A_1453 masked %and3A_1503 : memref<2080xi32, #tpu.memory_space<vmem>>[vector<16xi32>], vector<16xi32>, vector<16xi1>
    %add3A_1504 = arith.constant 5 : i32
    %add3A_1505 = vector.broadcast %add3A_1504 : i32 to vector<16xi32>
    %add3A_1506 = arith.addi %add3A_1446, %add3A_1505 : vector<16xi32>
    %gt3A_1507 = arith.constant 5 : i32
    %gt3A_1508 = vector.broadcast %gt3A_1507 : i32 to vector<16xi32>
    %gt3A_1509 = arith.cmpi sgt, %get3A_1440, %gt3A_1508 : vector<16xi32>
    %lt3A_1510 = arith.constant 2048 : i32
    %lt3A_1511 = vector.broadcast %lt3A_1510 : i32 to vector<16xi32>
    %lt3A_1512 = arith.cmpi slt, %add3A_1506, %lt3A_1511 : vector<16xi32>
    %and3A_1513 = arith.andi %gt3A_1509, %lt3A_1512 : vector<16xi1>
    tpu.vector_store_idx %arg6[%add3A_1506], %add3A_1453 masked %and3A_1513 : memref<2080xi32, #tpu.memory_space<vmem>>[vector<16xi32>], vector<16xi32>, vector<16xi1>
    %add3A_1514 = arith.constant 6 : i32
    %add3A_1515 = vector.broadcast %add3A_1514 : i32 to vector<16xi32>
    %add3A_1516 = arith.addi %add3A_1446, %add3A_1515 : vector<16xi32>
    %gt3A_1517 = arith.constant 6 : i32
    %gt3A_1518 = vector.broadcast %gt3A_1517 : i32 to vector<16xi32>
    %gt3A_1519 = arith.cmpi sgt, %get3A_1440, %gt3A_1518 : vector<16xi32>
    %lt3A_1520 = arith.constant 2048 : i32
    %lt3A_1521 = vector.broadcast %lt3A_1520 : i32 to vector<16xi32>
    %lt3A_1522 = arith.cmpi slt, %add3A_1516, %lt3A_1521 : vector<16xi32>
    %and3A_1523 = arith.andi %gt3A_1519, %lt3A_1522 : vector<16xi1>
    tpu.vector_store_idx %arg6[%add3A_1516], %add3A_1453 masked %and3A_1523 : memref<2080xi32, #tpu.memory_space<vmem>>[vector<16xi32>], vector<16xi32>, vector<16xi1>
    %get3A_1524 = arith.constant 208 : index
    %get3A_1525 = tpu.vector_load %arg5[%get3A_1524] {strides = array<i32>} : memref<512xi32, #tpu.memory_space<vmem>>, vector<16xi32>,
    %broadcast_in_dim3A_1526 = arith.constant true
    %broadcast_in_dim3A_1527 = vector.broadcast %broadcast_in_dim3A_1526 : i1 to vector<16xi1>
    %masked_cumsum3A_1528 = tpu.scan <sum>, %get3A_1525 masked %broadcast_in_dim3A_1527 : vector<16xi32>, vector<16xi1> -> vector<16xi32>
    %sub3A_1529 = arith.subi %masked_cumsum3A_1528, %get3A_1525 : vector<16xi32>
    %add3A_1530 = vector.broadcast %add3A_1449 : i32 to vector<16xi32>
    %add3A_1531 = arith.addi %sub3A_1529, %add3A_1530 : vector<16xi32>
    %slice3A_1532 = vector.extract_strided_slice %masked_cumsum3A_1528 {offsets = [15], sizes = [1], strides = [1]} : vector<16xi32> to vector<1xi32>
    %squeeze3A_1533 = vector.extract %slice3A_1532[0] : i32 from vector<1xi32>
    %add3A_1534 = arith.addi %add3A_1449, %squeeze3A_1533 : i32
    %add3A_1535 = arith.constant 208 : i32
    %add3A_1536 = arith.addi %mul3A_32, %add3A_1535 : i32
    %add3A_1537 = vector.broadcast %add3A_1536 : i32 to vector<16xi32>
    %add3A_1538 = arith.addi %iota3A, %add3A_1537 : vector<16xi32>
    %add3A_1539 = arith.constant 0 : i32
    %add3A_1540 = vector.broadcast %add3A_1539 : i32 to vector<16xi32>
    %add3A_1541 = arith.addi %add3A_1531, %add3A_1540 : vector<16xi32>
    %gt3A_1542 = arith.constant 0 : i32
    %gt3A_1543 = vector.broadcast %gt3A_1542 : i32 to vector<16xi32>
    %gt3A_1544 = arith.cmpi sgt, %get3A_1525, %gt3A_1543 : vector<16xi32>
    %lt3A_1545 = arith.constant 2048 : i32
    %lt3A_1546 = vector.broadcast %lt3A_1545 : i32 to vector<16xi32>
    %lt3A_1547 = arith.cmpi slt, %add3A_1541, %lt3A_1546 : vector<16xi32>
    %and3A_1548 = arith.andi %gt3A_1544, %lt3A_1547 : vector<16xi1>
    tpu.vector_store_idx %arg6[%add3A_1541], %add3A_1538 masked %and3A_1548 : memref<2080xi32, #tpu.memory_space<vmem>>[vector<16xi32>], vector<16xi32>, vector<16xi1>
    %add3A_1549 = arith.constant 1 : i32
    %add3A_1550 = vector.broadcast %add3A_1549 : i32 to vector<16xi32>
    %add3A_1551 = arith.addi %add3A_1531, %add3A_1550 : vector<16xi32>
    %gt3A_1552 = arith.constant 1 : i32
    %gt3A_1553 = vector.broadcast %gt3A_1552 : i32 to vector<16xi32>
    %gt3A_1554 = arith.cmpi sgt, %get3A_1525, %gt3A_1553 : vector<16xi32>
    %lt3A_1555 = arith.constant 2048 : i32
    %lt3A_1556 = vector.broadcast %lt3A_1555 : i32 to vector<16xi32>
    %lt3A_1557 = arith.cmpi slt, %add3A_1551, %lt3A_1556 : vector<16xi32>
    %and3A_1558 = arith.andi %gt3A_1554, %lt3A_1557 : vector<16xi1>
    tpu.vector_store_idx %arg6[%add3A_1551], %add3A_1538 masked %and3A_1558 : memref<2080xi32, #tpu.memory_space<vmem>>[vector<16xi32>], vector<16xi32>, vector<16xi1>
    %add3A_1559 = arith.constant 2 : i32
    %add3A_1560 = vector.broadcast %add3A_1559 : i32 to vector<16xi32>
    %add3A_1561 = arith.addi %add3A_1531, %add3A_1560 : vector<16xi32>
    %gt3A_1562 = arith.constant 2 : i32
    %gt3A_1563 = vector.broadcast %gt3A_1562 : i32 to vector<16xi32>
    %gt3A_1564 = arith.cmpi sgt, %get3A_1525, %gt3A_1563 : vector<16xi32>
    %lt3A_1565 = arith.constant 2048 : i32
    %lt3A_1566 = vector.broadcast %lt3A_1565 : i32 to vector<16xi32>
    %lt3A_1567 = arith.cmpi slt, %add3A_1561, %lt3A_1566 : vector<16xi32>
    %and3A_1568 = arith.andi %gt3A_1564, %lt3A_1567 : vector<16xi1>
    tpu.vector_store_idx %arg6[%add3A_1561], %add3A_1538 masked %and3A_1568 : memref<2080xi32, #tpu.memory_space<vmem>>[vector<16xi32>], vector<16xi32>, vector<16xi1>
    %add3A_1569 = arith.constant 3 : i32
    %add3A_1570 = vector.broadcast %add3A_1569 : i32 to vector<16xi32>
    %add3A_1571 = arith.addi %add3A_1531, %add3A_1570 : vector<16xi32>
    %gt3A_1572 = arith.constant 3 : i32
    %gt3A_1573 = vector.broadcast %gt3A_1572 : i32 to vector<16xi32>
    %gt3A_1574 = arith.cmpi sgt, %get3A_1525, %gt3A_1573 : vector<16xi32>
    %lt3A_1575 = arith.constant 2048 : i32
    %lt3A_1576 = vector.broadcast %lt3A_1575 : i32 to vector<16xi32>
    %lt3A_1577 = arith.cmpi slt, %add3A_1571, %lt3A_1576 : vector<16xi32>
    %and3A_1578 = arith.andi %gt3A_1574, %lt3A_1577 : vector<16xi1>
    tpu.vector_store_idx %arg6[%add3A_1571], %add3A_1538 masked %and3A_1578 : memref<2080xi32, #tpu.memory_space<vmem>>[vector<16xi32>], vector<16xi32>, vector<16xi1>
    %add3A_1579 = arith.constant 4 : i32
    %add3A_1580 = vector.broadcast %add3A_1579 : i32 to vector<16xi32>
    %add3A_1581 = arith.addi %add3A_1531, %add3A_1580 : vector<16xi32>
    %gt3A_1582 = arith.constant 4 : i32
    %gt3A_1583 = vector.broadcast %gt3A_1582 : i32 to vector<16xi32>
    %gt3A_1584 = arith.cmpi sgt, %get3A_1525, %gt3A_1583 : vector<16xi32>
    %lt3A_1585 = arith.constant 2048 : i32
    %lt3A_1586 = vector.broadcast %lt3A_1585 : i32 to vector<16xi32>
    %lt3A_1587 = arith.cmpi slt, %add3A_1581, %lt3A_1586 : vector<16xi32>
    %and3A_1588 = arith.andi %gt3A_1584, %lt3A_1587 : vector<16xi1>
    tpu.vector_store_idx %arg6[%add3A_1581], %add3A_1538 masked %and3A_1588 : memref<2080xi32, #tpu.memory_space<vmem>>[vector<16xi32>], vector<16xi32>, vector<16xi1>
    %add3A_1589 = arith.constant 5 : i32
    %add3A_1590 = vector.broadcast %add3A_1589 : i32 to vector<16xi32>
    %add3A_1591 = arith.addi %add3A_1531, %add3A_1590 : vector<16xi32>
    %gt3A_1592 = arith.constant 5 : i32
    %gt3A_1593 = vector.broadcast %gt3A_1592 : i32 to vector<16xi32>
    %gt3A_1594 = arith.cmpi sgt, %get3A_1525, %gt3A_1593 : vector<16xi32>
    %lt3A_1595 = arith.constant 2048 : i32
    %lt3A_1596 = vector.broadcast %lt3A_1595 : i32 to vector<16xi32>
    %lt3A_1597 = arith.cmpi slt, %add3A_1591, %lt3A_1596 : vector<16xi32>
    %and3A_1598 = arith.andi %gt3A_1594, %lt3A_1597 : vector<16xi1>
    tpu.vector_store_idx %arg6[%add3A_1591], %add3A_1538 masked %and3A_1598 : memref<2080xi32, #tpu.memory_space<vmem>>[vector<16xi32>], vector<16xi32>, vector<16xi1>
    %add3A_1599 = arith.constant 6 : i32
    %add3A_1600 = vector.broadcast %add3A_1599 : i32 to vector<16xi32>
    %add3A_1601 = arith.addi %add3A_1531, %add3A_1600 : vector<16xi32>
    %gt3A_1602 = arith.constant 6 : i32
    %gt3A_1603 = vector.broadcast %gt3A_1602 : i32 to vector<16xi32>
    %gt3A_1604 = arith.cmpi sgt, %get3A_1525, %gt3A_1603 : vector<16xi32>
    %lt3A_1605 = arith.constant 2048 : i32
    %lt3A_1606 = vector.broadcast %lt3A_1605 : i32 to vector<16xi32>
    %lt3A_1607 = arith.cmpi slt, %add3A_1601, %lt3A_1606 : vector<16xi32>
    %and3A_1608 = arith.andi %gt3A_1604, %lt3A_1607 : vector<16xi1>
    tpu.vector_store_idx %arg6[%add3A_1601], %add3A_1538 masked %and3A_1608 : memref<2080xi32, #tpu.memory_space<vmem>>[vector<16xi32>], vector<16xi32>, vector<16xi1>
    %get3A_1609 = arith.constant 224 : index
    %get3A_1610 = tpu.vector_load %arg5[%get3A_1609] {strides = array<i32>} : memref<512xi32, #tpu.memory_space<vmem>>, vector<16xi32>,
    %broadcast_in_dim3A_1611 = arith.constant true
    %broadcast_in_dim3A_1612 = vector.broadcast %broadcast_in_dim3A_1611 : i1 to vector<16xi1>
    %masked_cumsum3A_1613 = tpu.scan <sum>, %get3A_1610 masked %broadcast_in_dim3A_1612 : vector<16xi32>, vector<16xi1> -> vector<16xi32>
    %sub3A_1614 = arith.subi %masked_cumsum3A_1613, %get3A_1610 : vector<16xi32>
    %add3A_1615 = vector.broadcast %add3A_1534 : i32 to vector<16xi32>
    %add3A_1616 = arith.addi %sub3A_1614, %add3A_1615 : vector<16xi32>
    %slice3A_1617 = vector.extract_strided_slice %masked_cumsum3A_1613 {offsets = [15], sizes = [1], strides = [1]} : vector<16xi32> to vector<1xi32>
    %squeeze3A_1618 = vector.extract %slice3A_1617[0] : i32 from vector<1xi32>
    %add3A_1619 = arith.addi %add3A_1534, %squeeze3A_1618 : i32
    %add3A_1620 = arith.constant 224 : i32
    %add3A_1621 = arith.addi %mul3A_32, %add3A_1620 : i32
    %add3A_1622 = vector.broadcast %add3A_1621 : i32 to vector<16xi32>
    %add3A_1623 = arith.addi %iota3A, %add3A_1622 : vector<16xi32>
    %add3A_1624 = arith.constant 0 : i32
    %add3A_1625 = vector.broadcast %add3A_1624 : i32 to vector<16xi32>
    %add3A_1626 = arith.addi %add3A_1616, %add3A_1625 : vector<16xi32>
    %gt3A_1627 = arith.constant 0 : i32
    %gt3A_1628 = vector.broadcast %gt3A_1627 : i32 to vector<16xi32>
    %gt3A_1629 = arith.cmpi sgt, %get3A_1610, %gt3A_1628 : vector<16xi32>
    %lt3A_1630 = arith.constant 2048 : i32
    %lt3A_1631 = vector.broadcast %lt3A_1630 : i32 to vector<16xi32>
    %lt3A_1632 = arith.cmpi slt, %add3A_1626, %lt3A_1631 : vector<16xi32>
    %and3A_1633 = arith.andi %gt3A_1629, %lt3A_1632 : vector<16xi1>
    tpu.vector_store_idx %arg6[%add3A_1626], %add3A_1623 masked %and3A_1633 : memref<2080xi32, #tpu.memory_space<vmem>>[vector<16xi32>], vector<16xi32>, vector<16xi1>
    %add3A_1634 = arith.constant 1 : i32
    %add3A_1635 = vector.broadcast %add3A_1634 : i32 to vector<16xi32>
    %add3A_1636 = arith.addi %add3A_1616, %add3A_1635 : vector<16xi32>
    %gt3A_1637 = arith.constant 1 : i32
    %gt3A_1638 = vector.broadcast %gt3A_1637 : i32 to vector<16xi32>
    %gt3A_1639 = arith.cmpi sgt, %get3A_1610, %gt3A_1638 : vector<16xi32>
    %lt3A_1640 = arith.constant 2048 : i32
    %lt3A_1641 = vector.broadcast %lt3A_1640 : i32 to vector<16xi32>
    %lt3A_1642 = arith.cmpi slt, %add3A_1636, %lt3A_1641 : vector<16xi32>
    %and3A_1643 = arith.andi %gt3A_1639, %lt3A_1642 : vector<16xi1>
    tpu.vector_store_idx %arg6[%add3A_1636], %add3A_1623 masked %and3A_1643 : memref<2080xi32, #tpu.memory_space<vmem>>[vector<16xi32>], vector<16xi32>, vector<16xi1>
    %add3A_1644 = arith.constant 2 : i32
    %add3A_1645 = vector.broadcast %add3A_1644 : i32 to vector<16xi32>
    %add3A_1646 = arith.addi %add3A_1616, %add3A_1645 : vector<16xi32>
    %gt3A_1647 = arith.constant 2 : i32
    %gt3A_1648 = vector.broadcast %gt3A_1647 : i32 to vector<16xi32>
    %gt3A_1649 = arith.cmpi sgt, %get3A_1610, %gt3A_1648 : vector<16xi32>
    %lt3A_1650 = arith.constant 2048 : i32
    %lt3A_1651 = vector.broadcast %lt3A_1650 : i32 to vector<16xi32>
    %lt3A_1652 = arith.cmpi slt, %add3A_1646, %lt3A_1651 : vector<16xi32>
    %and3A_1653 = arith.andi %gt3A_1649, %lt3A_1652 : vector<16xi1>
    tpu.vector_store_idx %arg6[%add3A_1646], %add3A_1623 masked %and3A_1653 : memref<2080xi32, #tpu.memory_space<vmem>>[vector<16xi32>], vector<16xi32>, vector<16xi1>
    %add3A_1654 = arith.constant 3 : i32
    %add3A_1655 = vector.broadcast %add3A_1654 : i32 to vector<16xi32>
    %add3A_1656 = arith.addi %add3A_1616, %add3A_1655 : vector<16xi32>
    %gt3A_1657 = arith.constant 3 : i32
    %gt3A_1658 = vector.broadcast %gt3A_1657 : i32 to vector<16xi32>
    %gt3A_1659 = arith.cmpi sgt, %get3A_1610, %gt3A_1658 : vector<16xi32>
    %lt3A_1660 = arith.constant 2048 : i32
    %lt3A_1661 = vector.broadcast %lt3A_1660 : i32 to vector<16xi32>
    %lt3A_1662 = arith.cmpi slt, %add3A_1656, %lt3A_1661 : vector<16xi32>
    %and3A_1663 = arith.andi %gt3A_1659, %lt3A_1662 : vector<16xi1>
    tpu.vector_store_idx %arg6[%add3A_1656], %add3A_1623 masked %and3A_1663 : memref<2080xi32, #tpu.memory_space<vmem>>[vector<16xi32>], vector<16xi32>, vector<16xi1>
    %add3A_1664 = arith.constant 4 : i32
    %add3A_1665 = vector.broadcast %add3A_1664 : i32 to vector<16xi32>
    %add3A_1666 = arith.addi %add3A_1616, %add3A_1665 : vector<16xi32>
    %gt3A_1667 = arith.constant 4 : i32
    %gt3A_1668 = vector.broadcast %gt3A_1667 : i32 to vector<16xi32>
    %gt3A_1669 = arith.cmpi sgt, %get3A_1610, %gt3A_1668 : vector<16xi32>
    %lt3A_1670 = arith.constant 2048 : i32
    %lt3A_1671 = vector.broadcast %lt3A_1670 : i32 to vector<16xi32>
    %lt3A_1672 = arith.cmpi slt, %add3A_1666, %lt3A_1671 : vector<16xi32>
    %and3A_1673 = arith.andi %gt3A_1669, %lt3A_1672 : vector<16xi1>
    tpu.vector_store_idx %arg6[%add3A_1666], %add3A_1623 masked %and3A_1673 : memref<2080xi32, #tpu.memory_space<vmem>>[vector<16xi32>], vector<16xi32>, vector<16xi1>
    %add3A_1674 = arith.constant 5 : i32
    %add3A_1675 = vector.broadcast %add3A_1674 : i32 to vector<16xi32>
    %add3A_1676 = arith.addi %add3A_1616, %add3A_1675 : vector<16xi32>
    %gt3A_1677 = arith.constant 5 : i32
    %gt3A_1678 = vector.broadcast %gt3A_1677 : i32 to vector<16xi32>
    %gt3A_1679 = arith.cmpi sgt, %get3A_1610, %gt3A_1678 : vector<16xi32>
    %lt3A_1680 = arith.constant 2048 : i32
    %lt3A_1681 = vector.broadcast %lt3A_1680 : i32 to vector<16xi32>
    %lt3A_1682 = arith.cmpi slt, %add3A_1676, %lt3A_1681 : vector<16xi32>
    %and3A_1683 = arith.andi %gt3A_1679, %lt3A_1682 : vector<16xi1>
    tpu.vector_store_idx %arg6[%add3A_1676], %add3A_1623 masked %and3A_1683 : memref<2080xi32, #tpu.memory_space<vmem>>[vector<16xi32>], vector<16xi32>, vector<16xi1>
    %add3A_1684 = arith.constant 6 : i32
    %add3A_1685 = vector.broadcast %add3A_1684 : i32 to vector<16xi32>
    %add3A_1686 = arith.addi %add3A_1616, %add3A_1685 : vector<16xi32>
    %gt3A_1687 = arith.constant 6 : i32
    %gt3A_1688 = vector.broadcast %gt3A_1687 : i32 to vector<16xi32>
    %gt3A_1689 = arith.cmpi sgt, %get3A_1610, %gt3A_1688 : vector<16xi32>
    %lt3A_1690 = arith.constant 2048 : i32
    %lt3A_1691 = vector.broadcast %lt3A_1690 : i32 to vector<16xi32>
    %lt3A_1692 = arith.cmpi slt, %add3A_1686, %lt3A_1691 : vector<16xi32>
    %and3A_1693 = arith.andi %gt3A_1689, %lt3A_1692 : vector<16xi1>
    tpu.vector_store_idx %arg6[%add3A_1686], %add3A_1623 masked %and3A_1693 : memref<2080xi32, #tpu.memory_space<vmem>>[vector<16xi32>], vector<16xi32>, vector<16xi1>
    %get3A_1694 = arith.constant 240 : index
    %get3A_1695 = tpu.vector_load %arg5[%get3A_1694] {strides = array<i32>} : memref<512xi32, #tpu.memory_space<vmem>>, vector<16xi32>,
    %broadcast_in_dim3A_1696 = arith.constant true
    %broadcast_in_dim3A_1697 = vector.broadcast %broadcast_in_dim3A_1696 : i1 to vector<16xi1>
    %masked_cumsum3A_1698 = tpu.scan <sum>, %get3A_1695 masked %broadcast_in_dim3A_1697 : vector<16xi32>, vector<16xi1> -> vector<16xi32>
    %sub3A_1699 = arith.subi %masked_cumsum3A_1698, %get3A_1695 : vector<16xi32>
    %add3A_1700 = vector.broadcast %add3A_1619 : i32 to vector<16xi32>
    %add3A_1701 = arith.addi %sub3A_1699, %add3A_1700 : vector<16xi32>
    %slice3A_1702 = vector.extract_strided_slice %masked_cumsum3A_1698 {offsets = [15], sizes = [1], strides = [1]} : vector<16xi32> to vector<1xi32>
    %squeeze3A_1703 = vector.extract %slice3A_1702[0] : i32 from vector<1xi32>
    %add3A_1704 = arith.addi %add3A_1619, %squeeze3A_1703 : i32
    %add3A_1705 = arith.constant 240 : i32
    %add3A_1706 = arith.addi %mul3A_32, %add3A_1705 : i32
    %add3A_1707 = vector.broadcast %add3A_1706 : i32 to vector<16xi32>
    %add3A_1708 = arith.addi %iota3A, %add3A_1707 : vector<16xi32>
    %add3A_1709 = arith.constant 0 : i32
    %add3A_1710 = vector.broadcast %add3A_1709 : i32 to vector<16xi32>
    %add3A_1711 = arith.addi %add3A_1701, %add3A_1710 : vector<16xi32>
    %gt3A_1712 = arith.constant 0 : i32
    %gt3A_1713 = vector.broadcast %gt3A_1712 : i32 to vector<16xi32>
    %gt3A_1714 = arith.cmpi sgt, %get3A_1695, %gt3A_1713 : vector<16xi32>
    %lt3A_1715 = arith.constant 2048 : i32
    %lt3A_1716 = vector.broadcast %lt3A_1715 : i32 to vector<16xi32>
    %lt3A_1717 = arith.cmpi slt, %add3A_1711, %lt3A_1716 : vector<16xi32>
    %and3A_1718 = arith.andi %gt3A_1714, %lt3A_1717 : vector<16xi1>
    tpu.vector_store_idx %arg6[%add3A_1711], %add3A_1708 masked %and3A_1718 : memref<2080xi32, #tpu.memory_space<vmem>>[vector<16xi32>], vector<16xi32>, vector<16xi1>
    %add3A_1719 = arith.constant 1 : i32
    %add3A_1720 = vector.broadcast %add3A_1719 : i32 to vector<16xi32>
    %add3A_1721 = arith.addi %add3A_1701, %add3A_1720 : vector<16xi32>
    %gt3A_1722 = arith.constant 1 : i32
    %gt3A_1723 = vector.broadcast %gt3A_1722 : i32 to vector<16xi32>
    %gt3A_1724 = arith.cmpi sgt, %get3A_1695, %gt3A_1723 : vector<16xi32>
    %lt3A_1725 = arith.constant 2048 : i32
    %lt3A_1726 = vector.broadcast %lt3A_1725 : i32 to vector<16xi32>
    %lt3A_1727 = arith.cmpi slt, %add3A_1721, %lt3A_1726 : vector<16xi32>
    %and3A_1728 = arith.andi %gt3A_1724, %lt3A_1727 : vector<16xi1>
    tpu.vector_store_idx %arg6[%add3A_1721], %add3A_1708 masked %and3A_1728 : memref<2080xi32, #tpu.memory_space<vmem>>[vector<16xi32>], vector<16xi32>, vector<16xi1>
    %add3A_1729 = arith.constant 2 : i32
    %add3A_1730 = vector.broadcast %add3A_1729 : i32 to vector<16xi32>
    %add3A_1731 = arith.addi %add3A_1701, %add3A_1730 : vector<16xi32>
    %gt3A_1732 = arith.constant 2 : i32
    %gt3A_1733 = vector.broadcast %gt3A_1732 : i32 to vector<16xi32>
    %gt3A_1734 = arith.cmpi sgt, %get3A_1695, %gt3A_1733 : vector<16xi32>
    %lt3A_1735 = arith.constant 2048 : i32
    %lt3A_1736 = vector.broadcast %lt3A_1735 : i32 to vector<16xi32>
    %lt3A_1737 = arith.cmpi slt, %add3A_1731, %lt3A_1736 : vector<16xi32>
    %and3A_1738 = arith.andi %gt3A_1734, %lt3A_1737 : vector<16xi1>
    tpu.vector_store_idx %arg6[%add3A_1731], %add3A_1708 masked %and3A_1738 : memref<2080xi32, #tpu.memory_space<vmem>>[vector<16xi32>], vector<16xi32>, vector<16xi1>
    %add3A_1739 = arith.constant 3 : i32
    %add3A_1740 = vector.broadcast %add3A_1739 : i32 to vector<16xi32>
    %add3A_1741 = arith.addi %add3A_1701, %add3A_1740 : vector<16xi32>
    %gt3A_1742 = arith.constant 3 : i32
    %gt3A_1743 = vector.broadcast %gt3A_1742 : i32 to vector<16xi32>
    %gt3A_1744 = arith.cmpi sgt, %get3A_1695, %gt3A_1743 : vector<16xi32>
    %lt3A_1745 = arith.constant 2048 : i32
    %lt3A_1746 = vector.broadcast %lt3A_1745 : i32 to vector<16xi32>
    %lt3A_1747 = arith.cmpi slt, %add3A_1741, %lt3A_1746 : vector<16xi32>
    %and3A_1748 = arith.andi %gt3A_1744, %lt3A_1747 : vector<16xi1>
    tpu.vector_store_idx %arg6[%add3A_1741], %add3A_1708 masked %and3A_1748 : memref<2080xi32, #tpu.memory_space<vmem>>[vector<16xi32>], vector<16xi32>, vector<16xi1>
    %add3A_1749 = arith.constant 4 : i32
    %add3A_1750 = vector.broadcast %add3A_1749 : i32 to vector<16xi32>
    %add3A_1751 = arith.addi %add3A_1701, %add3A_1750 : vector<16xi32>
    %gt3A_1752 = arith.constant 4 : i32
    %gt3A_1753 = vector.broadcast %gt3A_1752 : i32 to vector<16xi32>
    %gt3A_1754 = arith.cmpi sgt, %get3A_1695, %gt3A_1753 : vector<16xi32>
    %lt3A_1755 = arith.constant 2048 : i32
    %lt3A_1756 = vector.broadcast %lt3A_1755 : i32 to vector<16xi32>
    %lt3A_1757 = arith.cmpi slt, %add3A_1751, %lt3A_1756 : vector<16xi32>
    %and3A_1758 = arith.andi %gt3A_1754, %lt3A_1757 : vector<16xi1>
    tpu.vector_store_idx %arg6[%add3A_1751], %add3A_1708 masked %and3A_1758 : memref<2080xi32, #tpu.memory_space<vmem>>[vector<16xi32>], vector<16xi32>, vector<16xi1>
    %add3A_1759 = arith.constant 5 : i32
    %add3A_1760 = vector.broadcast %add3A_1759 : i32 to vector<16xi32>
    %add3A_1761 = arith.addi %add3A_1701, %add3A_1760 : vector<16xi32>
    %gt3A_1762 = arith.constant 5 : i32
    %gt3A_1763 = vector.broadcast %gt3A_1762 : i32 to vector<16xi32>
    %gt3A_1764 = arith.cmpi sgt, %get3A_1695, %gt3A_1763 : vector<16xi32>
    %lt3A_1765 = arith.constant 2048 : i32
    %lt3A_1766 = vector.broadcast %lt3A_1765 : i32 to vector<16xi32>
    %lt3A_1767 = arith.cmpi slt, %add3A_1761, %lt3A_1766 : vector<16xi32>
    %and3A_1768 = arith.andi %gt3A_1764, %lt3A_1767 : vector<16xi1>
    tpu.vector_store_idx %arg6[%add3A_1761], %add3A_1708 masked %and3A_1768 : memref<2080xi32, #tpu.memory_space<vmem>>[vector<16xi32>], vector<16xi32>, vector<16xi1>
    %add3A_1769 = arith.constant 6 : i32
    %add3A_1770 = vector.broadcast %add3A_1769 : i32 to vector<16xi32>
    %add3A_1771 = arith.addi %add3A_1701, %add3A_1770 : vector<16xi32>
    %gt3A_1772 = arith.constant 6 : i32
    %gt3A_1773 = vector.broadcast %gt3A_1772 : i32 to vector<16xi32>
    %gt3A_1774 = arith.cmpi sgt, %get3A_1695, %gt3A_1773 : vector<16xi32>
    %lt3A_1775 = arith.constant 2048 : i32
    %lt3A_1776 = vector.broadcast %lt3A_1775 : i32 to vector<16xi32>
    %lt3A_1777 = arith.cmpi slt, %add3A_1771, %lt3A_1776 : vector<16xi32>
    %and3A_1778 = arith.andi %gt3A_1774, %lt3A_1777 : vector<16xi1>
    tpu.vector_store_idx %arg6[%add3A_1771], %add3A_1708 masked %and3A_1778 : memref<2080xi32, #tpu.memory_space<vmem>>[vector<16xi32>], vector<16xi32>, vector<16xi1>
    %get3A_1779 = arith.constant 256 : index
    %get3A_1780 = tpu.vector_load %arg5[%get3A_1779] {strides = array<i32>} : memref<512xi32, #tpu.memory_space<vmem>>, vector<16xi32>,
    %broadcast_in_dim3A_1781 = arith.constant true
    %broadcast_in_dim3A_1782 = vector.broadcast %broadcast_in_dim3A_1781 : i1 to vector<16xi1>
    %masked_cumsum3A_1783 = tpu.scan <sum>, %get3A_1780 masked %broadcast_in_dim3A_1782 : vector<16xi32>, vector<16xi1> -> vector<16xi32>
    %sub3A_1784 = arith.subi %masked_cumsum3A_1783, %get3A_1780 : vector<16xi32>
    %add3A_1785 = vector.broadcast %add3A_1704 : i32 to vector<16xi32>
    %add3A_1786 = arith.addi %sub3A_1784, %add3A_1785 : vector<16xi32>
    %slice3A_1787 = vector.extract_strided_slice %masked_cumsum3A_1783 {offsets = [15], sizes = [1], strides = [1]} : vector<16xi32> to vector<1xi32>
    %squeeze3A_1788 = vector.extract %slice3A_1787[0] : i32 from vector<1xi32>
    %add3A_1789 = arith.addi %add3A_1704, %squeeze3A_1788 : i32
    %add3A_1790 = arith.constant 256 : i32
    %add3A_1791 = arith.addi %mul3A_32, %add3A_1790 : i32
    %add3A_1792 = vector.broadcast %add3A_1791 : i32 to vector<16xi32>
    %add3A_1793 = arith.addi %iota3A, %add3A_1792 : vector<16xi32>
    %add3A_1794 = arith.constant 0 : i32
    %add3A_1795 = vector.broadcast %add3A_1794 : i32 to vector<16xi32>
    %add3A_1796 = arith.addi %add3A_1786, %add3A_1795 : vector<16xi32>
    %gt3A_1797 = arith.constant 0 : i32
    %gt3A_1798 = vector.broadcast %gt3A_1797 : i32 to vector<16xi32>
    %gt3A_1799 = arith.cmpi sgt, %get3A_1780, %gt3A_1798 : vector<16xi32>
    %lt3A_1800 = arith.constant 2048 : i32
    %lt3A_1801 = vector.broadcast %lt3A_1800 : i32 to vector<16xi32>
    %lt3A_1802 = arith.cmpi slt, %add3A_1796, %lt3A_1801 : vector<16xi32>
    %and3A_1803 = arith.andi %gt3A_1799, %lt3A_1802 : vector<16xi1>
    tpu.vector_store_idx %arg6[%add3A_1796], %add3A_1793 masked %and3A_1803 : memref<2080xi32, #tpu.memory_space<vmem>>[vector<16xi32>], vector<16xi32>, vector<16xi1>
    %add3A_1804 = arith.constant 1 : i32
    %add3A_1805 = vector.broadcast %add3A_1804 : i32 to vector<16xi32>
    %add3A_1806 = arith.addi %add3A_1786, %add3A_1805 : vector<16xi32>
    %gt3A_1807 = arith.constant 1 : i32
    %gt3A_1808 = vector.broadcast %gt3A_1807 : i32 to vector<16xi32>
    %gt3A_1809 = arith.cmpi sgt, %get3A_1780, %gt3A_1808 : vector<16xi32>
    %lt3A_1810 = arith.constant 2048 : i32
    %lt3A_1811 = vector.broadcast %lt3A_1810 : i32 to vector<16xi32>
    %lt3A_1812 = arith.cmpi slt, %add3A_1806, %lt3A_1811 : vector<16xi32>
    %and3A_1813 = arith.andi %gt3A_1809, %lt3A_1812 : vector<16xi1>
    tpu.vector_store_idx %arg6[%add3A_1806], %add3A_1793 masked %and3A_1813 : memref<2080xi32, #tpu.memory_space<vmem>>[vector<16xi32>], vector<16xi32>, vector<16xi1>
    %add3A_1814 = arith.constant 2 : i32
    %add3A_1815 = vector.broadcast %add3A_1814 : i32 to vector<16xi32>
    %add3A_1816 = arith.addi %add3A_1786, %add3A_1815 : vector<16xi32>
    %gt3A_1817 = arith.constant 2 : i32
    %gt3A_1818 = vector.broadcast %gt3A_1817 : i32 to vector<16xi32>
    %gt3A_1819 = arith.cmpi sgt, %get3A_1780, %gt3A_1818 : vector<16xi32>
    %lt3A_1820 = arith.constant 2048 : i32
    %lt3A_1821 = vector.broadcast %lt3A_1820 : i32 to vector<16xi32>
    %lt3A_1822 = arith.cmpi slt, %add3A_1816, %lt3A_1821 : vector<16xi32>
    %and3A_1823 = arith.andi %gt3A_1819, %lt3A_1822 : vector<16xi1>
    tpu.vector_store_idx %arg6[%add3A_1816], %add3A_1793 masked %and3A_1823 : memref<2080xi32, #tpu.memory_space<vmem>>[vector<16xi32>], vector<16xi32>, vector<16xi1>
    %add3A_1824 = arith.constant 3 : i32
    %add3A_1825 = vector.broadcast %add3A_1824 : i32 to vector<16xi32>
    %add3A_1826 = arith.addi %add3A_1786, %add3A_1825 : vector<16xi32>
    %gt3A_1827 = arith.constant 3 : i32
    %gt3A_1828 = vector.broadcast %gt3A_1827 : i32 to vector<16xi32>
    %gt3A_1829 = arith.cmpi sgt, %get3A_1780, %gt3A_1828 : vector<16xi32>
    %lt3A_1830 = arith.constant 2048 : i32
    %lt3A_1831 = vector.broadcast %lt3A_1830 : i32 to vector<16xi32>
    %lt3A_1832 = arith.cmpi slt, %add3A_1826, %lt3A_1831 : vector<16xi32>
    %and3A_1833 = arith.andi %gt3A_1829, %lt3A_1832 : vector<16xi1>
    tpu.vector_store_idx %arg6[%add3A_1826], %add3A_1793 masked %and3A_1833 : memref<2080xi32, #tpu.memory_space<vmem>>[vector<16xi32>], vector<16xi32>, vector<16xi1>
    %add3A_1834 = arith.constant 4 : i32
    %add3A_1835 = vector.broadcast %add3A_1834 : i32 to vector<16xi32>
    %add3A_1836 = arith.addi %add3A_1786, %add3A_1835 : vector<16xi32>
    %gt3A_1837 = arith.constant 4 : i32
    %gt3A_1838 = vector.broadcast %gt3A_1837 : i32 to vector<16xi32>
    %gt3A_1839 = arith.cmpi sgt, %get3A_1780, %gt3A_1838 : vector<16xi32>
    %lt3A_1840 = arith.constant 2048 : i32
    %lt3A_1841 = vector.broadcast %lt3A_1840 : i32 to vector<16xi32>
    %lt3A_1842 = arith.cmpi slt, %add3A_1836, %lt3A_1841 : vector<16xi32>
    %and3A_1843 = arith.andi %gt3A_1839, %lt3A_1842 : vector<16xi1>
    tpu.vector_store_idx %arg6[%add3A_1836], %add3A_1793 masked %and3A_1843 : memref<2080xi32, #tpu.memory_space<vmem>>[vector<16xi32>], vector<16xi32>, vector<16xi1>
    %add3A_1844 = arith.constant 5 : i32
    %add3A_1845 = vector.broadcast %add3A_1844 : i32 to vector<16xi32>
    %add3A_1846 = arith.addi %add3A_1786, %add3A_1845 : vector<16xi32>
    %gt3A_1847 = arith.constant 5 : i32
    %gt3A_1848 = vector.broadcast %gt3A_1847 : i32 to vector<16xi32>
    %gt3A_1849 = arith.cmpi sgt, %get3A_1780, %gt3A_1848 : vector<16xi32>
    %lt3A_1850 = arith.constant 2048 : i32
    %lt3A_1851 = vector.broadcast %lt3A_1850 : i32 to vector<16xi32>
    %lt3A_1852 = arith.cmpi slt, %add3A_1846, %lt3A_1851 : vector<16xi32>
    %and3A_1853 = arith.andi %gt3A_1849, %lt3A_1852 : vector<16xi1>
    tpu.vector_store_idx %arg6[%add3A_1846], %add3A_1793 masked %and3A_1853 : memref<2080xi32, #tpu.memory_space<vmem>>[vector<16xi32>], vector<16xi32>, vector<16xi1>
    %add3A_1854 = arith.constant 6 : i32
    %add3A_1855 = vector.broadcast %add3A_1854 : i32 to vector<16xi32>
    %add3A_1856 = arith.addi %add3A_1786, %add3A_1855 : vector<16xi32>
    %gt3A_1857 = arith.constant 6 : i32
    %gt3A_1858 = vector.broadcast %gt3A_1857 : i32 to vector<16xi32>
    %gt3A_1859 = arith.cmpi sgt, %get3A_1780, %gt3A_1858 : vector<16xi32>
    %lt3A_1860 = arith.constant 2048 : i32
    %lt3A_1861 = vector.broadcast %lt3A_1860 : i32 to vector<16xi32>
    %lt3A_1862 = arith.cmpi slt, %add3A_1856, %lt3A_1861 : vector<16xi32>
    %and3A_1863 = arith.andi %gt3A_1859, %lt3A_1862 : vector<16xi1>
    tpu.vector_store_idx %arg6[%add3A_1856], %add3A_1793 masked %and3A_1863 : memref<2080xi32, #tpu.memory_space<vmem>>[vector<16xi32>], vector<16xi32>, vector<16xi1>
    %get3A_1864 = arith.constant 272 : index
    %get3A_1865 = tpu.vector_load %arg5[%get3A_1864] {strides = array<i32>} : memref<512xi32, #tpu.memory_space<vmem>>, vector<16xi32>,
    %broadcast_in_dim3A_1866 = arith.constant true
    %broadcast_in_dim3A_1867 = vector.broadcast %broadcast_in_dim3A_1866 : i1 to vector<16xi1>
    %masked_cumsum3A_1868 = tpu.scan <sum>, %get3A_1865 masked %broadcast_in_dim3A_1867 : vector<16xi32>, vector<16xi1> -> vector<16xi32>
    %sub3A_1869 = arith.subi %masked_cumsum3A_1868, %get3A_1865 : vector<16xi32>
    %add3A_1870 = vector.broadcast %add3A_1789 : i32 to vector<16xi32>
    %add3A_1871 = arith.addi %sub3A_1869, %add3A_1870 : vector<16xi32>
    %slice3A_1872 = vector.extract_strided_slice %masked_cumsum3A_1868 {offsets = [15], sizes = [1], strides = [1]} : vector<16xi32> to vector<1xi32>
    %squeeze3A_1873 = vector.extract %slice3A_1872[0] : i32 from vector<1xi32>
    %add3A_1874 = arith.addi %add3A_1789, %squeeze3A_1873 : i32
    %add3A_1875 = arith.constant 272 : i32
    %add3A_1876 = arith.addi %mul3A_32, %add3A_1875 : i32
    %add3A_1877 = vector.broadcast %add3A_1876 : i32 to vector<16xi32>
    %add3A_1878 = arith.addi %iota3A, %add3A_1877 : vector<16xi32>
    %add3A_1879 = arith.constant 0 : i32
    %add3A_1880 = vector.broadcast %add3A_1879 : i32 to vector<16xi32>
    %add3A_1881 = arith.addi %add3A_1871, %add3A_1880 : vector<16xi32>
    %gt3A_1882 = arith.constant 0 : i32
    %gt3A_1883 = vector.broadcast %gt3A_1882 : i32 to vector<16xi32>
    %gt3A_1884 = arith.cmpi sgt, %get3A_1865, %gt3A_1883 : vector<16xi32>
    %lt3A_1885 = arith.constant 2048 : i32
    %lt3A_1886 = vector.broadcast %lt3A_1885 : i32 to vector<16xi32>
    %lt3A_1887 = arith.cmpi slt, %add3A_1881, %lt3A_1886 : vector<16xi32>
    %and3A_1888 = arith.andi %gt3A_1884, %lt3A_1887 : vector<16xi1>
    tpu.vector_store_idx %arg6[%add3A_1881], %add3A_1878 masked %and3A_1888 : memref<2080xi32, #tpu.memory_space<vmem>>[vector<16xi32>], vector<16xi32>, vector<16xi1>
    %add3A_1889 = arith.constant 1 : i32
    %add3A_1890 = vector.broadcast %add3A_1889 : i32 to vector<16xi32>
    %add3A_1891 = arith.addi %add3A_1871, %add3A_1890 : vector<16xi32>
    %gt3A_1892 = arith.constant 1 : i32
    %gt3A_1893 = vector.broadcast %gt3A_1892 : i32 to vector<16xi32>
    %gt3A_1894 = arith.cmpi sgt, %get3A_1865, %gt3A_1893 : vector<16xi32>
    %lt3A_1895 = arith.constant 2048 : i32
    %lt3A_1896 = vector.broadcast %lt3A_1895 : i32 to vector<16xi32>
    %lt3A_1897 = arith.cmpi slt, %add3A_1891, %lt3A_1896 : vector<16xi32>
    %and3A_1898 = arith.andi %gt3A_1894, %lt3A_1897 : vector<16xi1>
    tpu.vector_store_idx %arg6[%add3A_1891], %add3A_1878 masked %and3A_1898 : memref<2080xi32, #tpu.memory_space<vmem>>[vector<16xi32>], vector<16xi32>, vector<16xi1>
    %add3A_1899 = arith.constant 2 : i32
    %add3A_1900 = vector.broadcast %add3A_1899 : i32 to vector<16xi32>
    %add3A_1901 = arith.addi %add3A_1871, %add3A_1900 : vector<16xi32>
    %gt3A_1902 = arith.constant 2 : i32
    %gt3A_1903 = vector.broadcast %gt3A_1902 : i32 to vector<16xi32>
    %gt3A_1904 = arith.cmpi sgt, %get3A_1865, %gt3A_1903 : vector<16xi32>
    %lt3A_1905 = arith.constant 2048 : i32
    %lt3A_1906 = vector.broadcast %lt3A_1905 : i32 to vector<16xi32>
    %lt3A_1907 = arith.cmpi slt, %add3A_1901, %lt3A_1906 : vector<16xi32>
    %and3A_1908 = arith.andi %gt3A_1904, %lt3A_1907 : vector<16xi1>
    tpu.vector_store_idx %arg6[%add3A_1901], %add3A_1878 masked %and3A_1908 : memref<2080xi32, #tpu.memory_space<vmem>>[vector<16xi32>], vector<16xi32>, vector<16xi1>
    %add3A_1909 = arith.constant 3 : i32
    %add3A_1910 = vector.broadcast %add3A_1909 : i32 to vector<16xi32>
    %add3A_1911 = arith.addi %add3A_1871, %add3A_1910 : vector<16xi32>
    %gt3A_1912 = arith.constant 3 : i32
    %gt3A_1913 = vector.broadcast %gt3A_1912 : i32 to vector<16xi32>
    %gt3A_1914 = arith.cmpi sgt, %get3A_1865, %gt3A_1913 : vector<16xi32>
    %lt3A_1915 = arith.constant 2048 : i32
    %lt3A_1916 = vector.broadcast %lt3A_1915 : i32 to vector<16xi32>
    %lt3A_1917 = arith.cmpi slt, %add3A_1911, %lt3A_1916 : vector<16xi32>
    %and3A_1918 = arith.andi %gt3A_1914, %lt3A_1917 : vector<16xi1>
    tpu.vector_store_idx %arg6[%add3A_1911], %add3A_1878 masked %and3A_1918 : memref<2080xi32, #tpu.memory_space<vmem>>[vector<16xi32>], vector<16xi32>, vector<16xi1>
    %add3A_1919 = arith.constant 4 : i32
    %add3A_1920 = vector.broadcast %add3A_1919 : i32 to vector<16xi32>
    %add3A_1921 = arith.addi %add3A_1871, %add3A_1920 : vector<16xi32>
    %gt3A_1922 = arith.constant 4 : i32
    %gt3A_1923 = vector.broadcast %gt3A_1922 : i32 to vector<16xi32>
    %gt3A_1924 = arith.cmpi sgt, %get3A_1865, %gt3A_1923 : vector<16xi32>
    %lt3A_1925 = arith.constant 2048 : i32
    %lt3A_1926 = vector.broadcast %lt3A_1925 : i32 to vector<16xi32>
    %lt3A_1927 = arith.cmpi slt, %add3A_1921, %lt3A_1926 : vector<16xi32>
    %and3A_1928 = arith.andi %gt3A_1924, %lt3A_1927 : vector<16xi1>
    tpu.vector_store_idx %arg6[%add3A_1921], %add3A_1878 masked %and3A_1928 : memref<2080xi32, #tpu.memory_space<vmem>>[vector<16xi32>], vector<16xi32>, vector<16xi1>
    %add3A_1929 = arith.constant 5 : i32
    %add3A_1930 = vector.broadcast %add3A_1929 : i32 to vector<16xi32>
    %add3A_1931 = arith.addi %add3A_1871, %add3A_1930 : vector<16xi32>
    %gt3A_1932 = arith.constant 5 : i32
    %gt3A_1933 = vector.broadcast %gt3A_1932 : i32 to vector<16xi32>
    %gt3A_1934 = arith.cmpi sgt, %get3A_1865, %gt3A_1933 : vector<16xi32>
    %lt3A_1935 = arith.constant 2048 : i32
    %lt3A_1936 = vector.broadcast %lt3A_1935 : i32 to vector<16xi32>
    %lt3A_1937 = arith.cmpi slt, %add3A_1931, %lt3A_1936 : vector<16xi32>
    %and3A_1938 = arith.andi %gt3A_1934, %lt3A_1937 : vector<16xi1>
    tpu.vector_store_idx %arg6[%add3A_1931], %add3A_1878 masked %and3A_1938 : memref<2080xi32, #tpu.memory_space<vmem>>[vector<16xi32>], vector<16xi32>, vector<16xi1>
    %add3A_1939 = arith.constant 6 : i32
    %add3A_1940 = vector.broadcast %add3A_1939 : i32 to vector<16xi32>
    %add3A_1941 = arith.addi %add3A_1871, %add3A_1940 : vector<16xi32>
    %gt3A_1942 = arith.constant 6 : i32
    %gt3A_1943 = vector.broadcast %gt3A_1942 : i32 to vector<16xi32>
    %gt3A_1944 = arith.cmpi sgt, %get3A_1865, %gt3A_1943 : vector<16xi32>
    %lt3A_1945 = arith.constant 2048 : i32
    %lt3A_1946 = vector.broadcast %lt3A_1945 : i32 to vector<16xi32>
    %lt3A_1947 = arith.cmpi slt, %add3A_1941, %lt3A_1946 : vector<16xi32>
    %and3A_1948 = arith.andi %gt3A_1944, %lt3A_1947 : vector<16xi1>
    tpu.vector_store_idx %arg6[%add3A_1941], %add3A_1878 masked %and3A_1948 : memref<2080xi32, #tpu.memory_space<vmem>>[vector<16xi32>], vector<16xi32>, vector<16xi1>
    %get3A_1949 = arith.constant 288 : index
    %get3A_1950 = tpu.vector_load %arg5[%get3A_1949] {strides = array<i32>} : memref<512xi32, #tpu.memory_space<vmem>>, vector<16xi32>,
    %broadcast_in_dim3A_1951 = arith.constant true
    %broadcast_in_dim3A_1952 = vector.broadcast %broadcast_in_dim3A_1951 : i1 to vector<16xi1>
    %masked_cumsum3A_1953 = tpu.scan <sum>, %get3A_1950 masked %broadcast_in_dim3A_1952 : vector<16xi32>, vector<16xi1> -> vector<16xi32>
    %sub3A_1954 = arith.subi %masked_cumsum3A_1953, %get3A_1950 : vector<16xi32>
    %add3A_1955 = vector.broadcast %add3A_1874 : i32 to vector<16xi32>
    %add3A_1956 = arith.addi %sub3A_1954, %add3A_1955 : vector<16xi32>
    %slice3A_1957 = vector.extract_strided_slice %masked_cumsum3A_1953 {offsets = [15], sizes = [1], strides = [1]} : vector<16xi32> to vector<1xi32>
    %squeeze3A_1958 = vector.extract %slice3A_1957[0] : i32 from vector<1xi32>
    %add3A_1959 = arith.addi %add3A_1874, %squeeze3A_1958 : i32
    %add3A_1960 = arith.constant 288 : i32
    %add3A_1961 = arith.addi %mul3A_32, %add3A_1960 : i32
    %add3A_1962 = vector.broadcast %add3A_1961 : i32 to vector<16xi32>
    %add3A_1963 = arith.addi %iota3A, %add3A_1962 : vector<16xi32>
    %add3A_1964 = arith.constant 0 : i32
    %add3A_1965 = vector.broadcast %add3A_1964 : i32 to vector<16xi32>
    %add3A_1966 = arith.addi %add3A_1956, %add3A_1965 : vector<16xi32>
    %gt3A_1967 = arith.constant 0 : i32
    %gt3A_1968 = vector.broadcast %gt3A_1967 : i32 to vector<16xi32>
    %gt3A_1969 = arith.cmpi sgt, %get3A_1950, %gt3A_1968 : vector<16xi32>
    %lt3A_1970 = arith.constant 2048 : i32
    %lt3A_1971 = vector.broadcast %lt3A_1970 : i32 to vector<16xi32>
    %lt3A_1972 = arith.cmpi slt, %add3A_1966, %lt3A_1971 : vector<16xi32>
    %and3A_1973 = arith.andi %gt3A_1969, %lt3A_1972 : vector<16xi1>
    tpu.vector_store_idx %arg6[%add3A_1966], %add3A_1963 masked %and3A_1973 : memref<2080xi32, #tpu.memory_space<vmem>>[vector<16xi32>], vector<16xi32>, vector<16xi1>
    %add3A_1974 = arith.constant 1 : i32
    %add3A_1975 = vector.broadcast %add3A_1974 : i32 to vector<16xi32>
    %add3A_1976 = arith.addi %add3A_1956, %add3A_1975 : vector<16xi32>
    %gt3A_1977 = arith.constant 1 : i32
    %gt3A_1978 = vector.broadcast %gt3A_1977 : i32 to vector<16xi32>
    %gt3A_1979 = arith.cmpi sgt, %get3A_1950, %gt3A_1978 : vector<16xi32>
    %lt3A_1980 = arith.constant 2048 : i32
    %lt3A_1981 = vector.broadcast %lt3A_1980 : i32 to vector<16xi32>
    %lt3A_1982 = arith.cmpi slt, %add3A_1976, %lt3A_1981 : vector<16xi32>
    %and3A_1983 = arith.andi %gt3A_1979, %lt3A_1982 : vector<16xi1>
    tpu.vector_store_idx %arg6[%add3A_1976], %add3A_1963 masked %and3A_1983 : memref<2080xi32, #tpu.memory_space<vmem>>[vector<16xi32>], vector<16xi32>, vector<16xi1>
    %add3A_1984 = arith.constant 2 : i32
    %add3A_1985 = vector.broadcast %add3A_1984 : i32 to vector<16xi32>
    %add3A_1986 = arith.addi %add3A_1956, %add3A_1985 : vector<16xi32>
    %gt3A_1987 = arith.constant 2 : i32
    %gt3A_1988 = vector.broadcast %gt3A_1987 : i32 to vector<16xi32>
    %gt3A_1989 = arith.cmpi sgt, %get3A_1950, %gt3A_1988 : vector<16xi32>
    %lt3A_1990 = arith.constant 2048 : i32
    %lt3A_1991 = vector.broadcast %lt3A_1990 : i32 to vector<16xi32>
    %lt3A_1992 = arith.cmpi slt, %add3A_1986, %lt3A_1991 : vector<16xi32>
    %and3A_1993 = arith.andi %gt3A_1989, %lt3A_1992 : vector<16xi1>
    tpu.vector_store_idx %arg6[%add3A_1986], %add3A_1963 masked %and3A_1993 : memref<2080xi32, #tpu.memory_space<vmem>>[vector<16xi32>], vector<16xi32>, vector<16xi1>
    %add3A_1994 = arith.constant 3 : i32
    %add3A_1995 = vector.broadcast %add3A_1994 : i32 to vector<16xi32>
    %add3A_1996 = arith.addi %add3A_1956, %add3A_1995 : vector<16xi32>
    %gt3A_1997 = arith.constant 3 : i32
    %gt3A_1998 = vector.broadcast %gt3A_1997 : i32 to vector<16xi32>
    %gt3A_1999 = arith.cmpi sgt, %get3A_1950, %gt3A_1998 : vector<16xi32>
    %lt3A_2000 = arith.constant 2048 : i32
    %lt3A_2001 = vector.broadcast %lt3A_2000 : i32 to vector<16xi32>
    %lt3A_2002 = arith.cmpi slt, %add3A_1996, %lt3A_2001 : vector<16xi32>
    %and3A_2003 = arith.andi %gt3A_1999, %lt3A_2002 : vector<16xi1>
    tpu.vector_store_idx %arg6[%add3A_1996], %add3A_1963 masked %and3A_2003 : memref<2080xi32, #tpu.memory_space<vmem>>[vector<16xi32>], vector<16xi32>, vector<16xi1>
    %add3A_2004 = arith.constant 4 : i32
    %add3A_2005 = vector.broadcast %add3A_2004 : i32 to vector<16xi32>
    %add3A_2006 = arith.addi %add3A_1956, %add3A_2005 : vector<16xi32>
    %gt3A_2007 = arith.constant 4 : i32
    %gt3A_2008 = vector.broadcast %gt3A_2007 : i32 to vector<16xi32>
    %gt3A_2009 = arith.cmpi sgt, %get3A_1950, %gt3A_2008 : vector<16xi32>
    %lt3A_2010 = arith.constant 2048 : i32
    %lt3A_2011 = vector.broadcast %lt3A_2010 : i32 to vector<16xi32>
    %lt3A_2012 = arith.cmpi slt, %add3A_2006, %lt3A_2011 : vector<16xi32>
    %and3A_2013 = arith.andi %gt3A_2009, %lt3A_2012 : vector<16xi1>
    tpu.vector_store_idx %arg6[%add3A_2006], %add3A_1963 masked %and3A_2013 : memref<2080xi32, #tpu.memory_space<vmem>>[vector<16xi32>], vector<16xi32>, vector<16xi1>
    %add3A_2014 = arith.constant 5 : i32
    %add3A_2015 = vector.broadcast %add3A_2014 : i32 to vector<16xi32>
    %add3A_2016 = arith.addi %add3A_1956, %add3A_2015 : vector<16xi32>
    %gt3A_2017 = arith.constant 5 : i32
    %gt3A_2018 = vector.broadcast %gt3A_2017 : i32 to vector<16xi32>
    %gt3A_2019 = arith.cmpi sgt, %get3A_1950, %gt3A_2018 : vector<16xi32>
    %lt3A_2020 = arith.constant 2048 : i32
    %lt3A_2021 = vector.broadcast %lt3A_2020 : i32 to vector<16xi32>
    %lt3A_2022 = arith.cmpi slt, %add3A_2016, %lt3A_2021 : vector<16xi32>
    %and3A_2023 = arith.andi %gt3A_2019, %lt3A_2022 : vector<16xi1>
    tpu.vector_store_idx %arg6[%add3A_2016], %add3A_1963 masked %and3A_2023 : memref<2080xi32, #tpu.memory_space<vmem>>[vector<16xi32>], vector<16xi32>, vector<16xi1>
    %add3A_2024 = arith.constant 6 : i32
    %add3A_2025 = vector.broadcast %add3A_2024 : i32 to vector<16xi32>
    %add3A_2026 = arith.addi %add3A_1956, %add3A_2025 : vector<16xi32>
    %gt3A_2027 = arith.constant 6 : i32
    %gt3A_2028 = vector.broadcast %gt3A_2027 : i32 to vector<16xi32>
    %gt3A_2029 = arith.cmpi sgt, %get3A_1950, %gt3A_2028 : vector<16xi32>
    %lt3A_2030 = arith.constant 2048 : i32
    %lt3A_2031 = vector.broadcast %lt3A_2030 : i32 to vector<16xi32>
    %lt3A_2032 = arith.cmpi slt, %add3A_2026, %lt3A_2031 : vector<16xi32>
    %and3A_2033 = arith.andi %gt3A_2029, %lt3A_2032 : vector<16xi1>
    tpu.vector_store_idx %arg6[%add3A_2026], %add3A_1963 masked %and3A_2033 : memref<2080xi32, #tpu.memory_space<vmem>>[vector<16xi32>], vector<16xi32>, vector<16xi1>
    %get3A_2034 = arith.constant 304 : index
    %get3A_2035 = tpu.vector_load %arg5[%get3A_2034] {strides = array<i32>} : memref<512xi32, #tpu.memory_space<vmem>>, vector<16xi32>,
    %broadcast_in_dim3A_2036 = arith.constant true
    %broadcast_in_dim3A_2037 = vector.broadcast %broadcast_in_dim3A_2036 : i1 to vector<16xi1>
    %masked_cumsum3A_2038 = tpu.scan <sum>, %get3A_2035 masked %broadcast_in_dim3A_2037 : vector<16xi32>, vector<16xi1> -> vector<16xi32>
    %sub3A_2039 = arith.subi %masked_cumsum3A_2038, %get3A_2035 : vector<16xi32>
    %add3A_2040 = vector.broadcast %add3A_1959 : i32 to vector<16xi32>
    %add3A_2041 = arith.addi %sub3A_2039, %add3A_2040 : vector<16xi32>
    %slice3A_2042 = vector.extract_strided_slice %masked_cumsum3A_2038 {offsets = [15], sizes = [1], strides = [1]} : vector<16xi32> to vector<1xi32>
    %squeeze3A_2043 = vector.extract %slice3A_2042[0] : i32 from vector<1xi32>
    %add3A_2044 = arith.addi %add3A_1959, %squeeze3A_2043 : i32
    %add3A_2045 = arith.constant 304 : i32
    %add3A_2046 = arith.addi %mul3A_32, %add3A_2045 : i32
    %add3A_2047 = vector.broadcast %add3A_2046 : i32 to vector<16xi32>
    %add3A_2048 = arith.addi %iota3A, %add3A_2047 : vector<16xi32>
    %add3A_2049 = arith.constant 0 : i32
    %add3A_2050 = vector.broadcast %add3A_2049 : i32 to vector<16xi32>
    %add3A_2051 = arith.addi %add3A_2041, %add3A_2050 : vector<16xi32>
    %gt3A_2052 = arith.constant 0 : i32
    %gt3A_2053 = vector.broadcast %gt3A_2052 : i32 to vector<16xi32>
    %gt3A_2054 = arith.cmpi sgt, %get3A_2035, %gt3A_2053 : vector<16xi32>
    %lt3A_2055 = arith.constant 2048 : i32
    %lt3A_2056 = vector.broadcast %lt3A_2055 : i32 to vector<16xi32>
    %lt3A_2057 = arith.cmpi slt, %add3A_2051, %lt3A_2056 : vector<16xi32>
    %and3A_2058 = arith.andi %gt3A_2054, %lt3A_2057 : vector<16xi1>
    tpu.vector_store_idx %arg6[%add3A_2051], %add3A_2048 masked %and3A_2058 : memref<2080xi32, #tpu.memory_space<vmem>>[vector<16xi32>], vector<16xi32>, vector<16xi1>
    %add3A_2059 = arith.constant 1 : i32
    %add3A_2060 = vector.broadcast %add3A_2059 : i32 to vector<16xi32>
    %add3A_2061 = arith.addi %add3A_2041, %add3A_2060 : vector<16xi32>
    %gt3A_2062 = arith.constant 1 : i32
    %gt3A_2063 = vector.broadcast %gt3A_2062 : i32 to vector<16xi32>
    %gt3A_2064 = arith.cmpi sgt, %get3A_2035, %gt3A_2063 : vector<16xi32>
    %lt3A_2065 = arith.constant 2048 : i32
    %lt3A_2066 = vector.broadcast %lt3A_2065 : i32 to vector<16xi32>
    %lt3A_2067 = arith.cmpi slt, %add3A_2061, %lt3A_2066 : vector<16xi32>
    %and3A_2068 = arith.andi %gt3A_2064, %lt3A_2067 : vector<16xi1>
    tpu.vector_store_idx %arg6[%add3A_2061], %add3A_2048 masked %and3A_2068 : memref<2080xi32, #tpu.memory_space<vmem>>[vector<16xi32>], vector<16xi32>, vector<16xi1>
    %add3A_2069 = arith.constant 2 : i32
    %add3A_2070 = vector.broadcast %add3A_2069 : i32 to vector<16xi32>
    %add3A_2071 = arith.addi %add3A_2041, %add3A_2070 : vector<16xi32>
    %gt3A_2072 = arith.constant 2 : i32
    %gt3A_2073 = vector.broadcast %gt3A_2072 : i32 to vector<16xi32>
    %gt3A_2074 = arith.cmpi sgt, %get3A_2035, %gt3A_2073 : vector<16xi32>
    %lt3A_2075 = arith.constant 2048 : i32
    %lt3A_2076 = vector.broadcast %lt3A_2075 : i32 to vector<16xi32>
    %lt3A_2077 = arith.cmpi slt, %add3A_2071, %lt3A_2076 : vector<16xi32>
    %and3A_2078 = arith.andi %gt3A_2074, %lt3A_2077 : vector<16xi1>
    tpu.vector_store_idx %arg6[%add3A_2071], %add3A_2048 masked %and3A_2078 : memref<2080xi32, #tpu.memory_space<vmem>>[vector<16xi32>], vector<16xi32>, vector<16xi1>
    %add3A_2079 = arith.constant 3 : i32
    %add3A_2080 = vector.broadcast %add3A_2079 : i32 to vector<16xi32>
    %add3A_2081 = arith.addi %add3A_2041, %add3A_2080 : vector<16xi32>
    %gt3A_2082 = arith.constant 3 : i32
    %gt3A_2083 = vector.broadcast %gt3A_2082 : i32 to vector<16xi32>
    %gt3A_2084 = arith.cmpi sgt, %get3A_2035, %gt3A_2083 : vector<16xi32>
    %lt3A_2085 = arith.constant 2048 : i32
    %lt3A_2086 = vector.broadcast %lt3A_2085 : i32 to vector<16xi32>
    %lt3A_2087 = arith.cmpi slt, %add3A_2081, %lt3A_2086 : vector<16xi32>
    %and3A_2088 = arith.andi %gt3A_2084, %lt3A_2087 : vector<16xi1>
    tpu.vector_store_idx %arg6[%add3A_2081], %add3A_2048 masked %and3A_2088 : memref<2080xi32, #tpu.memory_space<vmem>>[vector<16xi32>], vector<16xi32>, vector<16xi1>
    %add3A_2089 = arith.constant 4 : i32
    %add3A_2090 = vector.broadcast %add3A_2089 : i32 to vector<16xi32>
    %add3A_2091 = arith.addi %add3A_2041, %add3A_2090 : vector<16xi32>
    %gt3A_2092 = arith.constant 4 : i32
    %gt3A_2093 = vector.broadcast %gt3A_2092 : i32 to vector<16xi32>
    %gt3A_2094 = arith.cmpi sgt, %get3A_2035, %gt3A_2093 : vector<16xi32>
    %lt3A_2095 = arith.constant 2048 : i32
    %lt3A_2096 = vector.broadcast %lt3A_2095 : i32 to vector<16xi32>
    %lt3A_2097 = arith.cmpi slt, %add3A_2091, %lt3A_2096 : vector<16xi32>
    %and3A_2098 = arith.andi %gt3A_2094, %lt3A_2097 : vector<16xi1>
    tpu.vector_store_idx %arg6[%add3A_2091], %add3A_2048 masked %and3A_2098 : memref<2080xi32, #tpu.memory_space<vmem>>[vector<16xi32>], vector<16xi32>, vector<16xi1>
    %add3A_2099 = arith.constant 5 : i32
    %add3A_2100 = vector.broadcast %add3A_2099 : i32 to vector<16xi32>
    %add3A_2101 = arith.addi %add3A_2041, %add3A_2100 : vector<16xi32>
    %gt3A_2102 = arith.constant 5 : i32
    %gt3A_2103 = vector.broadcast %gt3A_2102 : i32 to vector<16xi32>
    %gt3A_2104 = arith.cmpi sgt, %get3A_2035, %gt3A_2103 : vector<16xi32>
    %lt3A_2105 = arith.constant 2048 : i32
    %lt3A_2106 = vector.broadcast %lt3A_2105 : i32 to vector<16xi32>
    %lt3A_2107 = arith.cmpi slt, %add3A_2101, %lt3A_2106 : vector<16xi32>
    %and3A_2108 = arith.andi %gt3A_2104, %lt3A_2107 : vector<16xi1>
    tpu.vector_store_idx %arg6[%add3A_2101], %add3A_2048 masked %and3A_2108 : memref<2080xi32, #tpu.memory_space<vmem>>[vector<16xi32>], vector<16xi32>, vector<16xi1>
    %add3A_2109 = arith.constant 6 : i32
    %add3A_2110 = vector.broadcast %add3A_2109 : i32 to vector<16xi32>
    %add3A_2111 = arith.addi %add3A_2041, %add3A_2110 : vector<16xi32>
    %gt3A_2112 = arith.constant 6 : i32
    %gt3A_2113 = vector.broadcast %gt3A_2112 : i32 to vector<16xi32>
    %gt3A_2114 = arith.cmpi sgt, %get3A_2035, %gt3A_2113 : vector<16xi32>
    %lt3A_2115 = arith.constant 2048 : i32
    %lt3A_2116 = vector.broadcast %lt3A_2115 : i32 to vector<16xi32>
    %lt3A_2117 = arith.cmpi slt, %add3A_2111, %lt3A_2116 : vector<16xi32>
    %and3A_2118 = arith.andi %gt3A_2114, %lt3A_2117 : vector<16xi1>
    tpu.vector_store_idx %arg6[%add3A_2111], %add3A_2048 masked %and3A_2118 : memref<2080xi32, #tpu.memory_space<vmem>>[vector<16xi32>], vector<16xi32>, vector<16xi1>
    %get3A_2119 = arith.constant 320 : index
    %get3A_2120 = tpu.vector_load %arg5[%get3A_2119] {strides = array<i32>} : memref<512xi32, #tpu.memory_space<vmem>>, vector<16xi32>,
    %broadcast_in_dim3A_2121 = arith.constant true
    %broadcast_in_dim3A_2122 = vector.broadcast %broadcast_in_dim3A_2121 : i1 to vector<16xi1>
    %masked_cumsum3A_2123 = tpu.scan <sum>, %get3A_2120 masked %broadcast_in_dim3A_2122 : vector<16xi32>, vector<16xi1> -> vector<16xi32>
    %sub3A_2124 = arith.subi %masked_cumsum3A_2123, %get3A_2120 : vector<16xi32>
    %add3A_2125 = vector.broadcast %add3A_2044 : i32 to vector<16xi32>
    %add3A_2126 = arith.addi %sub3A_2124, %add3A_2125 : vector<16xi32>
    %slice3A_2127 = vector.extract_strided_slice %masked_cumsum3A_2123 {offsets = [15], sizes = [1], strides = [1]} : vector<16xi32> to vector<1xi32>
    %squeeze3A_2128 = vector.extract %slice3A_2127[0] : i32 from vector<1xi32>
    %add3A_2129 = arith.addi %add3A_2044, %squeeze3A_2128 : i32
    %add3A_2130 = arith.constant 320 : i32
    %add3A_2131 = arith.addi %mul3A_32, %add3A_2130 : i32
    %add3A_2132 = vector.broadcast %add3A_2131 : i32 to vector<16xi32>
    %add3A_2133 = arith.addi %iota3A, %add3A_2132 : vector<16xi32>
    %add3A_2134 = arith.constant 0 : i32
    %add3A_2135 = vector.broadcast %add3A_2134 : i32 to vector<16xi32>
    %add3A_2136 = arith.addi %add3A_2126, %add3A_2135 : vector<16xi32>
    %gt3A_2137 = arith.constant 0 : i32
    %gt3A_2138 = vector.broadcast %gt3A_2137 : i32 to vector<16xi32>
    %gt3A_2139 = arith.cmpi sgt, %get3A_2120, %gt3A_2138 : vector<16xi32>
    %lt3A_2140 = arith.constant 2048 : i32
    %lt3A_2141 = vector.broadcast %lt3A_2140 : i32 to vector<16xi32>
    %lt3A_2142 = arith.cmpi slt, %add3A_2136, %lt3A_2141 : vector<16xi32>
    %and3A_2143 = arith.andi %gt3A_2139, %lt3A_2142 : vector<16xi1>
    tpu.vector_store_idx %arg6[%add3A_2136], %add3A_2133 masked %and3A_2143 : memref<2080xi32, #tpu.memory_space<vmem>>[vector<16xi32>], vector<16xi32>, vector<16xi1>
    %add3A_2144 = arith.constant 1 : i32
    %add3A_2145 = vector.broadcast %add3A_2144 : i32 to vector<16xi32>
    %add3A_2146 = arith.addi %add3A_2126, %add3A_2145 : vector<16xi32>
    %gt3A_2147 = arith.constant 1 : i32
    %gt3A_2148 = vector.broadcast %gt3A_2147 : i32 to vector<16xi32>
    %gt3A_2149 = arith.cmpi sgt, %get3A_2120, %gt3A_2148 : vector<16xi32>
    %lt3A_2150 = arith.constant 2048 : i32
    %lt3A_2151 = vector.broadcast %lt3A_2150 : i32 to vector<16xi32>
    %lt3A_2152 = arith.cmpi slt, %add3A_2146, %lt3A_2151 : vector<16xi32>
    %and3A_2153 = arith.andi %gt3A_2149, %lt3A_2152 : vector<16xi1>
    tpu.vector_store_idx %arg6[%add3A_2146], %add3A_2133 masked %and3A_2153 : memref<2080xi32, #tpu.memory_space<vmem>>[vector<16xi32>], vector<16xi32>, vector<16xi1>
    %add3A_2154 = arith.constant 2 : i32
    %add3A_2155 = vector.broadcast %add3A_2154 : i32 to vector<16xi32>
    %add3A_2156 = arith.addi %add3A_2126, %add3A_2155 : vector<16xi32>
    %gt3A_2157 = arith.constant 2 : i32
    %gt3A_2158 = vector.broadcast %gt3A_2157 : i32 to vector<16xi32>
    %gt3A_2159 = arith.cmpi sgt, %get3A_2120, %gt3A_2158 : vector<16xi32>
    %lt3A_2160 = arith.constant 2048 : i32
    %lt3A_2161 = vector.broadcast %lt3A_2160 : i32 to vector<16xi32>
    %lt3A_2162 = arith.cmpi slt, %add3A_2156, %lt3A_2161 : vector<16xi32>
    %and3A_2163 = arith.andi %gt3A_2159, %lt3A_2162 : vector<16xi1>
    tpu.vector_store_idx %arg6[%add3A_2156], %add3A_2133 masked %and3A_2163 : memref<2080xi32, #tpu.memory_space<vmem>>[vector<16xi32>], vector<16xi32>, vector<16xi1>
    %add3A_2164 = arith.constant 3 : i32
    %add3A_2165 = vector.broadcast %add3A_2164 : i32 to vector<16xi32>
    %add3A_2166 = arith.addi %add3A_2126, %add3A_2165 : vector<16xi32>
    %gt3A_2167 = arith.constant 3 : i32
    %gt3A_2168 = vector.broadcast %gt3A_2167 : i32 to vector<16xi32>
    %gt3A_2169 = arith.cmpi sgt, %get3A_2120, %gt3A_2168 : vector<16xi32>
    %lt3A_2170 = arith.constant 2048 : i32
    %lt3A_2171 = vector.broadcast %lt3A_2170 : i32 to vector<16xi32>
    %lt3A_2172 = arith.cmpi slt, %add3A_2166, %lt3A_2171 : vector<16xi32>
    %and3A_2173 = arith.andi %gt3A_2169, %lt3A_2172 : vector<16xi1>
    tpu.vector_store_idx %arg6[%add3A_2166], %add3A_2133 masked %and3A_2173 : memref<2080xi32, #tpu.memory_space<vmem>>[vector<16xi32>], vector<16xi32>, vector<16xi1>
    %add3A_2174 = arith.constant 4 : i32
    %add3A_2175 = vector.broadcast %add3A_2174 : i32 to vector<16xi32>
    %add3A_2176 = arith.addi %add3A_2126, %add3A_2175 : vector<16xi32>
    %gt3A_2177 = arith.constant 4 : i32
    %gt3A_2178 = vector.broadcast %gt3A_2177 : i32 to vector<16xi32>
    %gt3A_2179 = arith.cmpi sgt, %get3A_2120, %gt3A_2178 : vector<16xi32>
    %lt3A_2180 = arith.constant 2048 : i32
    %lt3A_2181 = vector.broadcast %lt3A_2180 : i32 to vector<16xi32>
    %lt3A_2182 = arith.cmpi slt, %add3A_2176, %lt3A_2181 : vector<16xi32>
    %and3A_2183 = arith.andi %gt3A_2179, %lt3A_2182 : vector<16xi1>
    tpu.vector_store_idx %arg6[%add3A_2176], %add3A_2133 masked %and3A_2183 : memref<2080xi32, #tpu.memory_space<vmem>>[vector<16xi32>], vector<16xi32>, vector<16xi1>
    %add3A_2184 = arith.constant 5 : i32
    %add3A_2185 = vector.broadcast %add3A_2184 : i32 to vector<16xi32>
    %add3A_2186 = arith.addi %add3A_2126, %add3A_2185 : vector<16xi32>
    %gt3A_2187 = arith.constant 5 : i32
    %gt3A_2188 = vector.broadcast %gt3A_2187 : i32 to vector<16xi32>
    %gt3A_2189 = arith.cmpi sgt, %get3A_2120, %gt3A_2188 : vector<16xi32>
    %lt3A_2190 = arith.constant 2048 : i32
    %lt3A_2191 = vector.broadcast %lt3A_2190 : i32 to vector<16xi32>
    %lt3A_2192 = arith.cmpi slt, %add3A_2186, %lt3A_2191 : vector<16xi32>
    %and3A_2193 = arith.andi %gt3A_2189, %lt3A_2192 : vector<16xi1>
    tpu.vector_store_idx %arg6[%add3A_2186], %add3A_2133 masked %and3A_2193 : memref<2080xi32, #tpu.memory_space<vmem>>[vector<16xi32>], vector<16xi32>, vector<16xi1>
    %add3A_2194 = arith.constant 6 : i32
    %add3A_2195 = vector.broadcast %add3A_2194 : i32 to vector<16xi32>
    %add3A_2196 = arith.addi %add3A_2126, %add3A_2195 : vector<16xi32>
    %gt3A_2197 = arith.constant 6 : i32
    %gt3A_2198 = vector.broadcast %gt3A_2197 : i32 to vector<16xi32>
    %gt3A_2199 = arith.cmpi sgt, %get3A_2120, %gt3A_2198 : vector<16xi32>
    %lt3A_2200 = arith.constant 2048 : i32
    %lt3A_2201 = vector.broadcast %lt3A_2200 : i32 to vector<16xi32>
    %lt3A_2202 = arith.cmpi slt, %add3A_2196, %lt3A_2201 : vector<16xi32>
    %and3A_2203 = arith.andi %gt3A_2199, %lt3A_2202 : vector<16xi1>
    tpu.vector_store_idx %arg6[%add3A_2196], %add3A_2133 masked %and3A_2203 : memref<2080xi32, #tpu.memory_space<vmem>>[vector<16xi32>], vector<16xi32>, vector<16xi1>
    %get3A_2204 = arith.constant 336 : index
    %get3A_2205 = tpu.vector_load %arg5[%get3A_2204] {strides = array<i32>} : memref<512xi32, #tpu.memory_space<vmem>>, vector<16xi32>,
    %broadcast_in_dim3A_2206 = arith.constant true
    %broadcast_in_dim3A_2207 = vector.broadcast %broadcast_in_dim3A_2206 : i1 to vector<16xi1>
    %masked_cumsum3A_2208 = tpu.scan <sum>, %get3A_2205 masked %broadcast_in_dim3A_2207 : vector<16xi32>, vector<16xi1> -> vector<16xi32>
    %sub3A_2209 = arith.subi %masked_cumsum3A_2208, %get3A_2205 : vector<16xi32>
    %add3A_2210 = vector.broadcast %add3A_2129 : i32 to vector<16xi32>
    %add3A_2211 = arith.addi %sub3A_2209, %add3A_2210 : vector<16xi32>
    %slice3A_2212 = vector.extract_strided_slice %masked_cumsum3A_2208 {offsets = [15], sizes = [1], strides = [1]} : vector<16xi32> to vector<1xi32>
    %squeeze3A_2213 = vector.extract %slice3A_2212[0] : i32 from vector<1xi32>
    %add3A_2214 = arith.addi %add3A_2129, %squeeze3A_2213 : i32
    %add3A_2215 = arith.constant 336 : i32
    %add3A_2216 = arith.addi %mul3A_32, %add3A_2215 : i32
    %add3A_2217 = vector.broadcast %add3A_2216 : i32 to vector<16xi32>
    %add3A_2218 = arith.addi %iota3A, %add3A_2217 : vector<16xi32>
    %add3A_2219 = arith.constant 0 : i32
    %add3A_2220 = vector.broadcast %add3A_2219 : i32 to vector<16xi32>
    %add3A_2221 = arith.addi %add3A_2211, %add3A_2220 : vector<16xi32>
    %gt3A_2222 = arith.constant 0 : i32
    %gt3A_2223 = vector.broadcast %gt3A_2222 : i32 to vector<16xi32>
    %gt3A_2224 = arith.cmpi sgt, %get3A_2205, %gt3A_2223 : vector<16xi32>
    %lt3A_2225 = arith.constant 2048 : i32
    %lt3A_2226 = vector.broadcast %lt3A_2225 : i32 to vector<16xi32>
    %lt3A_2227 = arith.cmpi slt, %add3A_2221, %lt3A_2226 : vector<16xi32>
    %and3A_2228 = arith.andi %gt3A_2224, %lt3A_2227 : vector<16xi1>
    tpu.vector_store_idx %arg6[%add3A_2221], %add3A_2218 masked %and3A_2228 : memref<2080xi32, #tpu.memory_space<vmem>>[vector<16xi32>], vector<16xi32>, vector<16xi1>
    %add3A_2229 = arith.constant 1 : i32
    %add3A_2230 = vector.broadcast %add3A_2229 : i32 to vector<16xi32>
    %add3A_2231 = arith.addi %add3A_2211, %add3A_2230 : vector<16xi32>
    %gt3A_2232 = arith.constant 1 : i32
    %gt3A_2233 = vector.broadcast %gt3A_2232 : i32 to vector<16xi32>
    %gt3A_2234 = arith.cmpi sgt, %get3A_2205, %gt3A_2233 : vector<16xi32>
    %lt3A_2235 = arith.constant 2048 : i32
    %lt3A_2236 = vector.broadcast %lt3A_2235 : i32 to vector<16xi32>
    %lt3A_2237 = arith.cmpi slt, %add3A_2231, %lt3A_2236 : vector<16xi32>
    %and3A_2238 = arith.andi %gt3A_2234, %lt3A_2237 : vector<16xi1>
    tpu.vector_store_idx %arg6[%add3A_2231], %add3A_2218 masked %and3A_2238 : memref<2080xi32, #tpu.memory_space<vmem>>[vector<16xi32>], vector<16xi32>, vector<16xi1>
    %add3A_2239 = arith.constant 2 : i32
    %add3A_2240 = vector.broadcast %add3A_2239 : i32 to vector<16xi32>
    %add3A_2241 = arith.addi %add3A_2211, %add3A_2240 : vector<16xi32>
    %gt3A_2242 = arith.constant 2 : i32
    %gt3A_2243 = vector.broadcast %gt3A_2242 : i32 to vector<16xi32>
    %gt3A_2244 = arith.cmpi sgt, %get3A_2205, %gt3A_2243 : vector<16xi32>
    %lt3A_2245 = arith.constant 2048 : i32
    %lt3A_2246 = vector.broadcast %lt3A_2245 : i32 to vector<16xi32>
    %lt3A_2247 = arith.cmpi slt, %add3A_2241, %lt3A_2246 : vector<16xi32>
    %and3A_2248 = arith.andi %gt3A_2244, %lt3A_2247 : vector<16xi1>
    tpu.vector_store_idx %arg6[%add3A_2241], %add3A_2218 masked %and3A_2248 : memref<2080xi32, #tpu.memory_space<vmem>>[vector<16xi32>], vector<16xi32>, vector<16xi1>
    %add3A_2249 = arith.constant 3 : i32
    %add3A_2250 = vector.broadcast %add3A_2249 : i32 to vector<16xi32>
    %add3A_2251 = arith.addi %add3A_2211, %add3A_2250 : vector<16xi32>
    %gt3A_2252 = arith.constant 3 : i32
    %gt3A_2253 = vector.broadcast %gt3A_2252 : i32 to vector<16xi32>
    %gt3A_2254 = arith.cmpi sgt, %get3A_2205, %gt3A_2253 : vector<16xi32>
    %lt3A_2255 = arith.constant 2048 : i32
    %lt3A_2256 = vector.broadcast %lt3A_2255 : i32 to vector<16xi32>
    %lt3A_2257 = arith.cmpi slt, %add3A_2251, %lt3A_2256 : vector<16xi32>
    %and3A_2258 = arith.andi %gt3A_2254, %lt3A_2257 : vector<16xi1>
    tpu.vector_store_idx %arg6[%add3A_2251], %add3A_2218 masked %and3A_2258 : memref<2080xi32, #tpu.memory_space<vmem>>[vector<16xi32>], vector<16xi32>, vector<16xi1>
    %add3A_2259 = arith.constant 4 : i32
    %add3A_2260 = vector.broadcast %add3A_2259 : i32 to vector<16xi32>
    %add3A_2261 = arith.addi %add3A_2211, %add3A_2260 : vector<16xi32>
    %gt3A_2262 = arith.constant 4 : i32
    %gt3A_2263 = vector.broadcast %gt3A_2262 : i32 to vector<16xi32>
    %gt3A_2264 = arith.cmpi sgt, %get3A_2205, %gt3A_2263 : vector<16xi32>
    %lt3A_2265 = arith.constant 2048 : i32
    %lt3A_2266 = vector.broadcast %lt3A_2265 : i32 to vector<16xi32>
    %lt3A_2267 = arith.cmpi slt, %add3A_2261, %lt3A_2266 : vector<16xi32>
    %and3A_2268 = arith.andi %gt3A_2264, %lt3A_2267 : vector<16xi1>
    tpu.vector_store_idx %arg6[%add3A_2261], %add3A_2218 masked %and3A_2268 : memref<2080xi32, #tpu.memory_space<vmem>>[vector<16xi32>], vector<16xi32>, vector<16xi1>
    %add3A_2269 = arith.constant 5 : i32
    %add3A_2270 = vector.broadcast %add3A_2269 : i32 to vector<16xi32>
    %add3A_2271 = arith.addi %add3A_2211, %add3A_2270 : vector<16xi32>
    %gt3A_2272 = arith.constant 5 : i32
    %gt3A_2273 = vector.broadcast %gt3A_2272 : i32 to vector<16xi32>
    %gt3A_2274 = arith.cmpi sgt, %get3A_2205, %gt3A_2273 : vector<16xi32>
    %lt3A_2275 = arith.constant 2048 : i32
    %lt3A_2276 = vector.broadcast %lt3A_2275 : i32 to vector<16xi32>
    %lt3A_2277 = arith.cmpi slt, %add3A_2271, %lt3A_2276 : vector<16xi32>
    %and3A_2278 = arith.andi %gt3A_2274, %lt3A_2277 : vector<16xi1>
    tpu.vector_store_idx %arg6[%add3A_2271], %add3A_2218 masked %and3A_2278 : memref<2080xi32, #tpu.memory_space<vmem>>[vector<16xi32>], vector<16xi32>, vector<16xi1>
    %add3A_2279 = arith.constant 6 : i32
    %add3A_2280 = vector.broadcast %add3A_2279 : i32 to vector<16xi32>
    %add3A_2281 = arith.addi %add3A_2211, %add3A_2280 : vector<16xi32>
    %gt3A_2282 = arith.constant 6 : i32
    %gt3A_2283 = vector.broadcast %gt3A_2282 : i32 to vector<16xi32>
    %gt3A_2284 = arith.cmpi sgt, %get3A_2205, %gt3A_2283 : vector<16xi32>
    %lt3A_2285 = arith.constant 2048 : i32
    %lt3A_2286 = vector.broadcast %lt3A_2285 : i32 to vector<16xi32>
    %lt3A_2287 = arith.cmpi slt, %add3A_2281, %lt3A_2286 : vector<16xi32>
    %and3A_2288 = arith.andi %gt3A_2284, %lt3A_2287 : vector<16xi1>
    tpu.vector_store_idx %arg6[%add3A_2281], %add3A_2218 masked %and3A_2288 : memref<2080xi32, #tpu.memory_space<vmem>>[vector<16xi32>], vector<16xi32>, vector<16xi1>
    %get3A_2289 = arith.constant 352 : index
    %get3A_2290 = tpu.vector_load %arg5[%get3A_2289] {strides = array<i32>} : memref<512xi32, #tpu.memory_space<vmem>>, vector<16xi32>,
    %broadcast_in_dim3A_2291 = arith.constant true
    %broadcast_in_dim3A_2292 = vector.broadcast %broadcast_in_dim3A_2291 : i1 to vector<16xi1>
    %masked_cumsum3A_2293 = tpu.scan <sum>, %get3A_2290 masked %broadcast_in_dim3A_2292 : vector<16xi32>, vector<16xi1> -> vector<16xi32>
    %sub3A_2294 = arith.subi %masked_cumsum3A_2293, %get3A_2290 : vector<16xi32>
    %add3A_2295 = vector.broadcast %add3A_2214 : i32 to vector<16xi32>
    %add3A_2296 = arith.addi %sub3A_2294, %add3A_2295 : vector<16xi32>
    %slice3A_2297 = vector.extract_strided_slice %masked_cumsum3A_2293 {offsets = [15], sizes = [1], strides = [1]} : vector<16xi32> to vector<1xi32>
    %squeeze3A_2298 = vector.extract %slice3A_2297[0] : i32 from vector<1xi32>
    %add3A_2299 = arith.addi %add3A_2214, %squeeze3A_2298 : i32
    %add3A_2300 = arith.constant 352 : i32
    %add3A_2301 = arith.addi %mul3A_32, %add3A_2300 : i32
    %add3A_2302 = vector.broadcast %add3A_2301 : i32 to vector<16xi32>
    %add3A_2303 = arith.addi %iota3A, %add3A_2302 : vector<16xi32>
    %add3A_2304 = arith.constant 0 : i32
    %add3A_2305 = vector.broadcast %add3A_2304 : i32 to vector<16xi32>
    %add3A_2306 = arith.addi %add3A_2296, %add3A_2305 : vector<16xi32>
    %gt3A_2307 = arith.constant 0 : i32
    %gt3A_2308 = vector.broadcast %gt3A_2307 : i32 to vector<16xi32>
    %gt3A_2309 = arith.cmpi sgt, %get3A_2290, %gt3A_2308 : vector<16xi32>
    %lt3A_2310 = arith.constant 2048 : i32
    %lt3A_2311 = vector.broadcast %lt3A_2310 : i32 to vector<16xi32>
    %lt3A_2312 = arith.cmpi slt, %add3A_2306, %lt3A_2311 : vector<16xi32>
    %and3A_2313 = arith.andi %gt3A_2309, %lt3A_2312 : vector<16xi1>
    tpu.vector_store_idx %arg6[%add3A_2306], %add3A_2303 masked %and3A_2313 : memref<2080xi32, #tpu.memory_space<vmem>>[vector<16xi32>], vector<16xi32>, vector<16xi1>
    %add3A_2314 = arith.constant 1 : i32
    %add3A_2315 = vector.broadcast %add3A_2314 : i32 to vector<16xi32>
    %add3A_2316 = arith.addi %add3A_2296, %add3A_2315 : vector<16xi32>
    %gt3A_2317 = arith.constant 1 : i32
    %gt3A_2318 = vector.broadcast %gt3A_2317 : i32 to vector<16xi32>
    %gt3A_2319 = arith.cmpi sgt, %get3A_2290, %gt3A_2318 : vector<16xi32>
    %lt3A_2320 = arith.constant 2048 : i32
    %lt3A_2321 = vector.broadcast %lt3A_2320 : i32 to vector<16xi32>
    %lt3A_2322 = arith.cmpi slt, %add3A_2316, %lt3A_2321 : vector<16xi32>
    %and3A_2323 = arith.andi %gt3A_2319, %lt3A_2322 : vector<16xi1>
    tpu.vector_store_idx %arg6[%add3A_2316], %add3A_2303 masked %and3A_2323 : memref<2080xi32, #tpu.memory_space<vmem>>[vector<16xi32>], vector<16xi32>, vector<16xi1>
    %add3A_2324 = arith.constant 2 : i32
    %add3A_2325 = vector.broadcast %add3A_2324 : i32 to vector<16xi32>
    %add3A_2326 = arith.addi %add3A_2296, %add3A_2325 : vector<16xi32>
    %gt3A_2327 = arith.constant 2 : i32
    %gt3A_2328 = vector.broadcast %gt3A_2327 : i32 to vector<16xi32>
    %gt3A_2329 = arith.cmpi sgt, %get3A_2290, %gt3A_2328 : vector<16xi32>
    %lt3A_2330 = arith.constant 2048 : i32
    %lt3A_2331 = vector.broadcast %lt3A_2330 : i32 to vector<16xi32>
    %lt3A_2332 = arith.cmpi slt, %add3A_2326, %lt3A_2331 : vector<16xi32>
    %and3A_2333 = arith.andi %gt3A_2329, %lt3A_2332 : vector<16xi1>
    tpu.vector_store_idx %arg6[%add3A_2326], %add3A_2303 masked %and3A_2333 : memref<2080xi32, #tpu.memory_space<vmem>>[vector<16xi32>], vector<16xi32>, vector<16xi1>
    %add3A_2334 = arith.constant 3 : i32
    %add3A_2335 = vector.broadcast %add3A_2334 : i32 to vector<16xi32>
    %add3A_2336 = arith.addi %add3A_2296, %add3A_2335 : vector<16xi32>
    %gt3A_2337 = arith.constant 3 : i32
    %gt3A_2338 = vector.broadcast %gt3A_2337 : i32 to vector<16xi32>
    %gt3A_2339 = arith.cmpi sgt, %get3A_2290, %gt3A_2338 : vector<16xi32>
    %lt3A_2340 = arith.constant 2048 : i32
    %lt3A_2341 = vector.broadcast %lt3A_2340 : i32 to vector<16xi32>
    %lt3A_2342 = arith.cmpi slt, %add3A_2336, %lt3A_2341 : vector<16xi32>
    %and3A_2343 = arith.andi %gt3A_2339, %lt3A_2342 : vector<16xi1>
    tpu.vector_store_idx %arg6[%add3A_2336], %add3A_2303 masked %and3A_2343 : memref<2080xi32, #tpu.memory_space<vmem>>[vector<16xi32>], vector<16xi32>, vector<16xi1>
    %add3A_2344 = arith.constant 4 : i32
    %add3A_2345 = vector.broadcast %add3A_2344 : i32 to vector<16xi32>
    %add3A_2346 = arith.addi %add3A_2296, %add3A_2345 : vector<16xi32>
    %gt3A_2347 = arith.constant 4 : i32
    %gt3A_2348 = vector.broadcast %gt3A_2347 : i32 to vector<16xi32>
    %gt3A_2349 = arith.cmpi sgt, %get3A_2290, %gt3A_2348 : vector<16xi32>
    %lt3A_2350 = arith.constant 2048 : i32
    %lt3A_2351 = vector.broadcast %lt3A_2350 : i32 to vector<16xi32>
    %lt3A_2352 = arith.cmpi slt, %add3A_2346, %lt3A_2351 : vector<16xi32>
    %and3A_2353 = arith.andi %gt3A_2349, %lt3A_2352 : vector<16xi1>
    tpu.vector_store_idx %arg6[%add3A_2346], %add3A_2303 masked %and3A_2353 : memref<2080xi32, #tpu.memory_space<vmem>>[vector<16xi32>], vector<16xi32>, vector<16xi1>
    %add3A_2354 = arith.constant 5 : i32
    %add3A_2355 = vector.broadcast %add3A_2354 : i32 to vector<16xi32>
    %add3A_2356 = arith.addi %add3A_2296, %add3A_2355 : vector<16xi32>
    %gt3A_2357 = arith.constant 5 : i32
    %gt3A_2358 = vector.broadcast %gt3A_2357 : i32 to vector<16xi32>
    %gt3A_2359 = arith.cmpi sgt, %get3A_2290, %gt3A_2358 : vector<16xi32>
    %lt3A_2360 = arith.constant 2048 : i32
    %lt3A_2361 = vector.broadcast %lt3A_2360 : i32 to vector<16xi32>
    %lt3A_2362 = arith.cmpi slt, %add3A_2356, %lt3A_2361 : vector<16xi32>
    %and3A_2363 = arith.andi %gt3A_2359, %lt3A_2362 : vector<16xi1>
    tpu.vector_store_idx %arg6[%add3A_2356], %add3A_2303 masked %and3A_2363 : memref<2080xi32, #tpu.memory_space<vmem>>[vector<16xi32>], vector<16xi32>, vector<16xi1>
    %add3A_2364 = arith.constant 6 : i32
    %add3A_2365 = vector.broadcast %add3A_2364 : i32 to vector<16xi32>
    %add3A_2366 = arith.addi %add3A_2296, %add3A_2365 : vector<16xi32>
    %gt3A_2367 = arith.constant 6 : i32
    %gt3A_2368 = vector.broadcast %gt3A_2367 : i32 to vector<16xi32>
    %gt3A_2369 = arith.cmpi sgt, %get3A_2290, %gt3A_2368 : vector<16xi32>
    %lt3A_2370 = arith.constant 2048 : i32
    %lt3A_2371 = vector.broadcast %lt3A_2370 : i32 to vector<16xi32>
    %lt3A_2372 = arith.cmpi slt, %add3A_2366, %lt3A_2371 : vector<16xi32>
    %and3A_2373 = arith.andi %gt3A_2369, %lt3A_2372 : vector<16xi1>
    tpu.vector_store_idx %arg6[%add3A_2366], %add3A_2303 masked %and3A_2373 : memref<2080xi32, #tpu.memory_space<vmem>>[vector<16xi32>], vector<16xi32>, vector<16xi1>
    %get3A_2374 = arith.constant 368 : index
    %get3A_2375 = tpu.vector_load %arg5[%get3A_2374] {strides = array<i32>} : memref<512xi32, #tpu.memory_space<vmem>>, vector<16xi32>,
    %broadcast_in_dim3A_2376 = arith.constant true
    %broadcast_in_dim3A_2377 = vector.broadcast %broadcast_in_dim3A_2376 : i1 to vector<16xi1>
    %masked_cumsum3A_2378 = tpu.scan <sum>, %get3A_2375 masked %broadcast_in_dim3A_2377 : vector<16xi32>, vector<16xi1> -> vector<16xi32>
    %sub3A_2379 = arith.subi %masked_cumsum3A_2378, %get3A_2375 : vector<16xi32>
    %add3A_2380 = vector.broadcast %add3A_2299 : i32 to vector<16xi32>
    %add3A_2381 = arith.addi %sub3A_2379, %add3A_2380 : vector<16xi32>
    %slice3A_2382 = vector.extract_strided_slice %masked_cumsum3A_2378 {offsets = [15], sizes = [1], strides = [1]} : vector<16xi32> to vector<1xi32>
    %squeeze3A_2383 = vector.extract %slice3A_2382[0] : i32 from vector<1xi32>
    %add3A_2384 = arith.addi %add3A_2299, %squeeze3A_2383 : i32
    %add3A_2385 = arith.constant 368 : i32
    %add3A_2386 = arith.addi %mul3A_32, %add3A_2385 : i32
    %add3A_2387 = vector.broadcast %add3A_2386 : i32 to vector<16xi32>
    %add3A_2388 = arith.addi %iota3A, %add3A_2387 : vector<16xi32>
    %add3A_2389 = arith.constant 0 : i32
    %add3A_2390 = vector.broadcast %add3A_2389 : i32 to vector<16xi32>
    %add3A_2391 = arith.addi %add3A_2381, %add3A_2390 : vector<16xi32>
    %gt3A_2392 = arith.constant 0 : i32
    %gt3A_2393 = vector.broadcast %gt3A_2392 : i32 to vector<16xi32>
    %gt3A_2394 = arith.cmpi sgt, %get3A_2375, %gt3A_2393 : vector<16xi32>
    %lt3A_2395 = arith.constant 2048 : i32
    %lt3A_2396 = vector.broadcast %lt3A_2395 : i32 to vector<16xi32>
    %lt3A_2397 = arith.cmpi slt, %add3A_2391, %lt3A_2396 : vector<16xi32>
    %and3A_2398 = arith.andi %gt3A_2394, %lt3A_2397 : vector<16xi1>
    tpu.vector_store_idx %arg6[%add3A_2391], %add3A_2388 masked %and3A_2398 : memref<2080xi32, #tpu.memory_space<vmem>>[vector<16xi32>], vector<16xi32>, vector<16xi1>
    %add3A_2399 = arith.constant 1 : i32
    %add3A_2400 = vector.broadcast %add3A_2399 : i32 to vector<16xi32>
    %add3A_2401 = arith.addi %add3A_2381, %add3A_2400 : vector<16xi32>
    %gt3A_2402 = arith.constant 1 : i32
    %gt3A_2403 = vector.broadcast %gt3A_2402 : i32 to vector<16xi32>
    %gt3A_2404 = arith.cmpi sgt, %get3A_2375, %gt3A_2403 : vector<16xi32>
    %lt3A_2405 = arith.constant 2048 : i32
    %lt3A_2406 = vector.broadcast %lt3A_2405 : i32 to vector<16xi32>
    %lt3A_2407 = arith.cmpi slt, %add3A_2401, %lt3A_2406 : vector<16xi32>
    %and3A_2408 = arith.andi %gt3A_2404, %lt3A_2407 : vector<16xi1>
    tpu.vector_store_idx %arg6[%add3A_2401], %add3A_2388 masked %and3A_2408 : memref<2080xi32, #tpu.memory_space<vmem>>[vector<16xi32>], vector<16xi32>, vector<16xi1>
    %add3A_2409 = arith.constant 2 : i32
    %add3A_2410 = vector.broadcast %add3A_2409 : i32 to vector<16xi32>
    %add3A_2411 = arith.addi %add3A_2381, %add3A_2410 : vector<16xi32>
    %gt3A_2412 = arith.constant 2 : i32
    %gt3A_2413 = vector.broadcast %gt3A_2412 : i32 to vector<16xi32>
    %gt3A_2414 = arith.cmpi sgt, %get3A_2375, %gt3A_2413 : vector<16xi32>
    %lt3A_2415 = arith.constant 2048 : i32
    %lt3A_2416 = vector.broadcast %lt3A_2415 : i32 to vector<16xi32>
    %lt3A_2417 = arith.cmpi slt, %add3A_2411, %lt3A_2416 : vector<16xi32>
    %and3A_2418 = arith.andi %gt3A_2414, %lt3A_2417 : vector<16xi1>
    tpu.vector_store_idx %arg6[%add3A_2411], %add3A_2388 masked %and3A_2418 : memref<2080xi32, #tpu.memory_space<vmem>>[vector<16xi32>], vector<16xi32>, vector<16xi1>
    %add3A_2419 = arith.constant 3 : i32
    %add3A_2420 = vector.broadcast %add3A_2419 : i32 to vector<16xi32>
    %add3A_2421 = arith.addi %add3A_2381, %add3A_2420 : vector<16xi32>
    %gt3A_2422 = arith.constant 3 : i32
    %gt3A_2423 = vector.broadcast %gt3A_2422 : i32 to vector<16xi32>
    %gt3A_2424 = arith.cmpi sgt, %get3A_2375, %gt3A_2423 : vector<16xi32>
    %lt3A_2425 = arith.constant 2048 : i32
    %lt3A_2426 = vector.broadcast %lt3A_2425 : i32 to vector<16xi32>
    %lt3A_2427 = arith.cmpi slt, %add3A_2421, %lt3A_2426 : vector<16xi32>
    %and3A_2428 = arith.andi %gt3A_2424, %lt3A_2427 : vector<16xi1>
    tpu.vector_store_idx %arg6[%add3A_2421], %add3A_2388 masked %and3A_2428 : memref<2080xi32, #tpu.memory_space<vmem>>[vector<16xi32>], vector<16xi32>, vector<16xi1>
    %add3A_2429 = arith.constant 4 : i32
    %add3A_2430 = vector.broadcast %add3A_2429 : i32 to vector<16xi32>
    %add3A_2431 = arith.addi %add3A_2381, %add3A_2430 : vector<16xi32>
    %gt3A_2432 = arith.constant 4 : i32
    %gt3A_2433 = vector.broadcast %gt3A_2432 : i32 to vector<16xi32>
    %gt3A_2434 = arith.cmpi sgt, %get3A_2375, %gt3A_2433 : vector<16xi32>
    %lt3A_2435 = arith.constant 2048 : i32
    %lt3A_2436 = vector.broadcast %lt3A_2435 : i32 to vector<16xi32>
    %lt3A_2437 = arith.cmpi slt, %add3A_2431, %lt3A_2436 : vector<16xi32>
    %and3A_2438 = arith.andi %gt3A_2434, %lt3A_2437 : vector<16xi1>
    tpu.vector_store_idx %arg6[%add3A_2431], %add3A_2388 masked %and3A_2438 : memref<2080xi32, #tpu.memory_space<vmem>>[vector<16xi32>], vector<16xi32>, vector<16xi1>
    %add3A_2439 = arith.constant 5 : i32
    %add3A_2440 = vector.broadcast %add3A_2439 : i32 to vector<16xi32>
    %add3A_2441 = arith.addi %add3A_2381, %add3A_2440 : vector<16xi32>
    %gt3A_2442 = arith.constant 5 : i32
    %gt3A_2443 = vector.broadcast %gt3A_2442 : i32 to vector<16xi32>
    %gt3A_2444 = arith.cmpi sgt, %get3A_2375, %gt3A_2443 : vector<16xi32>
    %lt3A_2445 = arith.constant 2048 : i32
    %lt3A_2446 = vector.broadcast %lt3A_2445 : i32 to vector<16xi32>
    %lt3A_2447 = arith.cmpi slt, %add3A_2441, %lt3A_2446 : vector<16xi32>
    %and3A_2448 = arith.andi %gt3A_2444, %lt3A_2447 : vector<16xi1>
    tpu.vector_store_idx %arg6[%add3A_2441], %add3A_2388 masked %and3A_2448 : memref<2080xi32, #tpu.memory_space<vmem>>[vector<16xi32>], vector<16xi32>, vector<16xi1>
    %add3A_2449 = arith.constant 6 : i32
    %add3A_2450 = vector.broadcast %add3A_2449 : i32 to vector<16xi32>
    %add3A_2451 = arith.addi %add3A_2381, %add3A_2450 : vector<16xi32>
    %gt3A_2452 = arith.constant 6 : i32
    %gt3A_2453 = vector.broadcast %gt3A_2452 : i32 to vector<16xi32>
    %gt3A_2454 = arith.cmpi sgt, %get3A_2375, %gt3A_2453 : vector<16xi32>
    %lt3A_2455 = arith.constant 2048 : i32
    %lt3A_2456 = vector.broadcast %lt3A_2455 : i32 to vector<16xi32>
    %lt3A_2457 = arith.cmpi slt, %add3A_2451, %lt3A_2456 : vector<16xi32>
    %and3A_2458 = arith.andi %gt3A_2454, %lt3A_2457 : vector<16xi1>
    tpu.vector_store_idx %arg6[%add3A_2451], %add3A_2388 masked %and3A_2458 : memref<2080xi32, #tpu.memory_space<vmem>>[vector<16xi32>], vector<16xi32>, vector<16xi1>
    %get3A_2459 = arith.constant 384 : index
    %get3A_2460 = tpu.vector_load %arg5[%get3A_2459] {strides = array<i32>} : memref<512xi32, #tpu.memory_space<vmem>>, vector<16xi32>,
    %broadcast_in_dim3A_2461 = arith.constant true
    %broadcast_in_dim3A_2462 = vector.broadcast %broadcast_in_dim3A_2461 : i1 to vector<16xi1>
    %masked_cumsum3A_2463 = tpu.scan <sum>, %get3A_2460 masked %broadcast_in_dim3A_2462 : vector<16xi32>, vector<16xi1> -> vector<16xi32>
    %sub3A_2464 = arith.subi %masked_cumsum3A_2463, %get3A_2460 : vector<16xi32>
    %add3A_2465 = vector.broadcast %add3A_2384 : i32 to vector<16xi32>
    %add3A_2466 = arith.addi %sub3A_2464, %add3A_2465 : vector<16xi32>
    %slice3A_2467 = vector.extract_strided_slice %masked_cumsum3A_2463 {offsets = [15], sizes = [1], strides = [1]} : vector<16xi32> to vector<1xi32>
    %squeeze3A_2468 = vector.extract %slice3A_2467[0] : i32 from vector<1xi32>
    %add3A_2469 = arith.addi %add3A_2384, %squeeze3A_2468 : i32
    %add3A_2470 = arith.constant 384 : i32
    %add3A_2471 = arith.addi %mul3A_32, %add3A_2470 : i32
    %add3A_2472 = vector.broadcast %add3A_2471 : i32 to vector<16xi32>
    %add3A_2473 = arith.addi %iota3A, %add3A_2472 : vector<16xi32>
    %add3A_2474 = arith.constant 0 : i32
    %add3A_2475 = vector.broadcast %add3A_2474 : i32 to vector<16xi32>
    %add3A_2476 = arith.addi %add3A_2466, %add3A_2475 : vector<16xi32>
    %gt3A_2477 = arith.constant 0 : i32
    %gt3A_2478 = vector.broadcast %gt3A_2477 : i32 to vector<16xi32>
    %gt3A_2479 = arith.cmpi sgt, %get3A_2460, %gt3A_2478 : vector<16xi32>
    %lt3A_2480 = arith.constant 2048 : i32
    %lt3A_2481 = vector.broadcast %lt3A_2480 : i32 to vector<16xi32>
    %lt3A_2482 = arith.cmpi slt, %add3A_2476, %lt3A_2481 : vector<16xi32>
    %and3A_2483 = arith.andi %gt3A_2479, %lt3A_2482 : vector<16xi1>
    tpu.vector_store_idx %arg6[%add3A_2476], %add3A_2473 masked %and3A_2483 : memref<2080xi32, #tpu.memory_space<vmem>>[vector<16xi32>], vector<16xi32>, vector<16xi1>
    %add3A_2484 = arith.constant 1 : i32
    %add3A_2485 = vector.broadcast %add3A_2484 : i32 to vector<16xi32>
    %add3A_2486 = arith.addi %add3A_2466, %add3A_2485 : vector<16xi32>
    %gt3A_2487 = arith.constant 1 : i32
    %gt3A_2488 = vector.broadcast %gt3A_2487 : i32 to vector<16xi32>
    %gt3A_2489 = arith.cmpi sgt, %get3A_2460, %gt3A_2488 : vector<16xi32>
    %lt3A_2490 = arith.constant 2048 : i32
    %lt3A_2491 = vector.broadcast %lt3A_2490 : i32 to vector<16xi32>
    %lt3A_2492 = arith.cmpi slt, %add3A_2486, %lt3A_2491 : vector<16xi32>
    %and3A_2493 = arith.andi %gt3A_2489, %lt3A_2492 : vector<16xi1>
    tpu.vector_store_idx %arg6[%add3A_2486], %add3A_2473 masked %and3A_2493 : memref<2080xi32, #tpu.memory_space<vmem>>[vector<16xi32>], vector<16xi32>, vector<16xi1>
    %add3A_2494 = arith.constant 2 : i32
    %add3A_2495 = vector.broadcast %add3A_2494 : i32 to vector<16xi32>
    %add3A_2496 = arith.addi %add3A_2466, %add3A_2495 : vector<16xi32>
    %gt3A_2497 = arith.constant 2 : i32
    %gt3A_2498 = vector.broadcast %gt3A_2497 : i32 to vector<16xi32>
    %gt3A_2499 = arith.cmpi sgt, %get3A_2460, %gt3A_2498 : vector<16xi32>
    %lt3A_2500 = arith.constant 2048 : i32
    %lt3A_2501 = vector.broadcast %lt3A_2500 : i32 to vector<16xi32>
    %lt3A_2502 = arith.cmpi slt, %add3A_2496, %lt3A_2501 : vector<16xi32>
    %and3A_2503 = arith.andi %gt3A_2499, %lt3A_2502 : vector<16xi1>
    tpu.vector_store_idx %arg6[%add3A_2496], %add3A_2473 masked %and3A_2503 : memref<2080xi32, #tpu.memory_space<vmem>>[vector<16xi32>], vector<16xi32>, vector<16xi1>
    %add3A_2504 = arith.constant 3 : i32
    %add3A_2505 = vector.broadcast %add3A_2504 : i32 to vector<16xi32>
    %add3A_2506 = arith.addi %add3A_2466, %add3A_2505 : vector<16xi32>
    %gt3A_2507 = arith.constant 3 : i32
    %gt3A_2508 = vector.broadcast %gt3A_2507 : i32 to vector<16xi32>
    %gt3A_2509 = arith.cmpi sgt, %get3A_2460, %gt3A_2508 : vector<16xi32>
    %lt3A_2510 = arith.constant 2048 : i32
    %lt3A_2511 = vector.broadcast %lt3A_2510 : i32 to vector<16xi32>
    %lt3A_2512 = arith.cmpi slt, %add3A_2506, %lt3A_2511 : vector<16xi32>
    %and3A_2513 = arith.andi %gt3A_2509, %lt3A_2512 : vector<16xi1>
    tpu.vector_store_idx %arg6[%add3A_2506], %add3A_2473 masked %and3A_2513 : memref<2080xi32, #tpu.memory_space<vmem>>[vector<16xi32>], vector<16xi32>, vector<16xi1>
    %add3A_2514 = arith.constant 4 : i32
    %add3A_2515 = vector.broadcast %add3A_2514 : i32 to vector<16xi32>
    %add3A_2516 = arith.addi %add3A_2466, %add3A_2515 : vector<16xi32>
    %gt3A_2517 = arith.constant 4 : i32
    %gt3A_2518 = vector.broadcast %gt3A_2517 : i32 to vector<16xi32>
    %gt3A_2519 = arith.cmpi sgt, %get3A_2460, %gt3A_2518 : vector<16xi32>
    %lt3A_2520 = arith.constant 2048 : i32
    %lt3A_2521 = vector.broadcast %lt3A_2520 : i32 to vector<16xi32>
    %lt3A_2522 = arith.cmpi slt, %add3A_2516, %lt3A_2521 : vector<16xi32>
    %and3A_2523 = arith.andi %gt3A_2519, %lt3A_2522 : vector<16xi1>
    tpu.vector_store_idx %arg6[%add3A_2516], %add3A_2473 masked %and3A_2523 : memref<2080xi32, #tpu.memory_space<vmem>>[vector<16xi32>], vector<16xi32>, vector<16xi1>
    %add3A_2524 = arith.constant 5 : i32
    %add3A_2525 = vector.broadcast %add3A_2524 : i32 to vector<16xi32>
    %add3A_2526 = arith.addi %add3A_2466, %add3A_2525 : vector<16xi32>
    %gt3A_2527 = arith.constant 5 : i32
    %gt3A_2528 = vector.broadcast %gt3A_2527 : i32 to vector<16xi32>
    %gt3A_2529 = arith.cmpi sgt, %get3A_2460, %gt3A_2528 : vector<16xi32>
    %lt3A_2530 = arith.constant 2048 : i32
    %lt3A_2531 = vector.broadcast %lt3A_2530 : i32 to vector<16xi32>
    %lt3A_2532 = arith.cmpi slt, %add3A_2526, %lt3A_2531 : vector<16xi32>
    %and3A_2533 = arith.andi %gt3A_2529, %lt3A_2532 : vector<16xi1>
    tpu.vector_store_idx %arg6[%add3A_2526], %add3A_2473 masked %and3A_2533 : memref<2080xi32, #tpu.memory_space<vmem>>[vector<16xi32>], vector<16xi32>, vector<16xi1>
    %add3A_2534 = arith.constant 6 : i32
    %add3A_2535 = vector.broadcast %add3A_2534 : i32 to vector<16xi32>
    %add3A_2536 = arith.addi %add3A_2466, %add3A_2535 : vector<16xi32>
    %gt3A_2537 = arith.constant 6 : i32
    %gt3A_2538 = vector.broadcast %gt3A_2537 : i32 to vector<16xi32>
    %gt3A_2539 = arith.cmpi sgt, %get3A_2460, %gt3A_2538 : vector<16xi32>
    %lt3A_2540 = arith.constant 2048 : i32
    %lt3A_2541 = vector.broadcast %lt3A_2540 : i32 to vector<16xi32>
    %lt3A_2542 = arith.cmpi slt, %add3A_2536, %lt3A_2541 : vector<16xi32>
    %and3A_2543 = arith.andi %gt3A_2539, %lt3A_2542 : vector<16xi1>
    tpu.vector_store_idx %arg6[%add3A_2536], %add3A_2473 masked %and3A_2543 : memref<2080xi32, #tpu.memory_space<vmem>>[vector<16xi32>], vector<16xi32>, vector<16xi1>
    %get3A_2544 = arith.constant 400 : index
    %get3A_2545 = tpu.vector_load %arg5[%get3A_2544] {strides = array<i32>} : memref<512xi32, #tpu.memory_space<vmem>>, vector<16xi32>,
    %broadcast_in_dim3A_2546 = arith.constant true
    %broadcast_in_dim3A_2547 = vector.broadcast %broadcast_in_dim3A_2546 : i1 to vector<16xi1>
    %masked_cumsum3A_2548 = tpu.scan <sum>, %get3A_2545 masked %broadcast_in_dim3A_2547 : vector<16xi32>, vector<16xi1> -> vector<16xi32>
    %sub3A_2549 = arith.subi %masked_cumsum3A_2548, %get3A_2545 : vector<16xi32>
    %add3A_2550 = vector.broadcast %add3A_2469 : i32 to vector<16xi32>
    %add3A_2551 = arith.addi %sub3A_2549, %add3A_2550 : vector<16xi32>
    %slice3A_2552 = vector.extract_strided_slice %masked_cumsum3A_2548 {offsets = [15], sizes = [1], strides = [1]} : vector<16xi32> to vector<1xi32>
    %squeeze3A_2553 = vector.extract %slice3A_2552[0] : i32 from vector<1xi32>
    %add3A_2554 = arith.addi %add3A_2469, %squeeze3A_2553 : i32
    %add3A_2555 = arith.constant 400 : i32
    %add3A_2556 = arith.addi %mul3A_32, %add3A_2555 : i32
    %add3A_2557 = vector.broadcast %add3A_2556 : i32 to vector<16xi32>
    %add3A_2558 = arith.addi %iota3A, %add3A_2557 : vector<16xi32>
    %add3A_2559 = arith.constant 0 : i32
    %add3A_2560 = vector.broadcast %add3A_2559 : i32 to vector<16xi32>
    %add3A_2561 = arith.addi %add3A_2551, %add3A_2560 : vector<16xi32>
    %gt3A_2562 = arith.constant 0 : i32
    %gt3A_2563 = vector.broadcast %gt3A_2562 : i32 to vector<16xi32>
    %gt3A_2564 = arith.cmpi sgt, %get3A_2545, %gt3A_2563 : vector<16xi32>
    %lt3A_2565 = arith.constant 2048 : i32
    %lt3A_2566 = vector.broadcast %lt3A_2565 : i32 to vector<16xi32>
    %lt3A_2567 = arith.cmpi slt, %add3A_2561, %lt3A_2566 : vector<16xi32>
    %and3A_2568 = arith.andi %gt3A_2564, %lt3A_2567 : vector<16xi1>
    tpu.vector_store_idx %arg6[%add3A_2561], %add3A_2558 masked %and3A_2568 : memref<2080xi32, #tpu.memory_space<vmem>>[vector<16xi32>], vector<16xi32>, vector<16xi1>
    %add3A_2569 = arith.constant 1 : i32
    %add3A_2570 = vector.broadcast %add3A_2569 : i32 to vector<16xi32>
    %add3A_2571 = arith.addi %add3A_2551, %add3A_2570 : vector<16xi32>
    %gt3A_2572 = arith.constant 1 : i32
    %gt3A_2573 = vector.broadcast %gt3A_2572 : i32 to vector<16xi32>
    %gt3A_2574 = arith.cmpi sgt, %get3A_2545, %gt3A_2573 : vector<16xi32>
    %lt3A_2575 = arith.constant 2048 : i32
    %lt3A_2576 = vector.broadcast %lt3A_2575 : i32 to vector<16xi32>
    %lt3A_2577 = arith.cmpi slt, %add3A_2571, %lt3A_2576 : vector<16xi32>
    %and3A_2578 = arith.andi %gt3A_2574, %lt3A_2577 : vector<16xi1>
    tpu.vector_store_idx %arg6[%add3A_2571], %add3A_2558 masked %and3A_2578 : memref<2080xi32, #tpu.memory_space<vmem>>[vector<16xi32>], vector<16xi32>, vector<16xi1>
    %add3A_2579 = arith.constant 2 : i32
    %add3A_2580 = vector.broadcast %add3A_2579 : i32 to vector<16xi32>
    %add3A_2581 = arith.addi %add3A_2551, %add3A_2580 : vector<16xi32>
    %gt3A_2582 = arith.constant 2 : i32
    %gt3A_2583 = vector.broadcast %gt3A_2582 : i32 to vector<16xi32>
    %gt3A_2584 = arith.cmpi sgt, %get3A_2545, %gt3A_2583 : vector<16xi32>
    %lt3A_2585 = arith.constant 2048 : i32
    %lt3A_2586 = vector.broadcast %lt3A_2585 : i32 to vector<16xi32>
    %lt3A_2587 = arith.cmpi slt, %add3A_2581, %lt3A_2586 : vector<16xi32>
    %and3A_2588 = arith.andi %gt3A_2584, %lt3A_2587 : vector<16xi1>
    tpu.vector_store_idx %arg6[%add3A_2581], %add3A_2558 masked %and3A_2588 : memref<2080xi32, #tpu.memory_space<vmem>>[vector<16xi32>], vector<16xi32>, vector<16xi1>
    %add3A_2589 = arith.constant 3 : i32
    %add3A_2590 = vector.broadcast %add3A_2589 : i32 to vector<16xi32>
    %add3A_2591 = arith.addi %add3A_2551, %add3A_2590 : vector<16xi32>
    %gt3A_2592 = arith.constant 3 : i32
    %gt3A_2593 = vector.broadcast %gt3A_2592 : i32 to vector<16xi32>
    %gt3A_2594 = arith.cmpi sgt, %get3A_2545, %gt3A_2593 : vector<16xi32>
    %lt3A_2595 = arith.constant 2048 : i32
    %lt3A_2596 = vector.broadcast %lt3A_2595 : i32 to vector<16xi32>
    %lt3A_2597 = arith.cmpi slt, %add3A_2591, %lt3A_2596 : vector<16xi32>
    %and3A_2598 = arith.andi %gt3A_2594, %lt3A_2597 : vector<16xi1>
    tpu.vector_store_idx %arg6[%add3A_2591], %add3A_2558 masked %and3A_2598 : memref<2080xi32, #tpu.memory_space<vmem>>[vector<16xi32>], vector<16xi32>, vector<16xi1>
    %add3A_2599 = arith.constant 4 : i32
    %add3A_2600 = vector.broadcast %add3A_2599 : i32 to vector<16xi32>
    %add3A_2601 = arith.addi %add3A_2551, %add3A_2600 : vector<16xi32>
    %gt3A_2602 = arith.constant 4 : i32
    %gt3A_2603 = vector.broadcast %gt3A_2602 : i32 to vector<16xi32>
    %gt3A_2604 = arith.cmpi sgt, %get3A_2545, %gt3A_2603 : vector<16xi32>
    %lt3A_2605 = arith.constant 2048 : i32
    %lt3A_2606 = vector.broadcast %lt3A_2605 : i32 to vector<16xi32>
    %lt3A_2607 = arith.cmpi slt, %add3A_2601, %lt3A_2606 : vector<16xi32>
    %and3A_2608 = arith.andi %gt3A_2604, %lt3A_2607 : vector<16xi1>
    tpu.vector_store_idx %arg6[%add3A_2601], %add3A_2558 masked %and3A_2608 : memref<2080xi32, #tpu.memory_space<vmem>>[vector<16xi32>], vector<16xi32>, vector<16xi1>
    %add3A_2609 = arith.constant 5 : i32
    %add3A_2610 = vector.broadcast %add3A_2609 : i32 to vector<16xi32>
    %add3A_2611 = arith.addi %add3A_2551, %add3A_2610 : vector<16xi32>
    %gt3A_2612 = arith.constant 5 : i32
    %gt3A_2613 = vector.broadcast %gt3A_2612 : i32 to vector<16xi32>
    %gt3A_2614 = arith.cmpi sgt, %get3A_2545, %gt3A_2613 : vector<16xi32>
    %lt3A_2615 = arith.constant 2048 : i32
    %lt3A_2616 = vector.broadcast %lt3A_2615 : i32 to vector<16xi32>
    %lt3A_2617 = arith.cmpi slt, %add3A_2611, %lt3A_2616 : vector<16xi32>
    %and3A_2618 = arith.andi %gt3A_2614, %lt3A_2617 : vector<16xi1>
    tpu.vector_store_idx %arg6[%add3A_2611], %add3A_2558 masked %and3A_2618 : memref<2080xi32, #tpu.memory_space<vmem>>[vector<16xi32>], vector<16xi32>, vector<16xi1>
    %add3A_2619 = arith.constant 6 : i32
    %add3A_2620 = vector.broadcast %add3A_2619 : i32 to vector<16xi32>
    %add3A_2621 = arith.addi %add3A_2551, %add3A_2620 : vector<16xi32>
    %gt3A_2622 = arith.constant 6 : i32
    %gt3A_2623 = vector.broadcast %gt3A_2622 : i32 to vector<16xi32>
    %gt3A_2624 = arith.cmpi sgt, %get3A_2545, %gt3A_2623 : vector<16xi32>
    %lt3A_2625 = arith.constant 2048 : i32
    %lt3A_2626 = vector.broadcast %lt3A_2625 : i32 to vector<16xi32>
    %lt3A_2627 = arith.cmpi slt, %add3A_2621, %lt3A_2626 : vector<16xi32>
    %and3A_2628 = arith.andi %gt3A_2624, %lt3A_2627 : vector<16xi1>
    tpu.vector_store_idx %arg6[%add3A_2621], %add3A_2558 masked %and3A_2628 : memref<2080xi32, #tpu.memory_space<vmem>>[vector<16xi32>], vector<16xi32>, vector<16xi1>
    %get3A_2629 = arith.constant 416 : index
    %get3A_2630 = tpu.vector_load %arg5[%get3A_2629] {strides = array<i32>} : memref<512xi32, #tpu.memory_space<vmem>>, vector<16xi32>,
    %broadcast_in_dim3A_2631 = arith.constant true
    %broadcast_in_dim3A_2632 = vector.broadcast %broadcast_in_dim3A_2631 : i1 to vector<16xi1>
    %masked_cumsum3A_2633 = tpu.scan <sum>, %get3A_2630 masked %broadcast_in_dim3A_2632 : vector<16xi32>, vector<16xi1> -> vector<16xi32>
    %sub3A_2634 = arith.subi %masked_cumsum3A_2633, %get3A_2630 : vector<16xi32>
    %add3A_2635 = vector.broadcast %add3A_2554 : i32 to vector<16xi32>
    %add3A_2636 = arith.addi %sub3A_2634, %add3A_2635 : vector<16xi32>
    %slice3A_2637 = vector.extract_strided_slice %masked_cumsum3A_2633 {offsets = [15], sizes = [1], strides = [1]} : vector<16xi32> to vector<1xi32>
    %squeeze3A_2638 = vector.extract %slice3A_2637[0] : i32 from vector<1xi32>
    %add3A_2639 = arith.addi %add3A_2554, %squeeze3A_2638 : i32
    %add3A_2640 = arith.constant 416 : i32
    %add3A_2641 = arith.addi %mul3A_32, %add3A_2640 : i32
    %add3A_2642 = vector.broadcast %add3A_2641 : i32 to vector<16xi32>
    %add3A_2643 = arith.addi %iota3A, %add3A_2642 : vector<16xi32>
    %add3A_2644 = arith.constant 0 : i32
    %add3A_2645 = vector.broadcast %add3A_2644 : i32 to vector<16xi32>
    %add3A_2646 = arith.addi %add3A_2636, %add3A_2645 : vector<16xi32>
    %gt3A_2647 = arith.constant 0 : i32
    %gt3A_2648 = vector.broadcast %gt3A_2647 : i32 to vector<16xi32>
    %gt3A_2649 = arith.cmpi sgt, %get3A_2630, %gt3A_2648 : vector<16xi32>
    %lt3A_2650 = arith.constant 2048 : i32
    %lt3A_2651 = vector.broadcast %lt3A_2650 : i32 to vector<16xi32>
    %lt3A_2652 = arith.cmpi slt, %add3A_2646, %lt3A_2651 : vector<16xi32>
    %and3A_2653 = arith.andi %gt3A_2649, %lt3A_2652 : vector<16xi1>
    tpu.vector_store_idx %arg6[%add3A_2646], %add3A_2643 masked %and3A_2653 : memref<2080xi32, #tpu.memory_space<vmem>>[vector<16xi32>], vector<16xi32>, vector<16xi1>
    %add3A_2654 = arith.constant 1 : i32
    %add3A_2655 = vector.broadcast %add3A_2654 : i32 to vector<16xi32>
    %add3A_2656 = arith.addi %add3A_2636, %add3A_2655 : vector<16xi32>
    %gt3A_2657 = arith.constant 1 : i32
    %gt3A_2658 = vector.broadcast %gt3A_2657 : i32 to vector<16xi32>
    %gt3A_2659 = arith.cmpi sgt, %get3A_2630, %gt3A_2658 : vector<16xi32>
    %lt3A_2660 = arith.constant 2048 : i32
    %lt3A_2661 = vector.broadcast %lt3A_2660 : i32 to vector<16xi32>
    %lt3A_2662 = arith.cmpi slt, %add3A_2656, %lt3A_2661 : vector<16xi32>
    %and3A_2663 = arith.andi %gt3A_2659, %lt3A_2662 : vector<16xi1>
    tpu.vector_store_idx %arg6[%add3A_2656], %add3A_2643 masked %and3A_2663 : memref<2080xi32, #tpu.memory_space<vmem>>[vector<16xi32>], vector<16xi32>, vector<16xi1>
    %add3A_2664 = arith.constant 2 : i32
    %add3A_2665 = vector.broadcast %add3A_2664 : i32 to vector<16xi32>
    %add3A_2666 = arith.addi %add3A_2636, %add3A_2665 : vector<16xi32>
    %gt3A_2667 = arith.constant 2 : i32
    %gt3A_2668 = vector.broadcast %gt3A_2667 : i32 to vector<16xi32>
    %gt3A_2669 = arith.cmpi sgt, %get3A_2630, %gt3A_2668 : vector<16xi32>
    %lt3A_2670 = arith.constant 2048 : i32
    %lt3A_2671 = vector.broadcast %lt3A_2670 : i32 to vector<16xi32>
    %lt3A_2672 = arith.cmpi slt, %add3A_2666, %lt3A_2671 : vector<16xi32>
    %and3A_2673 = arith.andi %gt3A_2669, %lt3A_2672 : vector<16xi1>
    tpu.vector_store_idx %arg6[%add3A_2666], %add3A_2643 masked %and3A_2673 : memref<2080xi32, #tpu.memory_space<vmem>>[vector<16xi32>], vector<16xi32>, vector<16xi1>
    %add3A_2674 = arith.constant 3 : i32
    %add3A_2675 = vector.broadcast %add3A_2674 : i32 to vector<16xi32>
    %add3A_2676 = arith.addi %add3A_2636, %add3A_2675 : vector<16xi32>
    %gt3A_2677 = arith.constant 3 : i32
    %gt3A_2678 = vector.broadcast %gt3A_2677 : i32 to vector<16xi32>
    %gt3A_2679 = arith.cmpi sgt, %get3A_2630, %gt3A_2678 : vector<16xi32>
    %lt3A_2680 = arith.constant 2048 : i32
    %lt3A_2681 = vector.broadcast %lt3A_2680 : i32 to vector<16xi32>
    %lt3A_2682 = arith.cmpi slt, %add3A_2676, %lt3A_2681 : vector<16xi32>
    %and3A_2683 = arith.andi %gt3A_2679, %lt3A_2682 : vector<16xi1>
    tpu.vector_store_idx %arg6[%add3A_2676], %add3A_2643 masked %and3A_2683 : memref<2080xi32, #tpu.memory_space<vmem>>[vector<16xi32>], vector<16xi32>, vector<16xi1>
    %add3A_2684 = arith.constant 4 : i32
    %add3A_2685 = vector.broadcast %add3A_2684 : i32 to vector<16xi32>
    %add3A_2686 = arith.addi %add3A_2636, %add3A_2685 : vector<16xi32>
    %gt3A_2687 = arith.constant 4 : i32
    %gt3A_2688 = vector.broadcast %gt3A_2687 : i32 to vector<16xi32>
    %gt3A_2689 = arith.cmpi sgt, %get3A_2630, %gt3A_2688 : vector<16xi32>
    %lt3A_2690 = arith.constant 2048 : i32
    %lt3A_2691 = vector.broadcast %lt3A_2690 : i32 to vector<16xi32>
    %lt3A_2692 = arith.cmpi slt, %add3A_2686, %lt3A_2691 : vector<16xi32>
    %and3A_2693 = arith.andi %gt3A_2689, %lt3A_2692 : vector<16xi1>
    tpu.vector_store_idx %arg6[%add3A_2686], %add3A_2643 masked %and3A_2693 : memref<2080xi32, #tpu.memory_space<vmem>>[vector<16xi32>], vector<16xi32>, vector<16xi1>
    %add3A_2694 = arith.constant 5 : i32
    %add3A_2695 = vector.broadcast %add3A_2694 : i32 to vector<16xi32>
    %add3A_2696 = arith.addi %add3A_2636, %add3A_2695 : vector<16xi32>
    %gt3A_2697 = arith.constant 5 : i32
    %gt3A_2698 = vector.broadcast %gt3A_2697 : i32 to vector<16xi32>
    %gt3A_2699 = arith.cmpi sgt, %get3A_2630, %gt3A_2698 : vector<16xi32>
    %lt3A_2700 = arith.constant 2048 : i32
    %lt3A_2701 = vector.broadcast %lt3A_2700 : i32 to vector<16xi32>
    %lt3A_2702 = arith.cmpi slt, %add3A_2696, %lt3A_2701 : vector<16xi32>
    %and3A_2703 = arith.andi %gt3A_2699, %lt3A_2702 : vector<16xi1>
    tpu.vector_store_idx %arg6[%add3A_2696], %add3A_2643 masked %and3A_2703 : memref<2080xi32, #tpu.memory_space<vmem>>[vector<16xi32>], vector<16xi32>, vector<16xi1>
    %add3A_2704 = arith.constant 6 : i32
    %add3A_2705 = vector.broadcast %add3A_2704 : i32 to vector<16xi32>
    %add3A_2706 = arith.addi %add3A_2636, %add3A_2705 : vector<16xi32>
    %gt3A_2707 = arith.constant 6 : i32
    %gt3A_2708 = vector.broadcast %gt3A_2707 : i32 to vector<16xi32>
    %gt3A_2709 = arith.cmpi sgt, %get3A_2630, %gt3A_2708 : vector<16xi32>
    %lt3A_2710 = arith.constant 2048 : i32
    %lt3A_2711 = vector.broadcast %lt3A_2710 : i32 to vector<16xi32>
    %lt3A_2712 = arith.cmpi slt, %add3A_2706, %lt3A_2711 : vector<16xi32>
    %and3A_2713 = arith.andi %gt3A_2709, %lt3A_2712 : vector<16xi1>
    tpu.vector_store_idx %arg6[%add3A_2706], %add3A_2643 masked %and3A_2713 : memref<2080xi32, #tpu.memory_space<vmem>>[vector<16xi32>], vector<16xi32>, vector<16xi1>
    %get3A_2714 = arith.constant 432 : index
    %get3A_2715 = tpu.vector_load %arg5[%get3A_2714] {strides = array<i32>} : memref<512xi32, #tpu.memory_space<vmem>>, vector<16xi32>,
    %broadcast_in_dim3A_2716 = arith.constant true
    %broadcast_in_dim3A_2717 = vector.broadcast %broadcast_in_dim3A_2716 : i1 to vector<16xi1>
    %masked_cumsum3A_2718 = tpu.scan <sum>, %get3A_2715 masked %broadcast_in_dim3A_2717 : vector<16xi32>, vector<16xi1> -> vector<16xi32>
    %sub3A_2719 = arith.subi %masked_cumsum3A_2718, %get3A_2715 : vector<16xi32>
    %add3A_2720 = vector.broadcast %add3A_2639 : i32 to vector<16xi32>
    %add3A_2721 = arith.addi %sub3A_2719, %add3A_2720 : vector<16xi32>
    %slice3A_2722 = vector.extract_strided_slice %masked_cumsum3A_2718 {offsets = [15], sizes = [1], strides = [1]} : vector<16xi32> to vector<1xi32>
    %squeeze3A_2723 = vector.extract %slice3A_2722[0] : i32 from vector<1xi32>
    %add3A_2724 = arith.addi %add3A_2639, %squeeze3A_2723 : i32
    %add3A_2725 = arith.constant 432 : i32
    %add3A_2726 = arith.addi %mul3A_32, %add3A_2725 : i32
    %add3A_2727 = vector.broadcast %add3A_2726 : i32 to vector<16xi32>
    %add3A_2728 = arith.addi %iota3A, %add3A_2727 : vector<16xi32>
    %add3A_2729 = arith.constant 0 : i32
    %add3A_2730 = vector.broadcast %add3A_2729 : i32 to vector<16xi32>
    %add3A_2731 = arith.addi %add3A_2721, %add3A_2730 : vector<16xi32>
    %gt3A_2732 = arith.constant 0 : i32
    %gt3A_2733 = vector.broadcast %gt3A_2732 : i32 to vector<16xi32>
    %gt3A_2734 = arith.cmpi sgt, %get3A_2715, %gt3A_2733 : vector<16xi32>
    %lt3A_2735 = arith.constant 2048 : i32
    %lt3A_2736 = vector.broadcast %lt3A_2735 : i32 to vector<16xi32>
    %lt3A_2737 = arith.cmpi slt, %add3A_2731, %lt3A_2736 : vector<16xi32>
    %and3A_2738 = arith.andi %gt3A_2734, %lt3A_2737 : vector<16xi1>
    tpu.vector_store_idx %arg6[%add3A_2731], %add3A_2728 masked %and3A_2738 : memref<2080xi32, #tpu.memory_space<vmem>>[vector<16xi32>], vector<16xi32>, vector<16xi1>
    %add3A_2739 = arith.constant 1 : i32
    %add3A_2740 = vector.broadcast %add3A_2739 : i32 to vector<16xi32>
    %add3A_2741 = arith.addi %add3A_2721, %add3A_2740 : vector<16xi32>
    %gt3A_2742 = arith.constant 1 : i32
    %gt3A_2743 = vector.broadcast %gt3A_2742 : i32 to vector<16xi32>
    %gt3A_2744 = arith.cmpi sgt, %get3A_2715, %gt3A_2743 : vector<16xi32>
    %lt3A_2745 = arith.constant 2048 : i32
    %lt3A_2746 = vector.broadcast %lt3A_2745 : i32 to vector<16xi32>
    %lt3A_2747 = arith.cmpi slt, %add3A_2741, %lt3A_2746 : vector<16xi32>
    %and3A_2748 = arith.andi %gt3A_2744, %lt3A_2747 : vector<16xi1>
    tpu.vector_store_idx %arg6[%add3A_2741], %add3A_2728 masked %and3A_2748 : memref<2080xi32, #tpu.memory_space<vmem>>[vector<16xi32>], vector<16xi32>, vector<16xi1>
    %add3A_2749 = arith.constant 2 : i32
    %add3A_2750 = vector.broadcast %add3A_2749 : i32 to vector<16xi32>
    %add3A_2751 = arith.addi %add3A_2721, %add3A_2750 : vector<16xi32>
    %gt3A_2752 = arith.constant 2 : i32
    %gt3A_2753 = vector.broadcast %gt3A_2752 : i32 to vector<16xi32>
    %gt3A_2754 = arith.cmpi sgt, %get3A_2715, %gt3A_2753 : vector<16xi32>
    %lt3A_2755 = arith.constant 2048 : i32
    %lt3A_2756 = vector.broadcast %lt3A_2755 : i32 to vector<16xi32>
    %lt3A_2757 = arith.cmpi slt, %add3A_2751, %lt3A_2756 : vector<16xi32>
    %and3A_2758 = arith.andi %gt3A_2754, %lt3A_2757 : vector<16xi1>
    tpu.vector_store_idx %arg6[%add3A_2751], %add3A_2728 masked %and3A_2758 : memref<2080xi32, #tpu.memory_space<vmem>>[vector<16xi32>], vector<16xi32>, vector<16xi1>
    %add3A_2759 = arith.constant 3 : i32
    %add3A_2760 = vector.broadcast %add3A_2759 : i32 to vector<16xi32>
    %add3A_2761 = arith.addi %add3A_2721, %add3A_2760 : vector<16xi32>
    %gt3A_2762 = arith.constant 3 : i32
    %gt3A_2763 = vector.broadcast %gt3A_2762 : i32 to vector<16xi32>
    %gt3A_2764 = arith.cmpi sgt, %get3A_2715, %gt3A_2763 : vector<16xi32>
    %lt3A_2765 = arith.constant 2048 : i32
    %lt3A_2766 = vector.broadcast %lt3A_2765 : i32 to vector<16xi32>
    %lt3A_2767 = arith.cmpi slt, %add3A_2761, %lt3A_2766 : vector<16xi32>
    %and3A_2768 = arith.andi %gt3A_2764, %lt3A_2767 : vector<16xi1>
    tpu.vector_store_idx %arg6[%add3A_2761], %add3A_2728 masked %and3A_2768 : memref<2080xi32, #tpu.memory_space<vmem>>[vector<16xi32>], vector<16xi32>, vector<16xi1>
    %add3A_2769 = arith.constant 4 : i32
    %add3A_2770 = vector.broadcast %add3A_2769 : i32 to vector<16xi32>
    %add3A_2771 = arith.addi %add3A_2721, %add3A_2770 : vector<16xi32>
    %gt3A_2772 = arith.constant 4 : i32
    %gt3A_2773 = vector.broadcast %gt3A_2772 : i32 to vector<16xi32>
    %gt3A_2774 = arith.cmpi sgt, %get3A_2715, %gt3A_2773 : vector<16xi32>
    %lt3A_2775 = arith.constant 2048 : i32
    %lt3A_2776 = vector.broadcast %lt3A_2775 : i32 to vector<16xi32>
    %lt3A_2777 = arith.cmpi slt, %add3A_2771, %lt3A_2776 : vector<16xi32>
    %and3A_2778 = arith.andi %gt3A_2774, %lt3A_2777 : vector<16xi1>
    tpu.vector_store_idx %arg6[%add3A_2771], %add3A_2728 masked %and3A_2778 : memref<2080xi32, #tpu.memory_space<vmem>>[vector<16xi32>], vector<16xi32>, vector<16xi1>
    %add3A_2779 = arith.constant 5 : i32
    %add3A_2780 = vector.broadcast %add3A_2779 : i32 to vector<16xi32>
    %add3A_2781 = arith.addi %add3A_2721, %add3A_2780 : vector<16xi32>
    %gt3A_2782 = arith.constant 5 : i32
    %gt3A_2783 = vector.broadcast %gt3A_2782 : i32 to vector<16xi32>
    %gt3A_2784 = arith.cmpi sgt, %get3A_2715, %gt3A_2783 : vector<16xi32>
    %lt3A_2785 = arith.constant 2048 : i32
    %lt3A_2786 = vector.broadcast %lt3A_2785 : i32 to vector<16xi32>
    %lt3A_2787 = arith.cmpi slt, %add3A_2781, %lt3A_2786 : vector<16xi32>
    %and3A_2788 = arith.andi %gt3A_2784, %lt3A_2787 : vector<16xi1>
    tpu.vector_store_idx %arg6[%add3A_2781], %add3A_2728 masked %and3A_2788 : memref<2080xi32, #tpu.memory_space<vmem>>[vector<16xi32>], vector<16xi32>, vector<16xi1>
    %add3A_2789 = arith.constant 6 : i32
    %add3A_2790 = vector.broadcast %add3A_2789 : i32 to vector<16xi32>
    %add3A_2791 = arith.addi %add3A_2721, %add3A_2790 : vector<16xi32>
    %gt3A_2792 = arith.constant 6 : i32
    %gt3A_2793 = vector.broadcast %gt3A_2792 : i32 to vector<16xi32>
    %gt3A_2794 = arith.cmpi sgt, %get3A_2715, %gt3A_2793 : vector<16xi32>
    %lt3A_2795 = arith.constant 2048 : i32
    %lt3A_2796 = vector.broadcast %lt3A_2795 : i32 to vector<16xi32>
    %lt3A_2797 = arith.cmpi slt, %add3A_2791, %lt3A_2796 : vector<16xi32>
    %and3A_2798 = arith.andi %gt3A_2794, %lt3A_2797 : vector<16xi1>
    tpu.vector_store_idx %arg6[%add3A_2791], %add3A_2728 masked %and3A_2798 : memref<2080xi32, #tpu.memory_space<vmem>>[vector<16xi32>], vector<16xi32>, vector<16xi1>
    %get3A_2799 = arith.constant 448 : index
    %get3A_2800 = tpu.vector_load %arg5[%get3A_2799] {strides = array<i32>} : memref<512xi32, #tpu.memory_space<vmem>>, vector<16xi32>,
    %broadcast_in_dim3A_2801 = arith.constant true
    %broadcast_in_dim3A_2802 = vector.broadcast %broadcast_in_dim3A_2801 : i1 to vector<16xi1>
    %masked_cumsum3A_2803 = tpu.scan <sum>, %get3A_2800 masked %broadcast_in_dim3A_2802 : vector<16xi32>, vector<16xi1> -> vector<16xi32>
    %sub3A_2804 = arith.subi %masked_cumsum3A_2803, %get3A_2800 : vector<16xi32>
    %add3A_2805 = vector.broadcast %add3A_2724 : i32 to vector<16xi32>
    %add3A_2806 = arith.addi %sub3A_2804, %add3A_2805 : vector<16xi32>
    %slice3A_2807 = vector.extract_strided_slice %masked_cumsum3A_2803 {offsets = [15], sizes = [1], strides = [1]} : vector<16xi32> to vector<1xi32>
    %squeeze3A_2808 = vector.extract %slice3A_2807[0] : i32 from vector<1xi32>
    %add3A_2809 = arith.addi %add3A_2724, %squeeze3A_2808 : i32
    %add3A_2810 = arith.constant 448 : i32
    %add3A_2811 = arith.addi %mul3A_32, %add3A_2810 : i32
    %add3A_2812 = vector.broadcast %add3A_2811 : i32 to vector<16xi32>
    %add3A_2813 = arith.addi %iota3A, %add3A_2812 : vector<16xi32>
    %add3A_2814 = arith.constant 0 : i32
    %add3A_2815 = vector.broadcast %add3A_2814 : i32 to vector<16xi32>
    %add3A_2816 = arith.addi %add3A_2806, %add3A_2815 : vector<16xi32>
    %gt3A_2817 = arith.constant 0 : i32
    %gt3A_2818 = vector.broadcast %gt3A_2817 : i32 to vector<16xi32>
    %gt3A_2819 = arith.cmpi sgt, %get3A_2800, %gt3A_2818 : vector<16xi32>
    %lt3A_2820 = arith.constant 2048 : i32
    %lt3A_2821 = vector.broadcast %lt3A_2820 : i32 to vector<16xi32>
    %lt3A_2822 = arith.cmpi slt, %add3A_2816, %lt3A_2821 : vector<16xi32>
    %and3A_2823 = arith.andi %gt3A_2819, %lt3A_2822 : vector<16xi1>
    tpu.vector_store_idx %arg6[%add3A_2816], %add3A_2813 masked %and3A_2823 : memref<2080xi32, #tpu.memory_space<vmem>>[vector<16xi32>], vector<16xi32>, vector<16xi1>
    %add3A_2824 = arith.constant 1 : i32
    %add3A_2825 = vector.broadcast %add3A_2824 : i32 to vector<16xi32>
    %add3A_2826 = arith.addi %add3A_2806, %add3A_2825 : vector<16xi32>
    %gt3A_2827 = arith.constant 1 : i32
    %gt3A_2828 = vector.broadcast %gt3A_2827 : i32 to vector<16xi32>
    %gt3A_2829 = arith.cmpi sgt, %get3A_2800, %gt3A_2828 : vector<16xi32>
    %lt3A_2830 = arith.constant 2048 : i32
    %lt3A_2831 = vector.broadcast %lt3A_2830 : i32 to vector<16xi32>
    %lt3A_2832 = arith.cmpi slt, %add3A_2826, %lt3A_2831 : vector<16xi32>
    %and3A_2833 = arith.andi %gt3A_2829, %lt3A_2832 : vector<16xi1>
    tpu.vector_store_idx %arg6[%add3A_2826], %add3A_2813 masked %and3A_2833 : memref<2080xi32, #tpu.memory_space<vmem>>[vector<16xi32>], vector<16xi32>, vector<16xi1>
    %add3A_2834 = arith.constant 2 : i32
    %add3A_2835 = vector.broadcast %add3A_2834 : i32 to vector<16xi32>
    %add3A_2836 = arith.addi %add3A_2806, %add3A_2835 : vector<16xi32>
    %gt3A_2837 = arith.constant 2 : i32
    %gt3A_2838 = vector.broadcast %gt3A_2837 : i32 to vector<16xi32>
    %gt3A_2839 = arith.cmpi sgt, %get3A_2800, %gt3A_2838 : vector<16xi32>
    %lt3A_2840 = arith.constant 2048 : i32
    %lt3A_2841 = vector.broadcast %lt3A_2840 : i32 to vector<16xi32>
    %lt3A_2842 = arith.cmpi slt, %add3A_2836, %lt3A_2841 : vector<16xi32>
    %and3A_2843 = arith.andi %gt3A_2839, %lt3A_2842 : vector<16xi1>
    tpu.vector_store_idx %arg6[%add3A_2836], %add3A_2813 masked %and3A_2843 : memref<2080xi32, #tpu.memory_space<vmem>>[vector<16xi32>], vector<16xi32>, vector<16xi1>
    %add3A_2844 = arith.constant 3 : i32
    %add3A_2845 = vector.broadcast %add3A_2844 : i32 to vector<16xi32>
    %add3A_2846 = arith.addi %add3A_2806, %add3A_2845 : vector<16xi32>
    %gt3A_2847 = arith.constant 3 : i32
    %gt3A_2848 = vector.broadcast %gt3A_2847 : i32 to vector<16xi32>
    %gt3A_2849 = arith.cmpi sgt, %get3A_2800, %gt3A_2848 : vector<16xi32>
    %lt3A_2850 = arith.constant 2048 : i32
    %lt3A_2851 = vector.broadcast %lt3A_2850 : i32 to vector<16xi32>
    %lt3A_2852 = arith.cmpi slt, %add3A_2846, %lt3A_2851 : vector<16xi32>
    %and3A_2853 = arith.andi %gt3A_2849, %lt3A_2852 : vector<16xi1>
    tpu.vector_store_idx %arg6[%add3A_2846], %add3A_2813 masked %and3A_2853 : memref<2080xi32, #tpu.memory_space<vmem>>[vector<16xi32>], vector<16xi32>, vector<16xi1>
    %add3A_2854 = arith.constant 4 : i32
    %add3A_2855 = vector.broadcast %add3A_2854 : i32 to vector<16xi32>
    %add3A_2856 = arith.addi %add3A_2806, %add3A_2855 : vector<16xi32>
    %gt3A_2857 = arith.constant 4 : i32
    %gt3A_2858 = vector.broadcast %gt3A_2857 : i32 to vector<16xi32>
    %gt3A_2859 = arith.cmpi sgt, %get3A_2800, %gt3A_2858 : vector<16xi32>
    %lt3A_2860 = arith.constant 2048 : i32
    %lt3A_2861 = vector.broadcast %lt3A_2860 : i32 to vector<16xi32>
    %lt3A_2862 = arith.cmpi slt, %add3A_2856, %lt3A_2861 : vector<16xi32>
    %and3A_2863 = arith.andi %gt3A_2859, %lt3A_2862 : vector<16xi1>
    tpu.vector_store_idx %arg6[%add3A_2856], %add3A_2813 masked %and3A_2863 : memref<2080xi32, #tpu.memory_space<vmem>>[vector<16xi32>], vector<16xi32>, vector<16xi1>
    %add3A_2864 = arith.constant 5 : i32
    %add3A_2865 = vector.broadcast %add3A_2864 : i32 to vector<16xi32>
    %add3A_2866 = arith.addi %add3A_2806, %add3A_2865 : vector<16xi32>
    %gt3A_2867 = arith.constant 5 : i32
    %gt3A_2868 = vector.broadcast %gt3A_2867 : i32 to vector<16xi32>
    %gt3A_2869 = arith.cmpi sgt, %get3A_2800, %gt3A_2868 : vector<16xi32>
    %lt3A_2870 = arith.constant 2048 : i32
    %lt3A_2871 = vector.broadcast %lt3A_2870 : i32 to vector<16xi32>
    %lt3A_2872 = arith.cmpi slt, %add3A_2866, %lt3A_2871 : vector<16xi32>
    %and3A_2873 = arith.andi %gt3A_2869, %lt3A_2872 : vector<16xi1>
    tpu.vector_store_idx %arg6[%add3A_2866], %add3A_2813 masked %and3A_2873 : memref<2080xi32, #tpu.memory_space<vmem>>[vector<16xi32>], vector<16xi32>, vector<16xi1>
    %add3A_2874 = arith.constant 6 : i32
    %add3A_2875 = vector.broadcast %add3A_2874 : i32 to vector<16xi32>
    %add3A_2876 = arith.addi %add3A_2806, %add3A_2875 : vector<16xi32>
    %gt3A_2877 = arith.constant 6 : i32
    %gt3A_2878 = vector.broadcast %gt3A_2877 : i32 to vector<16xi32>
    %gt3A_2879 = arith.cmpi sgt, %get3A_2800, %gt3A_2878 : vector<16xi32>
    %lt3A_2880 = arith.constant 2048 : i32
    %lt3A_2881 = vector.broadcast %lt3A_2880 : i32 to vector<16xi32>
    %lt3A_2882 = arith.cmpi slt, %add3A_2876, %lt3A_2881 : vector<16xi32>
    %and3A_2883 = arith.andi %gt3A_2879, %lt3A_2882 : vector<16xi1>
    tpu.vector_store_idx %arg6[%add3A_2876], %add3A_2813 masked %and3A_2883 : memref<2080xi32, #tpu.memory_space<vmem>>[vector<16xi32>], vector<16xi32>, vector<16xi1>
    %get3A_2884 = arith.constant 464 : index
    %get3A_2885 = tpu.vector_load %arg5[%get3A_2884] {strides = array<i32>} : memref<512xi32, #tpu.memory_space<vmem>>, vector<16xi32>,
    %broadcast_in_dim3A_2886 = arith.constant true
    %broadcast_in_dim3A_2887 = vector.broadcast %broadcast_in_dim3A_2886 : i1 to vector<16xi1>
    %masked_cumsum3A_2888 = tpu.scan <sum>, %get3A_2885 masked %broadcast_in_dim3A_2887 : vector<16xi32>, vector<16xi1> -> vector<16xi32>
    %sub3A_2889 = arith.subi %masked_cumsum3A_2888, %get3A_2885 : vector<16xi32>
    %add3A_2890 = vector.broadcast %add3A_2809 : i32 to vector<16xi32>
    %add3A_2891 = arith.addi %sub3A_2889, %add3A_2890 : vector<16xi32>
    %slice3A_2892 = vector.extract_strided_slice %masked_cumsum3A_2888 {offsets = [15], sizes = [1], strides = [1]} : vector<16xi32> to vector<1xi32>
    %squeeze3A_2893 = vector.extract %slice3A_2892[0] : i32 from vector<1xi32>
    %add3A_2894 = arith.addi %add3A_2809, %squeeze3A_2893 : i32
    %add3A_2895 = arith.constant 464 : i32
    %add3A_2896 = arith.addi %mul3A_32, %add3A_2895 : i32
    %add3A_2897 = vector.broadcast %add3A_2896 : i32 to vector<16xi32>
    %add3A_2898 = arith.addi %iota3A, %add3A_2897 : vector<16xi32>
    %add3A_2899 = arith.constant 0 : i32
    %add3A_2900 = vector.broadcast %add3A_2899 : i32 to vector<16xi32>
    %add3A_2901 = arith.addi %add3A_2891, %add3A_2900 : vector<16xi32>
    %gt3A_2902 = arith.constant 0 : i32
    %gt3A_2903 = vector.broadcast %gt3A_2902 : i32 to vector<16xi32>
    %gt3A_2904 = arith.cmpi sgt, %get3A_2885, %gt3A_2903 : vector<16xi32>
    %lt3A_2905 = arith.constant 2048 : i32
    %lt3A_2906 = vector.broadcast %lt3A_2905 : i32 to vector<16xi32>
    %lt3A_2907 = arith.cmpi slt, %add3A_2901, %lt3A_2906 : vector<16xi32>
    %and3A_2908 = arith.andi %gt3A_2904, %lt3A_2907 : vector<16xi1>
    tpu.vector_store_idx %arg6[%add3A_2901], %add3A_2898 masked %and3A_2908 : memref<2080xi32, #tpu.memory_space<vmem>>[vector<16xi32>], vector<16xi32>, vector<16xi1>
    %add3A_2909 = arith.constant 1 : i32
    %add3A_2910 = vector.broadcast %add3A_2909 : i32 to vector<16xi32>
    %add3A_2911 = arith.addi %add3A_2891, %add3A_2910 : vector<16xi32>
    %gt3A_2912 = arith.constant 1 : i32
    %gt3A_2913 = vector.broadcast %gt3A_2912 : i32 to vector<16xi32>
    %gt3A_2914 = arith.cmpi sgt, %get3A_2885, %gt3A_2913 : vector<16xi32>
    %lt3A_2915 = arith.constant 2048 : i32
    %lt3A_2916 = vector.broadcast %lt3A_2915 : i32 to vector<16xi32>
    %lt3A_2917 = arith.cmpi slt, %add3A_2911, %lt3A_2916 : vector<16xi32>
    %and3A_2918 = arith.andi %gt3A_2914, %lt3A_2917 : vector<16xi1>
    tpu.vector_store_idx %arg6[%add3A_2911], %add3A_2898 masked %and3A_2918 : memref<2080xi32, #tpu.memory_space<vmem>>[vector<16xi32>], vector<16xi32>, vector<16xi1>
    %add3A_2919 = arith.constant 2 : i32
    %add3A_2920 = vector.broadcast %add3A_2919 : i32 to vector<16xi32>
    %add3A_2921 = arith.addi %add3A_2891, %add3A_2920 : vector<16xi32>
    %gt3A_2922 = arith.constant 2 : i32
    %gt3A_2923 = vector.broadcast %gt3A_2922 : i32 to vector<16xi32>
    %gt3A_2924 = arith.cmpi sgt, %get3A_2885, %gt3A_2923 : vector<16xi32>
    %lt3A_2925 = arith.constant 2048 : i32
    %lt3A_2926 = vector.broadcast %lt3A_2925 : i32 to vector<16xi32>
    %lt3A_2927 = arith.cmpi slt, %add3A_2921, %lt3A_2926 : vector<16xi32>
    %and3A_2928 = arith.andi %gt3A_2924, %lt3A_2927 : vector<16xi1>
    tpu.vector_store_idx %arg6[%add3A_2921], %add3A_2898 masked %and3A_2928 : memref<2080xi32, #tpu.memory_space<vmem>>[vector<16xi32>], vector<16xi32>, vector<16xi1>
    %add3A_2929 = arith.constant 3 : i32
    %add3A_2930 = vector.broadcast %add3A_2929 : i32 to vector<16xi32>
    %add3A_2931 = arith.addi %add3A_2891, %add3A_2930 : vector<16xi32>
    %gt3A_2932 = arith.constant 3 : i32
    %gt3A_2933 = vector.broadcast %gt3A_2932 : i32 to vector<16xi32>
    %gt3A_2934 = arith.cmpi sgt, %get3A_2885, %gt3A_2933 : vector<16xi32>
    %lt3A_2935 = arith.constant 2048 : i32
    %lt3A_2936 = vector.broadcast %lt3A_2935 : i32 to vector<16xi32>
    %lt3A_2937 = arith.cmpi slt, %add3A_2931, %lt3A_2936 : vector<16xi32>
    %and3A_2938 = arith.andi %gt3A_2934, %lt3A_2937 : vector<16xi1>
    tpu.vector_store_idx %arg6[%add3A_2931], %add3A_2898 masked %and3A_2938 : memref<2080xi32, #tpu.memory_space<vmem>>[vector<16xi32>], vector<16xi32>, vector<16xi1>
    %add3A_2939 = arith.constant 4 : i32
    %add3A_2940 = vector.broadcast %add3A_2939 : i32 to vector<16xi32>
    %add3A_2941 = arith.addi %add3A_2891, %add3A_2940 : vector<16xi32>
    %gt3A_2942 = arith.constant 4 : i32
    %gt3A_2943 = vector.broadcast %gt3A_2942 : i32 to vector<16xi32>
    %gt3A_2944 = arith.cmpi sgt, %get3A_2885, %gt3A_2943 : vector<16xi32>
    %lt3A_2945 = arith.constant 2048 : i32
    %lt3A_2946 = vector.broadcast %lt3A_2945 : i32 to vector<16xi32>
    %lt3A_2947 = arith.cmpi slt, %add3A_2941, %lt3A_2946 : vector<16xi32>
    %and3A_2948 = arith.andi %gt3A_2944, %lt3A_2947 : vector<16xi1>
    tpu.vector_store_idx %arg6[%add3A_2941], %add3A_2898 masked %and3A_2948 : memref<2080xi32, #tpu.memory_space<vmem>>[vector<16xi32>], vector<16xi32>, vector<16xi1>
    %add3A_2949 = arith.constant 5 : i32
    %add3A_2950 = vector.broadcast %add3A_2949 : i32 to vector<16xi32>
    %add3A_2951 = arith.addi %add3A_2891, %add3A_2950 : vector<16xi32>
    %gt3A_2952 = arith.constant 5 : i32
    %gt3A_2953 = vector.broadcast %gt3A_2952 : i32 to vector<16xi32>
    %gt3A_2954 = arith.cmpi sgt, %get3A_2885, %gt3A_2953 : vector<16xi32>
    %lt3A_2955 = arith.constant 2048 : i32
    %lt3A_2956 = vector.broadcast %lt3A_2955 : i32 to vector<16xi32>
    %lt3A_2957 = arith.cmpi slt, %add3A_2951, %lt3A_2956 : vector<16xi32>
    %and3A_2958 = arith.andi %gt3A_2954, %lt3A_2957 : vector<16xi1>
    tpu.vector_store_idx %arg6[%add3A_2951], %add3A_2898 masked %and3A_2958 : memref<2080xi32, #tpu.memory_space<vmem>>[vector<16xi32>], vector<16xi32>, vector<16xi1>
    %add3A_2959 = arith.constant 6 : i32
    %add3A_2960 = vector.broadcast %add3A_2959 : i32 to vector<16xi32>
    %add3A_2961 = arith.addi %add3A_2891, %add3A_2960 : vector<16xi32>
    %gt3A_2962 = arith.constant 6 : i32
    %gt3A_2963 = vector.broadcast %gt3A_2962 : i32 to vector<16xi32>
    %gt3A_2964 = arith.cmpi sgt, %get3A_2885, %gt3A_2963 : vector<16xi32>
    %lt3A_2965 = arith.constant 2048 : i32
    %lt3A_2966 = vector.broadcast %lt3A_2965 : i32 to vector<16xi32>
    %lt3A_2967 = arith.cmpi slt, %add3A_2961, %lt3A_2966 : vector<16xi32>
    %and3A_2968 = arith.andi %gt3A_2964, %lt3A_2967 : vector<16xi1>
    tpu.vector_store_idx %arg6[%add3A_2961], %add3A_2898 masked %and3A_2968 : memref<2080xi32, #tpu.memory_space<vmem>>[vector<16xi32>], vector<16xi32>, vector<16xi1>
    %get3A_2969 = arith.constant 480 : index
    %get3A_2970 = tpu.vector_load %arg5[%get3A_2969] {strides = array<i32>} : memref<512xi32, #tpu.memory_space<vmem>>, vector<16xi32>,
    %broadcast_in_dim3A_2971 = arith.constant true
    %broadcast_in_dim3A_2972 = vector.broadcast %broadcast_in_dim3A_2971 : i1 to vector<16xi1>
    %masked_cumsum3A_2973 = tpu.scan <sum>, %get3A_2970 masked %broadcast_in_dim3A_2972 : vector<16xi32>, vector<16xi1> -> vector<16xi32>
    %sub3A_2974 = arith.subi %masked_cumsum3A_2973, %get3A_2970 : vector<16xi32>
    %add3A_2975 = vector.broadcast %add3A_2894 : i32 to vector<16xi32>
    %add3A_2976 = arith.addi %sub3A_2974, %add3A_2975 : vector<16xi32>
    %slice3A_2977 = vector.extract_strided_slice %masked_cumsum3A_2973 {offsets = [15], sizes = [1], strides = [1]} : vector<16xi32> to vector<1xi32>
    %squeeze3A_2978 = vector.extract %slice3A_2977[0] : i32 from vector<1xi32>
    %add3A_2979 = arith.addi %add3A_2894, %squeeze3A_2978 : i32
    %add3A_2980 = arith.constant 480 : i32
    %add3A_2981 = arith.addi %mul3A_32, %add3A_2980 : i32
    %add3A_2982 = vector.broadcast %add3A_2981 : i32 to vector<16xi32>
    %add3A_2983 = arith.addi %iota3A, %add3A_2982 : vector<16xi32>
    %add3A_2984 = arith.constant 0 : i32
    %add3A_2985 = vector.broadcast %add3A_2984 : i32 to vector<16xi32>
    %add3A_2986 = arith.addi %add3A_2976, %add3A_2985 : vector<16xi32>
    %gt3A_2987 = arith.constant 0 : i32
    %gt3A_2988 = vector.broadcast %gt3A_2987 : i32 to vector<16xi32>
    %gt3A_2989 = arith.cmpi sgt, %get3A_2970, %gt3A_2988 : vector<16xi32>
    %lt3A_2990 = arith.constant 2048 : i32
    %lt3A_2991 = vector.broadcast %lt3A_2990 : i32 to vector<16xi32>
    %lt3A_2992 = arith.cmpi slt, %add3A_2986, %lt3A_2991 : vector<16xi32>
    %and3A_2993 = arith.andi %gt3A_2989, %lt3A_2992 : vector<16xi1>
    tpu.vector_store_idx %arg6[%add3A_2986], %add3A_2983 masked %and3A_2993 : memref<2080xi32, #tpu.memory_space<vmem>>[vector<16xi32>], vector<16xi32>, vector<16xi1>
    %add3A_2994 = arith.constant 1 : i32
    %add3A_2995 = vector.broadcast %add3A_2994 : i32 to vector<16xi32>
    %add3A_2996 = arith.addi %add3A_2976, %add3A_2995 : vector<16xi32>
    %gt3A_2997 = arith.constant 1 : i32
    %gt3A_2998 = vector.broadcast %gt3A_2997 : i32 to vector<16xi32>
    %gt3A_2999 = arith.cmpi sgt, %get3A_2970, %gt3A_2998 : vector<16xi32>
    %lt3A_3000 = arith.constant 2048 : i32
    %lt3A_3001 = vector.broadcast %lt3A_3000 : i32 to vector<16xi32>
    %lt3A_3002 = arith.cmpi slt, %add3A_2996, %lt3A_3001 : vector<16xi32>
    %and3A_3003 = arith.andi %gt3A_2999, %lt3A_3002 : vector<16xi1>
    tpu.vector_store_idx %arg6[%add3A_2996], %add3A_2983 masked %and3A_3003 : memref<2080xi32, #tpu.memory_space<vmem>>[vector<16xi32>], vector<16xi32>, vector<16xi1>
    %add3A_3004 = arith.constant 2 : i32
    %add3A_3005 = vector.broadcast %add3A_3004 : i32 to vector<16xi32>
    %add3A_3006 = arith.addi %add3A_2976, %add3A_3005 : vector<16xi32>
    %gt3A_3007 = arith.constant 2 : i32
    %gt3A_3008 = vector.broadcast %gt3A_3007 : i32 to vector<16xi32>
    %gt3A_3009 = arith.cmpi sgt, %get3A_2970, %gt3A_3008 : vector<16xi32>
    %lt3A_3010 = arith.constant 2048 : i32
    %lt3A_3011 = vector.broadcast %lt3A_3010 : i32 to vector<16xi32>
    %lt3A_3012 = arith.cmpi slt, %add3A_3006, %lt3A_3011 : vector<16xi32>
    %and3A_3013 = arith.andi %gt3A_3009, %lt3A_3012 : vector<16xi1>
    tpu.vector_store_idx %arg6[%add3A_3006], %add3A_2983 masked %and3A_3013 : memref<2080xi32, #tpu.memory_space<vmem>>[vector<16xi32>], vector<16xi32>, vector<16xi1>
    %add3A_3014 = arith.constant 3 : i32
    %add3A_3015 = vector.broadcast %add3A_3014 : i32 to vector<16xi32>
    %add3A_3016 = arith.addi %add3A_2976, %add3A_3015 : vector<16xi32>
    %gt3A_3017 = arith.constant 3 : i32
    %gt3A_3018 = vector.broadcast %gt3A_3017 : i32 to vector<16xi32>
    %gt3A_3019 = arith.cmpi sgt, %get3A_2970, %gt3A_3018 : vector<16xi32>
    %lt3A_3020 = arith.constant 2048 : i32
    %lt3A_3021 = vector.broadcast %lt3A_3020 : i32 to vector<16xi32>
    %lt3A_3022 = arith.cmpi slt, %add3A_3016, %lt3A_3021 : vector<16xi32>
    %and3A_3023 = arith.andi %gt3A_3019, %lt3A_3022 : vector<16xi1>
    tpu.vector_store_idx %arg6[%add3A_3016], %add3A_2983 masked %and3A_3023 : memref<2080xi32, #tpu.memory_space<vmem>>[vector<16xi32>], vector<16xi32>, vector<16xi1>
    %add3A_3024 = arith.constant 4 : i32
    %add3A_3025 = vector.broadcast %add3A_3024 : i32 to vector<16xi32>
    %add3A_3026 = arith.addi %add3A_2976, %add3A_3025 : vector<16xi32>
    %gt3A_3027 = arith.constant 4 : i32
    %gt3A_3028 = vector.broadcast %gt3A_3027 : i32 to vector<16xi32>
    %gt3A_3029 = arith.cmpi sgt, %get3A_2970, %gt3A_3028 : vector<16xi32>
    %lt3A_3030 = arith.constant 2048 : i32
    %lt3A_3031 = vector.broadcast %lt3A_3030 : i32 to vector<16xi32>
    %lt3A_3032 = arith.cmpi slt, %add3A_3026, %lt3A_3031 : vector<16xi32>
    %and3A_3033 = arith.andi %gt3A_3029, %lt3A_3032 : vector<16xi1>
    tpu.vector_store_idx %arg6[%add3A_3026], %add3A_2983 masked %and3A_3033 : memref<2080xi32, #tpu.memory_space<vmem>>[vector<16xi32>], vector<16xi32>, vector<16xi1>
    %add3A_3034 = arith.constant 5 : i32
    %add3A_3035 = vector.broadcast %add3A_3034 : i32 to vector<16xi32>
    %add3A_3036 = arith.addi %add3A_2976, %add3A_3035 : vector<16xi32>
    %gt3A_3037 = arith.constant 5 : i32
    %gt3A_3038 = vector.broadcast %gt3A_3037 : i32 to vector<16xi32>
    %gt3A_3039 = arith.cmpi sgt, %get3A_2970, %gt3A_3038 : vector<16xi32>
    %lt3A_3040 = arith.constant 2048 : i32
    %lt3A_3041 = vector.broadcast %lt3A_3040 : i32 to vector<16xi32>
    %lt3A_3042 = arith.cmpi slt, %add3A_3036, %lt3A_3041 : vector<16xi32>
    %and3A_3043 = arith.andi %gt3A_3039, %lt3A_3042 : vector<16xi1>
    tpu.vector_store_idx %arg6[%add3A_3036], %add3A_2983 masked %and3A_3043 : memref<2080xi32, #tpu.memory_space<vmem>>[vector<16xi32>], vector<16xi32>, vector<16xi1>
    %add3A_3044 = arith.constant 6 : i32
    %add3A_3045 = vector.broadcast %add3A_3044 : i32 to vector<16xi32>
    %add3A_3046 = arith.addi %add3A_2976, %add3A_3045 : vector<16xi32>
    %gt3A_3047 = arith.constant 6 : i32
    %gt3A_3048 = vector.broadcast %gt3A_3047 : i32 to vector<16xi32>
    %gt3A_3049 = arith.cmpi sgt, %get3A_2970, %gt3A_3048 : vector<16xi32>
    %lt3A_3050 = arith.constant 2048 : i32
    %lt3A_3051 = vector.broadcast %lt3A_3050 : i32 to vector<16xi32>
    %lt3A_3052 = arith.cmpi slt, %add3A_3046, %lt3A_3051 : vector<16xi32>
    %and3A_3053 = arith.andi %gt3A_3049, %lt3A_3052 : vector<16xi1>
    tpu.vector_store_idx %arg6[%add3A_3046], %add3A_2983 masked %and3A_3053 : memref<2080xi32, #tpu.memory_space<vmem>>[vector<16xi32>], vector<16xi32>, vector<16xi1>
    %get3A_3054 = arith.constant 496 : index
    %get3A_3055 = tpu.vector_load %arg5[%get3A_3054] {strides = array<i32>} : memref<512xi32, #tpu.memory_space<vmem>>, vector<16xi32>,
    %broadcast_in_dim3A_3056 = arith.constant true
    %broadcast_in_dim3A_3057 = vector.broadcast %broadcast_in_dim3A_3056 : i1 to vector<16xi1>
    %masked_cumsum3A_3058 = tpu.scan <sum>, %get3A_3055 masked %broadcast_in_dim3A_3057 : vector<16xi32>, vector<16xi1> -> vector<16xi32>
    %sub3A_3059 = arith.subi %masked_cumsum3A_3058, %get3A_3055 : vector<16xi32>
    %add3A_3060 = vector.broadcast %add3A_2979 : i32 to vector<16xi32>
    %add3A_3061 = arith.addi %sub3A_3059, %add3A_3060 : vector<16xi32>
    %slice3A_3062 = vector.extract_strided_slice %masked_cumsum3A_3058 {offsets = [15], sizes = [1], strides = [1]} : vector<16xi32> to vector<1xi32>
    %squeeze3A_3063 = vector.extract %slice3A_3062[0] : i32 from vector<1xi32>
    %add3A_3064 = arith.addi %add3A_2979, %squeeze3A_3063 : i32
    %add3A_3065 = arith.constant 496 : i32
    %add3A_3066 = arith.addi %mul3A_32, %add3A_3065 : i32
    %add3A_3067 = vector.broadcast %add3A_3066 : i32 to vector<16xi32>
    %add3A_3068 = arith.addi %iota3A, %add3A_3067 : vector<16xi32>
    %add3A_3069 = arith.constant 0 : i32
    %add3A_3070 = vector.broadcast %add3A_3069 : i32 to vector<16xi32>
    %add3A_3071 = arith.addi %add3A_3061, %add3A_3070 : vector<16xi32>
    %gt3A_3072 = arith.constant 0 : i32
    %gt3A_3073 = vector.broadcast %gt3A_3072 : i32 to vector<16xi32>
    %gt3A_3074 = arith.cmpi sgt, %get3A_3055, %gt3A_3073 : vector<16xi32>
    %lt3A_3075 = arith.constant 2048 : i32
    %lt3A_3076 = vector.broadcast %lt3A_3075 : i32 to vector<16xi32>
    %lt3A_3077 = arith.cmpi slt, %add3A_3071, %lt3A_3076 : vector<16xi32>
    %and3A_3078 = arith.andi %gt3A_3074, %lt3A_3077 : vector<16xi1>
    tpu.vector_store_idx %arg6[%add3A_3071], %add3A_3068 masked %and3A_3078 : memref<2080xi32, #tpu.memory_space<vmem>>[vector<16xi32>], vector<16xi32>, vector<16xi1>
    %add3A_3079 = arith.constant 1 : i32
    %add3A_3080 = vector.broadcast %add3A_3079 : i32 to vector<16xi32>
    %add3A_3081 = arith.addi %add3A_3061, %add3A_3080 : vector<16xi32>
    %gt3A_3082 = arith.constant 1 : i32
    %gt3A_3083 = vector.broadcast %gt3A_3082 : i32 to vector<16xi32>
    %gt3A_3084 = arith.cmpi sgt, %get3A_3055, %gt3A_3083 : vector<16xi32>
    %lt3A_3085 = arith.constant 2048 : i32
    %lt3A_3086 = vector.broadcast %lt3A_3085 : i32 to vector<16xi32>
    %lt3A_3087 = arith.cmpi slt, %add3A_3081, %lt3A_3086 : vector<16xi32>
    %and3A_3088 = arith.andi %gt3A_3084, %lt3A_3087 : vector<16xi1>
    tpu.vector_store_idx %arg6[%add3A_3081], %add3A_3068 masked %and3A_3088 : memref<2080xi32, #tpu.memory_space<vmem>>[vector<16xi32>], vector<16xi32>, vector<16xi1>
    %add3A_3089 = arith.constant 2 : i32
    %add3A_3090 = vector.broadcast %add3A_3089 : i32 to vector<16xi32>
    %add3A_3091 = arith.addi %add3A_3061, %add3A_3090 : vector<16xi32>
    %gt3A_3092 = arith.constant 2 : i32
    %gt3A_3093 = vector.broadcast %gt3A_3092 : i32 to vector<16xi32>
    %gt3A_3094 = arith.cmpi sgt, %get3A_3055, %gt3A_3093 : vector<16xi32>
    %lt3A_3095 = arith.constant 2048 : i32
    %lt3A_3096 = vector.broadcast %lt3A_3095 : i32 to vector<16xi32>
    %lt3A_3097 = arith.cmpi slt, %add3A_3091, %lt3A_3096 : vector<16xi32>
    %and3A_3098 = arith.andi %gt3A_3094, %lt3A_3097 : vector<16xi1>
    tpu.vector_store_idx %arg6[%add3A_3091], %add3A_3068 masked %and3A_3098 : memref<2080xi32, #tpu.memory_space<vmem>>[vector<16xi32>], vector<16xi32>, vector<16xi1>
    %add3A_3099 = arith.constant 3 : i32
    %add3A_3100 = vector.broadcast %add3A_3099 : i32 to vector<16xi32>
    %add3A_3101 = arith.addi %add3A_3061, %add3A_3100 : vector<16xi32>
    %gt3A_3102 = arith.constant 3 : i32
    %gt3A_3103 = vector.broadcast %gt3A_3102 : i32 to vector<16xi32>
    %gt3A_3104 = arith.cmpi sgt, %get3A_3055, %gt3A_3103 : vector<16xi32>
    %lt3A_3105 = arith.constant 2048 : i32
    %lt3A_3106 = vector.broadcast %lt3A_3105 : i32 to vector<16xi32>
    %lt3A_3107 = arith.cmpi slt, %add3A_3101, %lt3A_3106 : vector<16xi32>
    %and3A_3108 = arith.andi %gt3A_3104, %lt3A_3107 : vector<16xi1>
    tpu.vector_store_idx %arg6[%add3A_3101], %add3A_3068 masked %and3A_3108 : memref<2080xi32, #tpu.memory_space<vmem>>[vector<16xi32>], vector<16xi32>, vector<16xi1>
    %add3A_3109 = arith.constant 4 : i32
    %add3A_3110 = vector.broadcast %add3A_3109 : i32 to vector<16xi32>
    %add3A_3111 = arith.addi %add3A_3061, %add3A_3110 : vector<16xi32>
    %gt3A_3112 = arith.constant 4 : i32
    %gt3A_3113 = vector.broadcast %gt3A_3112 : i32 to vector<16xi32>
    %gt3A_3114 = arith.cmpi sgt, %get3A_3055, %gt3A_3113 : vector<16xi32>
    %lt3A_3115 = arith.constant 2048 : i32
    %lt3A_3116 = vector.broadcast %lt3A_3115 : i32 to vector<16xi32>
    %lt3A_3117 = arith.cmpi slt, %add3A_3111, %lt3A_3116 : vector<16xi32>
    %and3A_3118 = arith.andi %gt3A_3114, %lt3A_3117 : vector<16xi1>
    tpu.vector_store_idx %arg6[%add3A_3111], %add3A_3068 masked %and3A_3118 : memref<2080xi32, #tpu.memory_space<vmem>>[vector<16xi32>], vector<16xi32>, vector<16xi1>
    %add3A_3119 = arith.constant 5 : i32
    %add3A_3120 = vector.broadcast %add3A_3119 : i32 to vector<16xi32>
    %add3A_3121 = arith.addi %add3A_3061, %add3A_3120 : vector<16xi32>
    %gt3A_3122 = arith.constant 5 : i32
    %gt3A_3123 = vector.broadcast %gt3A_3122 : i32 to vector<16xi32>
    %gt3A_3124 = arith.cmpi sgt, %get3A_3055, %gt3A_3123 : vector<16xi32>
    %lt3A_3125 = arith.constant 2048 : i32
    %lt3A_3126 = vector.broadcast %lt3A_3125 : i32 to vector<16xi32>
    %lt3A_3127 = arith.cmpi slt, %add3A_3121, %lt3A_3126 : vector<16xi32>
    %and3A_3128 = arith.andi %gt3A_3124, %lt3A_3127 : vector<16xi1>
    tpu.vector_store_idx %arg6[%add3A_3121], %add3A_3068 masked %and3A_3128 : memref<2080xi32, #tpu.memory_space<vmem>>[vector<16xi32>], vector<16xi32>, vector<16xi1>
    %add3A_3129 = arith.constant 6 : i32
    %add3A_3130 = vector.broadcast %add3A_3129 : i32 to vector<16xi32>
    %add3A_3131 = arith.addi %add3A_3061, %add3A_3130 : vector<16xi32>
    %gt3A_3132 = arith.constant 6 : i32
    %gt3A_3133 = vector.broadcast %gt3A_3132 : i32 to vector<16xi32>
    %gt3A_3134 = arith.cmpi sgt, %get3A_3055, %gt3A_3133 : vector<16xi32>
    %lt3A_3135 = arith.constant 2048 : i32
    %lt3A_3136 = vector.broadcast %lt3A_3135 : i32 to vector<16xi32>
    %lt3A_3137 = arith.cmpi slt, %add3A_3131, %lt3A_3136 : vector<16xi32>
    %and3A_3138 = arith.andi %gt3A_3134, %lt3A_3137 : vector<16xi1>
    tpu.vector_store_idx %arg6[%add3A_3131], %add3A_3068 masked %and3A_3138 : memref<2080xi32, #tpu.memory_space<vmem>>[vector<16xi32>], vector<16xi32>, vector<16xi1>
    %min3A = arith.constant 0 : i32
    %min3A_3139 = arith.constant 15 : i32
    %min3A_3140 = arith.minsi %min3A, %min3A_3139 : i32
    %mul3A_3141 = arith.constant 2 : i32
    %mul3A_3142 = arith.muli %mul3A_3141, %min3A_3140 : i32
    %add3A_3143 = arith.addi %mul3A_3142, %select_n3A_30 : i32
    %mul3A_3144 = arith.constant 64 : i32
    %mul3A_3145 = arith.muli %add3A_3143, %mul3A_3144 : i32
    %get3A_3146 = arith.index_cast %mul3A_3145 : i32 to index
    %get3A_3147 = tpu.vector_load %arg6[%get3A_3146] {strides = array<i32>} : memref<2080xi32, #tpu.memory_space<vmem>>, vector<16xi32>,
    %slice3A_3148 = vector.extract_strided_slice %get3A_3147 {offsets = [0], sizes = [1], strides = [1]} : vector<16xi32> to vector<1xi32>
    %squeeze3A_3149 = vector.extract %slice3A_3148[0] : i32 from vector<1xi32>
    %sub3A_3150 = arith.subi %squeeze3A_3149, %mul3A_32 : i32
    %jit3A_3151 = arith.constant 0 : i32
    %jit3A_3152 = arith.constant 440 : i32
    %max3A = arith.maxsi %jit3A_3151, %sub3A_3150 : i32
    %min3A_3153 = arith.minsi %jit3A_3152, %max3A : i32
    %and3A_3154 = arith.constant -8 : i32
    %and3A_3155 = arith.andi %min3A_3153, %and3A_3154 : i32
    %multiple_of3A = tpu.assume_multiple %and3A_3155, 8 : i32
    %add3A_3156 = arith.addi %mul3A_32, %multiple_of3A : i32
    %dma_start3A = arith.constant 0 : i32
    %dma_start3A_3157 = arith.constant 0 : i32
    %dma_start3A_3158 = tpu.memref_slice %arg7[%dma_start3A, %dma_start3A_3157] : memref<73x256xf32, #tpu.memory_space<vmem>> -> memref<72x256xf32, #tpu.memory_space<vmem>>
    %dma_start3A_3159 = arith.constant 0 : i32
    %dma_start3A_3160 = tpu.memref_slice %arg2[%add3A_3156, %dma_start3A_3159] : memref<8192x256xf32, #tpu.memory_space<hbm>> -> memref<72x256xf32, #tpu.memory_space<hbm>>
    %dma_start3A_3161 = arith.constant 0 : i32
    %dma_start3A_3162 = arith.constant 0 : i32
    %dma_start3A_3163 = tpu.memref_slice %arg7[%dma_start3A_3161, %dma_start3A_3162] : memref<73x256xf32, #tpu.memory_space<vmem>> -> memref<72x256xf32, #tpu.memory_space<vmem>>
    %dma_start3A_3164 = arith.constant 0 : i32
    %dma_start3A_3165 = tpu.memref_slice %arg2[%add3A_3156, %dma_start3A_3164] : memref<8192x256xf32, #tpu.memory_space<hbm>> -> memref<72x256xf32, #tpu.memory_space<hbm>>
    tpu.enqueue_dma source(%dma_start3A_3165 : memref<72x256xf32, #tpu.memory_space<hbm>>) target(%dma_start3A_3163 : memref<72x256xf32, #tpu.memory_space<vmem>>) target_semaphore(%arg11 : memref<!tpu.dma_semaphore, #tpu.memory_space<semaphore_mem>>)
    %min3A_3166 = arith.constant 1 : i32
    %min3A_3167 = arith.constant 15 : i32
    %min3A_3168 = arith.minsi %min3A_3166, %min3A_3167 : i32
    %mul3A_3169 = arith.constant 2 : i32
    %mul3A_3170 = arith.muli %mul3A_3169, %min3A_3168 : i32
    %add3A_3171 = arith.addi %mul3A_3170, %select_n3A_30 : i32
    %mul3A_3172 = arith.constant 64 : i32
    %mul3A_3173 = arith.muli %add3A_3171, %mul3A_3172 : i32
    %get3A_3174 = arith.index_cast %mul3A_3173 : i32 to index
    %get3A_3175 = tpu.vector_load %arg6[%get3A_3174] {strides = array<i32>} : memref<2080xi32, #tpu.memory_space<vmem>>, vector<16xi32>,
    %slice3A_3176 = vector.extract_strided_slice %get3A_3175 {offsets = [0], sizes = [1], strides = [1]} : vector<16xi32> to vector<1xi32>
    %squeeze3A_3177 = vector.extract %slice3A_3176[0] : i32 from vector<1xi32>
    %sub3A_3178 = arith.subi %squeeze3A_3177, %mul3A_32 : i32
    %jit3A_3179 = arith.constant 0 : i32
    %jit3A_3180 = arith.constant 440 : i32
    %max3A_3181 = arith.maxsi %jit3A_3179, %sub3A_3178 : i32
    %min3A_3182 = arith.minsi %jit3A_3180, %max3A_3181 : i32
    %and3A_3183 = arith.constant -8 : i32
    %and3A_3184 = arith.andi %min3A_3182, %and3A_3183 : i32
    %multiple_of3A_3185 = tpu.assume_multiple %and3A_3184, 8 : i32
    %add3A_3186 = arith.addi %mul3A_32, %multiple_of3A_3185 : i32
    %dma_start3A_3187 = arith.constant 0 : i32
    %dma_start3A_3188 = arith.constant 0 : i32
    %dma_start3A_3189 = tpu.memref_slice %arg8[%dma_start3A_3187, %dma_start3A_3188] : memref<73x256xf32, #tpu.memory_space<vmem>> -> memref<72x256xf32, #tpu.memory_space<vmem>>
    %dma_start3A_3190 = arith.constant 0 : i32
    %dma_start3A_3191 = tpu.memref_slice %arg2[%add3A_3186, %dma_start3A_3190] : memref<8192x256xf32, #tpu.memory_space<hbm>> -> memref<72x256xf32, #tpu.memory_space<hbm>>
    %dma_start3A_3192 = arith.constant 0 : i32
    %dma_start3A_3193 = arith.constant 0 : i32
    %dma_start3A_3194 = tpu.memref_slice %arg8[%dma_start3A_3192, %dma_start3A_3193] : memref<73x256xf32, #tpu.memory_space<vmem>> -> memref<72x256xf32, #tpu.memory_space<vmem>>
    %dma_start3A_3195 = arith.constant 0 : i32
    %dma_start3A_3196 = tpu.memref_slice %arg2[%add3A_3186, %dma_start3A_3195] : memref<8192x256xf32, #tpu.memory_space<hbm>> -> memref<72x256xf32, #tpu.memory_space<hbm>>
    tpu.enqueue_dma source(%dma_start3A_3196 : memref<72x256xf32, #tpu.memory_space<hbm>>) target(%dma_start3A_3194 : memref<72x256xf32, #tpu.memory_space<vmem>>) target_semaphore(%arg12 : memref<!tpu.dma_semaphore, #tpu.memory_space<semaphore_mem>>)
    %scan3A = arith.constant 0 : i32
    %scan3A_3197 = arith.constant 8 : i32
    %scan3A_3198 = arith.addi %scan3A, %scan3A_3197 : i32
    %scan3A_3199 = arith.constant 1 : i32
    %scan3A_3200:2 = scf.for %scan3A_3213 = %scan3A to %scan3A_3198 step %scan3A_3199 iter_args(%scan3A_3214 = %multiple_of3A, %scan3A_3215 = %multiple_of3A_3185) -> (i32, i32)  : i32 {
      %mul3A_3216 = arith.constant 2 : i32
      %mul3A_3217 = arith.muli %scan3A_3213, %mul3A_3216 : i32
      %add3A_3218 = arith.constant 0 : i32
      %add3A_3219 = arith.addi %mul3A_3217, %add3A_3218 : i32
      %mul3A_3220 = arith.constant 2 : i32
      %mul3A_3221 = arith.muli %mul3A_3220, %add3A_3219 : i32
      %add3A_3222 = arith.addi %mul3A_3221, %select_n3A_30 : i32
      %mul3A_3223 = arith.constant 64 : i32
      %mul3A_3224 = arith.muli %add3A_3222, %mul3A_3223 : i32
      %dma_wait3A_3225 = arith.constant 0 : i32
      %dma_wait3A_3226 = arith.constant 0 : i32
      %dma_wait3A_3227 = tpu.memref_slice %arg7[%dma_wait3A_3225, %dma_wait3A_3226] : memref<73x256xf32, #tpu.memory_space<vmem>> -> memref<72x256xf32, #tpu.memory_space<vmem>>
      %dma_wait3A_3228 = arith.constant 0 : i32
      %dma_wait3A_3229 = tpu.memref_slice %arg2[%mul3A_32, %dma_wait3A_3228] : memref<8192x256xf32, #tpu.memory_space<hbm>> -> memref<72x256xf32, #tpu.memory_space<hbm>>
      %dma_wait3A_3230 = arith.constant 0 : i32
      %dma_wait3A_3231 = arith.constant 0 : i32
      %dma_wait3A_3232 = tpu.memref_slice %arg7[%dma_wait3A_3230, %dma_wait3A_3231] : memref<73x256xf32, #tpu.memory_space<vmem>> -> memref<72x256xf32, #tpu.memory_space<vmem>>
      %dma_wait3A_3233 = arith.constant 0 : i32
      %dma_wait3A_3234 = tpu.memref_slice %arg2[%mul3A_32, %dma_wait3A_3233] : memref<8192x256xf32, #tpu.memory_space<hbm>> -> memref<72x256xf32, #tpu.memory_space<hbm>>
      tpu.wait_dma2 semaphore(%arg11 : memref<!tpu.dma_semaphore, #tpu.memory_space<semaphore_mem>>) src(%dma_wait3A_3234 : memref<72x256xf32, #tpu.memory_space<hbm>>) dst(%dma_wait3A_3232 : memref<72x256xf32, #tpu.memory_space<vmem>>)
      %gt3A_3235 = arith.constant 0 : i32
      %gt3A_3236 = arith.cmpi sgt, %scan3A_3213, %gt3A_3235 : i32
      %convert_element_type3A = arith.extui %gt3A_3236 : i1 to i32
      %cond3A = arith.constant 0 : i32
      %cond3A_3237 = arith.cmpi ne, %convert_element_type3A, %cond3A : i32
      scf.if %cond3A_3237 {
        %mul3A_3335 = arith.constant 2048 : i32
        %mul3A_3336 = arith.muli %select_n3A, %mul3A_3335 : i32
        %add3A_3337 = arith.addi %mul3A_3336, %mul3A_3224 : i32
        %dma_wait3A_3338 = arith.constant 0 : i32
        %dma_wait3A_3339 = tpu.memref_slice %arg4[%add3A_3337, %dma_wait3A_3338] : memref<32768x256xf32, #tpu.memory_space<hbm>> -> memref<64x256xf32, #tpu.memory_space<hbm>>
        %dma_wait3A_3340 = arith.constant 0 : i32
        %dma_wait3A_3341 = tpu.memref_slice %arg4[%add3A_3337, %dma_wait3A_3340] : memref<32768x256xf32, #tpu.memory_space<hbm>> -> memref<64x256xf32, #tpu.memory_space<hbm>>
        tpu.wait_dma2 semaphore(%arg13 : memref<!tpu.dma_semaphore, #tpu.memory_space<semaphore_mem>>) src(%arg9 : memref<64x256xf32, #tpu.memory_space<vmem>>) dst(%dma_wait3A_3341 : memref<64x256xf32, #tpu.memory_space<hbm>>)
      } else {
      }
      %add3A_3238 = arith.addi %mul3A_32, %scan3A_3214 : i32
      %parallel_loop3A = arith.constant 0 : i32
      %parallel_loop3A_3239 = arith.constant 64 : i32
      %parallel_loop3A_3240 = arith.constant 1 : i32
      scf.for %parallel_loop3A_3335 = %parallel_loop3A to %parallel_loop3A_3239 step %parallel_loop3A_3240  : i32 {
        %parallel_loop3A_3336 = arith.addi %mul3A_3224, %parallel_loop3A_3335 : i32
        %parallel_loop3A_3337 = arith.index_cast %parallel_loop3A_3336 : i32 to index
        %parallel_loop3A_3338 = tpu.vector_load %arg6[%parallel_loop3A_3337] {strides = array<i32>} : memref<2080xi32, #tpu.memory_space<vmem>>, vector<16xi32>,
        %parallel_loop3A_3339 = vector.extract_strided_slice %parallel_loop3A_3338 {offsets = [0], sizes = [1], strides = [1]} : vector<16xi32> to vector<1xi32>
        %parallel_loop3A_3340 = vector.extract %parallel_loop3A_3339[0] : i32 from vector<1xi32>
        %parallel_loop3A_3341 = arith.subi %parallel_loop3A_3340, %add3A_3238 : i32
        %parallel_loop3A_3342 = arith.addi %mul3A_3224, %parallel_loop3A_3335 : i32
        %parallel_loop3A_3343 = arith.cmpi sge, %parallel_loop3A_3342, %add3A_3064 : i32
        %parallel_loop3A_3344 = arith.constant 0 : i32
        %parallel_loop3A_3345 = arith.constant 71 : i32
        %parallel_loop3A_3346 = arith.maxsi %parallel_loop3A_3344, %parallel_loop3A_3341 : i32
        %parallel_loop3A_3347 = arith.minsi %parallel_loop3A_3345, %parallel_loop3A_3346 : i32
        %parallel_loop3A_3348 = arith.constant 72 : i32
        %parallel_loop3A_3349 = arith.select %parallel_loop3A_3343, %parallel_loop3A_3348, %parallel_loop3A_3347 : i32
        %parallel_loop3A_3350 = arith.index_cast %parallel_loop3A_3349 : i32 to index
        %parallel_loop3A_3351 = arith.constant 0 : index
        %parallel_loop3A_3352 = tpu.vector_load %arg7[%parallel_loop3A_3350, %parallel_loop3A_3351] {strides = array<i32>} : memref<73x256xf32, #tpu.memory_space<vmem>>, vector<16xf32>,
        %parallel_loop3A_3353 = arith.index_cast %parallel_loop3A_3349 : i32 to index
        %parallel_loop3A_3354 = arith.constant 16 : index
        %parallel_loop3A_3355 = tpu.vector_load %arg7[%parallel_loop3A_3353, %parallel_loop3A_3354] {strides = array<i32>} : memref<73x256xf32, #tpu.memory_space<vmem>>, vector<16xf32>,
        %parallel_loop3A_3356 = arith.index_cast %parallel_loop3A_3349 : i32 to index
        %parallel_loop3A_3357 = arith.constant 32 : index
        %parallel_loop3A_3358 = tpu.vector_load %arg7[%parallel_loop3A_3356, %parallel_loop3A_3357] {strides = array<i32>} : memref<73x256xf32, #tpu.memory_space<vmem>>, vector<16xf32>,
        %parallel_loop3A_3359 = arith.index_cast %parallel_loop3A_3349 : i32 to index
        %parallel_loop3A_3360 = arith.constant 48 : index
        %parallel_loop3A_3361 = tpu.vector_load %arg7[%parallel_loop3A_3359, %parallel_loop3A_3360] {strides = array<i32>} : memref<73x256xf32, #tpu.memory_space<vmem>>, vector<16xf32>,
        %parallel_loop3A_3362 = arith.index_cast %parallel_loop3A_3349 : i32 to index
        %parallel_loop3A_3363 = arith.constant 64 : index
        %parallel_loop3A_3364 = tpu.vector_load %arg7[%parallel_loop3A_3362, %parallel_loop3A_3363] {strides = array<i32>} : memref<73x256xf32, #tpu.memory_space<vmem>>, vector<16xf32>,
        %parallel_loop3A_3365 = arith.index_cast %parallel_loop3A_3349 : i32 to index
        %parallel_loop3A_3366 = arith.constant 80 : index
        %parallel_loop3A_3367 = tpu.vector_load %arg7[%parallel_loop3A_3365, %parallel_loop3A_3366] {strides = array<i32>} : memref<73x256xf32, #tpu.memory_space<vmem>>, vector<16xf32>,
        %parallel_loop3A_3368 = arith.index_cast %parallel_loop3A_3349 : i32 to index
        %parallel_loop3A_3369 = arith.constant 96 : index
        %parallel_loop3A_3370 = tpu.vector_load %arg7[%parallel_loop3A_3368, %parallel_loop3A_3369] {strides = array<i32>} : memref<73x256xf32, #tpu.memory_space<vmem>>, vector<16xf32>,
        %parallel_loop3A_3371 = arith.index_cast %parallel_loop3A_3349 : i32 to index
        %parallel_loop3A_3372 = arith.constant 112 : index
        %parallel_loop3A_3373 = tpu.vector_load %arg7[%parallel_loop3A_3371, %parallel_loop3A_3372] {strides = array<i32>} : memref<73x256xf32, #tpu.memory_space<vmem>>, vector<16xf32>,
        %parallel_loop3A_3374 = arith.index_cast %parallel_loop3A_3349 : i32 to index
        %parallel_loop3A_3375 = arith.constant 128 : index
        %parallel_loop3A_3376 = tpu.vector_load %arg7[%parallel_loop3A_3374, %parallel_loop3A_3375] {strides = array<i32>} : memref<73x256xf32, #tpu.memory_space<vmem>>, vector<16xf32>,
        %parallel_loop3A_3377 = arith.index_cast %parallel_loop3A_3349 : i32 to index
        %parallel_loop3A_3378 = arith.constant 144 : index
        %parallel_loop3A_3379 = tpu.vector_load %arg7[%parallel_loop3A_3377, %parallel_loop3A_3378] {strides = array<i32>} : memref<73x256xf32, #tpu.memory_space<vmem>>, vector<16xf32>,
        %parallel_loop3A_3380 = arith.index_cast %parallel_loop3A_3349 : i32 to index
        %parallel_loop3A_3381 = arith.constant 160 : index
        %parallel_loop3A_3382 = tpu.vector_load %arg7[%parallel_loop3A_3380, %parallel_loop3A_3381] {strides = array<i32>} : memref<73x256xf32, #tpu.memory_space<vmem>>, vector<16xf32>,
        %parallel_loop3A_3383 = arith.index_cast %parallel_loop3A_3349 : i32 to index
        %parallel_loop3A_3384 = arith.constant 176 : index
        %parallel_loop3A_3385 = tpu.vector_load %arg7[%parallel_loop3A_3383, %parallel_loop3A_3384] {strides = array<i32>} : memref<73x256xf32, #tpu.memory_space<vmem>>, vector<16xf32>,
        %parallel_loop3A_3386 = arith.index_cast %parallel_loop3A_3349 : i32 to index
        %parallel_loop3A_3387 = arith.constant 192 : index
        %parallel_loop3A_3388 = tpu.vector_load %arg7[%parallel_loop3A_3386, %parallel_loop3A_3387] {strides = array<i32>} : memref<73x256xf32, #tpu.memory_space<vmem>>, vector<16xf32>,
        %parallel_loop3A_3389 = arith.index_cast %parallel_loop3A_3349 : i32 to index
        %parallel_loop3A_3390 = arith.constant 208 : index
        %parallel_loop3A_3391 = tpu.vector_load %arg7[%parallel_loop3A_3389, %parallel_loop3A_3390] {strides = array<i32>} : memref<73x256xf32, #tpu.memory_space<vmem>>, vector<16xf32>,
        %parallel_loop3A_3392 = arith.index_cast %parallel_loop3A_3349 : i32 to index
        %parallel_loop3A_3393 = arith.constant 224 : index
        %parallel_loop3A_3394 = tpu.vector_load %arg7[%parallel_loop3A_3392, %parallel_loop3A_3393] {strides = array<i32>} : memref<73x256xf32, #tpu.memory_space<vmem>>, vector<16xf32>,
        %parallel_loop3A_3395 = arith.index_cast %parallel_loop3A_3349 : i32 to index
        %parallel_loop3A_3396 = arith.constant 240 : index
        %parallel_loop3A_3397 = tpu.vector_load %arg7[%parallel_loop3A_3395, %parallel_loop3A_3396] {strides = array<i32>} : memref<73x256xf32, #tpu.memory_space<vmem>>, vector<16xf32>,
        %parallel_loop3A_3398 = arith.index_cast %parallel_loop3A_3335 : i32 to index
        %parallel_loop3A_3399 = arith.constant 0 : index
        %parallel_loop3A_3400 = tpu.vector_load %arg9[%parallel_loop3A_3398, %parallel_loop3A_3399] {strides = array<i32>} : memref<64x256xf32, #tpu.memory_space<vmem>>, vector<16xf32>,
        tpu.vector_store %arg9[%parallel_loop3A_3398, %parallel_loop3A_3399], %parallel_loop3A_3352 {strides = array<i32>} : memref<64x256xf32, #tpu.memory_space<vmem>>, vector<16xf32>,
        %parallel_loop3A_3401 = arith.index_cast %parallel_loop3A_3335 : i32 to index
        %parallel_loop3A_3402 = arith.constant 16 : index
        %parallel_loop3A_3403 = tpu.vector_load %arg9[%parallel_loop3A_3401, %parallel_loop3A_3402] {strides = array<i32>} : memref<64x256xf32, #tpu.memory_space<vmem>>, vector<16xf32>,
        tpu.vector_store %arg9[%parallel_loop3A_3401, %parallel_loop3A_3402], %parallel_loop3A_3355 {strides = array<i32>} : memref<64x256xf32, #tpu.memory_space<vmem>>, vector<16xf32>,
        %parallel_loop3A_3404 = arith.index_cast %parallel_loop3A_3335 : i32 to index
        %parallel_loop3A_3405 = arith.constant 32 : index
        %parallel_loop3A_3406 = tpu.vector_load %arg9[%parallel_loop3A_3404, %parallel_loop3A_3405] {strides = array<i32>} : memref<64x256xf32, #tpu.memory_space<vmem>>, vector<16xf32>,
        tpu.vector_store %arg9[%parallel_loop3A_3404, %parallel_loop3A_3405], %parallel_loop3A_3358 {strides = array<i32>} : memref<64x256xf32, #tpu.memory_space<vmem>>, vector<16xf32>,
        %parallel_loop3A_3407 = arith.index_cast %parallel_loop3A_3335 : i32 to index
        %parallel_loop3A_3408 = arith.constant 48 : index
        %parallel_loop3A_3409 = tpu.vector_load %arg9[%parallel_loop3A_3407, %parallel_loop3A_3408] {strides = array<i32>} : memref<64x256xf32, #tpu.memory_space<vmem>>, vector<16xf32>,
        tpu.vector_store %arg9[%parallel_loop3A_3407, %parallel_loop3A_3408], %parallel_loop3A_3361 {strides = array<i32>} : memref<64x256xf32, #tpu.memory_space<vmem>>, vector<16xf32>,
        %parallel_loop3A_3410 = arith.index_cast %parallel_loop3A_3335 : i32 to index
        %parallel_loop3A_3411 = arith.constant 64 : index
        %parallel_loop3A_3412 = tpu.vector_load %arg9[%parallel_loop3A_3410, %parallel_loop3A_3411] {strides = array<i32>} : memref<64x256xf32, #tpu.memory_space<vmem>>, vector<16xf32>,
        tpu.vector_store %arg9[%parallel_loop3A_3410, %parallel_loop3A_3411], %parallel_loop3A_3364 {strides = array<i32>} : memref<64x256xf32, #tpu.memory_space<vmem>>, vector<16xf32>,
        %parallel_loop3A_3413 = arith.index_cast %parallel_loop3A_3335 : i32 to index
        %parallel_loop3A_3414 = arith.constant 80 : index
        %parallel_loop3A_3415 = tpu.vector_load %arg9[%parallel_loop3A_3413, %parallel_loop3A_3414] {strides = array<i32>} : memref<64x256xf32, #tpu.memory_space<vmem>>, vector<16xf32>,
        tpu.vector_store %arg9[%parallel_loop3A_3413, %parallel_loop3A_3414], %parallel_loop3A_3367 {strides = array<i32>} : memref<64x256xf32, #tpu.memory_space<vmem>>, vector<16xf32>,
        %parallel_loop3A_3416 = arith.index_cast %parallel_loop3A_3335 : i32 to index
        %parallel_loop3A_3417 = arith.constant 96 : index
        %parallel_loop3A_3418 = tpu.vector_load %arg9[%parallel_loop3A_3416, %parallel_loop3A_3417] {strides = array<i32>} : memref<64x256xf32, #tpu.memory_space<vmem>>, vector<16xf32>,
        tpu.vector_store %arg9[%parallel_loop3A_3416, %parallel_loop3A_3417], %parallel_loop3A_3370 {strides = array<i32>} : memref<64x256xf32, #tpu.memory_space<vmem>>, vector<16xf32>,
        %parallel_loop3A_3419 = arith.index_cast %parallel_loop3A_3335 : i32 to index
        %parallel_loop3A_3420 = arith.constant 112 : index
        %parallel_loop3A_3421 = tpu.vector_load %arg9[%parallel_loop3A_3419, %parallel_loop3A_3420] {strides = array<i32>} : memref<64x256xf32, #tpu.memory_space<vmem>>, vector<16xf32>,
        tpu.vector_store %arg9[%parallel_loop3A_3419, %parallel_loop3A_3420], %parallel_loop3A_3373 {strides = array<i32>} : memref<64x256xf32, #tpu.memory_space<vmem>>, vector<16xf32>,
        %parallel_loop3A_3422 = arith.index_cast %parallel_loop3A_3335 : i32 to index
        %parallel_loop3A_3423 = arith.constant 128 : index
        %parallel_loop3A_3424 = tpu.vector_load %arg9[%parallel_loop3A_3422, %parallel_loop3A_3423] {strides = array<i32>} : memref<64x256xf32, #tpu.memory_space<vmem>>, vector<16xf32>,
        tpu.vector_store %arg9[%parallel_loop3A_3422, %parallel_loop3A_3423], %parallel_loop3A_3376 {strides = array<i32>} : memref<64x256xf32, #tpu.memory_space<vmem>>, vector<16xf32>,
        %parallel_loop3A_3425 = arith.index_cast %parallel_loop3A_3335 : i32 to index
        %parallel_loop3A_3426 = arith.constant 144 : index
        %parallel_loop3A_3427 = tpu.vector_load %arg9[%parallel_loop3A_3425, %parallel_loop3A_3426] {strides = array<i32>} : memref<64x256xf32, #tpu.memory_space<vmem>>, vector<16xf32>,
        tpu.vector_store %arg9[%parallel_loop3A_3425, %parallel_loop3A_3426], %parallel_loop3A_3379 {strides = array<i32>} : memref<64x256xf32, #tpu.memory_space<vmem>>, vector<16xf32>,
        %parallel_loop3A_3428 = arith.index_cast %parallel_loop3A_3335 : i32 to index
        %parallel_loop3A_3429 = arith.constant 160 : index
        %parallel_loop3A_3430 = tpu.vector_load %arg9[%parallel_loop3A_3428, %parallel_loop3A_3429] {strides = array<i32>} : memref<64x256xf32, #tpu.memory_space<vmem>>, vector<16xf32>,
        tpu.vector_store %arg9[%parallel_loop3A_3428, %parallel_loop3A_3429], %parallel_loop3A_3382 {strides = array<i32>} : memref<64x256xf32, #tpu.memory_space<vmem>>, vector<16xf32>,
        %parallel_loop3A_3431 = arith.index_cast %parallel_loop3A_3335 : i32 to index
        %parallel_loop3A_3432 = arith.constant 176 : index
        %parallel_loop3A_3433 = tpu.vector_load %arg9[%parallel_loop3A_3431, %parallel_loop3A_3432] {strides = array<i32>} : memref<64x256xf32, #tpu.memory_space<vmem>>, vector<16xf32>,
        tpu.vector_store %arg9[%parallel_loop3A_3431, %parallel_loop3A_3432], %parallel_loop3A_3385 {strides = array<i32>} : memref<64x256xf32, #tpu.memory_space<vmem>>, vector<16xf32>,
        %parallel_loop3A_3434 = arith.index_cast %parallel_loop3A_3335 : i32 to index
        %parallel_loop3A_3435 = arith.constant 192 : index
        %parallel_loop3A_3436 = tpu.vector_load %arg9[%parallel_loop3A_3434, %parallel_loop3A_3435] {strides = array<i32>} : memref<64x256xf32, #tpu.memory_space<vmem>>, vector<16xf32>,
        tpu.vector_store %arg9[%parallel_loop3A_3434, %parallel_loop3A_3435], %parallel_loop3A_3388 {strides = array<i32>} : memref<64x256xf32, #tpu.memory_space<vmem>>, vector<16xf32>,
        %parallel_loop3A_3437 = arith.index_cast %parallel_loop3A_3335 : i32 to index
        %parallel_loop3A_3438 = arith.constant 208 : index
        %parallel_loop3A_3439 = tpu.vector_load %arg9[%parallel_loop3A_3437, %parallel_loop3A_3438] {strides = array<i32>} : memref<64x256xf32, #tpu.memory_space<vmem>>, vector<16xf32>,
        tpu.vector_store %arg9[%parallel_loop3A_3437, %parallel_loop3A_3438], %parallel_loop3A_3391 {strides = array<i32>} : memref<64x256xf32, #tpu.memory_space<vmem>>, vector<16xf32>,
        %parallel_loop3A_3440 = arith.index_cast %parallel_loop3A_3335 : i32 to index
        %parallel_loop3A_3441 = arith.constant 224 : index
        %parallel_loop3A_3442 = tpu.vector_load %arg9[%parallel_loop3A_3440, %parallel_loop3A_3441] {strides = array<i32>} : memref<64x256xf32, #tpu.memory_space<vmem>>, vector<16xf32>,
        tpu.vector_store %arg9[%parallel_loop3A_3440, %parallel_loop3A_3441], %parallel_loop3A_3394 {strides = array<i32>} : memref<64x256xf32, #tpu.memory_space<vmem>>, vector<16xf32>,
        %parallel_loop3A_3443 = arith.index_cast %parallel_loop3A_3335 : i32 to index
        %parallel_loop3A_3444 = arith.constant 240 : index
        %parallel_loop3A_3445 = tpu.vector_load %arg9[%parallel_loop3A_3443, %parallel_loop3A_3444] {strides = array<i32>} : memref<64x256xf32, #tpu.memory_space<vmem>>, vector<16xf32>,
        tpu.vector_store %arg9[%parallel_loop3A_3443, %parallel_loop3A_3444], %parallel_loop3A_3397 {strides = array<i32>} : memref<64x256xf32, #tpu.memory_space<vmem>>, vector<16xf32>,
      } {sc.loop_unroll_factor = 4 : i64, sc.parallel_access}
      %add3A_3241 = arith.constant 2 : i32
      %add3A_3242 = arith.addi %add3A_3219, %add3A_3241 : i32
      %min3A_3243 = arith.constant 15 : i32
      %min3A_3244 = arith.minsi %add3A_3242, %min3A_3243 : i32
      %mul3A_3245 = arith.constant 2 : i32
      %mul3A_3246 = arith.muli %mul3A_3245, %min3A_3244 : i32
      %add3A_3247 = arith.addi %mul3A_3246, %select_n3A_30 : i32
      %mul3A_3248 = arith.constant 64 : i32
      %mul3A_3249 = arith.muli %add3A_3247, %mul3A_3248 : i32
      %get3A_3250 = arith.index_cast %mul3A_3249 : i32 to index
      %get3A_3251 = tpu.vector_load %arg6[%get3A_3250] {strides = array<i32>} : memref<2080xi32, #tpu.memory_space<vmem>>, vector<16xi32>,
      %slice3A_3252 = vector.extract_strided_slice %get3A_3251 {offsets = [0], sizes = [1], strides = [1]} : vector<16xi32> to vector<1xi32>
      %squeeze3A_3253 = vector.extract %slice3A_3252[0] : i32 from vector<1xi32>
      %sub3A_3254 = arith.subi %squeeze3A_3253, %mul3A_32 : i32
      %jit3A_3255 = arith.constant 0 : i32
      %jit3A_3256 = arith.constant 440 : i32
      %max3A_3257 = arith.maxsi %jit3A_3255, %sub3A_3254 : i32
      %min3A_3258 = arith.minsi %jit3A_3256, %max3A_3257 : i32
      %and3A_3259 = arith.constant -8 : i32
      %and3A_3260 = arith.andi %min3A_3258, %and3A_3259 : i32
      %multiple_of3A_3261 = tpu.assume_multiple %and3A_3260, 8 : i32
      %lt3A_3262 = arith.constant 7 : i32
      %lt3A_3263 = arith.cmpi slt, %scan3A_3213, %lt3A_3262 : i32
      %convert_element_type3A_3264 = arith.extui %lt3A_3263 : i1 to i32
      %cond3A_3265 = arith.constant 0 : i32
      %cond3A_3266 = arith.cmpi ne, %convert_element_type3A_3264, %cond3A_3265 : i32
      scf.if %cond3A_3266 {
        %add3A_3335 = arith.addi %mul3A_32, %multiple_of3A_3261 : i32
        %dma_start3A_3336 = arith.constant 0 : i32
        %dma_start3A_3337 = arith.constant 0 : i32
        %dma_start3A_3338 = tpu.memref_slice %arg7[%dma_start3A_3336, %dma_start3A_3337] : memref<73x256xf32, #tpu.memory_space<vmem>> -> memref<72x256xf32, #tpu.memory_space<vmem>>
        %dma_start3A_3339 = arith.constant 0 : i32
        %dma_start3A_3340 = tpu.memref_slice %arg2[%add3A_3335, %dma_start3A_3339] : memref<8192x256xf32, #tpu.memory_space<hbm>> -> memref<72x256xf32, #tpu.memory_space<hbm>>
        %dma_start3A_3341 = arith.constant 0 : i32
        %dma_start3A_3342 = arith.constant 0 : i32
        %dma_start3A_3343 = tpu.memref_slice %arg7[%dma_start3A_3341, %dma_start3A_3342] : memref<73x256xf32, #tpu.memory_space<vmem>> -> memref<72x256xf32, #tpu.memory_space<vmem>>
        %dma_start3A_3344 = arith.constant 0 : i32
        %dma_start3A_3345 = tpu.memref_slice %arg2[%add3A_3335, %dma_start3A_3344] : memref<8192x256xf32, #tpu.memory_space<hbm>> -> memref<72x256xf32, #tpu.memory_space<hbm>>
        tpu.enqueue_dma source(%dma_start3A_3345 : memref<72x256xf32, #tpu.memory_space<hbm>>) target(%dma_start3A_3343 : memref<72x256xf32, #tpu.memory_space<vmem>>) target_semaphore(%arg11 : memref<!tpu.dma_semaphore, #tpu.memory_space<semaphore_mem>>)
      } else {
      }
      %mul3A_3267 = arith.constant 2048 : i32
      %mul3A_3268 = arith.muli %select_n3A, %mul3A_3267 : i32
      %add3A_3269 = arith.addi %mul3A_3268, %mul3A_3224 : i32
      %dma_start3A_3270 = arith.constant 0 : i32
      %dma_start3A_3271 = tpu.memref_slice %arg4[%add3A_3269, %dma_start3A_3270] : memref<32768x256xf32, #tpu.memory_space<hbm>> -> memref<64x256xf32, #tpu.memory_space<hbm>>
      %dma_start3A_3272 = arith.constant 0 : i32
      %dma_start3A_3273 = tpu.memref_slice %arg4[%add3A_3269, %dma_start3A_3272] : memref<32768x256xf32, #tpu.memory_space<hbm>> -> memref<64x256xf32, #tpu.memory_space<hbm>>
      tpu.enqueue_dma source(%arg9 : memref<64x256xf32, #tpu.memory_space<vmem>>) target(%dma_start3A_3273 : memref<64x256xf32, #tpu.memory_space<hbm>>) target_semaphore(%arg13 : memref<!tpu.dma_semaphore, #tpu.memory_space<semaphore_mem>>)
      %mul3A_3274 = arith.constant 2 : i32
      %mul3A_3275 = arith.muli %scan3A_3213, %mul3A_3274 : i32
      %add3A_3276 = arith.constant 1 : i32
      %add3A_3277 = arith.addi %mul3A_3275, %add3A_3276 : i32
      %mul3A_3278 = arith.constant 2 : i32
      %mul3A_3279 = arith.muli %mul3A_3278, %add3A_3277 : i32
      %add3A_3280 = arith.addi %mul3A_3279, %select_n3A_30 : i32
      %mul3A_3281 = arith.constant 64 : i32
      %mul3A_3282 = arith.muli %add3A_3280, %mul3A_3281 : i32
      %dma_wait3A_3283 = arith.constant 0 : i32
      %dma_wait3A_3284 = arith.constant 0 : i32
      %dma_wait3A_3285 = tpu.memref_slice %arg8[%dma_wait3A_3283, %dma_wait3A_3284] : memref<73x256xf32, #tpu.memory_space<vmem>> -> memref<72x256xf32, #tpu.memory_space<vmem>>
      %dma_wait3A_3286 = arith.constant 0 : i32
      %dma_wait3A_3287 = tpu.memref_slice %arg2[%mul3A_32, %dma_wait3A_3286] : memref<8192x256xf32, #tpu.memory_space<hbm>> -> memref<72x256xf32, #tpu.memory_space<hbm>>
      %dma_wait3A_3288 = arith.constant 0 : i32
      %dma_wait3A_3289 = arith.constant 0 : i32
      %dma_wait3A_3290 = tpu.memref_slice %arg8[%dma_wait3A_3288, %dma_wait3A_3289] : memref<73x256xf32, #tpu.memory_space<vmem>> -> memref<72x256xf32, #tpu.memory_space<vmem>>
      %dma_wait3A_3291 = arith.constant 0 : i32
      %dma_wait3A_3292 = tpu.memref_slice %arg2[%mul3A_32, %dma_wait3A_3291] : memref<8192x256xf32, #tpu.memory_space<hbm>> -> memref<72x256xf32, #tpu.memory_space<hbm>>
      tpu.wait_dma2 semaphore(%arg12 : memref<!tpu.dma_semaphore, #tpu.memory_space<semaphore_mem>>) src(%dma_wait3A_3292 : memref<72x256xf32, #tpu.memory_space<hbm>>) dst(%dma_wait3A_3290 : memref<72x256xf32, #tpu.memory_space<vmem>>)
      %gt3A_3293 = arith.constant 0 : i32
      %gt3A_3294 = arith.cmpi sgt, %scan3A_3213, %gt3A_3293 : i32
      %convert_element_type3A_3295 = arith.extui %gt3A_3294 : i1 to i32
      %cond3A_3296 = arith.constant 0 : i32
      %cond3A_3297 = arith.cmpi ne, %convert_element_type3A_3295, %cond3A_3296 : i32
      scf.if %cond3A_3297 {
        %mul3A_3335 = arith.constant 2048 : i32
        %mul3A_3336 = arith.muli %select_n3A, %mul3A_3335 : i32
        %add3A_3337 = arith.addi %mul3A_3336, %mul3A_3282 : i32
        %dma_wait3A_3338 = arith.constant 0 : i32
        %dma_wait3A_3339 = tpu.memref_slice %arg4[%add3A_3337, %dma_wait3A_3338] : memref<32768x256xf32, #tpu.memory_space<hbm>> -> memref<64x256xf32, #tpu.memory_space<hbm>>
        %dma_wait3A_3340 = arith.constant 0 : i32
        %dma_wait3A_3341 = tpu.memref_slice %arg4[%add3A_3337, %dma_wait3A_3340] : memref<32768x256xf32, #tpu.memory_space<hbm>> -> memref<64x256xf32, #tpu.memory_space<hbm>>
        tpu.wait_dma2 semaphore(%arg14 : memref<!tpu.dma_semaphore, #tpu.memory_space<semaphore_mem>>) src(%arg10 : memref<64x256xf32, #tpu.memory_space<vmem>>) dst(%dma_wait3A_3341 : memref<64x256xf32, #tpu.memory_space<hbm>>)
      } else {
      }
      %add3A_3298 = arith.addi %mul3A_32, %scan3A_3215 : i32
      %parallel_loop3A_3299 = arith.constant 0 : i32
      %parallel_loop3A_3300 = arith.constant 64 : i32
      %parallel_loop3A_3301 = arith.constant 1 : i32
      scf.for %parallel_loop3A_3335 = %parallel_loop3A_3299 to %parallel_loop3A_3300 step %parallel_loop3A_3301  : i32 {
        %parallel_loop3A_3336 = arith.addi %mul3A_3282, %parallel_loop3A_3335 : i32
        %parallel_loop3A_3337 = arith.index_cast %parallel_loop3A_3336 : i32 to index
        %parallel_loop3A_3338 = tpu.vector_load %arg6[%parallel_loop3A_3337] {strides = array<i32>} : memref<2080xi32, #tpu.memory_space<vmem>>, vector<16xi32>,
        %parallel_loop3A_3339 = vector.extract_strided_slice %parallel_loop3A_3338 {offsets = [0], sizes = [1], strides = [1]} : vector<16xi32> to vector<1xi32>
        %parallel_loop3A_3340 = vector.extract %parallel_loop3A_3339[0] : i32 from vector<1xi32>
        %parallel_loop3A_3341 = arith.subi %parallel_loop3A_3340, %add3A_3298 : i32
        %parallel_loop3A_3342 = arith.addi %mul3A_3282, %parallel_loop3A_3335 : i32
        %parallel_loop3A_3343 = arith.cmpi sge, %parallel_loop3A_3342, %add3A_3064 : i32
        %parallel_loop3A_3344 = arith.constant 0 : i32
        %parallel_loop3A_3345 = arith.constant 71 : i32
        %parallel_loop3A_3346 = arith.maxsi %parallel_loop3A_3344, %parallel_loop3A_3341 : i32
        %parallel_loop3A_3347 = arith.minsi %parallel_loop3A_3345, %parallel_loop3A_3346 : i32
        %parallel_loop3A_3348 = arith.constant 72 : i32
        %parallel_loop3A_3349 = arith.select %parallel_loop3A_3343, %parallel_loop3A_3348, %parallel_loop3A_3347 : i32
        %parallel_loop3A_3350 = arith.index_cast %parallel_loop3A_3349 : i32 to index
        %parallel_loop3A_3351 = arith.constant 0 : index
        %parallel_loop3A_3352 = tpu.vector_load %arg8[%parallel_loop3A_3350, %parallel_loop3A_3351] {strides = array<i32>} : memref<73x256xf32, #tpu.memory_space<vmem>>, vector<16xf32>,
        %parallel_loop3A_3353 = arith.index_cast %parallel_loop3A_3349 : i32 to index
        %parallel_loop3A_3354 = arith.constant 16 : index
        %parallel_loop3A_3355 = tpu.vector_load %arg8[%parallel_loop3A_3353, %parallel_loop3A_3354] {strides = array<i32>} : memref<73x256xf32, #tpu.memory_space<vmem>>, vector<16xf32>,
        %parallel_loop3A_3356 = arith.index_cast %parallel_loop3A_3349 : i32 to index
        %parallel_loop3A_3357 = arith.constant 32 : index
        %parallel_loop3A_3358 = tpu.vector_load %arg8[%parallel_loop3A_3356, %parallel_loop3A_3357] {strides = array<i32>} : memref<73x256xf32, #tpu.memory_space<vmem>>, vector<16xf32>,
        %parallel_loop3A_3359 = arith.index_cast %parallel_loop3A_3349 : i32 to index
        %parallel_loop3A_3360 = arith.constant 48 : index
        %parallel_loop3A_3361 = tpu.vector_load %arg8[%parallel_loop3A_3359, %parallel_loop3A_3360] {strides = array<i32>} : memref<73x256xf32, #tpu.memory_space<vmem>>, vector<16xf32>,
        %parallel_loop3A_3362 = arith.index_cast %parallel_loop3A_3349 : i32 to index
        %parallel_loop3A_3363 = arith.constant 64 : index
        %parallel_loop3A_3364 = tpu.vector_load %arg8[%parallel_loop3A_3362, %parallel_loop3A_3363] {strides = array<i32>} : memref<73x256xf32, #tpu.memory_space<vmem>>, vector<16xf32>,
        %parallel_loop3A_3365 = arith.index_cast %parallel_loop3A_3349 : i32 to index
        %parallel_loop3A_3366 = arith.constant 80 : index
        %parallel_loop3A_3367 = tpu.vector_load %arg8[%parallel_loop3A_3365, %parallel_loop3A_3366] {strides = array<i32>} : memref<73x256xf32, #tpu.memory_space<vmem>>, vector<16xf32>,
        %parallel_loop3A_3368 = arith.index_cast %parallel_loop3A_3349 : i32 to index
        %parallel_loop3A_3369 = arith.constant 96 : index
        %parallel_loop3A_3370 = tpu.vector_load %arg8[%parallel_loop3A_3368, %parallel_loop3A_3369] {strides = array<i32>} : memref<73x256xf32, #tpu.memory_space<vmem>>, vector<16xf32>,
        %parallel_loop3A_3371 = arith.index_cast %parallel_loop3A_3349 : i32 to index
        %parallel_loop3A_3372 = arith.constant 112 : index
        %parallel_loop3A_3373 = tpu.vector_load %arg8[%parallel_loop3A_3371, %parallel_loop3A_3372] {strides = array<i32>} : memref<73x256xf32, #tpu.memory_space<vmem>>, vector<16xf32>,
        %parallel_loop3A_3374 = arith.index_cast %parallel_loop3A_3349 : i32 to index
        %parallel_loop3A_3375 = arith.constant 128 : index
        %parallel_loop3A_3376 = tpu.vector_load %arg8[%parallel_loop3A_3374, %parallel_loop3A_3375] {strides = array<i32>} : memref<73x256xf32, #tpu.memory_space<vmem>>, vector<16xf32>,
        %parallel_loop3A_3377 = arith.index_cast %parallel_loop3A_3349 : i32 to index
        %parallel_loop3A_3378 = arith.constant 144 : index
        %parallel_loop3A_3379 = tpu.vector_load %arg8[%parallel_loop3A_3377, %parallel_loop3A_3378] {strides = array<i32>} : memref<73x256xf32, #tpu.memory_space<vmem>>, vector<16xf32>,
        %parallel_loop3A_3380 = arith.index_cast %parallel_loop3A_3349 : i32 to index
        %parallel_loop3A_3381 = arith.constant 160 : index
        %parallel_loop3A_3382 = tpu.vector_load %arg8[%parallel_loop3A_3380, %parallel_loop3A_3381] {strides = array<i32>} : memref<73x256xf32, #tpu.memory_space<vmem>>, vector<16xf32>,
        %parallel_loop3A_3383 = arith.index_cast %parallel_loop3A_3349 : i32 to index
        %parallel_loop3A_3384 = arith.constant 176 : index
        %parallel_loop3A_3385 = tpu.vector_load %arg8[%parallel_loop3A_3383, %parallel_loop3A_3384] {strides = array<i32>} : memref<73x256xf32, #tpu.memory_space<vmem>>, vector<16xf32>,
        %parallel_loop3A_3386 = arith.index_cast %parallel_loop3A_3349 : i32 to index
        %parallel_loop3A_3387 = arith.constant 192 : index
        %parallel_loop3A_3388 = tpu.vector_load %arg8[%parallel_loop3A_3386, %parallel_loop3A_3387] {strides = array<i32>} : memref<73x256xf32, #tpu.memory_space<vmem>>, vector<16xf32>,
        %parallel_loop3A_3389 = arith.index_cast %parallel_loop3A_3349 : i32 to index
        %parallel_loop3A_3390 = arith.constant 208 : index
        %parallel_loop3A_3391 = tpu.vector_load %arg8[%parallel_loop3A_3389, %parallel_loop3A_3390] {strides = array<i32>} : memref<73x256xf32, #tpu.memory_space<vmem>>, vector<16xf32>,
        %parallel_loop3A_3392 = arith.index_cast %parallel_loop3A_3349 : i32 to index
        %parallel_loop3A_3393 = arith.constant 224 : index
        %parallel_loop3A_3394 = tpu.vector_load %arg8[%parallel_loop3A_3392, %parallel_loop3A_3393] {strides = array<i32>} : memref<73x256xf32, #tpu.memory_space<vmem>>, vector<16xf32>,
        %parallel_loop3A_3395 = arith.index_cast %parallel_loop3A_3349 : i32 to index
        %parallel_loop3A_3396 = arith.constant 240 : index
        %parallel_loop3A_3397 = tpu.vector_load %arg8[%parallel_loop3A_3395, %parallel_loop3A_3396] {strides = array<i32>} : memref<73x256xf32, #tpu.memory_space<vmem>>, vector<16xf32>,
        %parallel_loop3A_3398 = arith.index_cast %parallel_loop3A_3335 : i32 to index
        %parallel_loop3A_3399 = arith.constant 0 : index
        %parallel_loop3A_3400 = tpu.vector_load %arg10[%parallel_loop3A_3398, %parallel_loop3A_3399] {strides = array<i32>} : memref<64x256xf32, #tpu.memory_space<vmem>>, vector<16xf32>,
        tpu.vector_store %arg10[%parallel_loop3A_3398, %parallel_loop3A_3399], %parallel_loop3A_3352 {strides = array<i32>} : memref<64x256xf32, #tpu.memory_space<vmem>>, vector<16xf32>,
        %parallel_loop3A_3401 = arith.index_cast %parallel_loop3A_3335 : i32 to index
        %parallel_loop3A_3402 = arith.constant 16 : index
        %parallel_loop3A_3403 = tpu.vector_load %arg10[%parallel_loop3A_3401, %parallel_loop3A_3402] {strides = array<i32>} : memref<64x256xf32, #tpu.memory_space<vmem>>, vector<16xf32>,
        tpu.vector_store %arg10[%parallel_loop3A_3401, %parallel_loop3A_3402], %parallel_loop3A_3355 {strides = array<i32>} : memref<64x256xf32, #tpu.memory_space<vmem>>, vector<16xf32>,
        %parallel_loop3A_3404 = arith.index_cast %parallel_loop3A_3335 : i32 to index
        %parallel_loop3A_3405 = arith.constant 32 : index
        %parallel_loop3A_3406 = tpu.vector_load %arg10[%parallel_loop3A_3404, %parallel_loop3A_3405] {strides = array<i32>} : memref<64x256xf32, #tpu.memory_space<vmem>>, vector<16xf32>,
        tpu.vector_store %arg10[%parallel_loop3A_3404, %parallel_loop3A_3405], %parallel_loop3A_3358 {strides = array<i32>} : memref<64x256xf32, #tpu.memory_space<vmem>>, vector<16xf32>,
        %parallel_loop3A_3407 = arith.index_cast %parallel_loop3A_3335 : i32 to index
        %parallel_loop3A_3408 = arith.constant 48 : index
        %parallel_loop3A_3409 = tpu.vector_load %arg10[%parallel_loop3A_3407, %parallel_loop3A_3408] {strides = array<i32>} : memref<64x256xf32, #tpu.memory_space<vmem>>, vector<16xf32>,
        tpu.vector_store %arg10[%parallel_loop3A_3407, %parallel_loop3A_3408], %parallel_loop3A_3361 {strides = array<i32>} : memref<64x256xf32, #tpu.memory_space<vmem>>, vector<16xf32>,
        %parallel_loop3A_3410 = arith.index_cast %parallel_loop3A_3335 : i32 to index
        %parallel_loop3A_3411 = arith.constant 64 : index
        %parallel_loop3A_3412 = tpu.vector_load %arg10[%parallel_loop3A_3410, %parallel_loop3A_3411] {strides = array<i32>} : memref<64x256xf32, #tpu.memory_space<vmem>>, vector<16xf32>,
        tpu.vector_store %arg10[%parallel_loop3A_3410, %parallel_loop3A_3411], %parallel_loop3A_3364 {strides = array<i32>} : memref<64x256xf32, #tpu.memory_space<vmem>>, vector<16xf32>,
        %parallel_loop3A_3413 = arith.index_cast %parallel_loop3A_3335 : i32 to index
        %parallel_loop3A_3414 = arith.constant 80 : index
        %parallel_loop3A_3415 = tpu.vector_load %arg10[%parallel_loop3A_3413, %parallel_loop3A_3414] {strides = array<i32>} : memref<64x256xf32, #tpu.memory_space<vmem>>, vector<16xf32>,
        tpu.vector_store %arg10[%parallel_loop3A_3413, %parallel_loop3A_3414], %parallel_loop3A_3367 {strides = array<i32>} : memref<64x256xf32, #tpu.memory_space<vmem>>, vector<16xf32>,
        %parallel_loop3A_3416 = arith.index_cast %parallel_loop3A_3335 : i32 to index
        %parallel_loop3A_3417 = arith.constant 96 : index
        %parallel_loop3A_3418 = tpu.vector_load %arg10[%parallel_loop3A_3416, %parallel_loop3A_3417] {strides = array<i32>} : memref<64x256xf32, #tpu.memory_space<vmem>>, vector<16xf32>,
        tpu.vector_store %arg10[%parallel_loop3A_3416, %parallel_loop3A_3417], %parallel_loop3A_3370 {strides = array<i32>} : memref<64x256xf32, #tpu.memory_space<vmem>>, vector<16xf32>,
        %parallel_loop3A_3419 = arith.index_cast %parallel_loop3A_3335 : i32 to index
        %parallel_loop3A_3420 = arith.constant 112 : index
        %parallel_loop3A_3421 = tpu.vector_load %arg10[%parallel_loop3A_3419, %parallel_loop3A_3420] {strides = array<i32>} : memref<64x256xf32, #tpu.memory_space<vmem>>, vector<16xf32>,
        tpu.vector_store %arg10[%parallel_loop3A_3419, %parallel_loop3A_3420], %parallel_loop3A_3373 {strides = array<i32>} : memref<64x256xf32, #tpu.memory_space<vmem>>, vector<16xf32>,
        %parallel_loop3A_3422 = arith.index_cast %parallel_loop3A_3335 : i32 to index
        %parallel_loop3A_3423 = arith.constant 128 : index
        %parallel_loop3A_3424 = tpu.vector_load %arg10[%parallel_loop3A_3422, %parallel_loop3A_3423] {strides = array<i32>} : memref<64x256xf32, #tpu.memory_space<vmem>>, vector<16xf32>,
        tpu.vector_store %arg10[%parallel_loop3A_3422, %parallel_loop3A_3423], %parallel_loop3A_3376 {strides = array<i32>} : memref<64x256xf32, #tpu.memory_space<vmem>>, vector<16xf32>,
        %parallel_loop3A_3425 = arith.index_cast %parallel_loop3A_3335 : i32 to index
        %parallel_loop3A_3426 = arith.constant 144 : index
        %parallel_loop3A_3427 = tpu.vector_load %arg10[%parallel_loop3A_3425, %parallel_loop3A_3426] {strides = array<i32>} : memref<64x256xf32, #tpu.memory_space<vmem>>, vector<16xf32>,
        tpu.vector_store %arg10[%parallel_loop3A_3425, %parallel_loop3A_3426], %parallel_loop3A_3379 {strides = array<i32>} : memref<64x256xf32, #tpu.memory_space<vmem>>, vector<16xf32>,
        %parallel_loop3A_3428 = arith.index_cast %parallel_loop3A_3335 : i32 to index
        %parallel_loop3A_3429 = arith.constant 160 : index
        %parallel_loop3A_3430 = tpu.vector_load %arg10[%parallel_loop3A_3428, %parallel_loop3A_3429] {strides = array<i32>} : memref<64x256xf32, #tpu.memory_space<vmem>>, vector<16xf32>,
        tpu.vector_store %arg10[%parallel_loop3A_3428, %parallel_loop3A_3429], %parallel_loop3A_3382 {strides = array<i32>} : memref<64x256xf32, #tpu.memory_space<vmem>>, vector<16xf32>,
        %parallel_loop3A_3431 = arith.index_cast %parallel_loop3A_3335 : i32 to index
        %parallel_loop3A_3432 = arith.constant 176 : index
        %parallel_loop3A_3433 = tpu.vector_load %arg10[%parallel_loop3A_3431, %parallel_loop3A_3432] {strides = array<i32>} : memref<64x256xf32, #tpu.memory_space<vmem>>, vector<16xf32>,
        tpu.vector_store %arg10[%parallel_loop3A_3431, %parallel_loop3A_3432], %parallel_loop3A_3385 {strides = array<i32>} : memref<64x256xf32, #tpu.memory_space<vmem>>, vector<16xf32>,
        %parallel_loop3A_3434 = arith.index_cast %parallel_loop3A_3335 : i32 to index
        %parallel_loop3A_3435 = arith.constant 192 : index
        %parallel_loop3A_3436 = tpu.vector_load %arg10[%parallel_loop3A_3434, %parallel_loop3A_3435] {strides = array<i32>} : memref<64x256xf32, #tpu.memory_space<vmem>>, vector<16xf32>,
        tpu.vector_store %arg10[%parallel_loop3A_3434, %parallel_loop3A_3435], %parallel_loop3A_3388 {strides = array<i32>} : memref<64x256xf32, #tpu.memory_space<vmem>>, vector<16xf32>,
        %parallel_loop3A_3437 = arith.index_cast %parallel_loop3A_3335 : i32 to index
        %parallel_loop3A_3438 = arith.constant 208 : index
        %parallel_loop3A_3439 = tpu.vector_load %arg10[%parallel_loop3A_3437, %parallel_loop3A_3438] {strides = array<i32>} : memref<64x256xf32, #tpu.memory_space<vmem>>, vector<16xf32>,
        tpu.vector_store %arg10[%parallel_loop3A_3437, %parallel_loop3A_3438], %parallel_loop3A_3391 {strides = array<i32>} : memref<64x256xf32, #tpu.memory_space<vmem>>, vector<16xf32>,
        %parallel_loop3A_3440 = arith.index_cast %parallel_loop3A_3335 : i32 to index
        %parallel_loop3A_3441 = arith.constant 224 : index
        %parallel_loop3A_3442 = tpu.vector_load %arg10[%parallel_loop3A_3440, %parallel_loop3A_3441] {strides = array<i32>} : memref<64x256xf32, #tpu.memory_space<vmem>>, vector<16xf32>,
        tpu.vector_store %arg10[%parallel_loop3A_3440, %parallel_loop3A_3441], %parallel_loop3A_3394 {strides = array<i32>} : memref<64x256xf32, #tpu.memory_space<vmem>>, vector<16xf32>,
        %parallel_loop3A_3443 = arith.index_cast %parallel_loop3A_3335 : i32 to index
        %parallel_loop3A_3444 = arith.constant 240 : index
        %parallel_loop3A_3445 = tpu.vector_load %arg10[%parallel_loop3A_3443, %parallel_loop3A_3444] {strides = array<i32>} : memref<64x256xf32, #tpu.memory_space<vmem>>, vector<16xf32>,
        tpu.vector_store %arg10[%parallel_loop3A_3443, %parallel_loop3A_3444], %parallel_loop3A_3397 {strides = array<i32>} : memref<64x256xf32, #tpu.memory_space<vmem>>, vector<16xf32>,
      } {sc.loop_unroll_factor = 4 : i64, sc.parallel_access}
      %add3A_3302 = arith.constant 2 : i32
      %add3A_3303 = arith.addi %add3A_3277, %add3A_3302 : i32
      %min3A_3304 = arith.constant 15 : i32
      %min3A_3305 = arith.minsi %add3A_3303, %min3A_3304 : i32
      %mul3A_3306 = arith.constant 2 : i32
      %mul3A_3307 = arith.muli %mul3A_3306, %min3A_3305 : i32
      %add3A_3308 = arith.addi %mul3A_3307, %select_n3A_30 : i32
      %mul3A_3309 = arith.constant 64 : i32
      %mul3A_3310 = arith.muli %add3A_3308, %mul3A_3309 : i32
      %get3A_3311 = arith.index_cast %mul3A_3310 : i32 to index
      %get3A_3312 = tpu.vector_load %arg6[%get3A_3311] {strides = array<i32>} : memref<2080xi32, #tpu.memory_space<vmem>>, vector<16xi32>,
      %slice3A_3313 = vector.extract_strided_slice %get3A_3312 {offsets = [0], sizes = [1], strides = [1]} : vector<16xi32> to vector<1xi32>
      %squeeze3A_3314 = vector.extract %slice3A_3313[0] : i32 from vector<1xi32>
      %sub3A_3315 = arith.subi %squeeze3A_3314, %mul3A_32 : i32
      %jit3A_3316 = arith.constant 0 : i32
      %jit3A_3317 = arith.constant 440 : i32
      %max3A_3318 = arith.maxsi %jit3A_3316, %sub3A_3315 : i32
      %min3A_3319 = arith.minsi %jit3A_3317, %max3A_3318 : i32
      %and3A_3320 = arith.constant -8 : i32
      %and3A_3321 = arith.andi %min3A_3319, %and3A_3320 : i32
      %multiple_of3A_3322 = tpu.assume_multiple %and3A_3321, 8 : i32
      %lt3A_3323 = arith.constant 7 : i32
      %lt3A_3324 = arith.cmpi slt, %scan3A_3213, %lt3A_3323 : i32
      %convert_element_type3A_3325 = arith.extui %lt3A_3324 : i1 to i32
      %cond3A_3326 = arith.constant 0 : i32
      %cond3A_3327 = arith.cmpi ne, %convert_element_type3A_3325, %cond3A_3326 : i32
      scf.if %cond3A_3327 {
        %add3A_3335 = arith.addi %mul3A_32, %multiple_of3A_3322 : i32
        %dma_start3A_3336 = arith.constant 0 : i32
        %dma_start3A_3337 = arith.constant 0 : i32
        %dma_start3A_3338 = tpu.memref_slice %arg8[%dma_start3A_3336, %dma_start3A_3337] : memref<73x256xf32, #tpu.memory_space<vmem>> -> memref<72x256xf32, #tpu.memory_space<vmem>>
        %dma_start3A_3339 = arith.constant 0 : i32
        %dma_start3A_3340 = tpu.memref_slice %arg2[%add3A_3335, %dma_start3A_3339] : memref<8192x256xf32, #tpu.memory_space<hbm>> -> memref<72x256xf32, #tpu.memory_space<hbm>>
        %dma_start3A_3341 = arith.constant 0 : i32
        %dma_start3A_3342 = arith.constant 0 : i32
        %dma_start3A_3343 = tpu.memref_slice %arg8[%dma_start3A_3341, %dma_start3A_3342] : memref<73x256xf32, #tpu.memory_space<vmem>> -> memref<72x256xf32, #tpu.memory_space<vmem>>
        %dma_start3A_3344 = arith.constant 0 : i32
        %dma_start3A_3345 = tpu.memref_slice %arg2[%add3A_3335, %dma_start3A_3344] : memref<8192x256xf32, #tpu.memory_space<hbm>> -> memref<72x256xf32, #tpu.memory_space<hbm>>
        tpu.enqueue_dma source(%dma_start3A_3345 : memref<72x256xf32, #tpu.memory_space<hbm>>) target(%dma_start3A_3343 : memref<72x256xf32, #tpu.memory_space<vmem>>) target_semaphore(%arg12 : memref<!tpu.dma_semaphore, #tpu.memory_space<semaphore_mem>>)
      } else {
      }
      %mul3A_3328 = arith.constant 2048 : i32
      %mul3A_3329 = arith.muli %select_n3A, %mul3A_3328 : i32
      %add3A_3330 = arith.addi %mul3A_3329, %mul3A_3282 : i32
      %dma_start3A_3331 = arith.constant 0 : i32
      %dma_start3A_3332 = tpu.memref_slice %arg4[%add3A_3330, %dma_start3A_3331] : memref<32768x256xf32, #tpu.memory_space<hbm>> -> memref<64x256xf32, #tpu.memory_space<hbm>>
      %dma_start3A_3333 = arith.constant 0 : i32
      %dma_start3A_3334 = tpu.memref_slice %arg4[%add3A_3330, %dma_start3A_3333] : memref<32768x256xf32, #tpu.memory_space<hbm>> -> memref<64x256xf32, #tpu.memory_space<hbm>>
      tpu.enqueue_dma source(%arg10 : memref<64x256xf32, #tpu.memory_space<vmem>>) target(%dma_start3A_3334 : memref<64x256xf32, #tpu.memory_space<hbm>>) target_semaphore(%arg14 : memref<!tpu.dma_semaphore, #tpu.memory_space<semaphore_mem>>)
      scf.yield %multiple_of3A_3261, %multiple_of3A_3322 : i32, i32
    }
    %scan3A_3201 = arith.constant 8 : i32
    %mul3A_3202 = arith.constant 2048 : i32
    %mul3A_3203 = arith.muli %select_n3A, %mul3A_3202 : i32
    %dma_wait3A = arith.constant 0 : i32
    %dma_wait3A_3204 = tpu.memref_slice %arg4[%mul3A_3203, %dma_wait3A] : memref<32768x256xf32, #tpu.memory_space<hbm>> -> memref<64x256xf32, #tpu.memory_space<hbm>>
    %dma_wait3A_3205 = arith.constant 0 : i32
    %dma_wait3A_3206 = tpu.memref_slice %arg4[%mul3A_3203, %dma_wait3A_3205] : memref<32768x256xf32, #tpu.memory_space<hbm>> -> memref<64x256xf32, #tpu.memory_space<hbm>>
    tpu.wait_dma2 semaphore(%arg13 : memref<!tpu.dma_semaphore, #tpu.memory_space<semaphore_mem>>) src(%arg9 : memref<64x256xf32, #tpu.memory_space<vmem>>) dst(%dma_wait3A_3206 : memref<64x256xf32, #tpu.memory_space<hbm>>)
    %mul3A_3207 = arith.constant 2048 : i32
    %mul3A_3208 = arith.muli %select_n3A, %mul3A_3207 : i32
    %dma_wait3A_3209 = arith.constant 0 : i32
    %dma_wait3A_3210 = tpu.memref_slice %arg4[%mul3A_3208, %dma_wait3A_3209] : memref<32768x256xf32, #tpu.memory_space<hbm>> -> memref<64x256xf32, #tpu.memory_space<hbm>>
    %dma_wait3A_3211 = arith.constant 0 : i32
    %dma_wait3A_3212 = tpu.memref_slice %arg4[%mul3A_3208, %dma_wait3A_3211] : memref<32768x256xf32, #tpu.memory_space<hbm>> -> memref<64x256xf32, #tpu.memory_space<hbm>>
    tpu.wait_dma2 semaphore(%arg14 : memref<!tpu.dma_semaphore, #tpu.memory_space<semaphore_mem>>) src(%arg10 : memref<64x256xf32, #tpu.memory_space<vmem>>) dst(%dma_wait3A_3212 : memref<64x256xf32, #tpu.memory_space<hbm>>)
    return
  }
}

</mosaic_0001>

<sc_bundles>
// kernel: kernel.3.cloned.1.call-start
scs
__scs_entry_jumppad:
0x0: {  	(pc) =	sbr.rel $0x88, $3  }
0x1: {  	(tag) =	ssettag $0x0;
	lr =	simm.s32 $0x1  }
0x2: {  	[smem:$0x3F9F] =	sst lr;
	_ =	strace $0xD0000000  }
0x3: {  	_ = 	snop  }
0x4: {  	_ = 	snop  }
0x5: {  	_ = 	snop  }
0x6: {  	_ = 	snop  }
0x7: {  	_ = 	snop  }
__scs_overlays_trampoline_lowered:
0x8: {  	[smem:$0x3FAE] =	sst s0  }
0x9: {  	[smem:$0x3FAF] =	sst s1  }
0xa: {  	[smem:$0x3FB0] =	sst s2  }
0xb: {  	[smem:$0x3FB1] =	sst s3  }
0xc: {  	[smem:$0x3FB2] =	sst s4  }
0xd: {  	[smem:$0x3FB3] =	sst s5  }
0xe: {  	[smem:$0x3FB4] =	sst s6  }
0xf: {  	[smem:$0x3FB5] =	sst s7  }
0x10: {  	[smem:$0x3FB6] =	sst s8  }
0x11: {  	[smem:$0x3FB7] =	sst s9;
	s0 =	simm.s32 @!p0 $0x0  }
0x12: {  	s1 =	sld [smem:$0x3F9D];
	s0 =	simm.s32 @p0 $0x1  }
0x13: {  	[smem:$0x3FB8] =	sst s0;
	s0 =	simm.s32 @!p1 $0x0  }
0x14: {  	s2 =	sld [smem:$0x3F9C];
	s0 =	simm.s32 @p1 $0x1  }
0x15: {  	[smem:$0x3FB9] =	sst s0;
	s0 =	simm.s32 @!p2 $0x0  }
0x16: {  	s3 =	sld [smem:$0x3FDB];
	s0 =	simm.s32 @p2 $0x1  }
0x17: {  	s4 =	simm.s32 $0x1BF5;
	[smem:$0x3FBB] =	sst s0  }
0x18: {  	s0 =	sld [smem:$0x3F9E];
	_ =	swait.ge [sflag:s4], $0x0  }
0x19: {  	s7 =	sld [smem:$0x3F9F]  }
0x1a: {  	s8 =	sadd.s32 $0xFFFFE003, lr  }
0x1b: {  	s9 =	sadd.s32 $0xFFFFFEF7, lr;
	s5 =	simm.s32 $0xFFFFFFFF;
	p2 =	slt.u32 s8, $0xFFFFF086  }
0x1c: {  	p1 =	slt.u32 s9, $0xF7A;
	s5 =	simm.s32 @!p2 $0x0  }
0x1d: {  	s5 =	simm.s32 @p1 $0x1;
	p0 =	seq.s32 s7, s2  }
0x1e: {  	s7 =	smul.u32 @!p0 $0xF7A, s2;
	p2 =	seq.s32 @!p0 s5, $0x0  }
0x1f: {  	s9 =	smul.u32 $0xF7A, s1;
	s8 =	simm.s32 @!p0 $0x1BF5;
	p2 =	por !p2, p0  }
0x20: {  	[sflag:s8] =	ssyncset.s32 @!p0 $0xFFFFF086;
	s6 =	sadd.s32 @!p0 s3, s7;
	s7 =	simm.s32 @!p0 $0x108  }
0x21: {  	s3 =	sadd.s32 s3, s9;
	s6 =	sadd.s32 @!p0 $0x88, s6;
	s7 =	simm.s32 @p2 $0x1082  }
0x22: {  	[simem:s7], [sflag:s8] =	dma.local @!p0 [hbm:s6], $0xF7A  }
0x23: {  	s9 =	sor.u32 $0xD0000000, s2;
	s6 =	simm.s32 $0x108;
	_ =	swait.ge @!p0 [sflag:s8], $0x0  }
0x24: {  	s3 =	sadd.s32 $0x88, s3;
	s6 =	simm.s32 @!p1 $0x1082;
	[sflag:s4] =	ssyncset.s32 $0xFFFFF086  }
0x25: {  	[simem:s6], [sflag:s4] =	dma.local [hbm:s3], $0xF7A  }
0x26: {  	[smem:$0x3F9F] =	sst s1;
	(tag) =	ssettag s2;
	_ =	strace s9  }
0x27: {  	s1 =	sld [smem:$0x3FAF]  }
0x28: {  	s2 =	sld [smem:$0x3FB0]  }
0x29: {  	s4 =	sld [smem:$0x3FB2]  }
0x2a: {  	p0 =	seq.s32 s5, $0x0;
	s5 =	sld [smem:$0x3FB3]  }
0x2b: {  	s6 =	sld [smem:$0x3FB4]  }
0x2c: {  	s7 =	sld [smem:$0x3FB5]  }
0x2d: {  	s3 =	simm.s32 $0x108;
	s8 =	sld [smem:$0x3FB6]  }
0x2e: {  	s3 =	simm.s32 @!p0 $0x1082;
	s9 =	sld [smem:$0x3FB7]  }
0x2f: {  	lr =	sadd.s32 s0, s3;
	s0 =	sld [smem:$0x3FAE]  }
0x30: {  	s3 =	sld [smem:$0x3FB1]  }
0x31: {  	[smem:$0x3FBA] =	sst s10  }
0x32: {  	s10 =	sld [smem:$0x3FB8];
	_ =	sdelay $0x3  }
0x33: {  	p0 =	seq.s32 s10, $0x1;
	s10 =	sld [smem:$0x3FBA];
	_ =	sdelay $0x3  }
0x34: {  	[smem:$0x3FBA] =	sst s10  }
0x35: {  	s10 =	sld [smem:$0x3FB9];
	_ =	sdelay $0x3  }
0x36: {  	p1 =	seq.s32 s10, $0x1;
	s10 =	sld [smem:$0x3FBA];
	_ =	sdelay $0x3  }
0x37: {  	[smem:$0x3FBA] =	sst s10  }
0x38: {  	s10 =	sld [smem:$0x3FBB]  }
0x39: {  	_ = 	snop;
	(pc) =	sbr.ind lr, $3  }
0x3a: {  	_ = 	snop  }
0x3b: {  	_ = 	snop  }
0x3c: {  	p2 =	seq.s32 s10, $0x1;
	s10 =	sld [smem:$0x3FBA]  }
0x3d: {  	_ =	shalt  }
0x3e: {  	_ =	shalt  }
0x3f: {  	_ =	shalt  }
0x40: {  	_ =	shalt  }
0x41: {  	_ =	shalt  }
0x42: {  	_ =	shalt  }
0x43: {  	_ =	shalt  }
0x44: {  	_ =	shalt  }
0x45: {  	_ =	shalt  }
0x46: {  	_ =	shalt  }
0x47: {  	_ =	shalt  }
0x48: {  	_ =	shalt  }
0x49: {  	_ =	shalt  }
0x4a: {  	_ =	shalt  }
0x4b: {  	_ =	shalt  }
0x4c: {  	_ =	shalt  }
0x4d: {  	_ =	shalt  }
0x4e: {  	_ =	shalt  }
0x4f: {  	_ =	shalt  }
0x50: {  	_ =	shalt  }
0x51: {  	_ =	shalt  }
0x52: {  	_ =	shalt  }
0x53: {  	_ =	shalt  }
0x54: {  	_ =	shalt  }
0x55: {  	_ =	shalt  }
0x56: {  	_ =	shalt  }
0x57: {  	_ =	shalt  }
0x58: {  	_ =	shalt  }
0x59: {  	_ =	shalt  }
0x5a: {  	_ =	shalt  }
0x5b: {  	_ =	shalt  }
0x5c: {  	_ =	shalt  }
0x5d: {  	_ =	shalt  }
0x5e: {  	_ =	shalt  }
0x5f: {  	_ =	shalt  }
0x60: {  	_ =	shalt  }
0x61: {  	_ =	shalt  }
0x62: {  	_ =	shalt  }
0x63: {  	_ =	shalt  }
0x64: {  	_ =	shalt  }
0x65: {  	_ =	shalt  }
0x66: {  	_ =	shalt  }
0x67: {  	_ =	shalt  }
0x68: {  	_ =	shalt  }
0x69: {  	_ =	shalt  }
0x6a: {  	_ =	shalt  }
0x6b: {  	_ =	shalt  }
0x6c: {  	_ =	shalt  }
0x6d: {  	_ =	shalt  }
0x6e: {  	_ =	shalt  }
0x6f: {  	_ =	shalt  }
0x70: {  	_ =	shalt  }
0x71: {  	_ =	shalt  }
0x72: {  	_ =	shalt  }
0x73: {  	_ =	shalt  }
0x74: {  	_ =	shalt  }
0x75: {  	_ =	shalt  }
0x76: {  	_ =	shalt  }
0x77: {  	_ =	shalt  }
0x78: {  	_ =	shalt  }
0x79: {  	_ =	shalt  }
0x7a: {  	_ =	shalt  }
0x7b: {  	_ =	shalt  }
0x7c: {  	_ =	shalt  }
0x7d: {  	_ =	shalt  }
0x7e: {  	_ =	shalt  }
0x7f: {  	_ =	shalt  }
0x80: {  	_ =	shalt  }
0x81: {  	_ =	shalt  }
0x82: {  	_ =	shalt  }
0x83: {  	_ =	shalt  }
0x84: {  	_ =	shalt  }
0x85: {  	_ =	shalt  }
0x86: {  	_ =	shalt  }
0x87: {  	_ =	shalt  }
.Lfunc_end0:
.L_simem_size_0:
called_computation_lowered:
.L_overlay_start_0:
0x88: {  	s2 =	sld [smem:$0x3FD9]  }
0x89: {  	s3 =	sld [smem:$0x3FFE];
	_ =	sdelay $0x1  }
0x8a: {  	s1 =	srdreg.scid  }
0x8b: {  	s0 =	sand.u32 $0x1, s1  }
0x8c: {  	s18 =	sshll.u32 s0, $0xA;
	s2 =	sadd.s32 s3, s2  }
0x8d: {  	s2 =	sadd.s32 s2, s18  }
0x8e: {  	[smem:$0x3FC6] =	sst s2  }
0x8f: {  	_ = 	snop  }
0x90: {  	s2 =	sld [smem:$0x3FC9]  }
0x91: {  	s19 =	sld [smem:$0x3FC8]  }
0x92: {  	s4 =	sld [smem:$0x3FD0];
	(tm) =	ssettm $0x1  }
0x93: {  	s5 =	sld [smem:$0x3FFB];
	_ =	sdelay $0x3  }
0x94: {  	_ =	strace s5  }
0x95: {  	s5 =	sld [smem:$0x3FFC];
	_ =	sdelay $0x3  }
0x96: {  	_ =	strace s5  }
0x97: {  	s5 =	sld [smem:$0x3FFD];
	_ =	sdelay $0x3  }
0x98: {  	_ =	strace s5  }
0x99: {  	_ =	strace $0x8FFFFFFF  }
0x9a: {  	s20 =	sld [smem:$0x3FDB];
	_ =	sdelay $0x1  }
0x9b: {  	s6 =	simm.s32 $_scs_section_size  }
0x9c: {  	s7 =	simm.s32 $_size__tile_overlayer_lowered;
	s8 =	simm.s32 $_tile_overlayer_lowered  }
0x9d: {  	s23 =	simm.s32 $0x1BFF;
	s22 =	sshll.u32 s8, $0x1;
	s5 =	sadd.s32 s6, s20  }
0x9e: {  	s9 =	simm.s32 $0x0;
	s21 =	sshll.u32 s7, $0x1;
	s7 =	sadd.s32 s22, s5  }
0x9f: {  	[timem:s9], [sflag:s23] =	dma.local [hbm:s7], s21  }
0xa0: {  	_ =	swait.ge [sflag:s23], s21  }
0xa1: {  	s6 =	ssub.s32 $0x0, s21;
	[sflag:s23] =	ssyncset.done $0x0  }
0xa2: {  	[sflag:s23] =	ssyncadd.s32 s6;
	_ =	sdelay $0x1  }
0xa3: {  	s24 =	simm.s32 $0x1B8B  }
0xa4: {  	_ =	swait.ge [sflag:s24], $0x1  }
0xa5: {  	[sflag:s24] =	ssyncset.done $0x0  }
0xa6: {  	s25 =	simm.s32 $0x1B8E;
	[sflag:s24] =	ssyncadd.s32 $0xFFFFFFFF  }
0xa7: {  	s26 =	simm.s32 $execute0_lowered;
	[smem:$0x3FD2] =	sst s25  }
0xa8: {  	s6 =	sshll.u32 s26, $0x1;
	_ =	strace $0x80000046;
	[dreg:$0x1] =	wrdreg $0xFFFFFFFF  }
0xa9: {  	s28 =	simm.s32 $_size_execute0_lowered;
	s5 =	sadd.s32 s5, s6;
	[dreg:$0x0] =	wrdreg $0x0  }
0xaa: {  	s6 =	sshll.u32 s28, $0x1;
	[dreg:$0x2] =	wrdreg s5  }
0xab: {  	[dreg:$0x3] =	wrdreg s6  }
0xac: {  	[dreg:$0x4] =	wrdreg $0xC0  }
0xad: {  	_ =	task [dreg:s9], $0x5FFFF  }
0xae: {  	[dreg:$0x1] =	wrdreg $0xFFFFFFFF  }
0xaf: {  	[dreg:$0x0] =	wrdreg $0x60  }
0xb0: {  	[dreg:$0x2] =	wrdreg s2  }
0xb1: {  	[dreg:$0x3] =	wrdreg s19  }
0xb2: {  	[dreg:$0x4] =	wrdreg s4  }
0xb3: {  	[dreg:$0x5] =	wrdreg $0x9  }
0xb4: {  	_ =	task.clear_ibuf [dreg:s9], $0x6FFFF;
	_ =	strace $0x90000046  }
0xb5: {  	s29 =	simm.s32 $0x9;
	_ =	strace $0x80000048  }
0xb6: {  	_ =	swait.ge [sflag:s29], $0x1  }
0xb7: {  	[sflag:s29] =	ssyncadd.s32 $0xFFFFFFFF  }
0xb8: {  	_ =	strace $0x90000048  }
0xb9: {  	_ =	sfence  }
0xba: {  	s30 =	sld [smem:$0x0];
	_ =	sdelay $0x2  }
0xbb: {  	s31 =	sshll.u32 s1, $0xD;
	s1 =	sshrl.u32 s1, $0x2  }
0xbc: {  	s3 =	sand.u32 $0x4000, s31;
	s1 =	sadd.s32 s1, s30  }
0xbd: {  	s0 =	sor.u32 s3, s0;
	s1 =	sshll.u32 s1, $0x11  }
0xbe: {  	s0 =	sor.u32 s1, s0  }
0xbf: {  	s0 =	sadd.s32 $0x8F2B, s0  }
0xc0: {  	[sflag:s0] =	ssyncadd.remote.s32 $0x1  }
0xc1: {  	_ =	sfence.sel $0xFFFF  }
0xc2: {  	[dreg:$0x0] =	wrdreg $0xFFFFFFFF;
	(pc) =	sbr.abs _section_cstart, $3  }
0xc3: {  	[dreg:$0x1] =	wrdreg $0xFFFFFFFF  }
0xc4: {  	_ =	task.clear_ibuf [dreg:s9], $0x2FFFF;
	_ =	strace $0x9FFFFFFF  }
0xc5: {  	(tm) =	ssettm $0x7FFFFFFF  }
tec
execute0_lowered:
.L_overlay_start_1:
0x0: {  	(tag) =	ssettag $0x1  }
0x1: {  	s0 =	srdreg.scid  }
0x2: {  	s3 =	stileid.u32;
	s0 =	sand.u32 $0x1, s0  }
0x3: {  	s1 =	sor.u32 s0, s3  }
0x4: {  	p1 =	seq.s32 s0, $0x1;
	p0 =	seq.s32 s1, $0x0  }
0x5: {  	s2 =	rddreg [dreg:$0x1];
	p0 =	por !p0, !p1  }
0x6: {  	s4 =	simm.s32 $0x0;
	s1 =	simm.s32 $0x1;
	p0 =	por !p0, !p0  }
0x7: {  	[smem:$0x7FF] =	sst s4;
	s1 =	simm.s32 @!p0 $0x0  }
0x8: {  	s22 =	ssub.s32 $0x2, s0;
	_ =	strace $0x80000047;
	s1 =	ssub.s32 s3, s1  }
0x9: {  	s6 =	sshrl.u32 s22, $0x1;
	s19 =	sshll.u32 s1, $0x9;
	s3 =	sshll.u32 s1, $0x7  }
0xa: {  	s4 =	ssub.s32 s22, s6;
	s5 =	sand.u32 $0xFFFFF000, s19;
	s3 =	sand.u32 $0x380, s3  }
0xb: {  	s23 =	sor.u32 $0x10, s19;
	s24 =	sor.u32 $0x20, s19;
	s25 =	sor.u32 $0x30, s19  }
0xc: {  	s26 =	sor.u32 $0x40, s19;
	s7 =	sor.u32 $0x50, s19;
	s8 =	sor.u32 $0x60, s19  }
0xd: {  	s9 =	sor.u32 $0x70, s19;
	s10 =	sor.u32 $0x80, s19;
	s11 =	sor.u32 $0x90, s19  }
0xe: {  	s12 =	sor.u32 $0xA0, s19;
	s13 =	sor.u32 $0xB0, s19;
	s14 =	sor.u32 $0xC0, s19  }
0xf: {  	s15 =	sor.u32 $0xD0, s19;
	s16 =	sor.u32 $0xE0, s19;
	s28 =	sor.u32 $0xF0, s19  }
0x10: {  	v32 =	vlaneseq.u32;
	v33 =	vimm.f32 $0.0e+00;
	s17 =	sor.u32 $0x100, s19;
	s18 =	sor.u32 $0x110, s19;
	s29 =	sor.u32 $0x120, s19  }
0x11: {  	s30 =	sor.u32 $0x130, s19;
	s31 =	sor.u32 $0x140, s19;
	s20 =	sor.u32 $0x1A0, s19;
	v17 =	vmov s19;
	v18 =	vor.u32 s19, v32;
	v0 =	vor.u32 s23, v32  }
0x12: {  	s21 =	sor.u32 $0x1B0, s19;
	s22 =	sor.u32 $0x1C0, s19;
	[dreg:$0x1a] =	wrdreg s19;
	v1 =	vor.u32 s24, v32;
	v2 =	vor.u32 s25, v32;
	v3 =	vor.u32 s26, v32  }
0x13: {  	s3 =	sor.u32 s3, s5;
	v4 =	vor.u32 s7, v32;
	v5 =	vor.u32 s8, v32;
	v6 =	vor.u32 s9, v32;
	s7 =	sor.u32 $0x150, s19;
	s8 =	sor.u32 $0x160, s19  }
0x14: {  	s9 =	sor.u32 $0x170, s19;
	v7 =	vor.u32 s10, v32;
	v8 =	vor.u32 s11, v32;
	v9 =	vor.u32 s12, v32;
	s26 =	sshll.u32 s0, $0x8;
	s0 =	sshll.u32 s0, $0x6  }
0x15: {  	s11 =	sor.u32 $0x180, s19;
	v10 =	vor.u32 s13, v32;
	v11 =	vor.u32 s14, v32;
	v14 =	vor.u32 s28, v32;
	s28 =	sshll.u32 s1, $0xB;
	[dreg:$0x1d] =	wrdreg s0  }
0x16: {  	s12 =	sor.u32 $0x190, s19;
	v12 =	vor.u32 s15, v32;
	v13 =	vor.u32 s16, v32;
	v19 =	vor.u32 s29, v32;
	s29 =	smax.u32 s4, $0x1;
	[dreg:$0x1e] =	wrdreg s28  }
0x17: {  	v15 =	vor.u32 s17, v32;
	v16 =	vor.u32 s18, v32;
	v20 =	vor.u32 s30, v32;
	s3 =	sshrl.u32 s3, $0x3;
	s17 =	sshrl.u32 s26, $0x2;
	[dreg:$0x1f] =	wrdreg s29  }
0x18: {  	s23 =	sor.u32 $0x1D0, s19;
	v21 =	vor.u32 s31, v32;
	v27 =	vor.u32 s20, v32;
	v28 =	vor.u32 s21, v32;
	s2 =	sadd.s32 s2, s3;
	[dreg:$0x1c] =	wrdreg s17  }
0x19: {  	s24 =	sor.u32 $0x1E0, s19;
	v29 =	vor.u32 s22, v32;
	v22 =	vor.u32 s7, v32;
	v23 =	vor.u32 s8, v32;
	s30 =	sor.u32 $0x202, s17;
	[dreg:$0x1b] =	wrdreg s2  }
0x1a: {  	s25 =	sor.u32 $0x1F0, s19;
	v24 =	vor.u32 s9, v32;
	v25 =	vor.u32 s11, v32;
	v26 =	vor.u32 s12, v32;
	s31 =	sor.u32 $0x283, s17;
	[smem:$0x7FC] =	sst s30  }
0x1b: {  	v30 =	vor.u32 s23, v32;
	v31 =	vor.u32 s24, v32;
	v32 =	vor.u32 s25, v32;
	[smem:$0x7FD] =	sst s31;
	s2 =	simm.s32 $0x0  }
.LBB2_1:
0x1c: {  	[smem:$0x7FA] =	sst s2  }
0x1d: {  	s5 =	simm.s32 $0x0;
	s0 =	rddreg [dreg:$0x1b]  }
0x1e: {  	s1 =	simm.s32 $0x80;
	s16 =	simm.s32 $0x400;
	s17 =	simm.s32 $0x5  }
0x1f: {  	[tilespmem:s5], [sflag:$0x5] =	stream.strided.gather [hbm4b:s0+s1], $0x200, s16, s1, $0x38;
	[tilespmem:$0x12A80] =	vst v63  }
0x20: {  	_ =	swait.ge [sflag:s17], $0x200  }
0x21: {  	[sflag:s17] =	ssyncset.done $0x0  }
0x22: {  	[sflag:s17] =	ssyncadd.s32 $0xFFFFFE00  }
0x23: {  	[tilespmem:$0x5280] =	vst v33  }
0x24: {  	[tilespmem:$0x5290] =	vst v33  }
0x25: {  	[tilespmem:$0x52A0] =	vst v33  }
0x26: {  	[tilespmem:$0x52B0] =	vst v33  }
0x27: {  	[tilespmem:$0x52C0] =	vst v33  }
0x28: {  	[tilespmem:$0x52D0] =	vst v33  }
0x29: {  	[tilespmem:$0x52E0] =	vst v33  }
0x2a: {  	[tilespmem:$0x52F0] =	vst v33  }
0x2b: {  	[tilespmem:$0x5680] =	vst v33  }
0x2c: {  	[tilespmem:$0x5690] =	vst v33  }
0x2d: {  	[tilespmem:$0x56A0] =	vst v33  }
0x2e: {  	[tilespmem:$0x56B0] =	vst v33  }
0x2f: {  	[tilespmem:$0x56C0] =	vst v33  }
0x30: {  	[tilespmem:$0x56D0] =	vst v33  }
0x31: {  	[tilespmem:$0x56E0] =	vst v33  }
0x32: {  	[tilespmem:$0x56F0] =	vst v33  }
0x33: {  	[tilespmem:$0xA280] =	vst v33  }
0x34: {  	[tilespmem:$0xA290] =	vst v33  }
0x35: {  	[tilespmem:$0xA2A0] =	vst v33  }
0x36: {  	[tilespmem:$0xA2B0] =	vst v33  }
0x37: {  	[tilespmem:$0xA2C0] =	vst v33  }
0x38: {  	[tilespmem:$0xA2D0] =	vst v33  }
0x39: {  	[tilespmem:$0xA2E0] =	vst v33  }
0x3a: {  	[tilespmem:$0xA2F0] =	vst v33  }
0x3b: {  	[tilespmem:$0xA680] =	vst v33  }
0x3c: {  	[tilespmem:$0xA690] =	vst v33  }
0x3d: {  	[tilespmem:$0xA6A0] =	vst v33  }
0x3e: {  	[tilespmem:$0xA6B0] =	vst v33  }
0x3f: {  	[tilespmem:$0xA6C0] =	vst v33  }
0x40: {  	[tilespmem:$0xA6D0] =	vst v33  }
0x41: {  	[tilespmem:$0xA6E0] =	vst v33  }
0x42: {  	[tilespmem:$0xA6F0] =	vst v33  }
0x43: {  	[tilespmem:$0x200] =	vst v17  }
0x44: {  	[tilespmem:$0x210] =	vst v17  }
0x45: {  	[tilespmem:$0x220] =	vst v17  }
0x46: {  	[tilespmem:$0x230] =	vst v17  }
0x47: {  	[tilespmem:$0x240] =	vst v17  }
0x48: {  	[tilespmem:$0x250] =	vst v17  }
0x49: {  	[tilespmem:$0x260] =	vst v17  }
0x4a: {  	[tilespmem:$0x270] =	vst v17  }
0x4b: {  	[tilespmem:$0x280] =	vst v17  }
0x4c: {  	[tilespmem:$0x290] =	vst v17  }
0x4d: {  	[tilespmem:$0x2A0] =	vst v17  }
0x4e: {  	[tilespmem:$0x2B0] =	vst v17  }
0x4f: {  	[tilespmem:$0x2C0] =	vst v17  }
0x50: {  	[tilespmem:$0x2D0] =	vst v17  }
0x51: {  	[tilespmem:$0x2E0] =	vst v17  }
0x52: {  	[tilespmem:$0x2F0] =	vst v17  }
0x53: {  	[tilespmem:$0x300] =	vst v17  }
0x54: {  	[tilespmem:$0x310] =	vst v17  }
0x55: {  	[tilespmem:$0x320] =	vst v17  }
0x56: {  	[tilespmem:$0x330] =	vst v17  }
0x57: {  	[tilespmem:$0x340] =	vst v17  }
0x58: {  	[tilespmem:$0x350] =	vst v17  }
0x59: {  	[tilespmem:$0x360] =	vst v17  }
0x5a: {  	[tilespmem:$0x370] =	vst v17  }
0x5b: {  	[tilespmem:$0x380] =	vst v17  }
0x5c: {  	[tilespmem:$0x390] =	vst v17  }
0x5d: {  	[tilespmem:$0x3A0] =	vst v17  }
0x5e: {  	[tilespmem:$0x3B0] =	vst v17  }
0x5f: {  	[tilespmem:$0x3C0] =	vst v17  }
0x60: {  	[tilespmem:$0x3D0] =	vst v17  }
0x61: {  	[tilespmem:$0x3E0] =	vst v17  }
0x62: {  	[tilespmem:$0x3F0] =	vst v17  }
0x63: {  	[tilespmem:$0x400] =	vst v17  }
0x64: {  	[tilespmem:$0x410] =	vst v17  }
0x65: {  	[tilespmem:$0x420] =	vst v17  }
0x66: {  	[tilespmem:$0x430] =	vst v17  }
0x67: {  	[tilespmem:$0x440] =	vst v17  }
0x68: {  	[tilespmem:$0x450] =	vst v17  }
0x69: {  	[tilespmem:$0x460] =	vst v17  }
0x6a: {  	[tilespmem:$0x470] =	vst v17  }
0x6b: {  	[tilespmem:$0x480] =	vst v17  }
0x6c: {  	[tilespmem:$0x490] =	vst v17  }
0x6d: {  	[tilespmem:$0x4A0] =	vst v17  }
0x6e: {  	[tilespmem:$0x4B0] =	vst v17  }
0x6f: {  	[tilespmem:$0x4C0] =	vst v17  }
0x70: {  	[tilespmem:$0x4D0] =	vst v17  }
0x71: {  	[tilespmem:$0x4E0] =	vst v17  }
0x72: {  	[tilespmem:$0x4F0] =	vst v17  }
0x73: {  	[tilespmem:$0x500] =	vst v17  }
0x74: {  	[tilespmem:$0x510] =	vst v17  }
0x75: {  	[tilespmem:$0x520] =	vst v17  }
0x76: {  	[tilespmem:$0x530] =	vst v17  }
0x77: {  	[tilespmem:$0x540] =	vst v17  }
0x78: {  	[tilespmem:$0x550] =	vst v17  }
0x79: {  	[tilespmem:$0x560] =	vst v17  }
0x7a: {  	[tilespmem:$0x570] =	vst v17  }
0x7b: {  	[tilespmem:$0x580] =	vst v17  }
0x7c: {  	[tilespmem:$0x590] =	vst v17  }
0x7d: {  	[tilespmem:$0x5A0] =	vst v17  }
0x7e: {  	[tilespmem:$0x5B0] =	vst v17  }
0x7f: {  	[tilespmem:$0x5C0] =	vst v17  }
0x80: {  	[tilespmem:$0x5D0] =	vst v17  }
0x81: {  	[tilespmem:$0x5E0] =	vst v17  }
0x82: {  	[tilespmem:$0x5F0] =	vst v17  }
0x83: {  	[tilespmem:$0x600] =	vst v17  }
0x84: {  	[tilespmem:$0x610] =	vst v17  }
0x85: {  	[tilespmem:$0x620] =	vst v17  }
0x86: {  	[tilespmem:$0x630] =	vst v17  }
0x87: {  	[tilespmem:$0x640] =	vst v17  }
0x88: {  	[tilespmem:$0x650] =	vst v17  }
0x89: {  	[tilespmem:$0x660] =	vst v17  }
0x8a: {  	[tilespmem:$0x670] =	vst v17  }
0x8b: {  	[tilespmem:$0x680] =	vst v17  }
0x8c: {  	[tilespmem:$0x690] =	vst v17  }
0x8d: {  	[tilespmem:$0x6A0] =	vst v17  }
0x8e: {  	[tilespmem:$0x6B0] =	vst v17  }
0x8f: {  	[tilespmem:$0x6C0] =	vst v17  }
0x90: {  	[tilespmem:$0x6D0] =	vst v17  }
0x91: {  	[tilespmem:$0x6E0] =	vst v17  }
0x92: {  	[tilespmem:$0x6F0] =	vst v17  }
0x93: {  	[tilespmem:$0x700] =	vst v17  }
0x94: {  	[tilespmem:$0x710] =	vst v17  }
0x95: {  	[tilespmem:$0x720] =	vst v17  }
0x96: {  	[tilespmem:$0x730] =	vst v17  }
0x97: {  	[tilespmem:$0x740] =	vst v17  }
0x98: {  	[tilespmem:$0x750] =	vst v17  }
0x99: {  	[tilespmem:$0x760] =	vst v17  }
0x9a: {  	[tilespmem:$0x770] =	vst v17  }
0x9b: {  	[tilespmem:$0x780] =	vst v17  }
0x9c: {  	[tilespmem:$0x790] =	vst v17  }
0x9d: {  	[tilespmem:$0x7A0] =	vst v17  }
0x9e: {  	[tilespmem:$0x7B0] =	vst v17  }
0x9f: {  	[tilespmem:$0x7C0] =	vst v17  }
0xa0: {  	[tilespmem:$0x7D0] =	vst v17  }
0xa1: {  	[tilespmem:$0x7E0] =	vst v17  }
0xa2: {  	[tilespmem:$0x7F0] =	vst v17  }
0xa3: {  	[tilespmem:$0x800] =	vst v17  }
0xa4: {  	[tilespmem:$0x810] =	vst v17  }
0xa5: {  	[tilespmem:$0x820] =	vst v17  }
0xa6: {  	[tilespmem:$0x830] =	vst v17  }
0xa7: {  	[tilespmem:$0x840] =	vst v17  }
0xa8: {  	[tilespmem:$0x850] =	vst v17  }
0xa9: {  	[tilespmem:$0x860] =	vst v17  }
0xaa: {  	[tilespmem:$0x870] =	vst v17  }
0xab: {  	[tilespmem:$0x880] =	vst v17  }
0xac: {  	[tilespmem:$0x890] =	vst v17  }
0xad: {  	[tilespmem:$0x8A0] =	vst v17  }
0xae: {  	[tilespmem:$0x8B0] =	vst v17  }
0xaf: {  	[tilespmem:$0x8C0] =	vst v17  }
0xb0: {  	[tilespmem:$0x8D0] =	vst v17  }
0xb1: {  	[tilespmem:$0x8E0] =	vst v17;
	v34 =	vld [tilespmem:$0x0]  }
0xb2: {  	[tilespmem:$0x8F0] =	vst v17  }
0xb3: {  	[tilespmem:$0x900] =	vst v17  }
0xb4: {  	[tilespmem:$0x910] =	vst v17  }
0xb5: {  	[tilespmem:$0x920] =	vst v17  }
0xb6: {  	[tilespmem:$0x930] =	vst v17;
	(xrf0) =	vadd.scan.msk.s32 $0xffff, v34  }
0xb7: {  	[tilespmem:$0x940] =	vst v17  }
0xb8: {  	[tilespmem:$0x950] =	vst v17  }
0xb9: {  	[tilespmem:$0x960] =	vst v17  }
0xba: {  	[tilespmem:$0x970] =	vst v17  }
0xbb: {  	[tilespmem:$0x980] =	vst v17  }
0xbc: {  	[tilespmem:$0x990] =	vst v17;
	vm0 =	vgt.s32 v34, $0x0;
	vm2 =	vgt.s32 v34, $0x1;
	vm4 =	vgt.s32 v34, $0x2;
	v35, _, _ =	vpop (xrf0)  }
0xbd: {  	[tilespmem:$0x9A0] =	vst v17;
	vm9 =	vgt.s32 v34, $0x3;
	vm11 =	vgt.s32 v34, $0x4;
	v36 =	vsub.s32 v35, v34  }
0xbe: {  	[tilespmem:$0x9B0] =	vst v17;
	vm13 =	vgt.s32 v34, $0x5;
	vm1 =	vlt.s32 v36, $0x800;
	v37 =	vadd.s32 $0x1, v36  }
0xbf: {  	[tilespmem:$0x9C0] =	vst v17;
	v38 =	vadd.s32 $0x2, v36;
	vm3 =	vlt.s32 v37, $0x800;
	vm0 =	vmand vm0, vm1  }
0xc0: {  	[tilespmem:$0x9D0] =	vst v17;
	v39 =	vadd.s32 $0x3, v36;
	vm5 =	vlt.s32 v38, $0x800;
	vm1 =	vmand vm2, vm3  }
0xc1: {  	[tilespmem:$0x9E0] =	vst v17;
	v40 =	vadd.s32 $0x4, v36;
	vm10 =	vlt.s32 v39, $0x800;
	vm2 =	vmand vm4, vm5  }
0xc2: {  	[tilespmem:$0x9F0] =	vst v17;
	v41 =	vadd.s32 $0x5, v36;
	vm6 =	vlt.s32 v40, $0x800;
	vm3 =	vmand vm9, vm10  }
0xc3: {  	[tilespmem:$0xA00] =	vst v17;
	v42 =	vadd.s32 $0x6, v36;
	vm14 =	vlt.s32 v41, $0x800;
	vm12 =	vmand vm11, vm6  }
0xc4: {  	s2 =	simm.s32 $0x200;
	[tilespmem:$0xA10] =	vst v17;
	vm15 =	vgt.s32 v34, $0x6;
	vm7 =	vlt.s32 v42, $0x800;
	vm5 =	vmand vm13, vm14  }
0xc5: {  	vm7 =	vmand vm15, vm7;
	[tilespmem:v36+s2+$0x0] =	vst.idx.msk vm0, v18  }
0xc6: {  	[tilespmem:v37+s2+$0x0] =	vst.idx.msk vm1, v18  }
0xc7: {  	[tilespmem:v38+s2+$0x0] =	vst.idx.msk vm2, v18  }
0xc8: {  	[tilespmem:v39+s2+$0x0] =	vst.idx.msk vm3, v18  }
0xc9: {  	[tilespmem:v40+s2+$0x0] =	vst.idx.msk vm12, v18  }
0xca: {  	[tilespmem:v41+s2+$0x0] =	vst.idx.msk vm5, v18  }
0xcb: {  	[tilespmem:v42+s2+$0x0] =	vst.idx.msk vm7, v18  }
0xcc: {  	v51 =	vld [tilespmem:$0x10];
	_ =	sdelay $0x4  }
0xcd: {  	(xrf0) =	vadd.scan.msk.s32 $0xffff, v51;
	_ =	sdelay $0x5  }
0xce: {  	v53 =	vbroadcast v35, $0xF;
	v52, _, _ =	vpop (xrf0)  }
0xcf: {  	v54 =	vsub.s32 v52, v51  }
0xd0: {  	vm8 =	vgt.s32 v51, $0x0;
	vm10 =	vgt.s32 v51, $0x1;
	v37 =	vadd.s32 v53, v54  }
0xd1: {  	vm12 =	vgt.s32 v51, $0x2;
	vm14 =	vgt.s32 v51, $0x3;
	vm9 =	vlt.s32 v37, $0x800  }
0xd2: {  	v38 =	vadd.s32 $0x1, v37;
	v55 =	vadd.s32 $0x2, v37;
	v56 =	vadd.s32 $0x3, v37  }
0xd3: {  	v57 =	vadd.s32 $0x4, v37;
	vm11 =	vlt.s32 v38, $0x800;
	vm0 =	vmand vm8, vm9  }
0xd4: {  	v58 =	vadd.s32 $0x5, v37;
	vm13 =	vlt.s32 v55, $0x800;
	vm1 =	vmand vm10, vm11  }
0xd5: {  	v43 =	vadd.s32 $0x6, v37;
	vm15 =	vlt.s32 v56, $0x800;
	vm2 =	vmand vm12, vm13  }
0xd6: {  	vm9 =	vgt.s32 v51, $0x4;
	vm10 =	vlt.s32 v57, $0x800;
	vm3 =	vmand vm14, vm15  }
0xd7: {  	vm12 =	vgt.s32 v51, $0x5;
	vm13 =	vlt.s32 v58, $0x800;
	vm11 =	vmand vm9, vm10  }
0xd8: {  	vm14 =	vgt.s32 v51, $0x6;
	vm15 =	vlt.s32 v43, $0x800;
	vm5 =	vmand vm12, vm13  }
0xd9: {  	vm7 =	vmand vm14, vm15;
	[tilespmem:v37+s2+$0x0] =	vst.idx.msk vm0, v0  }
0xda: {  	[tilespmem:v38+s2+$0x0] =	vst.idx.msk vm1, v0  }
0xdb: {  	(v2sf) =	vpush v35, $0xF;
	[tilespmem:v55+s2+$0x0] =	vst.idx.msk vm2, v0  }
0xdc: {  	(v2sf) =	vpush v52, $0xF;
	[tilespmem:v56+s2+$0x0] =	vst.idx.msk vm3, v0  }
0xdd: {  	[tilespmem:v57+s2+$0x0] =	vst.idx.msk vm11, v0  }
0xde: {  	[tilespmem:v58+s2+$0x0] =	vst.idx.msk vm5, v0  }
0xdf: {  	[tilespmem:v43+s2+$0x0] =	vst.idx.msk vm7, v0  }
0xe0: {  	v59 =	vld [tilespmem:$0x20];
	_ =	sdelay $0x4  }
0xe1: {  	(xrf0) =	vadd.scan.msk.s32 $0xffff, v59;
	_ =	sdelay $0x4  }
0xe2: {  	s18 =	spop (v2sf)  }
0xe3: {  	s20 =	spop (v2sf);
	v60, _, _ =	vpop (xrf0)  }
0xe4: {  	s0 =	sadd.s32 s18, s20;
	v61 =	vsub.s32 v60, v59  }
0xe5: {  	vm8 =	vgt.s32 v59, $0x0;
	vm10 =	vgt.s32 v59, $0x1;
	v36 =	vadd.s32 s0, v61  }
0xe6: {  	vm12 =	vgt.s32 v59, $0x2;
	vm14 =	vgt.s32 v59, $0x3;
	vm9 =	vlt.s32 v36, $0x800  }
0xe7: {  	v62 =	vadd.s32 $0x1, v36;
	v63 =	vadd.s32 $0x2, v36;
	v45 =	vadd.s32 $0x3, v36  }
0xe8: {  	v46 =	vadd.s32 $0x4, v36;
	vm11 =	vlt.s32 v62, $0x800;
	vm0 =	vmand vm8, vm9  }
0xe9: {  	v47 =	vadd.s32 $0x5, v36;
	vm13 =	vlt.s32 v63, $0x800;
	vm1 =	vmand vm10, vm11  }
0xea: {  	v48 =	vadd.s32 $0x6, v36;
	vm15 =	vlt.s32 v45, $0x800;
	vm2 =	vmand vm12, vm13  }
0xeb: {  	vm9 =	vgt.s32 v59, $0x4;
	vm10 =	vlt.s32 v46, $0x800;
	vm3 =	vmand vm14, vm15  }
0xec: {  	vm12 =	vgt.s32 v59, $0x5;
	vm13 =	vlt.s32 v47, $0x800;
	vm11 =	vmand vm9, vm10  }
0xed: {  	vm14 =	vgt.s32 v59, $0x6;
	vm15 =	vlt.s32 v48, $0x800;
	vm5 =	vmand vm12, vm13  }
0xee: {  	vm7 =	vmand vm14, vm15;
	[tilespmem:v36+s2+$0x0] =	vst.idx.msk vm0, v1  }
0xef: {  	[tilespmem:v62+s2+$0x0] =	vst.idx.msk vm1, v1  }
0xf0: {  	[tilespmem:v63+s2+$0x0] =	vst.idx.msk vm2, v1  }
0xf1: {  	(v2sf) =	vpush v60, $0xF;
	[tilespmem:v45+s2+$0x0] =	vst.idx.msk vm3, v1  }
0xf2: {  	[tilespmem:v46+s2+$0x0] =	vst.idx.msk vm11, v1  }
0xf3: {  	[tilespmem:v47+s2+$0x0] =	vst.idx.msk vm5, v1  }
0xf4: {  	[tilespmem:v48+s2+$0x0] =	vst.idx.msk vm7, v1  }
0xf5: {  	v49 =	vld [tilespmem:$0x30];
	_ =	sdelay $0x4  }
0xf6: {  	(xrf0) =	vadd.scan.msk.s32 $0xffff, v49;
	_ =	sdelay $0x5  }
0xf7: {  	s21 =	spop (v2sf);
	v50, _, _ =	vpop (xrf0)  }
0xf8: {  	s0 =	sadd.s32 s0, s21;
	v51 =	vsub.s32 v50, v49  }
0xf9: {  	vm8 =	vgt.s32 v49, $0x0;
	vm10 =	vgt.s32 v49, $0x1;
	v36 =	vadd.s32 s0, v51  }
0xfa: {  	vm12 =	vgt.s32 v49, $0x2;
	vm14 =	vgt.s32 v49, $0x3;
	vm9 =	vlt.s32 v36, $0x800  }
0xfb: {  	v52 =	vadd.s32 $0x1, v36;
	v53 =	vadd.s32 $0x2, v36;
	v54 =	vadd.s32 $0x3, v36  }
0xfc: {  	v55 =	vadd.s32 $0x4, v36;
	vm11 =	vlt.s32 v52, $0x800;
	vm0 =	vmand vm8, vm9  }
0xfd: {  	v56 =	vadd.s32 $0x5, v36;
	vm13 =	vlt.s32 v53, $0x800;
	vm1 =	vmand vm10, vm11  }
0xfe: {  	v57 =	vadd.s32 $0x6, v36;
	vm15 =	vlt.s32 v54, $0x800;
	vm2 =	vmand vm12, vm13  }
0xff: {  	vm9 =	vgt.s32 v49, $0x4;
	vm10 =	vlt.s32 v55, $0x800;
	vm3 =	vmand vm14, vm15  }
0x100: {  	vm12 =	vgt.s32 v49, $0x5;
	vm13 =	vlt.s32 v56, $0x800;
	vm11 =	vmand vm9, vm10  }
0x101: {  	vm14 =	vgt.s32 v49, $0x6;
	vm15 =	vlt.s32 v57, $0x800;
	vm5 =	vmand vm12, vm13  }
0x102: {  	vm7 =	vmand vm14, vm15;
	[tilespmem:v36+s2+$0x0] =	vst.idx.msk vm0, v2  }
0x103: {  	[tilespmem:v52+s2+$0x0] =	vst.idx.msk vm1, v2  }
0x104: {  	[tilespmem:v53+s2+$0x0] =	vst.idx.msk vm2, v2  }
0x105: {  	(v2sf) =	vpush v50, $0xF;
	[tilespmem:v54+s2+$0x0] =	vst.idx.msk vm3, v2  }
0x106: {  	[tilespmem:v55+s2+$0x0] =	vst.idx.msk vm11, v2  }
0x107: {  	[tilespmem:v56+s2+$0x0] =	vst.idx.msk vm5, v2  }
0x108: {  	[tilespmem:v57+s2+$0x0] =	vst.idx.msk vm7, v2  }
0x109: {  	v58 =	vld [tilespmem:$0x40];
	_ =	sdelay $0x4  }
0x10a: {  	(xrf0) =	vadd.scan.msk.s32 $0xffff, v58;
	_ =	sdelay $0x5  }
0x10b: {  	s22 =	spop (v2sf);
	v59, _, _ =	vpop (xrf0)  }
0x10c: {  	s0 =	sadd.s32 s0, s22;
	v60 =	vsub.s32 v59, v58  }
0x10d: {  	vm8 =	vgt.s32 v58, $0x0;
	vm10 =	vgt.s32 v58, $0x1;
	v36 =	vadd.s32 s0, v60  }
0x10e: {  	vm12 =	vgt.s32 v58, $0x2;
	vm14 =	vgt.s32 v58, $0x3;
	vm9 =	vlt.s32 v36, $0x800  }
0x10f: {  	v61 =	vadd.s32 $0x1, v36;
	v62 =	vadd.s32 $0x2, v36;
	v63 =	vadd.s32 $0x3, v36  }
0x110: {  	v45 =	vadd.s32 $0x4, v36;
	vm11 =	vlt.s32 v61, $0x800;
	vm0 =	vmand vm8, vm9  }
0x111: {  	v46 =	vadd.s32 $0x5, v36;
	vm13 =	vlt.s32 v62, $0x800;
	vm1 =	vmand vm10, vm11  }
0x112: {  	v47 =	vadd.s32 $0x6, v36;
	vm15 =	vlt.s32 v63, $0x800;
	vm2 =	vmand vm12, vm13  }
0x113: {  	vm9 =	vgt.s32 v58, $0x4;
	vm10 =	vlt.s32 v45, $0x800;
	vm3 =	vmand vm14, vm15  }
0x114: {  	vm12 =	vgt.s32 v58, $0x5;
	vm13 =	vlt.s32 v46, $0x800;
	vm11 =	vmand vm9, vm10  }
0x115: {  	vm14 =	vgt.s32 v58, $0x6;
	vm15 =	vlt.s32 v47, $0x800;
	vm5 =	vmand vm12, vm13  }
0x116: {  	vm7 =	vmand vm14, vm15;
	[tilespmem:v36+s2+$0x0] =	vst.idx.msk vm0, v3  }
0x117: {  	[tilespmem:v61+s2+$0x0] =	vst.idx.msk vm1, v3  }
0x118: {  	[tilespmem:v62+s2+$0x0] =	vst.idx.msk vm2, v3  }
0x119: {  	(v2sf) =	vpush v59, $0xF;
	[tilespmem:v63+s2+$0x0] =	vst.idx.msk vm3, v3  }
0x11a: {  	[tilespmem:v45+s2+$0x0] =	vst.idx.msk vm11, v3  }
0x11b: {  	[tilespmem:v46+s2+$0x0] =	vst.idx.msk vm5, v3  }
0x11c: {  	[tilespmem:v47+s2+$0x0] =	vst.idx.msk vm7, v3  }
0x11d: {  	v48 =	vld [tilespmem:$0x50];
	_ =	sdelay $0x4  }
0x11e: {  	(xrf0) =	vadd.scan.msk.s32 $0xffff, v48;
	_ =	sdelay $0x5  }
0x11f: {  	s23 =	spop (v2sf);
	v49, _, _ =	vpop (xrf0)  }
0x120: {  	s0 =	sadd.s32 s0, s23;
	v50 =	vsub.s32 v49, v48  }
0x121: {  	vm8 =	vgt.s32 v48, $0x0;
	vm10 =	vgt.s32 v48, $0x1;
	v36 =	vadd.s32 s0, v50  }
0x122: {  	vm12 =	vgt.s32 v48, $0x2;
	vm14 =	vgt.s32 v48, $0x3;
	vm9 =	vlt.s32 v36, $0x800  }
0x123: {  	v51 =	vadd.s32 $0x1, v36;
	v52 =	vadd.s32 $0x2, v36;
	v53 =	vadd.s32 $0x3, v36  }
0x124: {  	v54 =	vadd.s32 $0x4, v36;
	vm11 =	vlt.s32 v51, $0x800;
	vm0 =	vmand vm8, vm9  }
0x125: {  	v55 =	vadd.s32 $0x5, v36;
	vm13 =	vlt.s32 v52, $0x800;
	vm1 =	vmand vm10, vm11  }
0x126: {  	v56 =	vadd.s32 $0x6, v36;
	vm15 =	vlt.s32 v53, $0x800;
	vm2 =	vmand vm12, vm13  }
0x127: {  	vm9 =	vgt.s32 v48, $0x4;
	vm10 =	vlt.s32 v54, $0x800;
	vm3 =	vmand vm14, vm15  }
0x128: {  	vm12 =	vgt.s32 v48, $0x5;
	vm13 =	vlt.s32 v55, $0x800;
	vm11 =	vmand vm9, vm10  }
0x129: {  	vm14 =	vgt.s32 v48, $0x6;
	vm15 =	vlt.s32 v56, $0x800;
	vm5 =	vmand vm12, vm13  }
0x12a: {  	vm7 =	vmand vm14, vm15;
	[tilespmem:v36+s2+$0x0] =	vst.idx.msk vm0, v4  }
0x12b: {  	[tilespmem:v51+s2+$0x0] =	vst.idx.msk vm1, v4  }
0x12c: {  	[tilespmem:v52+s2+$0x0] =	vst.idx.msk vm2, v4  }
0x12d: {  	(v2sf) =	vpush v49, $0xF;
	[tilespmem:v53+s2+$0x0] =	vst.idx.msk vm3, v4  }
0x12e: {  	[tilespmem:v54+s2+$0x0] =	vst.idx.msk vm11, v4  }
0x12f: {  	[tilespmem:v55+s2+$0x0] =	vst.idx.msk vm5, v4  }
0x130: {  	[tilespmem:v56+s2+$0x0] =	vst.idx.msk vm7, v4  }
0x131: {  	v57 =	vld [tilespmem:$0x60];
	_ =	sdelay $0x4  }
0x132: {  	(xrf0) =	vadd.scan.msk.s32 $0xffff, v57;
	_ =	sdelay $0x5  }
0x133: {  	s24 =	spop (v2sf);
	v58, _, _ =	vpop (xrf0)  }
0x134: {  	s0 =	sadd.s32 s0, s24;
	v59 =	vsub.s32 v58, v57  }
0x135: {  	vm8 =	vgt.s32 v57, $0x0;
	vm10 =	vgt.s32 v57, $0x1;
	v36 =	vadd.s32 s0, v59  }
0x136: {  	vm12 =	vgt.s32 v57, $0x2;
	vm14 =	vgt.s32 v57, $0x3;
	vm9 =	vlt.s32 v36, $0x800  }
0x137: {  	v60 =	vadd.s32 $0x1, v36;
	v61 =	vadd.s32 $0x2, v36;
	v62 =	vadd.s32 $0x3, v36  }
0x138: {  	v63 =	vadd.s32 $0x4, v36;
	vm11 =	vlt.s32 v60, $0x800;
	vm0 =	vmand vm8, vm9  }
0x139: {  	v45 =	vadd.s32 $0x5, v36;
	vm13 =	vlt.s32 v61, $0x800;
	vm1 =	vmand vm10, vm11  }
0x13a: {  	v46 =	vadd.s32 $0x6, v36;
	vm15 =	vlt.s32 v62, $0x800;
	vm2 =	vmand vm12, vm13  }
0x13b: {  	vm9 =	vgt.s32 v57, $0x4;
	vm10 =	vlt.s32 v63, $0x800;
	vm3 =	vmand vm14, vm15  }
0x13c: {  	vm12 =	vgt.s32 v57, $0x5;
	vm13 =	vlt.s32 v45, $0x800;
	vm11 =	vmand vm9, vm10  }
0x13d: {  	vm14 =	vgt.s32 v57, $0x6;
	vm15 =	vlt.s32 v46, $0x800;
	vm5 =	vmand vm12, vm13  }
0x13e: {  	vm7 =	vmand vm14, vm15;
	[tilespmem:v36+s2+$0x0] =	vst.idx.msk vm0, v5  }
0x13f: {  	[tilespmem:v60+s2+$0x0] =	vst.idx.msk vm1, v5  }
0x140: {  	[tilespmem:v61+s2+$0x0] =	vst.idx.msk vm2, v5  }
0x141: {  	(v2sf) =	vpush v58, $0xF;
	[tilespmem:v62+s2+$0x0] =	vst.idx.msk vm3, v5  }
0x142: {  	[tilespmem:v63+s2+$0x0] =	vst.idx.msk vm11, v5  }
0x143: {  	[tilespmem:v45+s2+$0x0] =	vst.idx.msk vm5, v5  }
0x144: {  	[tilespmem:v46+s2+$0x0] =	vst.idx.msk vm7, v5  }
0x145: {  	v47 =	vld [tilespmem:$0x70];
	_ =	sdelay $0x4  }
0x146: {  	(xrf0) =	vadd.scan.msk.s32 $0xffff, v47;
	_ =	sdelay $0x5  }
0x147: {  	s25 =	spop (v2sf);
	v48, _, _ =	vpop (xrf0)  }
0x148: {  	s0 =	sadd.s32 s0, s25;
	v49 =	vsub.s32 v48, v47  }
0x149: {  	vm8 =	vgt.s32 v47, $0x0;
	vm10 =	vgt.s32 v47, $0x1;
	v36 =	vadd.s32 s0, v49  }
0x14a: {  	vm12 =	vgt.s32 v47, $0x2;
	vm14 =	vgt.s32 v47, $0x3;
	vm9 =	vlt.s32 v36, $0x800  }
0x14b: {  	v50 =	vadd.s32 $0x1, v36;
	v51 =	vadd.s32 $0x2, v36;
	v52 =	vadd.s32 $0x3, v36  }
0x14c: {  	v53 =	vadd.s32 $0x4, v36;
	vm11 =	vlt.s32 v50, $0x800;
	vm0 =	vmand vm8, vm9  }
0x14d: {  	v54 =	vadd.s32 $0x5, v36;
	vm13 =	vlt.s32 v51, $0x800;
	vm1 =	vmand vm10, vm11  }
0x14e: {  	v55 =	vadd.s32 $0x6, v36;
	vm15 =	vlt.s32 v52, $0x800;
	vm2 =	vmand vm12, vm13  }
0x14f: {  	vm9 =	vgt.s32 v47, $0x4;
	vm10 =	vlt.s32 v53, $0x800;
	vm3 =	vmand vm14, vm15  }
0x150: {  	vm12 =	vgt.s32 v47, $0x5;
	vm13 =	vlt.s32 v54, $0x800;
	vm11 =	vmand vm9, vm10  }
0x151: {  	vm14 =	vgt.s32 v47, $0x6;
	vm15 =	vlt.s32 v55, $0x800;
	vm5 =	vmand vm12, vm13  }
0x152: {  	vm7 =	vmand vm14, vm15;
	[tilespmem:v36+s2+$0x0] =	vst.idx.msk vm0, v6  }
0x153: {  	[tilespmem:v50+s2+$0x0] =	vst.idx.msk vm1, v6  }
0x154: {  	[tilespmem:v51+s2+$0x0] =	vst.idx.msk vm2, v6  }
0x155: {  	(v2sf) =	vpush v48, $0xF;
	[tilespmem:v52+s2+$0x0] =	vst.idx.msk vm3, v6  }
0x156: {  	[tilespmem:v53+s2+$0x0] =	vst.idx.msk vm11, v6  }
0x157: {  	[tilespmem:v54+s2+$0x0] =	vst.idx.msk vm5, v6  }
0x158: {  	[tilespmem:v55+s2+$0x0] =	vst.idx.msk vm7, v6  }
0x159: {  	v56 =	vld [tilespmem:$0x80];
	_ =	sdelay $0x4  }
0x15a: {  	(xrf0) =	vadd.scan.msk.s32 $0xffff, v56;
	_ =	sdelay $0x5  }
0x15b: {  	s26 =	spop (v2sf);
	v57, _, _ =	vpop (xrf0)  }
0x15c: {  	s0 =	sadd.s32 s0, s26;
	v58 =	vsub.s32 v57, v56  }
0x15d: {  	vm8 =	vgt.s32 v56, $0x0;
	vm10 =	vgt.s32 v56, $0x1;
	v36 =	vadd.s32 s0, v58  }
0x15e: {  	vm12 =	vgt.s32 v56, $0x2;
	vm14 =	vgt.s32 v56, $0x3;
	vm9 =	vlt.s32 v36, $0x800  }
0x15f: {  	v59 =	vadd.s32 $0x1, v36;
	v60 =	vadd.s32 $0x2, v36;
	v61 =	vadd.s32 $0x3, v36  }
0x160: {  	v62 =	vadd.s32 $0x4, v36;
	vm11 =	vlt.s32 v59, $0x800;
	vm0 =	vmand vm8, vm9  }
0x161: {  	v63 =	vadd.s32 $0x5, v36;
	vm13 =	vlt.s32 v60, $0x800;
	vm1 =	vmand vm10, vm11  }
0x162: {  	v45 =	vadd.s32 $0x6, v36;
	vm15 =	vlt.s32 v61, $0x800;
	vm2 =	vmand vm12, vm13  }
0x163: {  	vm9 =	vgt.s32 v56, $0x4;
	vm10 =	vlt.s32 v62, $0x800;
	vm3 =	vmand vm14, vm15  }
0x164: {  	vm12 =	vgt.s32 v56, $0x5;
	vm13 =	vlt.s32 v63, $0x800;
	vm11 =	vmand vm9, vm10  }
0x165: {  	vm14 =	vgt.s32 v56, $0x6;
	vm15 =	vlt.s32 v45, $0x800;
	vm5 =	vmand vm12, vm13  }
0x166: {  	vm7 =	vmand vm14, vm15;
	[tilespmem:v36+s2+$0x0] =	vst.idx.msk vm0, v7  }
0x167: {  	[tilespmem:v59+s2+$0x0] =	vst.idx.msk vm1, v7  }
0x168: {  	[tilespmem:v60+s2+$0x0] =	vst.idx.msk vm2, v7  }
0x169: {  	(v2sf) =	vpush v57, $0xF;
	[tilespmem:v61+s2+$0x0] =	vst.idx.msk vm3, v7  }
0x16a: {  	[tilespmem:v62+s2+$0x0] =	vst.idx.msk vm11, v7  }
0x16b: {  	[tilespmem:v63+s2+$0x0] =	vst.idx.msk vm5, v7  }
0x16c: {  	[tilespmem:v45+s2+$0x0] =	vst.idx.msk vm7, v7  }
0x16d: {  	v46 =	vld [tilespmem:$0x90];
	_ =	sdelay $0x4  }
0x16e: {  	(xrf0) =	vadd.scan.msk.s32 $0xffff, v46;
	_ =	sdelay $0x5  }
0x16f: {  	s28 =	spop (v2sf);
	v47, _, _ =	vpop (xrf0)  }
0x170: {  	s0 =	sadd.s32 s0, s28;
	v48 =	vsub.s32 v47, v46  }
0x171: {  	vm8 =	vgt.s32 v46, $0x0;
	vm10 =	vgt.s32 v46, $0x1;
	v36 =	vadd.s32 s0, v48  }
0x172: {  	vm12 =	vgt.s32 v46, $0x2;
	vm14 =	vgt.s32 v46, $0x3;
	vm9 =	vlt.s32 v36, $0x800  }
0x173: {  	v49 =	vadd.s32 $0x1, v36;
	v50 =	vadd.s32 $0x2, v36;
	v51 =	vadd.s32 $0x3, v36  }
0x174: {  	v52 =	vadd.s32 $0x4, v36;
	vm11 =	vlt.s32 v49, $0x800;
	vm0 =	vmand vm8, vm9  }
0x175: {  	v53 =	vadd.s32 $0x5, v36;
	vm13 =	vlt.s32 v50, $0x800;
	vm1 =	vmand vm10, vm11  }
0x176: {  	v54 =	vadd.s32 $0x6, v36;
	vm15 =	vlt.s32 v51, $0x800;
	vm2 =	vmand vm12, vm13  }
0x177: {  	vm9 =	vgt.s32 v46, $0x4;
	vm10 =	vlt.s32 v52, $0x800;
	vm3 =	vmand vm14, vm15  }
0x178: {  	vm12 =	vgt.s32 v46, $0x5;
	vm13 =	vlt.s32 v53, $0x800;
	vm11 =	vmand vm9, vm10  }
0x179: {  	vm14 =	vgt.s32 v46, $0x6;
	vm15 =	vlt.s32 v54, $0x800;
	vm5 =	vmand vm12, vm13  }
0x17a: {  	vm7 =	vmand vm14, vm15;
	[tilespmem:v36+s2+$0x0] =	vst.idx.msk vm0, v8  }
0x17b: {  	[tilespmem:v49+s2+$0x0] =	vst.idx.msk vm1, v8  }
0x17c: {  	[tilespmem:v50+s2+$0x0] =	vst.idx.msk vm2, v8  }
0x17d: {  	(v2sf) =	vpush v47, $0xF;
	[tilespmem:v51+s2+$0x0] =	vst.idx.msk vm3, v8  }
0x17e: {  	[tilespmem:v52+s2+$0x0] =	vst.idx.msk vm11, v8  }
0x17f: {  	[tilespmem:v53+s2+$0x0] =	vst.idx.msk vm5, v8  }
0x180: {  	[tilespmem:v54+s2+$0x0] =	vst.idx.msk vm7, v8  }
0x181: {  	v55 =	vld [tilespmem:$0xA0];
	_ =	sdelay $0x4  }
0x182: {  	(xrf0) =	vadd.scan.msk.s32 $0xffff, v55;
	_ =	sdelay $0x5  }
0x183: {  	s29 =	spop (v2sf);
	v56, _, _ =	vpop (xrf0)  }
0x184: {  	s0 =	sadd.s32 s0, s29;
	v57 =	vsub.s32 v56, v55  }
0x185: {  	vm8 =	vgt.s32 v55, $0x0;
	vm10 =	vgt.s32 v55, $0x1;
	v36 =	vadd.s32 s0, v57  }
0x186: {  	vm12 =	vgt.s32 v55, $0x2;
	vm14 =	vgt.s32 v55, $0x3;
	vm9 =	vlt.s32 v36, $0x800  }
0x187: {  	v58 =	vadd.s32 $0x1, v36;
	v59 =	vadd.s32 $0x2, v36;
	v60 =	vadd.s32 $0x3, v36  }
0x188: {  	v61 =	vadd.s32 $0x4, v36;
	vm11 =	vlt.s32 v58, $0x800;
	vm0 =	vmand vm8, vm9  }
0x189: {  	v62 =	vadd.s32 $0x5, v36;
	vm13 =	vlt.s32 v59, $0x800;
	vm1 =	vmand vm10, vm11  }
0x18a: {  	v63 =	vadd.s32 $0x6, v36;
	vm15 =	vlt.s32 v60, $0x800;
	vm2 =	vmand vm12, vm13  }
0x18b: {  	vm9 =	vgt.s32 v55, $0x4;
	vm10 =	vlt.s32 v61, $0x800;
	vm3 =	vmand vm14, vm15  }
0x18c: {  	vm12 =	vgt.s32 v55, $0x5;
	vm13 =	vlt.s32 v62, $0x800;
	vm11 =	vmand vm9, vm10  }
0x18d: {  	vm14 =	vgt.s32 v55, $0x6;
	vm15 =	vlt.s32 v63, $0x800;
	vm5 =	vmand vm12, vm13  }
0x18e: {  	vm7 =	vmand vm14, vm15;
	[tilespmem:v36+s2+$0x0] =	vst.idx.msk vm0, v9  }
0x18f: {  	[tilespmem:v58+s2+$0x0] =	vst.idx.msk vm1, v9  }
0x190: {  	[tilespmem:v59+s2+$0x0] =	vst.idx.msk vm2, v9  }
0x191: {  	(v2sf) =	vpush v56, $0xF;
	[tilespmem:v60+s2+$0x0] =	vst.idx.msk vm3, v9  }
0x192: {  	[tilespmem:v61+s2+$0x0] =	vst.idx.msk vm11, v9  }
0x193: {  	[tilespmem:v62+s2+$0x0] =	vst.idx.msk vm5, v9  }
0x194: {  	[tilespmem:v63+s2+$0x0] =	vst.idx.msk vm7, v9  }
0x195: {  	v45 =	vld [tilespmem:$0xB0];
	_ =	sdelay $0x4  }
0x196: {  	(xrf0) =	vadd.scan.msk.s32 $0xffff, v45;
	_ =	sdelay $0x5  }
0x197: {  	s30 =	spop (v2sf);
	v46, _, _ =	vpop (xrf0)  }
0x198: {  	s0 =	sadd.s32 s0, s30;
	v47 =	vsub.s32 v46, v45  }
0x199: {  	vm8 =	vgt.s32 v45, $0x0;
	vm10 =	vgt.s32 v45, $0x1;
	v36 =	vadd.s32 s0, v47  }
0x19a: {  	vm12 =	vgt.s32 v45, $0x2;
	vm14 =	vgt.s32 v45, $0x3;
	vm9 =	vlt.s32 v36, $0x800  }
0x19b: {  	v48 =	vadd.s32 $0x1, v36;
	v49 =	vadd.s32 $0x2, v36;
	v50 =	vadd.s32 $0x3, v36  }
0x19c: {  	v51 =	vadd.s32 $0x4, v36;
	vm11 =	vlt.s32 v48, $0x800;
	vm0 =	vmand vm8, vm9  }
0x19d: {  	v52 =	vadd.s32 $0x5, v36;
	vm13 =	vlt.s32 v49, $0x800;
	vm1 =	vmand vm10, vm11  }
0x19e: {  	v53 =	vadd.s32 $0x6, v36;
	vm15 =	vlt.s32 v50, $0x800;
	vm2 =	vmand vm12, vm13  }
0x19f: {  	vm9 =	vgt.s32 v45, $0x4;
	vm10 =	vlt.s32 v51, $0x800;
	vm3 =	vmand vm14, vm15  }
0x1a0: {  	vm12 =	vgt.s32 v45, $0x5;
	vm13 =	vlt.s32 v52, $0x800;
	vm11 =	vmand vm9, vm10  }
0x1a1: {  	vm14 =	vgt.s32 v45, $0x6;
	vm15 =	vlt.s32 v53, $0x800;
	vm5 =	vmand vm12, vm13  }
0x1a2: {  	vm7 =	vmand vm14, vm15;
	[tilespmem:v36+s2+$0x0] =	vst.idx.msk vm0, v10  }
0x1a3: {  	[tilespmem:v48+s2+$0x0] =	vst.idx.msk vm1, v10  }
0x1a4: {  	[tilespmem:v49+s2+$0x0] =	vst.idx.msk vm2, v10  }
0x1a5: {  	(v2sf) =	vpush v46, $0xF;
	[tilespmem:v50+s2+$0x0] =	vst.idx.msk vm3, v10  }
0x1a6: {  	[tilespmem:v51+s2+$0x0] =	vst.idx.msk vm11, v10  }
0x1a7: {  	[tilespmem:v52+s2+$0x0] =	vst.idx.msk vm5, v10  }
0x1a8: {  	[tilespmem:v53+s2+$0x0] =	vst.idx.msk vm7, v10  }
0x1a9: {  	v54 =	vld [tilespmem:$0xC0];
	_ =	sdelay $0x4  }
0x1aa: {  	(xrf0) =	vadd.scan.msk.s32 $0xffff, v54;
	_ =	sdelay $0x5  }
0x1ab: {  	s31 =	spop (v2sf);
	v55, _, _ =	vpop (xrf0)  }
0x1ac: {  	s0 =	sadd.s32 s0, s31;
	v56 =	vsub.s32 v55, v54  }
0x1ad: {  	vm8 =	vgt.s32 v54, $0x0;
	vm10 =	vgt.s32 v54, $0x1;
	v36 =	vadd.s32 s0, v56  }
0x1ae: {  	vm12 =	vgt.s32 v54, $0x2;
	vm14 =	vgt.s32 v54, $0x3;
	vm9 =	vlt.s32 v36, $0x800  }
0x1af: {  	v57 =	vadd.s32 $0x1, v36;
	v58 =	vadd.s32 $0x2, v36;
	v59 =	vadd.s32 $0x3, v36  }
0x1b0: {  	v60 =	vadd.s32 $0x4, v36;
	vm11 =	vlt.s32 v57, $0x800;
	vm0 =	vmand vm8, vm9  }
0x1b1: {  	v61 =	vadd.s32 $0x5, v36;
	vm13 =	vlt.s32 v58, $0x800;
	vm1 =	vmand vm10, vm11  }
0x1b2: {  	v62 =	vadd.s32 $0x6, v36;
	vm15 =	vlt.s32 v59, $0x800;
	vm2 =	vmand vm12, vm13  }
0x1b3: {  	vm9 =	vgt.s32 v54, $0x4;
	vm10 =	vlt.s32 v60, $0x800;
	vm3 =	vmand vm14, vm15  }
0x1b4: {  	vm12 =	vgt.s32 v54, $0x5;
	vm13 =	vlt.s32 v61, $0x800;
	vm11 =	vmand vm9, vm10  }
0x1b5: {  	vm14 =	vgt.s32 v54, $0x6;
	vm15 =	vlt.s32 v62, $0x800;
	vm5 =	vmand vm12, vm13  }
0x1b6: {  	vm7 =	vmand vm14, vm15;
	[tilespmem:v36+s2+$0x0] =	vst.idx.msk vm0, v11  }
0x1b7: {  	[tilespmem:v57+s2+$0x0] =	vst.idx.msk vm1, v11  }
0x1b8: {  	[tilespmem:v58+s2+$0x0] =	vst.idx.msk vm2, v11  }
0x1b9: {  	(v2sf) =	vpush v55, $0xF;
	[tilespmem:v59+s2+$0x0] =	vst.idx.msk vm3, v11  }
0x1ba: {  	[tilespmem:v60+s2+$0x0] =	vst.idx.msk vm11, v11  }
0x1bb: {  	[tilespmem:v61+s2+$0x0] =	vst.idx.msk vm5, v11  }
0x1bc: {  	[tilespmem:v62+s2+$0x0] =	vst.idx.msk vm7, v11  }
0x1bd: {  	v63 =	vld [tilespmem:$0xD0];
	_ =	sdelay $0x4  }
0x1be: {  	(xrf0) =	vadd.scan.msk.s32 $0xffff, v63;
	_ =	sdelay $0x5  }
0x1bf: {  	s3 =	spop (v2sf);
	v45, _, _ =	vpop (xrf0)  }
0x1c0: {  	s0 =	sadd.s32 s0, s3;
	v46 =	vsub.s32 v45, v63  }
0x1c1: {  	vm8 =	vgt.s32 v63, $0x0;
	vm10 =	vgt.s32 v63, $0x1;
	v36 =	vadd.s32 s0, v46  }
0x1c2: {  	vm12 =	vgt.s32 v63, $0x2;
	vm14 =	vgt.s32 v63, $0x3;
	vm9 =	vlt.s32 v36, $0x800  }
0x1c3: {  	v47 =	vadd.s32 $0x1, v36;
	v48 =	vadd.s32 $0x2, v36;
	v49 =	vadd.s32 $0x3, v36  }
0x1c4: {  	v50 =	vadd.s32 $0x4, v36;
	vm11 =	vlt.s32 v47, $0x800;
	vm0 =	vmand vm8, vm9  }
0x1c5: {  	v51 =	vadd.s32 $0x5, v36;
	vm13 =	vlt.s32 v48, $0x800;
	vm1 =	vmand vm10, vm11  }
0x1c6: {  	v52 =	vadd.s32 $0x6, v36;
	vm15 =	vlt.s32 v49, $0x800;
	vm2 =	vmand vm12, vm13  }
0x1c7: {  	vm9 =	vgt.s32 v63, $0x4;
	vm10 =	vlt.s32 v50, $0x800;
	vm3 =	vmand vm14, vm15  }
0x1c8: {  	vm12 =	vgt.s32 v63, $0x5;
	vm13 =	vlt.s32 v51, $0x800;
	vm11 =	vmand vm9, vm10  }
0x1c9: {  	vm14 =	vgt.s32 v63, $0x6;
	vm15 =	vlt.s32 v52, $0x800;
	vm5 =	vmand vm12, vm13  }
0x1ca: {  	vm7 =	vmand vm14, vm15;
	[tilespmem:v36+s2+$0x0] =	vst.idx.msk vm0, v12  }
0x1cb: {  	[tilespmem:v47+s2+$0x0] =	vst.idx.msk vm1, v12  }
0x1cc: {  	[tilespmem:v48+s2+$0x0] =	vst.idx.msk vm2, v12  }
0x1cd: {  	(v2sf) =	vpush v45, $0xF;
	[tilespmem:v49+s2+$0x0] =	vst.idx.msk vm3, v12  }
0x1ce: {  	[tilespmem:v50+s2+$0x0] =	vst.idx.msk vm11, v12  }
0x1cf: {  	[tilespmem:v51+s2+$0x0] =	vst.idx.msk vm5, v12  }
0x1d0: {  	[tilespmem:v52+s2+$0x0] =	vst.idx.msk vm7, v12  }
0x1d1: {  	v53 =	vld [tilespmem:$0xE0];
	_ =	sdelay $0x4  }
0x1d2: {  	(xrf0) =	vadd.scan.msk.s32 $0xffff, v53;
	_ =	sdelay $0x5  }
0x1d3: {  	s4 =	spop (v2sf);
	v54, _, _ =	vpop (xrf0)  }
0x1d4: {  	s0 =	sadd.s32 s0, s4;
	v55 =	vsub.s32 v54, v53  }
0x1d5: {  	vm8 =	vgt.s32 v53, $0x0;
	vm10 =	vgt.s32 v53, $0x1;
	v36 =	vadd.s32 s0, v55  }
0x1d6: {  	vm12 =	vgt.s32 v53, $0x2;
	vm14 =	vgt.s32 v53, $0x3;
	vm9 =	vlt.s32 v36, $0x800  }
0x1d7: {  	v56 =	vadd.s32 $0x1, v36;
	v57 =	vadd.s32 $0x2, v36;
	v58 =	vadd.s32 $0x3, v36  }
0x1d8: {  	v59 =	vadd.s32 $0x4, v36;
	vm11 =	vlt.s32 v56, $0x800;
	vm0 =	vmand vm8, vm9  }
0x1d9: {  	v60 =	vadd.s32 $0x5, v36;
	vm13 =	vlt.s32 v57, $0x800;
	vm1 =	vmand vm10, vm11  }
0x1da: {  	v61 =	vadd.s32 $0x6, v36;
	vm15 =	vlt.s32 v58, $0x800;
	vm2 =	vmand vm12, vm13  }
0x1db: {  	vm9 =	vgt.s32 v53, $0x4;
	vm10 =	vlt.s32 v59, $0x800;
	vm3 =	vmand vm14, vm15  }
0x1dc: {  	vm12 =	vgt.s32 v53, $0x5;
	vm13 =	vlt.s32 v60, $0x800;
	vm11 =	vmand vm9, vm10  }
0x1dd: {  	vm14 =	vgt.s32 v53, $0x6;
	vm15 =	vlt.s32 v61, $0x800;
	vm5 =	vmand vm12, vm13  }
0x1de: {  	vm7 =	vmand vm14, vm15;
	[tilespmem:v36+s2+$0x0] =	vst.idx.msk vm0, v13  }
0x1df: {  	[tilespmem:v56+s2+$0x0] =	vst.idx.msk vm1, v13  }
0x1e0: {  	[tilespmem:v57+s2+$0x0] =	vst.idx.msk vm2, v13  }
0x1e1: {  	(v2sf) =	vpush v54, $0xF;
	[tilespmem:v58+s2+$0x0] =	vst.idx.msk vm3, v13  }
0x1e2: {  	[tilespmem:v59+s2+$0x0] =	vst.idx.msk vm11, v13  }
0x1e3: {  	[tilespmem:v60+s2+$0x0] =	vst.idx.msk vm5, v13  }
0x1e4: {  	[tilespmem:v61+s2+$0x0] =	vst.idx.msk vm7, v13  }
0x1e5: {  	v62 =	vld [tilespmem:$0xF0];
	_ =	sdelay $0x4  }
0x1e6: {  	(xrf0) =	vadd.scan.msk.s32 $0xffff, v62;
	_ =	sdelay $0x5  }
0x1e7: {  	s6 =	spop (v2sf);
	v63, _, _ =	vpop (xrf0)  }
0x1e8: {  	s0 =	sadd.s32 s0, s6;
	v44 =	vsub.s32 v63, v62  }
0x1e9: {  	vm8 =	vgt.s32 v62, $0x0;
	vm10 =	vgt.s32 v62, $0x1;
	v36 =	vadd.s32 s0, v44  }
0x1ea: {  	vm12 =	vgt.s32 v62, $0x2;
	vm14 =	vgt.s32 v62, $0x3;
	vm9 =	vlt.s32 v36, $0x800  }
0x1eb: {  	v45 =	vadd.s32 $0x1, v36;
	v46 =	vadd.s32 $0x2, v36;
	v47 =	vadd.s32 $0x3, v36  }
0x1ec: {  	v48 =	vadd.s32 $0x4, v36;
	vm11 =	vlt.s32 v45, $0x800;
	vm0 =	vmand vm8, vm9  }
0x1ed: {  	v49 =	vadd.s32 $0x5, v36;
	vm13 =	vlt.s32 v46, $0x800;
	vm1 =	vmand vm10, vm11  }
0x1ee: {  	v50 =	vadd.s32 $0x6, v36;
	vm15 =	vlt.s32 v47, $0x800;
	vm2 =	vmand vm12, vm13  }
0x1ef: {  	vm9 =	vgt.s32 v62, $0x4;
	vm10 =	vlt.s32 v48, $0x800;
	vm3 =	vmand vm14, vm15  }
0x1f0: {  	vm12 =	vgt.s32 v62, $0x5;
	vm13 =	vlt.s32 v49, $0x800;
	vm11 =	vmand vm9, vm10  }
0x1f1: {  	vm14 =	vgt.s32 v62, $0x6;
	vm15 =	vlt.s32 v50, $0x800;
	vm5 =	vmand vm12, vm13  }
0x1f2: {  	vm7 =	vmand vm14, vm15;
	[tilespmem:v36+s2+$0x0] =	vst.idx.msk vm0, v14  }
0x1f3: {  	[tilespmem:v45+s2+$0x0] =	vst.idx.msk vm1, v14  }
0x1f4: {  	[tilespmem:v46+s2+$0x0] =	vst.idx.msk vm2, v14  }
0x1f5: {  	(v2sf) =	vpush v63, $0xF;
	[tilespmem:v47+s2+$0x0] =	vst.idx.msk vm3, v14  }
0x1f6: {  	[tilespmem:v48+s2+$0x0] =	vst.idx.msk vm11, v14  }
0x1f7: {  	[tilespmem:v49+s2+$0x0] =	vst.idx.msk vm5, v14  }
0x1f8: {  	[tilespmem:v50+s2+$0x0] =	vst.idx.msk vm7, v14  }
0x1f9: {  	v51 =	vld [tilespmem:$0x100];
	_ =	sdelay $0x4  }
0x1fa: {  	(xrf0) =	vadd.scan.msk.s32 $0xffff, v51;
	_ =	sdelay $0x5  }
0x1fb: {  	s7 =	spop (v2sf);
	v52, _, _ =	vpop (xrf0)  }
0x1fc: {  	s0 =	sadd.s32 s0, s7;
	v53 =	vsub.s32 v52, v51  }
0x1fd: {  	vm8 =	vgt.s32 v51, $0x0;
	vm10 =	vgt.s32 v51, $0x1;
	v36 =	vadd.s32 s0, v53  }
0x1fe: {  	vm12 =	vgt.s32 v51, $0x2;
	vm14 =	vgt.s32 v51, $0x3;
	vm9 =	vlt.s32 v36, $0x800  }
0x1ff: {  	v54 =	vadd.s32 $0x1, v36;
	v55 =	vadd.s32 $0x2, v36;
	v56 =	vadd.s32 $0x3, v36  }
0x200: {  	v57 =	vadd.s32 $0x4, v36;
	vm11 =	vlt.s32 v54, $0x800;
	vm0 =	vmand vm8, vm9  }
0x201: {  	v58 =	vadd.s32 $0x5, v36;
	vm13 =	vlt.s32 v55, $0x800;
	vm1 =	vmand vm10, vm11  }
0x202: {  	v59 =	vadd.s32 $0x6, v36;
	vm15 =	vlt.s32 v56, $0x800;
	vm2 =	vmand vm12, vm13  }
0x203: {  	vm9 =	vgt.s32 v51, $0x4;
	vm10 =	vlt.s32 v57, $0x800;
	vm3 =	vmand vm14, vm15  }
0x204: {  	vm12 =	vgt.s32 v51, $0x5;
	vm13 =	vlt.s32 v58, $0x800;
	vm11 =	vmand vm9, vm10  }
0x205: {  	vm14 =	vgt.s32 v51, $0x6;
	vm15 =	vlt.s32 v59, $0x800;
	vm5 =	vmand vm12, vm13  }
0x206: {  	vm7 =	vmand vm14, vm15;
	[tilespmem:v36+s2+$0x0] =	vst.idx.msk vm0, v15  }
0x207: {  	[tilespmem:v54+s2+$0x0] =	vst.idx.msk vm1, v15  }
0x208: {  	[tilespmem:v55+s2+$0x0] =	vst.idx.msk vm2, v15  }
0x209: {  	(v2sf) =	vpush v52, $0xF;
	[tilespmem:v56+s2+$0x0] =	vst.idx.msk vm3, v15  }
0x20a: {  	[tilespmem:v57+s2+$0x0] =	vst.idx.msk vm11, v15  }
0x20b: {  	[tilespmem:v58+s2+$0x0] =	vst.idx.msk vm5, v15  }
0x20c: {  	[tilespmem:v59+s2+$0x0] =	vst.idx.msk vm7, v15  }
0x20d: {  	v60 =	vld [tilespmem:$0x110];
	_ =	sdelay $0x4  }
0x20e: {  	(xrf0) =	vadd.scan.msk.s32 $0xffff, v60;
	_ =	sdelay $0x5  }
0x20f: {  	s8 =	spop (v2sf);
	v61, _, _ =	vpop (xrf0)  }
0x210: {  	s0 =	sadd.s32 s0, s8;
	v62 =	vsub.s32 v61, v60  }
0x211: {  	vm8 =	vgt.s32 v60, $0x0;
	vm10 =	vgt.s32 v60, $0x1;
	v36 =	vadd.s32 s0, v62  }
0x212: {  	vm12 =	vgt.s32 v60, $0x2;
	vm14 =	vgt.s32 v60, $0x3;
	vm9 =	vlt.s32 v36, $0x800  }
0x213: {  	v63 =	vadd.s32 $0x1, v36;
	v45 =	vadd.s32 $0x2, v36;
	v46 =	vadd.s32 $0x3, v36  }
0x214: {  	v47 =	vadd.s32 $0x4, v36;
	vm11 =	vlt.s32 v63, $0x800;
	vm0 =	vmand vm8, vm9  }
0x215: {  	v48 =	vadd.s32 $0x5, v36;
	vm13 =	vlt.s32 v45, $0x800;
	vm1 =	vmand vm10, vm11  }
0x216: {  	v49 =	vadd.s32 $0x6, v36;
	vm15 =	vlt.s32 v46, $0x800;
	vm2 =	vmand vm12, vm13  }
0x217: {  	vm9 =	vgt.s32 v60, $0x4;
	vm10 =	vlt.s32 v47, $0x800;
	vm3 =	vmand vm14, vm15  }
0x218: {  	vm12 =	vgt.s32 v60, $0x5;
	vm13 =	vlt.s32 v48, $0x800;
	vm11 =	vmand vm9, vm10  }
0x219: {  	vm14 =	vgt.s32 v60, $0x6;
	vm15 =	vlt.s32 v49, $0x800;
	vm5 =	vmand vm12, vm13  }
0x21a: {  	vm7 =	vmand vm14, vm15;
	[tilespmem:v36+s2+$0x0] =	vst.idx.msk vm0, v16  }
0x21b: {  	[tilespmem:v63+s2+$0x0] =	vst.idx.msk vm1, v16  }
0x21c: {  	[tilespmem:v45+s2+$0x0] =	vst.idx.msk vm2, v16  }
0x21d: {  	(v2sf) =	vpush v61, $0xF;
	[tilespmem:v46+s2+$0x0] =	vst.idx.msk vm3, v16  }
0x21e: {  	[tilespmem:v47+s2+$0x0] =	vst.idx.msk vm11, v16  }
0x21f: {  	[tilespmem:v48+s2+$0x0] =	vst.idx.msk vm5, v16  }
0x220: {  	[tilespmem:v49+s2+$0x0] =	vst.idx.msk vm7, v16  }
0x221: {  	v50 =	vld [tilespmem:$0x120];
	_ =	sdelay $0x4  }
0x222: {  	(xrf0) =	vadd.scan.msk.s32 $0xffff, v50;
	_ =	sdelay $0x5  }
0x223: {  	s9 =	spop (v2sf);
	v51, _, _ =	vpop (xrf0)  }
0x224: {  	s0 =	sadd.s32 s0, s9;
	v52 =	vsub.s32 v51, v50  }
0x225: {  	vm8 =	vgt.s32 v50, $0x0;
	vm10 =	vgt.s32 v50, $0x1;
	v36 =	vadd.s32 s0, v52  }
0x226: {  	vm12 =	vgt.s32 v50, $0x2;
	vm14 =	vgt.s32 v50, $0x3;
	vm9 =	vlt.s32 v36, $0x800  }
0x227: {  	v53 =	vadd.s32 $0x1, v36;
	v54 =	vadd.s32 $0x2, v36;
	v55 =	vadd.s32 $0x3, v36  }
0x228: {  	v56 =	vadd.s32 $0x4, v36;
	vm11 =	vlt.s32 v53, $0x800;
	vm0 =	vmand vm8, vm9  }
0x229: {  	v57 =	vadd.s32 $0x5, v36;
	vm13 =	vlt.s32 v54, $0x800;
	vm1 =	vmand vm10, vm11  }
0x22a: {  	v58 =	vadd.s32 $0x6, v36;
	vm15 =	vlt.s32 v55, $0x800;
	vm2 =	vmand vm12, vm13  }
0x22b: {  	vm9 =	vgt.s32 v50, $0x4;
	vm10 =	vlt.s32 v56, $0x800;
	vm3 =	vmand vm14, vm15  }
0x22c: {  	vm12 =	vgt.s32 v50, $0x5;
	vm13 =	vlt.s32 v57, $0x800;
	vm11 =	vmand vm9, vm10  }
0x22d: {  	vm14 =	vgt.s32 v50, $0x6;
	vm15 =	vlt.s32 v58, $0x800;
	vm5 =	vmand vm12, vm13  }
0x22e: {  	vm7 =	vmand vm14, vm15;
	[tilespmem:v36+s2+$0x0] =	vst.idx.msk vm0, v19  }
0x22f: {  	[tilespmem:v53+s2+$0x0] =	vst.idx.msk vm1, v19  }
0x230: {  	[tilespmem:v54+s2+$0x0] =	vst.idx.msk vm2, v19  }
0x231: {  	(v2sf) =	vpush v51, $0xF;
	[tilespmem:v55+s2+$0x0] =	vst.idx.msk vm3, v19  }
0x232: {  	[tilespmem:v56+s2+$0x0] =	vst.idx.msk vm11, v19  }
0x233: {  	[tilespmem:v57+s2+$0x0] =	vst.idx.msk vm5, v19  }
0x234: {  	[tilespmem:v58+s2+$0x0] =	vst.idx.msk vm7, v19  }
0x235: {  	v59 =	vld [tilespmem:$0x130];
	_ =	sdelay $0x4  }
0x236: {  	(xrf0) =	vadd.scan.msk.s32 $0xffff, v59;
	_ =	sdelay $0x5  }
0x237: {  	s10 =	spop (v2sf);
	v60, _, _ =	vpop (xrf0)  }
0x238: {  	s0 =	sadd.s32 s0, s10;
	v61 =	vsub.s32 v60, v59  }
0x239: {  	vm8 =	vgt.s32 v59, $0x0;
	vm10 =	vgt.s32 v59, $0x1;
	v36 =	vadd.s32 s0, v61  }
0x23a: {  	vm12 =	vgt.s32 v59, $0x2;
	vm14 =	vgt.s32 v59, $0x3;
	vm9 =	vlt.s32 v36, $0x800  }
0x23b: {  	v62 =	vadd.s32 $0x1, v36;
	v63 =	vadd.s32 $0x2, v36;
	v45 =	vadd.s32 $0x3, v36  }
0x23c: {  	v46 =	vadd.s32 $0x4, v36;
	vm11 =	vlt.s32 v62, $0x800;
	vm0 =	vmand vm8, vm9  }
0x23d: {  	v47 =	vadd.s32 $0x5, v36;
	vm13 =	vlt.s32 v63, $0x800;
	vm1 =	vmand vm10, vm11  }
0x23e: {  	v48 =	vadd.s32 $0x6, v36;
	vm15 =	vlt.s32 v45, $0x800;
	vm2 =	vmand vm12, vm13  }
0x23f: {  	vm9 =	vgt.s32 v59, $0x4;
	vm10 =	vlt.s32 v46, $0x800;
	vm3 =	vmand vm14, vm15  }
0x240: {  	vm12 =	vgt.s32 v59, $0x5;
	vm13 =	vlt.s32 v47, $0x800;
	vm11 =	vmand vm9, vm10  }
0x241: {  	vm14 =	vgt.s32 v59, $0x6;
	vm15 =	vlt.s32 v48, $0x800;
	vm5 =	vmand vm12, vm13  }
0x242: {  	vm7 =	vmand vm14, vm15;
	[tilespmem:v36+s2+$0x0] =	vst.idx.msk vm0, v20  }
0x243: {  	[tilespmem:v62+s2+$0x0] =	vst.idx.msk vm1, v20  }
0x244: {  	[tilespmem:v63+s2+$0x0] =	vst.idx.msk vm2, v20  }
0x245: {  	(v2sf) =	vpush v60, $0xF;
	[tilespmem:v45+s2+$0x0] =	vst.idx.msk vm3, v20  }
0x246: {  	[tilespmem:v46+s2+$0x0] =	vst.idx.msk vm11, v20  }
0x247: {  	[tilespmem:v47+s2+$0x0] =	vst.idx.msk vm5, v20  }
0x248: {  	[tilespmem:v48+s2+$0x0] =	vst.idx.msk vm7, v20  }
0x249: {  	v49 =	vld [tilespmem:$0x140];
	_ =	sdelay $0x4  }
0x24a: {  	(xrf0) =	vadd.scan.msk.s32 $0xffff, v49;
	_ =	sdelay $0x5  }
0x24b: {  	s11 =	spop (v2sf);
	v50, _, _ =	vpop (xrf0)  }
0x24c: {  	s0 =	sadd.s32 s0, s11;
	v51 =	vsub.s32 v50, v49  }
0x24d: {  	vm8 =	vgt.s32 v49, $0x0;
	vm10 =	vgt.s32 v49, $0x1;
	v36 =	vadd.s32 s0, v51  }
0x24e: {  	vm12 =	vgt.s32 v49, $0x2;
	vm14 =	vgt.s32 v49, $0x3;
	vm9 =	vlt.s32 v36, $0x800  }
0x24f: {  	v52 =	vadd.s32 $0x1, v36;
	v53 =	vadd.s32 $0x2, v36;
	v54 =	vadd.s32 $0x3, v36  }
0x250: {  	v55 =	vadd.s32 $0x4, v36;
	vm11 =	vlt.s32 v52, $0x800;
	vm0 =	vmand vm8, vm9  }
0x251: {  	v56 =	vadd.s32 $0x5, v36;
	vm13 =	vlt.s32 v53, $0x800;
	vm1 =	vmand vm10, vm11  }
0x252: {  	v57 =	vadd.s32 $0x6, v36;
	vm15 =	vlt.s32 v54, $0x800;
	vm2 =	vmand vm12, vm13  }
0x253: {  	vm9 =	vgt.s32 v49, $0x4;
	vm10 =	vlt.s32 v55, $0x800;
	vm3 =	vmand vm14, vm15  }
0x254: {  	vm12 =	vgt.s32 v49, $0x5;
	vm13 =	vlt.s32 v56, $0x800;
	vm11 =	vmand vm9, vm10  }
0x255: {  	vm14 =	vgt.s32 v49, $0x6;
	vm15 =	vlt.s32 v57, $0x800;
	vm5 =	vmand vm12, vm13  }
0x256: {  	vm7 =	vmand vm14, vm15;
	[tilespmem:v36+s2+$0x0] =	vst.idx.msk vm0, v21  }
0x257: {  	[tilespmem:v52+s2+$0x0] =	vst.idx.msk vm1, v21  }
0x258: {  	[tilespmem:v53+s2+$0x0] =	vst.idx.msk vm2, v21  }
0x259: {  	(v2sf) =	vpush v50, $0xF;
	[tilespmem:v54+s2+$0x0] =	vst.idx.msk vm3, v21  }
0x25a: {  	[tilespmem:v55+s2+$0x0] =	vst.idx.msk vm11, v21  }
0x25b: {  	[tilespmem:v56+s2+$0x0] =	vst.idx.msk vm5, v21  }
0x25c: {  	[tilespmem:v57+s2+$0x0] =	vst.idx.msk vm7, v21  }
0x25d: {  	v58 =	vld [tilespmem:$0x150];
	_ =	sdelay $0x4  }
0x25e: {  	(xrf0) =	vadd.scan.msk.s32 $0xffff, v58;
	_ =	sdelay $0x5  }
0x25f: {  	s12 =	spop (v2sf);
	v59, _, _ =	vpop (xrf0)  }
0x260: {  	s0 =	sadd.s32 s0, s12;
	v60 =	vsub.s32 v59, v58  }
0x261: {  	vm8 =	vgt.s32 v58, $0x0;
	vm10 =	vgt.s32 v58, $0x1;
	v36 =	vadd.s32 s0, v60  }
0x262: {  	vm12 =	vgt.s32 v58, $0x2;
	vm14 =	vgt.s32 v58, $0x3;
	vm9 =	vlt.s32 v36, $0x800  }
0x263: {  	v61 =	vadd.s32 $0x1, v36;
	v62 =	vadd.s32 $0x2, v36;
	v63 =	vadd.s32 $0x3, v36  }
0x264: {  	v45 =	vadd.s32 $0x4, v36;
	vm11 =	vlt.s32 v61, $0x800;
	vm0 =	vmand vm8, vm9  }
0x265: {  	v46 =	vadd.s32 $0x5, v36;
	vm13 =	vlt.s32 v62, $0x800;
	vm1 =	vmand vm10, vm11  }
0x266: {  	v47 =	vadd.s32 $0x6, v36;
	vm15 =	vlt.s32 v63, $0x800;
	vm2 =	vmand vm12, vm13  }
0x267: {  	vm9 =	vgt.s32 v58, $0x4;
	vm10 =	vlt.s32 v45, $0x800;
	vm3 =	vmand vm14, vm15  }
0x268: {  	vm12 =	vgt.s32 v58, $0x5;
	vm13 =	vlt.s32 v46, $0x800;
	vm11 =	vmand vm9, vm10  }
0x269: {  	vm14 =	vgt.s32 v58, $0x6;
	vm15 =	vlt.s32 v47, $0x800;
	vm5 =	vmand vm12, vm13  }
0x26a: {  	vm7 =	vmand vm14, vm15;
	[tilespmem:v36+s2+$0x0] =	vst.idx.msk vm0, v22  }
0x26b: {  	[tilespmem:v61+s2+$0x0] =	vst.idx.msk vm1, v22  }
0x26c: {  	[tilespmem:v62+s2+$0x0] =	vst.idx.msk vm2, v22  }
0x26d: {  	(v2sf) =	vpush v59, $0xF;
	[tilespmem:v63+s2+$0x0] =	vst.idx.msk vm3, v22  }
0x26e: {  	[tilespmem:v45+s2+$0x0] =	vst.idx.msk vm11, v22  }
0x26f: {  	[tilespmem:v46+s2+$0x0] =	vst.idx.msk vm5, v22  }
0x270: {  	[tilespmem:v47+s2+$0x0] =	vst.idx.msk vm7, v22  }
0x271: {  	v48 =	vld [tilespmem:$0x160];
	_ =	sdelay $0x4  }
0x272: {  	(xrf0) =	vadd.scan.msk.s32 $0xffff, v48;
	_ =	sdelay $0x5  }
0x273: {  	s13 =	spop (v2sf);
	v49, _, _ =	vpop (xrf0)  }
0x274: {  	s0 =	sadd.s32 s0, s13;
	v50 =	vsub.s32 v49, v48  }
0x275: {  	vm8 =	vgt.s32 v48, $0x0;
	vm10 =	vgt.s32 v48, $0x1;
	v36 =	vadd.s32 s0, v50  }
0x276: {  	vm12 =	vgt.s32 v48, $0x2;
	vm14 =	vgt.s32 v48, $0x3;
	vm9 =	vlt.s32 v36, $0x800  }
0x277: {  	v51 =	vadd.s32 $0x1, v36;
	v52 =	vadd.s32 $0x2, v36;
	v53 =	vadd.s32 $0x3, v36  }
0x278: {  	v54 =	vadd.s32 $0x4, v36;
	vm11 =	vlt.s32 v51, $0x800;
	vm0 =	vmand vm8, vm9  }
0x279: {  	v55 =	vadd.s32 $0x5, v36;
	vm13 =	vlt.s32 v52, $0x800;
	vm1 =	vmand vm10, vm11  }
0x27a: {  	v56 =	vadd.s32 $0x6, v36;
	vm15 =	vlt.s32 v53, $0x800;
	vm2 =	vmand vm12, vm13  }
0x27b: {  	vm9 =	vgt.s32 v48, $0x4;
	vm10 =	vlt.s32 v54, $0x800;
	vm3 =	vmand vm14, vm15  }
0x27c: {  	vm12 =	vgt.s32 v48, $0x5;
	vm13 =	vlt.s32 v55, $0x800;
	vm11 =	vmand vm9, vm10  }
0x27d: {  	vm14 =	vgt.s32 v48, $0x6;
	vm15 =	vlt.s32 v56, $0x800;
	vm5 =	vmand vm12, vm13  }
0x27e: {  	vm7 =	vmand vm14, vm15;
	[tilespmem:v36+s2+$0x0] =	vst.idx.msk vm0, v23  }
0x27f: {  	[tilespmem:v51+s2+$0x0] =	vst.idx.msk vm1, v23  }
0x280: {  	[tilespmem:v52+s2+$0x0] =	vst.idx.msk vm2, v23  }
0x281: {  	(v2sf) =	vpush v49, $0xF;
	[tilespmem:v53+s2+$0x0] =	vst.idx.msk vm3, v23  }
0x282: {  	[tilespmem:v54+s2+$0x0] =	vst.idx.msk vm11, v23  }
0x283: {  	[tilespmem:v55+s2+$0x0] =	vst.idx.msk vm5, v23  }
0x284: {  	[tilespmem:v56+s2+$0x0] =	vst.idx.msk vm7, v23  }
0x285: {  	v57 =	vld [tilespmem:$0x170];
	_ =	sdelay $0x4  }
0x286: {  	(xrf0) =	vadd.scan.msk.s32 $0xffff, v57;
	_ =	sdelay $0x5  }
0x287: {  	s14 =	spop (v2sf);
	v58, _, _ =	vpop (xrf0)  }
0x288: {  	s0 =	sadd.s32 s0, s14;
	v59 =	vsub.s32 v58, v57  }
0x289: {  	vm8 =	vgt.s32 v57, $0x0;
	vm10 =	vgt.s32 v57, $0x1;
	v36 =	vadd.s32 s0, v59  }
0x28a: {  	vm12 =	vgt.s32 v57, $0x2;
	vm14 =	vgt.s32 v57, $0x3;
	vm9 =	vlt.s32 v36, $0x800  }
0x28b: {  	v60 =	vadd.s32 $0x1, v36;
	v61 =	vadd.s32 $0x2, v36;
	v62 =	vadd.s32 $0x3, v36  }
0x28c: {  	v63 =	vadd.s32 $0x4, v36;
	vm11 =	vlt.s32 v60, $0x800;
	vm0 =	vmand vm8, vm9  }
0x28d: {  	v45 =	vadd.s32 $0x5, v36;
	vm13 =	vlt.s32 v61, $0x800;
	vm1 =	vmand vm10, vm11  }
0x28e: {  	v46 =	vadd.s32 $0x6, v36;
	vm15 =	vlt.s32 v62, $0x800;
	vm2 =	vmand vm12, vm13  }
0x28f: {  	vm9 =	vgt.s32 v57, $0x4;
	vm10 =	vlt.s32 v63, $0x800;
	vm3 =	vmand vm14, vm15  }
0x290: {  	vm12 =	vgt.s32 v57, $0x5;
	vm13 =	vlt.s32 v45, $0x800;
	vm11 =	vmand vm9, vm10  }
0x291: {  	vm14 =	vgt.s32 v57, $0x6;
	vm15 =	vlt.s32 v46, $0x800;
	vm5 =	vmand vm12, vm13  }
0x292: {  	vm7 =	vmand vm14, vm15;
	[tilespmem:v36+s2+$0x0] =	vst.idx.msk vm0, v24  }
0x293: {  	[tilespmem:v60+s2+$0x0] =	vst.idx.msk vm1, v24  }
0x294: {  	[tilespmem:v61+s2+$0x0] =	vst.idx.msk vm2, v24  }
0x295: {  	(v2sf) =	vpush v58, $0xF;
	[tilespmem:v62+s2+$0x0] =	vst.idx.msk vm3, v24  }
0x296: {  	[tilespmem:v63+s2+$0x0] =	vst.idx.msk vm11, v24  }
0x297: {  	[tilespmem:v45+s2+$0x0] =	vst.idx.msk vm5, v24  }
0x298: {  	[tilespmem:v46+s2+$0x0] =	vst.idx.msk vm7, v24  }
0x299: {  	v47 =	vld [tilespmem:$0x180];
	_ =	sdelay $0x4  }
0x29a: {  	(xrf0) =	vadd.scan.msk.s32 $0xffff, v47;
	_ =	sdelay $0x5  }
0x29b: {  	s15 =	spop (v2sf);
	v48, _, _ =	vpop (xrf0)  }
0x29c: {  	s0 =	sadd.s32 s0, s15;
	v49 =	vsub.s32 v48, v47  }
0x29d: {  	vm8 =	vgt.s32 v47, $0x0;
	vm10 =	vgt.s32 v47, $0x1;
	v36 =	vadd.s32 s0, v49  }
0x29e: {  	vm12 =	vgt.s32 v47, $0x2;
	vm14 =	vgt.s32 v47, $0x3;
	vm9 =	vlt.s32 v36, $0x800  }
0x29f: {  	v50 =	vadd.s32 $0x1, v36;
	v51 =	vadd.s32 $0x2, v36;
	v52 =	vadd.s32 $0x3, v36  }
0x2a0: {  	v53 =	vadd.s32 $0x4, v36;
	vm11 =	vlt.s32 v50, $0x800;
	vm0 =	vmand vm8, vm9  }
0x2a1: {  	v54 =	vadd.s32 $0x5, v36;
	vm13 =	vlt.s32 v51, $0x800;
	vm1 =	vmand vm10, vm11  }
0x2a2: {  	v55 =	vadd.s32 $0x6, v36;
	vm15 =	vlt.s32 v52, $0x800;
	vm2 =	vmand vm12, vm13  }
0x2a3: {  	vm9 =	vgt.s32 v47, $0x4;
	vm10 =	vlt.s32 v53, $0x800;
	vm3 =	vmand vm14, vm15  }
0x2a4: {  	vm12 =	vgt.s32 v47, $0x5;
	vm13 =	vlt.s32 v54, $0x800;
	vm11 =	vmand vm9, vm10  }
0x2a5: {  	vm14 =	vgt.s32 v47, $0x6;
	vm15 =	vlt.s32 v55, $0x800;
	vm5 =	vmand vm12, vm13  }
0x2a6: {  	vm7 =	vmand vm14, vm15;
	[tilespmem:v36+s2+$0x0] =	vst.idx.msk vm0, v25  }
0x2a7: {  	[tilespmem:v50+s2+$0x0] =	vst.idx.msk vm1, v25  }
0x2a8: {  	[tilespmem:v51+s2+$0x0] =	vst.idx.msk vm2, v25  }
0x2a9: {  	(v2sf) =	vpush v48, $0xF;
	[tilespmem:v52+s2+$0x0] =	vst.idx.msk vm3, v25  }
0x2aa: {  	[tilespmem:v53+s2+$0x0] =	vst.idx.msk vm11, v25  }
0x2ab: {  	[tilespmem:v54+s2+$0x0] =	vst.idx.msk vm5, v25  }
0x2ac: {  	[tilespmem:v55+s2+$0x0] =	vst.idx.msk vm7, v25  }
0x2ad: {  	v56 =	vld [tilespmem:$0x190];
	_ =	sdelay $0x4  }
0x2ae: {  	(xrf0) =	vadd.scan.msk.s32 $0xffff, v56;
	_ =	sdelay $0x5  }
0x2af: {  	s16 =	spop (v2sf);
	v57, _, _ =	vpop (xrf0)  }
0x2b0: {  	s0 =	sadd.s32 s0, s16;
	v58 =	vsub.s32 v57, v56  }
0x2b1: {  	vm8 =	vgt.s32 v56, $0x0;
	vm10 =	vgt.s32 v56, $0x1;
	v36 =	vadd.s32 s0, v58  }
0x2b2: {  	vm12 =	vgt.s32 v56, $0x2;
	vm14 =	vgt.s32 v56, $0x3;
	vm9 =	vlt.s32 v36, $0x800  }
0x2b3: {  	v59 =	vadd.s32 $0x1, v36;
	v60 =	vadd.s32 $0x2, v36;
	v61 =	vadd.s32 $0x3, v36  }
0x2b4: {  	v62 =	vadd.s32 $0x4, v36;
	vm11 =	vlt.s32 v59, $0x800;
	vm0 =	vmand vm8, vm9  }
0x2b5: {  	v63 =	vadd.s32 $0x5, v36;
	vm13 =	vlt.s32 v60, $0x800;
	vm1 =	vmand vm10, vm11  }
0x2b6: {  	v45 =	vadd.s32 $0x6, v36;
	vm15 =	vlt.s32 v61, $0x800;
	vm2 =	vmand vm12, vm13  }
0x2b7: {  	vm9 =	vgt.s32 v56, $0x4;
	vm10 =	vlt.s32 v62, $0x800;
	vm3 =	vmand vm14, vm15  }
0x2b8: {  	vm12 =	vgt.s32 v56, $0x5;
	vm13 =	vlt.s32 v63, $0x800;
	vm11 =	vmand vm9, vm10  }
0x2b9: {  	vm14 =	vgt.s32 v56, $0x6;
	vm15 =	vlt.s32 v45, $0x800;
	vm5 =	vmand vm12, vm13  }
0x2ba: {  	vm8 =	vmand vm14, vm15;
	[tilespmem:v36+s2+$0x0] =	vst.idx.msk vm0, v26  }
0x2bb: {  	[tilespmem:v59+s2+$0x0] =	vst.idx.msk vm1, v26  }
0x2bc: {  	[tilespmem:v60+s2+$0x0] =	vst.idx.msk vm2, v26  }
0x2bd: {  	(v2sf) =	vpush v57, $0xF;
	[tilespmem:v61+s2+$0x0] =	vst.idx.msk vm3, v26  }
0x2be: {  	[tilespmem:v62+s2+$0x0] =	vst.idx.msk vm11, v26  }
0x2bf: {  	[tilespmem:v63+s2+$0x0] =	vst.idx.msk vm5, v26  }
0x2c0: {  	[tilespmem:v45+s2+$0x0] =	vst.idx.msk vm8, v26  }
0x2c1: {  	v46 =	vld [tilespmem:$0x1A0];
	_ =	sdelay $0x4  }
0x2c2: {  	(xrf0) =	vadd.scan.msk.s32 $0xffff, v46;
	_ =	sdelay $0x5  }
0x2c3: {  	s17 =	spop (v2sf);
	v47, _, _ =	vpop (xrf0)  }
0x2c4: {  	s0 =	sadd.s32 s0, s17;
	v48 =	vsub.s32 v47, v46  }
0x2c5: {  	vm9 =	vgt.s32 v46, $0x0;
	vm11 =	vgt.s32 v46, $0x1;
	v36 =	vadd.s32 s0, v48  }
0x2c6: {  	vm13 =	vgt.s32 v46, $0x2;
	vm15 =	vgt.s32 v46, $0x3;
	vm10 =	vlt.s32 v36, $0x800  }
0x2c7: {  	v49 =	vadd.s32 $0x1, v36;
	v50 =	vadd.s32 $0x2, v36;
	v51 =	vadd.s32 $0x3, v36  }
0x2c8: {  	v52 =	vadd.s32 $0x4, v36;
	vm12 =	vlt.s32 v49, $0x800;
	vm0 =	vmand vm9, vm10  }
0x2c9: {  	v53 =	vadd.s32 $0x5, v36;
	vm14 =	vlt.s32 v50, $0x800;
	vm1 =	vmand vm11, vm12  }
0x2ca: {  	v54 =	vadd.s32 $0x6, v36;
	vm9 =	vlt.s32 v51, $0x800;
	vm2 =	vmand vm13, vm14  }
0x2cb: {  	vm10 =	vgt.s32 v46, $0x4;
	vm11 =	vlt.s32 v52, $0x800;
	vm3 =	vmand vm15, vm9  }
0x2cc: {  	vm13 =	vgt.s32 v46, $0x5;
	vm14 =	vlt.s32 v53, $0x800;
	vm12 =	vmand vm10, vm11  }
0x2cd: {  	vm15 =	vgt.s32 v46, $0x6;
	vm9 =	vlt.s32 v54, $0x800;
	vm5 =	vmand vm13, vm14  }
0x2ce: {  	vm10 =	vmand vm15, vm9;
	[tilespmem:v36+s2+$0x0] =	vst.idx.msk vm0, v27  }
0x2cf: {  	[tilespmem:v49+s2+$0x0] =	vst.idx.msk vm1, v27  }
0x2d0: {  	[tilespmem:v50+s2+$0x0] =	vst.idx.msk vm2, v27  }
0x2d1: {  	(v2sf) =	vpush v47, $0xF;
	[tilespmem:v51+s2+$0x0] =	vst.idx.msk vm3, v27  }
0x2d2: {  	[tilespmem:v52+s2+$0x0] =	vst.idx.msk vm12, v27  }
0x2d3: {  	[tilespmem:v53+s2+$0x0] =	vst.idx.msk vm5, v27  }
0x2d4: {  	[tilespmem:v54+s2+$0x0] =	vst.idx.msk vm10, v27  }
0x2d5: {  	v55 =	vld [tilespmem:$0x1B0];
	_ =	sdelay $0x4  }
0x2d6: {  	(xrf0) =	vadd.scan.msk.s32 $0xffff, v55;
	_ =	sdelay $0x5  }
0x2d7: {  	s18 =	spop (v2sf);
	v56, _, _ =	vpop (xrf0)  }
0x2d8: {  	s0 =	sadd.s32 s0, s18;
	v57 =	vsub.s32 v56, v55  }
0x2d9: {  	vm11 =	vgt.s32 v55, $0x0;
	vm13 =	vgt.s32 v55, $0x1;
	v36 =	vadd.s32 s0, v57  }
0x2da: {  	vm15 =	vgt.s32 v55, $0x2;
	vm9 =	vgt.s32 v55, $0x3;
	vm12 =	vlt.s32 v36, $0x800  }
0x2db: {  	v58 =	vadd.s32 $0x1, v36;
	v59 =	vadd.s32 $0x2, v36;
	v60 =	vadd.s32 $0x3, v36  }
0x2dc: {  	v61 =	vadd.s32 $0x4, v36;
	vm14 =	vlt.s32 v58, $0x800;
	vm0 =	vmand vm11, vm12  }
0x2dd: {  	v62 =	vadd.s32 $0x5, v36;
	vm8 =	vlt.s32 v59, $0x800;
	vm1 =	vmand vm13, vm14  }
0x2de: {  	v63 =	vadd.s32 $0x6, v36;
	vm10 =	vlt.s32 v60, $0x800;
	vm2 =	vmand vm15, vm8  }
0x2df: {  	vm11 =	vgt.s32 v55, $0x4;
	vm12 =	vlt.s32 v61, $0x800;
	vm3 =	vmand vm9, vm10  }
0x2e0: {  	vm13 =	vmand vm11, vm12;
	vm14 =	vgt.s32 v55, $0x5;
	vm15 =	vlt.s32 v62, $0x800  }
0x2e1: {  	vm9 =	vgt.s32 v55, $0x6;
	vm10 =	vlt.s32 v63, $0x800;
	vm5 =	vmand vm14, vm15  }
0x2e2: {  	vm11 =	vmand vm9, vm10;
	[tilespmem:v36+s2+$0x0] =	vst.idx.msk vm0, v28  }
0x2e3: {  	[tilespmem:v58+s2+$0x0] =	vst.idx.msk vm1, v28  }
0x2e4: {  	[tilespmem:v59+s2+$0x0] =	vst.idx.msk vm2, v28  }
0x2e5: {  	(v2sf) =	vpush v56, $0xF;
	[tilespmem:v60+s2+$0x0] =	vst.idx.msk vm3, v28  }
0x2e6: {  	[tilespmem:v61+s2+$0x0] =	vst.idx.msk vm13, v28  }
0x2e7: {  	[tilespmem:v62+s2+$0x0] =	vst.idx.msk vm5, v28  }
0x2e8: {  	[tilespmem:v63+s2+$0x0] =	vst.idx.msk vm11, v28  }
0x2e9: {  	v45 =	vld [tilespmem:$0x1C0];
	_ =	sdelay $0x4  }
0x2ea: {  	(xrf0) =	vadd.scan.msk.s32 $0xffff, v45;
	_ =	sdelay $0x5  }
0x2eb: {  	s20 =	spop (v2sf);
	v46, _, _ =	vpop (xrf0)  }
0x2ec: {  	s0 =	sadd.s32 s0, s20;
	v47 =	vsub.s32 v46, v45  }
0x2ed: {  	vm12 =	vgt.s32 v45, $0x0;
	vm14 =	vgt.s32 v45, $0x1;
	v36 =	vadd.s32 s0, v47  }
0x2ee: {  	vm8 =	vgt.s32 v45, $0x2;
	vm10 =	vgt.s32 v45, $0x3;
	vm13 =	vlt.s32 v36, $0x800  }
0x2ef: {  	v48 =	vadd.s32 $0x1, v36;
	v49 =	vadd.s32 $0x2, v36;
	v50 =	vadd.s32 $0x3, v36  }
0x2f0: {  	v51 =	vadd.s32 $0x4, v36;
	vm15 =	vlt.s32 v48, $0x800;
	vm0 =	vmand vm12, vm13  }
0x2f1: {  	v52 =	vadd.s32 $0x5, v36;
	vm9 =	vlt.s32 v49, $0x800;
	vm1 =	vmand vm14, vm15  }
0x2f2: {  	v53 =	vadd.s32 $0x6, v36;
	vm11 =	vlt.s32 v50, $0x800;
	vm2 =	vmand vm8, vm9  }
0x2f3: {  	vm12 =	vgt.s32 v45, $0x4;
	vm13 =	vlt.s32 v51, $0x800;
	vm3 =	vmand vm10, vm11  }
0x2f4: {  	vm14 =	vmand vm12, vm13;
	vm15 =	vgt.s32 v45, $0x5;
	vm9 =	vlt.s32 v52, $0x800  }
0x2f5: {  	vm10 =	vgt.s32 v45, $0x6;
	vm11 =	vlt.s32 v53, $0x800;
	vm5 =	vmand vm15, vm9  }
0x2f6: {  	vm12 =	vmand vm10, vm11;
	[tilespmem:v36+s2+$0x0] =	vst.idx.msk vm0, v29  }
0x2f7: {  	[tilespmem:v48+s2+$0x0] =	vst.idx.msk vm1, v29  }
0x2f8: {  	[tilespmem:v49+s2+$0x0] =	vst.idx.msk vm2, v29  }
0x2f9: {  	(v2sf) =	vpush v46, $0xF;
	[tilespmem:v50+s2+$0x0] =	vst.idx.msk vm3, v29  }
0x2fa: {  	[tilespmem:v51+s2+$0x0] =	vst.idx.msk vm14, v29  }
0x2fb: {  	[tilespmem:v52+s2+$0x0] =	vst.idx.msk vm5, v29  }
0x2fc: {  	[tilespmem:v53+s2+$0x0] =	vst.idx.msk vm12, v29  }
0x2fd: {  	v54 =	vld [tilespmem:$0x1D0];
	_ =	sdelay $0x4  }
0x2fe: {  	(xrf0) =	vadd.scan.msk.s32 $0xffff, v54;
	_ =	sdelay $0x5  }
0x2ff: {  	s21 =	spop (v2sf);
	v55, _, _ =	vpop (xrf0)  }
0x300: {  	s0 =	sadd.s32 s0, s21;
	v56 =	vsub.s32 v55, v54  }
0x301: {  	vm13 =	vgt.s32 v54, $0x0;
	vm15 =	vgt.s32 v54, $0x1;
	v36 =	vadd.s32 s0, v56  }
0x302: {  	vm9 =	vgt.s32 v54, $0x2;
	vm11 =	vgt.s32 v54, $0x3;
	vm14 =	vlt.s32 v36, $0x800  }
0x303: {  	v57 =	vadd.s32 $0x1, v36;
	v58 =	vadd.s32 $0x2, v36;
	v59 =	vadd.s32 $0x3, v36  }
0x304: {  	v60 =	vadd.s32 $0x4, v36;
	vm8 =	vlt.s32 v57, $0x800;
	vm0 =	vmand vm13, vm14  }
0x305: {  	v61 =	vadd.s32 $0x5, v36;
	vm10 =	vlt.s32 v58, $0x800;
	vm1 =	vmand vm15, vm8  }
0x306: {  	v62 =	vadd.s32 $0x6, v36;
	vm12 =	vlt.s32 v59, $0x800;
	vm2 =	vmand vm9, vm10  }
0x307: {  	vm13 =	vgt.s32 v54, $0x4;
	vm14 =	vlt.s32 v60, $0x800;
	vm3 =	vmand vm11, vm12  }
0x308: {  	vm15 =	vmand vm13, vm14;
	vm9 =	vgt.s32 v54, $0x5;
	vm10 =	vlt.s32 v61, $0x800  }
0x309: {  	vm11 =	vgt.s32 v54, $0x6;
	vm12 =	vlt.s32 v62, $0x800;
	vm5 =	vmand vm9, vm10  }
0x30a: {  	vm13 =	vmand vm11, vm12;
	[tilespmem:v36+s2+$0x0] =	vst.idx.msk vm0, v30  }
0x30b: {  	[tilespmem:v57+s2+$0x0] =	vst.idx.msk vm1, v30  }
0x30c: {  	[tilespmem:v58+s2+$0x0] =	vst.idx.msk vm2, v30  }
0x30d: {  	(v2sf) =	vpush v55, $0xF;
	[tilespmem:v59+s2+$0x0] =	vst.idx.msk vm3, v30  }
0x30e: {  	[tilespmem:v60+s2+$0x0] =	vst.idx.msk vm15, v30  }
0x30f: {  	[tilespmem:v61+s2+$0x0] =	vst.idx.msk vm5, v30  }
0x310: {  	[tilespmem:v62+s2+$0x0] =	vst.idx.msk vm13, v30  }
0x311: {  	v63 =	vld [tilespmem:$0x1E0];
	_ =	sdelay $0x4  }
0x312: {  	(xrf0) =	vadd.scan.msk.s32 $0xffff, v63;
	_ =	sdelay $0x5  }
0x313: {  	s22 =	spop (v2sf);
	v45, _, _ =	vpop (xrf0)  }
0x314: {  	s0 =	sadd.s32 s0, s22;
	v46 =	vsub.s32 v45, v63  }
0x315: {  	vm14 =	vgt.s32 v63, $0x0;
	vm8 =	vgt.s32 v63, $0x1;
	v36 =	vadd.s32 s0, v46  }
0x316: {  	vm10 =	vgt.s32 v63, $0x2;
	vm12 =	vgt.s32 v63, $0x3;
	vm15 =	vlt.s32 v36, $0x800  }
0x317: {  	v47 =	vadd.s32 $0x1, v36;
	v48 =	vadd.s32 $0x2, v36;
	v49 =	vadd.s32 $0x3, v36  }
0x318: {  	v50 =	vadd.s32 $0x4, v36;
	vm9 =	vlt.s32 v47, $0x800;
	vm0 =	vmand vm14, vm15  }
0x319: {  	v51 =	vadd.s32 $0x5, v36;
	vm11 =	vlt.s32 v48, $0x800;
	vm1 =	vmand vm8, vm9  }
0x31a: {  	v52 =	vadd.s32 $0x6, v36;
	vm13 =	vlt.s32 v49, $0x800;
	vm2 =	vmand vm10, vm11  }
0x31b: {  	vm14 =	vgt.s32 v63, $0x4;
	vm15 =	vlt.s32 v50, $0x800;
	vm3 =	vmand vm12, vm13  }
0x31c: {  	vm9 =	vmand vm14, vm15;
	vm10 =	vgt.s32 v63, $0x5;
	vm11 =	vlt.s32 v51, $0x800  }
0x31d: {  	vm12 =	vgt.s32 v63, $0x6;
	vm13 =	vlt.s32 v52, $0x800;
	vm5 =	vmand vm10, vm11  }
0x31e: {  	vm14 =	vmand vm12, vm13;
	[tilespmem:v36+s2+$0x0] =	vst.idx.msk vm0, v31  }
0x31f: {  	[tilespmem:v47+s2+$0x0] =	vst.idx.msk vm1, v31  }
0x320: {  	[tilespmem:v48+s2+$0x0] =	vst.idx.msk vm2, v31  }
0x321: {  	(v2sf) =	vpush v45, $0xF;
	[tilespmem:v49+s2+$0x0] =	vst.idx.msk vm3, v31  }
0x322: {  	[tilespmem:v50+s2+$0x0] =	vst.idx.msk vm9, v31  }
0x323: {  	[tilespmem:v51+s2+$0x0] =	vst.idx.msk vm5, v31  }
0x324: {  	[tilespmem:v52+s2+$0x0] =	vst.idx.msk vm14, v31  }
0x325: {  	v53 =	vld [tilespmem:$0x1F0];
	_ =	sdelay $0x4  }
0x326: {  	(xrf0) =	vadd.scan.msk.s32 $0xffff, v53;
	_ =	sdelay $0x5  }
0x327: {  	s23 =	spop (v2sf);
	v54, _, _ =	vpop (xrf0)  }
0x328: {  	s1 =	sadd.s32 s0, s23;
	v55 =	vsub.s32 v54, v53  }
0x329: {  	vm15 =	vgt.s32 v53, $0x0;
	vm9 =	vgt.s32 v53, $0x1;
	v36 =	vadd.s32 s1, v55  }
0x32a: {  	vm11 =	vgt.s32 v53, $0x2;
	vm13 =	vgt.s32 v53, $0x3;
	vm8 =	vlt.s32 v36, $0x800  }
0x32b: {  	v56 =	vadd.s32 $0x1, v36;
	v57 =	vadd.s32 $0x2, v36;
	v58 =	vadd.s32 $0x3, v36  }
0x32c: {  	v59 =	vadd.s32 $0x4, v36;
	vm10 =	vlt.s32 v56, $0x800;
	vm0 =	vmand vm15, vm8  }
0x32d: {  	v60 =	vadd.s32 $0x5, v36;
	vm12 =	vlt.s32 v57, $0x800;
	vm1 =	vmand vm9, vm10  }
0x32e: {  	v61 =	vadd.s32 $0x6, v36;
	vm14 =	vlt.s32 v58, $0x800;
	vm2 =	vmand vm11, vm12  }
0x32f: {  	vm15 =	vgt.s32 v53, $0x4;
	vm9 =	vlt.s32 v59, $0x800;
	vm3 =	vmand vm13, vm14  }
0x330: {  	vm11 =	vgt.s32 v53, $0x5;
	vm12 =	vlt.s32 v60, $0x800;
	vm10 =	vmand vm15, vm9  }
0x331: {  	vm13 =	vgt.s32 v53, $0x6;
	vm14 =	vlt.s32 v61, $0x800;
	vm5 =	vmand vm11, vm12  }
0x332: {  	vm15 =	vmand vm13, vm14;
	[tilespmem:v36+s2+$0x0] =	vst.idx.msk vm0, v32  }
0x333: {  	[tilespmem:v56+s2+$0x0] =	vst.idx.msk vm1, v32  }
0x334: {  	[tilespmem:v57+s2+$0x0] =	vst.idx.msk vm2, v32  }
0x335: {  	[tilespmem:v58+s2+$0x0] =	vst.idx.msk vm3, v32  }
0x336: {  	[tilespmem:v59+s2+$0x0] =	vst.idx.msk vm10, v32  }
0x337: {  	[tilespmem:v60+s2+$0x0] =	vst.idx.msk vm5, v32  }
0x338: {  	s6 =	rddreg [dreg:$0x1c];
	[tilespmem:v61+s2+$0x0] =	vst.idx.msk vm15, v32  }
0x339: {  	v62 =	vld [tilespmem:s6+$0x200];
	_ =	sdelay $0x3  }
0x33a: {  	(v2sf) =	vpush v54, $0xF  }
0x33b: {  	(v2sf) =	vpush v62, $0x0;
	_ =	sdelay $0xd  }
0x33c: {  	s24 =	spop (v2sf)  }
0x33d: {  	s25 =	spop (v2sf)  }
0x33e: {  	s0 =	ssub.s32 s25, s19  }
0x33f: {  	p0 =	sgt.s32 s0, $0x0  }
0x340: {  	s0 =	simm.s32 @!p0 $0x0  }
0x341: {  	s7 =	smin.u32 s0, $0x1B8  }
0x342: {  	s0 =	sor.u32 s19, s7  }
0x343: {  	s0 =	sshll.u32 s0, $0x5  }
0x344: {  	s4 =	rddreg [dreg:$0x0];
	s0 =	sand.u32 $0xFFFFF00, s0  }
0x345: {  	s3 =	simm.s32 $0xA80;
	s0 =	sadd.s32 s4, s0  }
0x346: {  	[tilespmem:s3], [sflag:$0x1] =	stream.linear.gather [hbm4b:s0+s5], $0x4800, $0x38;
	[tilespmem:$0x12A80] =	vst v63  }
0x347: {  	v63 =	vld [tilespmem:s6+$0x280];
	_ =	sdelay $0x4  }
0x348: {  	(v2sf) =	vpush v63, $0x0;
	_ =	sdelay $0xe  }
0x349: {  	s26 =	spop (v2sf)  }
0x34a: {  	s30 =	sld [smem:$0x7FD];
	s0 =	ssub.s32 s26, s19  }
0x34b: {  	p0 =	sgt.s32 s0, $0x0  }
0x34c: {  	s0 =	simm.s32 @!p0 $0x0  }
0x34d: {  	[smem:$0x7FB] =	sst s30;
	s0 =	smin.u32 s0, $0x1B8  }
0x34e: {  	s31 =	rddreg [dreg:$0x1d];
	s28 =	sor.u32 s19, s0  }
0x34f: {  	s29 =	simm.s32 $0x5A80;
	[dreg:$0x5] =	wrdreg s31;
	s3 =	sshll.u32 s28, $0x5  }
0x350: {  	s20 =	sadd.s32 s1, s24;
	s24 =	sld [smem:$0x7FC];
	s3 =	sand.u32 $0xFFFFF00, s3  }
0x351: {  	[dreg:$0x4] =	wrdreg s20;
	s25 =	simm.s32 $0x0;
	s3 =	sadd.s32 s4, s3  }
0x352: {  	[tilespmem:s29], [sflag:$0x2] =	stream.linear.gather [hbm4b:s3+s5], $0x4800, $0x38;
	[tilespmem:$0x12A80] =	vst v63  }
.LBB2_2:
0x353: {  	s1 =	simm.s32 $0x1  }
0x354: {  	_ =	swait.ge [sflag:s1], $0x4800  }
0x355: {  	p0 =	seq.s32 s25, $0x0;
	[sflag:s1] =	ssyncset.done $0x0  }
0x356: {  	[sflag:s1] =	ssyncadd.s32 $0xFFFFB800;
	s1 =	simm.s32 @!p0 $0x3  }
0x357: {  	_ =	swait.ge @!p0 [sflag:s1], $0x4000  }
0x358: {  	[sflag:s1] =	ssyncset.done @!p0 $0x0  }
0x359: {  	[sflag:s1] =	ssyncadd.s32 @!p0 $0xFFFFC000  }
0x35a: {  	v34 =	vld [tilespmem:s24+$0x1];
	_ =	sdelay $0x4  }
0x35b: {  	(v2sf) =	vpush v34, $0x0;
	_ =	sdelay $0x8  }
0x35c: {  	v60 =	vld [tilespmem:s24+$0xFFFFFFFE]  }
0x35d: {  	v35 =	vld [tilespmem:s24+$0xFFFFFFFF]  }
0x35e: {  	v36 =	vld [tilespmem:s24+$0x0];
	_ =	sdelay $0x2  }
0x35f: {  	s16 =	sand.u32 $0x1F8, s7;
	(v2sf) =	vpush v60, $0x0  }
0x360: {  	s5 =	sor.u32 s19, s16;
	(v2sf) =	vpush v35, $0x0;
	s17 =	spop (v2sf)  }
0x361: {  	s2 =	rddreg [dreg:$0x5];
	(v2sf) =	vpush v36, $0x0;
	s1 =	ssub.s32 s17, s5  }
0x362: {  	s2 =	sadd.s32 $0xFFFFFFFC, s2;
	p1 =	sgt.s32 s1, $0x0  }
0x363: {  	s3 =	sadd.s32 $0x7, s2;
	s1 =	simm.s32 @!p1 $0x0  }
0x364: {  	p1 =	slt.s32 s3, s20;
	s1 =	smin.u32 s1, $0x47  }
0x365: {  	s1 =	simm.s32 @!p1 $0x48  }
0x366: {  	s18 =	sshll.u32 s1, $0x8;
	s1 =	sshll.u32 s1, $0x7  }
0x367: {  	s3 =	sand.u32 $0x7800, s18;
	s1 =	sand.u32 $0x380, s1  }
0x368: {  	s3 =	sor.u32 s1, s3  }
0x369: {  	v61 =	vld [tilespmem:s3+$0xA80]  }
0x36a: {  	v62 =	vld [tilespmem:s3+$0xA90]  }
0x36b: {  	s0 =	sand.u32 $0x1F8, s0;
	s19 =	sshll.u32 s25, $0x8;
	s4 =	rddreg [dreg:$0x1d];
	v63 =	vld [tilespmem:s3+$0xAA0]  }
0x36c: {  	v37 =	vld [tilespmem:s3+$0xAB0];
	[smem:$0x7F5] =	sst s0;
	s0 =	sor.u32 s4, s19  }
0x36d: {  	s26 =	sadd.s32 $0x4, s2;
	v38 =	vld [tilespmem:s3+$0xAC0];
	[smem:$0x7F6] =	sst s0  }
0x36e: {  	s6 =	sadd.s32 $0x5, s2;
	s7 =	sadd.s32 $0x6, s2;
	s21 =	spop (v2sf);
	v39 =	vld [tilespmem:s3+$0xAD0]  }
0x36f: {  	p3 =	slt.s32 s7, s20;
	s22 =	spop (v2sf);
	s18 =	simm.s32 $0x180;
	v40 =	vld [tilespmem:s3+$0xAE0]  }
0x370: {  	s1 =	ssub.s32 s21, s5;
	v41 =	vld [tilespmem:s3+$0xAF0];
	[dreg:$0x6] =	wrdreg s5;
	s23 =	spop (v2sf)  }
0x371: {  	s11 =	sand.u32 $0x380, s18;
	p1 =	sgt.s32 s1, $0x0;
	v42 =	vld [tilespmem:s3+$0xE80];
	s4 =	ssub.s32 s23, s5  }
0x372: {  	s19 =	simm.s32 $0x0;
	s1 =	simm.s32 @!p1 $0x0;
	v43 =	vld [tilespmem:s3+$0xE90];
	p1 =	sgt.s32 s4, $0x0  }
0x373: {  	s1 =	smin.u32 s1, $0x47;
	v44 =	vld [tilespmem:s3+$0xEA0];
	s4 =	simm.s32 @!p1 $0x0;
	p1 =	slt.s32 s26, s20  }
0x374: {  	s0 =	ssub.s32 s22, s5;
	s9 =	sand.u32 $0x3800, s19;
	v45 =	vld [tilespmem:s3+$0xEB0];
	s1 =	simm.s32 @!p1 $0x48  }
0x375: {  	p2 =	sgt.s32 s0, $0x0;
	v46 =	vld [tilespmem:s3+$0xEC0];
	s8 =	sshll.u32 s1, $0x8;
	s1 =	sshll.u32 s1, $0x7  }
0x376: {  	s0 =	simm.s32 @!p2 $0x0;
	v47 =	vld [tilespmem:s3+$0xED0];
	s10 =	sand.u32 $0x380, s1;
	s1 =	sadd.s32 $0xAA80, s9  }
0x377: {  	v48 =	vld [tilespmem:s3+$0xEE0];
	s2 =	smin.u32 s4, $0x47;
	s4 =	sand.u32 $0x7800, s8;
	s12 =	sadd.s32 s11, s1  }
0x378: {  	p2 =	slt.s32 s6, s20;
	v49 =	vld [tilespmem:s3+$0xEF0];
	s5 =	smin.u32 s0, $0x47;
	s0 =	sor.u32 s10, s4;
	[tilespmem:s12+$0x0] =	vst v61  }
0x379: {  	s15 =	sand.u32 $0x7, s19;
	s16 =	sand.u32 $0x3, s19;
	s5 =	simm.s32 @!p2 $0x48;
	v50 =	vld [tilespmem:s0+$0xA80];
	[tilespmem:s12+$0x10] =	vst v62  }
0x37a: {  	s13 =	sshll.u32 s5, $0x8;
	s5 =	sshll.u32 s5, $0x7;
	s2 =	simm.s32 @!p3 $0x48;
	v51 =	vld [tilespmem:s0+$0xA90];
	[tilespmem:s12+$0x20] =	vst v63  }
0x37b: {  	s3 =	sand.u32 $0x7800, s13;
	s5 =	sand.u32 $0x380, s5;
	s14 =	sshll.u32 s2, $0x8;
	v52 =	vld [tilespmem:s0+$0xAA0];
	[tilespmem:s12+$0x30] =	vst v37  }
0x37c: {  	s2 =	sshll.u32 s2, $0x7;
	s9 =	sor.u32 s5, s3;
	s3 =	sshll.u32 s15, $0x7;
	v53 =	vld [tilespmem:s0+$0xAB0];
	[tilespmem:s12+$0x40] =	vst v38  }
0x37d: {  	s6 =	sand.u32 $0x7800, s14;
	s2 =	sand.u32 $0x380, s2;
	s3 =	sadd.s32 $0x0, s3;
	v54 =	vld [tilespmem:s0+$0xAC0];
	[tilespmem:s12+$0x50] =	vst v39  }
0x37e: {  	s22 =	simm.s32 $0x0;
	v55 =	vld [tilespmem:s0+$0xAD0];
	s11 =	sor.u32 s2, s6;
	[tilespmem:s12+$0x60] =	vst v40;
	s6 =	sadd.s32 $0x180, s3  }
0x37f: {  	p1 =	por $0x0, $0x0;
	s5 =	simm.s32 $0x1;
	v56 =	vld [tilespmem:s0+$0xAE0];
	[tilespmem:s12+$0x70] =	vst v41;
	s21 =	sor.u32 $0x400, s6  }
0x380: {  	s17 =	sshll.u32 s16, $0x8;
	s5 =	simm.s32 @!p1 $0x0;
	v57 =	vld [tilespmem:s0+$0xAF0];
	s23 =	sor.u32 $0x410, s6;
	[tilespmem:s21+$0xAA80] =	vst v42  }
0x381: {  	s7 =	sand.u32 $0x200, s22;
	s5 =	sshll.u32 s5, $0x9;
	v34 =	vld [tilespmem:s0+$0xE80];
	s26 =	sor.u32 $0x420, s6;
	[tilespmem:s23+$0xAA80] =	vst v43  }
0x382: {  	s2 =	sadd.s32 $0x0, s17;
	v35 =	vld [tilespmem:s0+$0xE90];
	s22 =	sadd.s32 $0x0, s5;
	s5 =	sor.u32 $0x430, s6;
	[tilespmem:s26+$0xAA80] =	vst v44  }
0x383: {  	v36 =	vld [tilespmem:s0+$0xEA0];
	s2 =	sadd.s32 $0x100, s2;
	s13 =	sor.u32 $0x440, s6;
	[tilespmem:s5+$0xAA80] =	vst v45  }
0x384: {  	v37 =	vld [tilespmem:s0+$0xEB0];
	s15 =	sor.u32 $0x420, s2;
	[tilespmem:s13+$0xAA80] =	vst v46  }
0x385: {  	v38 =	vld [tilespmem:s0+$0xEC0];
	s16 =	sor.u32 $0x430, s2;
	[dreg:$0xe] =	wrdreg s15  }
0x386: {  	s14 =	sor.u32 $0x450, s6;
	[dreg:$0xc] =	wrdreg s16  }
0x387: {  	s23 =	sor.u32 $0x440, s2;
	[tilespmem:s14+$0xAA80] =	vst v47  }
0x388: {  	s26 =	sor.u32 $0x450, s2;
	v39 =	vld [tilespmem:s0+$0xED0];
	[dreg:$0xa] =	wrdreg s23  }
0x389: {  	s8 =	simm.s32 $0x80;
	s21 =	sor.u32 $0x460, s6;
	[dreg:$0x9] =	wrdreg s26  }
0x38a: {  	s12 =	sand.u32 $0x280, s8;
	s8 =	sor.u32 $0x470, s6;
	[tilespmem:s21+$0xAA80] =	vst v48  }
0x38b: {  	s3 =	sadd.s32 $0x80, s3;
	s13 =	sor.u32 $0x470, s2;
	v40 =	vld [tilespmem:s0+$0xEE0];
	[tilespmem:s8+$0xAA80] =	vst v49  }
0x38c: {  	s14 =	sor.u32 $0x410, s3;
	v42 =	vld [tilespmem:s0+$0xEF0];
	[dreg:$0x8] =	wrdreg s13  }
0x38d: {  	s23 =	sadd.s32 s7, s1;
	[dreg:$0x16] =	wrdreg s14  }
0x38e: {  	s15 =	sor.u32 $0x440, s3;
	[tilespmem:s23+$0x0] =	vst v50  }
0x38f: {  	[dreg:$0x13] =	wrdreg s15  }
0x390: {  	[tilespmem:s23+$0x10] =	vst v51  }
0x391: {  	s10 =	simm.s32 $0x100;
	s4 =	simm.s32 $0x0;
	s16 =	sor.u32 $0x460, s3;
	v41 =	vld [tilespmem:s9+$0xA80];
	[tilespmem:s23+$0x20] =	vst v52  }
0x392: {  	s10 =	sand.u32 $0x300, s10;
	s31 =	sadd.s32 s12, s1;
	v43 =	vld [tilespmem:s9+$0xA90];
	[dreg:$0x12] =	wrdreg s16  }
0x393: {  	s17 =	sor.u32 $0x400, s2;
	s28 =	sor.u32 $0x410, s2;
	s6 =	sadd.s32 s10, s1;
	[tilespmem:s23+$0x30] =	vst v53  }
0x394: {  	s10 =	sor.u32 $0x470, s3;
	s29 =	sor.u32 $0x400, s22;
	s30 =	sor.u32 $0x410, s22;
	v44 =	vld [tilespmem:s9+$0xAA0];
	[tilespmem:s23+$0x40] =	vst v54  }
0x395: {  	s12 =	sor.u32 $0x460, s22;
	s5 =	sor.u32 $0x430, s3;
	s7 =	sor.u32 $0x450, s22;
	v45 =	vld [tilespmem:s9+$0xAB0];
	[tilespmem:s23+$0x50] =	vst v55  }
0x396: {  	s26 =	sor.u32 $0x470, s22;
	s1 =	simm.s32 $0x0;
	s21 =	sor.u32 $0x460, s2;
	v46 =	vld [tilespmem:s9+$0xAC0];
	[tilespmem:s23+$0x60] =	vst v56  }
0x397: {  	s2 =	sor.u32 $0x400, s3;
	v47 =	vld [tilespmem:s9+$0xAD0];
	[smem:$0x7F7] =	sst s25;
	s25 =	sshll.u32 s25, $0x1  }
0x398: {  	s0 =	sor.u32 $0x430, s22;
	s8 =	sor.u32 $0x420, s3;
	[smem:$0x7F8] =	sst s25  }
0x399: {  	s13 =	sor.u32 $0x420, s22;
	s15 =	sor.u32 $0x450, s3;
	s3 =	sadd.s32 $0x4, s24;
	[tilespmem:s23+$0x70] =	vst v57  }
0x39a: {  	s16 =	sor.u32 $0x440, s22;
	s22 =	simm.s32 $0x0;
	v48 =	vld [tilespmem:s9+$0xAE0];
	[smem:$0x7F9] =	sst s24  }
.LBB2_3:
0x39b: {  	v49 =	vld [tilespmem:s3+$0x1]  }
0x39c: {  	v50 =	vld [tilespmem:s3+$0xFFFFFFFF]  }
0x39d: {  	v52 =	vld [tilespmem:s9+$0xAF0]  }
0x39e: {  	v53 =	vld [tilespmem:s9+$0xE80];
	[tilespmem:s29+$0xAA80] =	vst v34  }
0x39f: {  	v34 =	vld [tilespmem:s3+$0xFFFFFFFE]  }
0x3a0: {  	v54 =	vld [tilespmem:s9+$0xEC0];
	[tilespmem:s30+$0xAA80] =	vst v35  }
0x3a1: {  	v55 =	vld [tilespmem:s9+$0xED0];
	[tilespmem:s13+$0xAA80] =	vst v36  }
0x3a2: {  	v56 =	vld [tilespmem:s9+$0xEE0];
	(v2sf) =	vpush v49, $0x0;
	[tilespmem:s0+$0xAA80] =	vst v37  }
0x3a3: {  	v57 =	vld [tilespmem:s9+$0xEF0];
	[tilespmem:s16+$0xAA80] =	vst v38  }
0x3a4: {  	v35 =	vld [tilespmem:s9+$0xEA0];
	[tilespmem:s7+$0xAA80] =	vst v39;
	(v2sf) =	vpush v34, $0x0  }
0x3a5: {  	v36 =	vld [tilespmem:s9+$0xEB0];
	[tilespmem:s12+$0xAA80] =	vst v40  }
0x3a6: {  	v34 =	vld [tilespmem:s9+$0xE90];
	[tilespmem:s31+$0x0] =	vst v41  }
0x3a7: {  	v51 =	vld [tilespmem:s3+$0x0];
	[tilespmem:s31+$0x10] =	vst v43  }
0x3a8: {  	v58 =	vld [tilespmem:s11+$0xA80];
	[tilespmem:s31+$0x20] =	vst v44  }
0x3a9: {  	v59 =	vld [tilespmem:s11+$0xA90];
	[tilespmem:s31+$0x30] =	vst v45  }
0x3aa: {  	v60 =	vld [tilespmem:s11+$0xAA0];
	[tilespmem:s31+$0x40] =	vst v46  }
0x3ab: {  	v61 =	vld [tilespmem:s11+$0xAB0];
	[tilespmem:s31+$0x50] =	vst v47;
	(v2sf) =	vpush v50, $0x0  }
0x3ac: {  	v62 =	vld [tilespmem:s11+$0xAC0];
	[tilespmem:s31+$0x60] =	vst v48;
	(v2sf) =	vpush v51, $0x0  }
0x3ad: {  	v63 =	vld [tilespmem:s11+$0xAD0];
	[tilespmem:s31+$0x70] =	vst v52  }
0x3ae: {  	v39 =	vld [tilespmem:s11+$0xEB0];
	[tilespmem:s26+$0xAA80] =	vst v42  }
0x3af: {  	v52 =	vld [tilespmem:s11+$0xAE0];
	s9 =	rddreg [dreg:$0x16];
	[tilespmem:s2+$0xAA80] =	vst v53  }
0x3b0: {  	s14 =	rddreg [dreg:$0x6];
	v53 =	vld [tilespmem:s11+$0xAF0];
	[tilespmem:s9+$0xAA80] =	vst v34  }
0x3b1: {  	s12 =	rddreg [dreg:$0x5];
	v34 =	vld [tilespmem:s11+$0xE80];
	[tilespmem:s8+$0xAA80] =	vst v35;
	s25 =	spop (v2sf)  }
0x3b2: {  	s24 =	rddreg [dreg:$0x13];
	s9 =	sadd.s32 s22, s12;
	v35 =	vld [tilespmem:s11+$0xE90];
	[tilespmem:s5+$0xAA80] =	vst v36;
	s0 =	ssub.s32 s25, s14  }
0x3b3: {  	s16 =	sadd.s32 $0x7, s9;
	v36 =	vld [tilespmem:s11+$0xEA0];
	[tilespmem:s24+$0xAA80] =	vst v54;
	p2 =	sgt.s32 s0, $0x0;
	s26 =	spop (v2sf)  }
0x3b4: {  	v54 =	vld [tilespmem:s11+$0xEC0];
	[tilespmem:s15+$0xAA80] =	vst v55;
	s0 =	simm.s32 @!p2 $0x0;
	s5 =	ssub.s32 s26, s14;
	s26 =	rddreg [dreg:$0x12]  }
0x3b5: {  	v55 =	vld [tilespmem:s11+$0xED0];
	p2 =	slt.s32 s16, s20;
	s0 =	smin.u32 s0, $0x47;
	[tilespmem:s26+$0xAA80] =	vst v56  }
0x3b6: {  	s0 =	simm.s32 @!p2 $0x48;
	v56 =	vld [tilespmem:s11+$0xEE0];
	[tilespmem:s10+$0xAA80] =	vst v57  }
0x3b7: {  	s19 =	sadd.s32 $0x2, s19;
	s25 =	sshll.u32 s0, $0x8;
	s0 =	sshll.u32 s0, $0x7;
	v57 =	vld [tilespmem:s11+$0xEF0];
	[tilespmem:s6+$0x0] =	vst v58  }
0x3b8: {  	p1 =	por !p1, !p1;
	s2 =	sand.u32 $0x7800, s25;
	s0 =	sand.u32 $0x380, s0;
	[tilespmem:s6+$0x10] =	vst v59  }
0x3b9: {  	s1 =	sadd.s32 $0x400, s1;
	s18 =	sadd.s32 $0x200, s18;
	s2 =	sor.u32 s0, s2;
	[tilespmem:s6+$0x20] =	vst v60  }
0x3ba: {  	s4 =	sadd.s32 $0x4, s4;
	s3 =	sadd.s32 $0x4, s3;
	s13 =	spop (v2sf);
	[tilespmem:s6+$0x30] =	vst v61;
	v58 =	vld [tilespmem:s2+$0xA80]  }
0x3bb: {  	s12 =	sadd.s32 $0x5, s9;
	s24 =	rddreg [dreg:$0xc];
	s23 =	spop (v2sf);
	[tilespmem:s6+$0x40] =	vst v62;
	v59 =	vld [tilespmem:s2+$0xA90]  }
0x3bc: {  	s7 =	ssub.s32 s13, s14;
	p3 =	sgt.s32 s5, $0x0;
	s8 =	ssub.s32 s23, s14;
	[tilespmem:s6+$0x50] =	vst v63;
	v60 =	vld [tilespmem:s2+$0xAA0]  }
0x3bd: {  	p4 =	sgt.s32 s7, $0x0;
	s5 =	simm.s32 @!p3 $0x0;
	s11 =	sadd.s32 $0x4, s9;
	[tilespmem:s6+$0x60] =	vst v52;
	v61 =	vld [tilespmem:s2+$0xAB0]  }
0x3be: {  	s9 =	sadd.s32 $0x6, s9;
	[tilespmem:s6+$0x70] =	vst v53;
	s6 =	simm.s32 $0x1;
	p3 =	sgt.s32 s8, $0x0;
	v62 =	vld [tilespmem:s2+$0xAC0]  }
0x3bf: {  	s7 =	simm.s32 @!p4 $0x0;
	s5 =	smin.u32 s5, $0x47;
	v63 =	vld [tilespmem:s2+$0xAD0];
	s8 =	simm.s32 @!p3 $0x0  }
0x3c0: {  	p4 =	slt.s32 s12, s20;
	v52 =	vld [tilespmem:s2+$0xAE0];
	p3 =	slt.s32 s11, s20;
	s0 =	smin.u32 s8, $0x47  }
0x3c1: {  	v53 =	vld [tilespmem:s2+$0xAF0];
	s5 =	simm.s32 @!p3 $0x48;
	p3 =	slt.s32 s9, s20;
	s20 =	rddreg [dreg:$0xe]  }
0x3c2: {  	[tilespmem:s17+$0xAA80] =	vst v34;
	v34 =	vld [tilespmem:s2+$0xE80];
	s13 =	sshll.u32 s5, $0x8;
	s5 =	sshll.u32 s5, $0x7;
	s0 =	simm.s32 @!p3 $0x48  }
0x3c3: {  	[tilespmem:s28+$0xAA80] =	vst v35;
	v35 =	vld [tilespmem:s2+$0xE90];
	s15 =	sshll.u32 s0, $0x8;
	s16 =	sand.u32 $0x7800, s13;
	s0 =	sshll.u32 s0, $0x7  }
0x3c4: {  	[tilespmem:s20+$0xAA80] =	vst v36;
	v36 =	vld [tilespmem:s2+$0xEA0];
	s5 =	sand.u32 $0x380, s5;
	s10 =	sand.u32 $0x7800, s15;
	s0 =	sand.u32 $0x380, s0  }
0x3c5: {  	[tilespmem:s24+$0xAA80] =	vst v39;
	v39 =	vld [tilespmem:s2+$0xEB0];
	s28 =	sor.u32 s5, s16;
	s11 =	sor.u32 s0, s10;
	s10 =	rddreg [dreg:$0xa]  }
0x3c6: {  	s22 =	sadd.s32 $0x4, s22;
	s6 =	simm.s32 @!p1 $0x0;
	s13 =	rddreg [dreg:$0x9];
	v50 =	vld [tilespmem:s28+$0xAE0];
	[tilespmem:s10+$0xAA80] =	vst v54  }
0x3c7: {  	s12 =	sand.u32 $0x3800, s1;
	s7 =	smin.u32 s7, $0x47;
	s26 =	sshll.u32 s6, $0x9;
	v54 =	vld [tilespmem:s2+$0xEC0];
	[tilespmem:s13+$0xAA80] =	vst v55  }
0x3c8: {  	s6 =	sadd.s32 $0xAA80, s12;
	s20 =	rddreg [dreg:$0x8];
	s15 =	sand.u32 $0x380, s18;
	v55 =	vld [tilespmem:s2+$0xED0];
	[tilespmem:s21+$0xAA80] =	vst v56  }
0x3c9: {  	s23 =	sand.u32 $0x3, s19;
	s7 =	simm.s32 @!p4 $0x48;
	s8 =	sadd.s32 s15, s6;
	v56 =	vld [tilespmem:s2+$0xEE0];
	[tilespmem:s20+$0xAA80] =	vst v57  }
0x3ca: {  	s25 =	sshll.u32 s23, $0x8;
	s14 =	sshll.u32 s7, $0x8;
	s7 =	sshll.u32 s7, $0x7;
	v57 =	vld [tilespmem:s2+$0xEF0];
	[tilespmem:s8+$0x0] =	vst v58  }
0x3cb: {  	s17 =	sand.u32 $0x7800, s14;
	s7 =	sand.u32 $0x380, s7;
	s14 =	sadd.s32 $0xFFFFFE80, s18;
	v51 =	vld [tilespmem:s28+$0xAF0];
	[tilespmem:s8+$0x10] =	vst v59  }
0x3cc: {  	s9 =	sor.u32 s7, s17;
	s16 =	sadd.s32 $0xFFFFFF00, s18;
	s17 =	sadd.s32 $0xFFFFFF80, s18;
	v37 =	vld [tilespmem:s28+$0xEB0];
	[tilespmem:s8+$0x20] =	vst v60  }
0x3cd: {  	s31 =	sand.u32 $0x200, s14;
	s0 =	sadd.s32 s1, s25;
	s25 =	sand.u32 $0x7, s4;
	v38 =	vld [tilespmem:s28+$0xEC0];
	[tilespmem:s8+$0x30] =	vst v61  }
0x3ce: {  	s24 =	sand.u32 $0x280, s16;
	v40 =	vld [tilespmem:s28+$0xEE0];
	s0 =	sadd.s32 $0x100, s0;
	s2 =	sshll.u32 s25, $0x7;
	[tilespmem:s8+$0x40] =	vst v62  }
0x3cf: {  	s23 =	sand.u32 $0x300, s17;
	v42 =	vld [tilespmem:s28+$0xEF0];
	s14 =	sor.u32 $0x400, s0;
	[tilespmem:s8+$0x50] =	vst v63;
	s2 =	sadd.s32 s1, s2  }
0x3d0: {  	s17 =	sor.u32 $0x410, s0;
	s7 =	sor.u32 $0x430, s0;
	v58 =	vld [tilespmem:s28+$0xA80];
	[tilespmem:s8+$0x60] =	vst v52;
	s25 =	sadd.s32 $0x180, s2  }
0x3d1: {  	s10 =	sor.u32 $0x440, s0;
	s12 =	sor.u32 $0x450, s0;
	v59 =	vld [tilespmem:s28+$0xA90];
	[tilespmem:s8+$0x70] =	vst v53;
	s16 =	sor.u32 $0x400, s25  }
0x3d2: {  	s13 =	sor.u32 $0x460, s0;
	s21 =	sor.u32 $0x420, s0;
	v60 =	vld [tilespmem:s28+$0xAA0];
	s20 =	sor.u32 $0x410, s25;
	[tilespmem:s16+$0xAA80] =	vst v34  }
0x3d3: {  	[dreg:$0x9] =	wrdreg s12;
	s0 =	sor.u32 $0x470, s0;
	v61 =	vld [tilespmem:s28+$0xAB0];
	s12 =	sor.u32 $0x420, s25;
	[tilespmem:s20+$0xAA80] =	vst v35  }
0x3d4: {  	v62 =	vld [tilespmem:s28+$0xAC0];
	[dreg:$0x8] =	wrdreg s0;
	s0 =	sadd.s32 $0x80, s2;
	s16 =	sor.u32 $0x430, s25;
	[tilespmem:s12+$0xAA80] =	vst v36  }
0x3d5: {  	[dreg:$0xe] =	wrdreg s21;
	v63 =	vld [tilespmem:s28+$0xAD0];
	s21 =	sor.u32 $0x440, s0;
	s20 =	sor.u32 $0x440, s25;
	[tilespmem:s16+$0xAA80] =	vst v39  }
0x3d6: {  	p2 =	slt.u32 s22, $0x3C;
	v34 =	vld [tilespmem:s28+$0xE80];
	[dreg:$0x13] =	wrdreg s21;
	s21 =	sor.u32 $0x450, s25;
	[tilespmem:s20+$0xAA80] =	vst v54  }
0x3d7: {  	s26 =	sadd.s32 s26, s1;
	[dreg:$0xc] =	wrdreg s7;
	v35 =	vld [tilespmem:s28+$0xE90];
	s20 =	sor.u32 $0x460, s25;
	[tilespmem:s21+$0xAA80] =	vst v55  }
0x3d8: {  	[dreg:$0xa] =	wrdreg s10;
	v36 =	vld [tilespmem:s28+$0xEA0];
	s21 =	smov.u32 s19;
	s19 =	sadd.s32 s31, s6;
	[tilespmem:s20+$0xAA80] =	vst v56  }
0x3d9: {  	s29 =	sor.u32 $0x400, s26;
	s30 =	sor.u32 $0x410, s26;
	[dreg:$0x18] =	wrdreg s13;
	v39 =	vld [tilespmem:s28+$0xED0];
	[tilespmem:s19+$0x0] =	vst v58  }
0x3da: {  	s7 =	sor.u32 $0x450, s26;
	s2 =	sor.u32 $0x400, s0;
	s15 =	sor.u32 $0x410, s0;
	[tilespmem:s19+$0x10] =	vst v59  }
0x3db: {  	v41 =	vld [tilespmem:s9+$0xA80];
	s8 =	sor.u32 $0x420, s0;
	s5 =	sor.u32 $0x430, s0;
	s13 =	sor.u32 $0x460, s0;
	[tilespmem:s19+$0x20] =	vst v60  }
0x3dc: {  	v43 =	vld [tilespmem:s9+$0xA90];
	s10 =	sor.u32 $0x470, s0;
	[dreg:$0x16] =	wrdreg s15;
	s15 =	sor.u32 $0x450, s0;
	[tilespmem:s19+$0x30] =	vst v61  }
.Ltmp0:
0x3dd: {  	v44 =	vld [tilespmem:s9+$0xAA0];
	[dreg:$0x12] =	wrdreg s13;
	s13 =	sor.u32 $0x420, s26;
	[tilespmem:s19+$0x40] =	vst v62;
	(pc) =	sbr.rel @p2 .LBB2_3-.Ltmp0, $4  }
0x3de: {  	v45 =	vld [tilespmem:s9+$0xAB0];
	s0 =	sor.u32 $0x430, s26;
	s12 =	sor.u32 $0x460, s26;
	s16 =	sor.u32 $0x440, s26;
	[tilespmem:s19+$0x50] =	vst v63  }
0x3df: {  	v46 =	vld [tilespmem:s9+$0xAC0];
	s26 =	sor.u32 $0x470, s26;
	s28 =	smov.u32 s17;
	s17 =	smov.u32 s14;
	[tilespmem:s19+$0x60] =	vst v50  }
0x3e0: {  	v47 =	vld [tilespmem:s9+$0xAD0];
	s25 =	sor.u32 $0x470, s25;
	s31 =	sadd.s32 s24, s6;
	s20 =	rddreg [dreg:$0x4];
	[tilespmem:s19+$0x70] =	vst v51  }
0x3e1: {  	v48 =	vld [tilespmem:s9+$0xAE0];
	s6 =	sadd.s32 s23, s6;
	s19 =	smov.u32 s21;
	s21 =	rddreg [dreg:$0x18];
	[tilespmem:s25+$0xAA80] =	vst v57  }
0x3e2: {  	v49 =	vld [tilespmem:s9+$0xAF0]  }
0x3e3: {  	v56 =	vld [tilespmem:s9+$0xE80]  }
0x3e4: {  	v57 =	vld [tilespmem:s9+$0xE90]  }
0x3e5: {  	v58 =	vld [tilespmem:s9+$0xEA0]  }
0x3e6: {  	v59 =	vld [tilespmem:s9+$0xEB0]  }
0x3e7: {  	v60 =	vld [tilespmem:s9+$0xEC0]  }
0x3e8: {  	v61 =	vld [tilespmem:s9+$0xED0]  }
0x3e9: {  	[tilespmem:s29+$0xAA80] =	vst v34;
	v62 =	vld [tilespmem:s9+$0xEE0]  }
0x3ea: {  	v63 =	vld [tilespmem:s9+$0xEF0];
	[tilespmem:s31+$0x0] =	vst v41  }
0x3eb: {  	[tilespmem:s31+$0x10] =	vst v43  }
0x3ec: {  	[tilespmem:s31+$0x20] =	vst v44  }
0x3ed: {  	[tilespmem:s30+$0xAA80] =	vst v35  }
0x3ee: {  	[tilespmem:s31+$0x30] =	vst v45  }
0x3ef: {  	[tilespmem:s13+$0xAA80] =	vst v36  }
0x3f0: {  	[tilespmem:s31+$0x40] =	vst v46  }
0x3f1: {  	[tilespmem:s0+$0xAA80] =	vst v37  }
0x3f2: {  	[tilespmem:s31+$0x50] =	vst v47  }
0x3f3: {  	[tilespmem:s16+$0xAA80] =	vst v38  }
0x3f4: {  	[tilespmem:s31+$0x60] =	vst v48  }
0x3f5: {  	v41 =	vld [tilespmem:s11+$0xA80];
	[tilespmem:s7+$0xAA80] =	vst v39  }
0x3f6: {  	v43 =	vld [tilespmem:s11+$0xA90];
	[tilespmem:s31+$0x70] =	vst v49  }
0x3f7: {  	v44 =	vld [tilespmem:s11+$0xAA0];
	[tilespmem:s12+$0xAA80] =	vst v40  }
0x3f8: {  	v52 =	vld [tilespmem:s11+$0xAC0];
	[tilespmem:s2+$0xAA80] =	vst v56  }
0x3f9: {  	v53 =	vld [tilespmem:s11+$0xAD0];
	[tilespmem:s26+$0xAA80] =	vst v42  }
0x3fa: {  	v54 =	vld [tilespmem:s11+$0xAE0];
	s0 =	rddreg [dreg:$0x16]  }
0x3fb: {  	v55 =	vld [tilespmem:s11+$0xAF0];
	[tilespmem:s0+$0xAA80] =	vst v57  }
0x3fc: {  	v45 =	vld [tilespmem:s11+$0xAB0];
	[tilespmem:s8+$0xAA80] =	vst v58  }
0x3fd: {  	v56 =	vld [tilespmem:s11+$0xE80];
	[tilespmem:s5+$0xAA80] =	vst v59  }
0x3fe: {  	v57 =	vld [tilespmem:s11+$0xE90];
	s0 =	rddreg [dreg:$0x13]  }
0x3ff: {  	v58 =	vld [tilespmem:s11+$0xEA0];
	[tilespmem:s0+$0xAA80] =	vst v60  }
0x400: {  	v59 =	vld [tilespmem:s11+$0xEB0];
	[tilespmem:s15+$0xAA80] =	vst v61  }
0x401: {  	v60 =	vld [tilespmem:s11+$0xEC0];
	s0 =	rddreg [dreg:$0x12]  }
0x402: {  	v61 =	vld [tilespmem:s11+$0xED0];
	[tilespmem:s0+$0xAA80] =	vst v62  }
0x403: {  	v62 =	vld [tilespmem:s11+$0xEE0];
	[tilespmem:s10+$0xAA80] =	vst v63  }
0x404: {  	v63 =	vld [tilespmem:s11+$0xEF0];
	[tilespmem:s6+$0x0] =	vst v41  }
0x405: {  	[tilespmem:s6+$0x10] =	vst v43  }
0x406: {  	[tilespmem:s6+$0x20] =	vst v44  }
0x407: {  	[tilespmem:s6+$0x30] =	vst v45  }
0x408: {  	[tilespmem:s6+$0x40] =	vst v52  }
0x409: {  	[tilespmem:s6+$0x50] =	vst v53  }
0x40a: {  	[tilespmem:s6+$0x60] =	vst v54  }
0x40b: {  	[tilespmem:s6+$0x70] =	vst v55  }
0x40c: {  	[tilespmem:s17+$0xAA80] =	vst v56  }
0x40d: {  	[tilespmem:s28+$0xAA80] =	vst v57  }
0x40e: {  	s0 =	rddreg [dreg:$0xe]  }
0x40f: {  	[tilespmem:s0+$0xAA80] =	vst v58  }
0x410: {  	s0 =	rddreg [dreg:$0xc]  }
0x411: {  	[tilespmem:s0+$0xAA80] =	vst v59  }
0x412: {  	s0 =	rddreg [dreg:$0xa]  }
0x413: {  	[tilespmem:s0+$0xAA80] =	vst v60  }
0x414: {  	s0 =	rddreg [dreg:$0x9]  }
0x415: {  	[tilespmem:s0+$0xAA80] =	vst v61  }
0x416: {  	s0 =	sld [smem:$0x7F8]  }
0x417: {  	[tilespmem:s21+$0xAA80] =	vst v62  }
0x418: {  	s1 =	rddreg [dreg:$0x8]  }
0x419: {  	[tilespmem:s1+$0xAA80] =	vst v63;
	s0 =	smin.u32 s0, $0xD  }
0x41a: {  	s1 =	rddreg [dreg:$0x1c];
	s0 =	sshll.u32 s0, $0x7  }
0x41b: {  	s0 =	sor.u32 s1, s0  }
0x41c: {  	v34 =	vld [tilespmem:s0+$0x300];
	_ =	sdelay $0x4  }
0x41d: {  	(v2sf) =	vpush v34, $0x0;
	_ =	sdelay $0xe  }
0x41e: {  	s3 =	rddreg [dreg:$0x1a];
	s17 =	spop (v2sf)  }
0x41f: {  	s18 =	sld [smem:$0x7F7];
	s0 =	ssub.s32 s17, s3  }
0x420: {  	p1 =	sgt.s32 s0, $0x0  }
0x421: {  	s0 =	simm.s32 @!p1 $0x0  }
0x422: {  	s19 =	rddreg [dreg:$0x1e];
	p1 =	seq.s32 s18, $0x7;
	s1 =	smin.u32 s0, $0x1B8  }
0x423: {  	s4 =	sld [smem:$0x7F6];
	s0 =	sor.u32 @!p1 s3, s1  }
0x424: {  	[smem:$0x7F3] =	sst s1;
	s0 =	sshll.u32 @!p1 s0, $0x5  }
0x425: {  	s1 =	rddreg [dreg:$0x0];
	s0 =	sand.u32 @!p1 $0xFFFFF00, s0  }
0x426: {  	s2 =	simm.s32 @!p1 $0xA80;
	s0 =	sadd.s32 @!p1 s1, s0;
	s1 =	simm.s32 @!p1 $0x0  }
0x427: {  	[tilespmem:s2], [sflag:$0x1] =	stream.linear.gather @!p1 [hbm4b:s0+s1], $0x4800, $0x38;
	[tilespmem:$0x12A80] =	vst v63  }
0x428: {  	s0 =	sadd.s32 s19, s4  }
0x429: {  	s22 =	simm.s32 $0x0;
	s21 =	rddreg [dreg:$0x2];
	s0 =	sshll.u32 s0, $0x5  }
0x42a: {  	s23 =	simm.s32 $0xAA80;
	s24 =	simm.s32 $0x2;
	s0 =	sadd.s32 s21, s0  }
0x42b: {  	[hbm4b:s0+s22] =	stream.linear.scatter [tilespmem:s23], [sflag:$0x3], $0x4000, $0x38;
	[tilespmem:$0x12A80] =	vst v63  }
0x42c: {  	_ =	swait.ge [sflag:s24], $0x4800  }
0x42d: {  	[sflag:s24] =	ssyncset.done $0x0  }
0x42e: {  	s0 =	simm.s32 @!p0 $0x4;
	[sflag:s24] =	ssyncadd.s32 $0xFFFFB800  }
0x42f: {  	_ =	swait.ge @!p0 [sflag:s0], $0x4000  }
0x430: {  	s19 =	sld [smem:$0x7FB]  }
0x431: {  	[sflag:s0] =	ssyncset.done @!p0 $0x0  }
0x432: {  	[sflag:s0] =	ssyncadd.s32 @!p0 $0xFFFFC000  }
0x433: {  	v49 =	vld [tilespmem:s19+$0x0];
	_ =	sdelay $0x4  }
0x434: {  	(v2sf) =	vpush v49, $0x0;
	_ =	sdelay $0x9  }
0x435: {  	v50 =	vld [tilespmem:s19+$0xFFFFFFFD]  }
0x436: {  	v51 =	vld [tilespmem:s19+$0xFFFFFFFE]  }
0x437: {  	s25 =	sld [smem:$0x7F5];
	_ =	sdelay $0x2  }
0x438: {  	s26 =	sor.u32 s3, s25;
	(v2sf) =	vpush v50, $0x0;
	s2 =	spop (v2sf)  }
0x439: {  	v52 =	vld [tilespmem:s19+$0xFFFFFFFF];
	s3 =	rddreg [dreg:$0x5];
	(v2sf) =	vpush v51, $0x0;
	s0 =	ssub.s32 s2, s26  }
0x43a: {  	s1 =	sadd.s32 $0xFFFFFFFC, s3;
	p0 =	sgt.s32 s0, $0x0  }
0x43b: {  	s6 =	sadd.s32 $0x87, s1;
	s0 =	simm.s32 @!p0 $0x0  }
0x43c: {  	p0 =	slt.s32 s6, s20;
	s0 =	smin.u32 s0, $0x47  }
0x43d: {  	s0 =	simm.s32 @!p0 $0x48  }
0x43e: {  	(v2sf) =	vpush v52, $0x0;
	s7 =	sshll.u32 s0, $0x8;
	s0 =	sshll.u32 s0, $0x7  }
0x43f: {  	s2 =	sand.u32 $0x7800, s7;
	s0 =	sand.u32 $0x380, s0  }
0x440: {  	s2 =	sor.u32 s0, s2  }
0x441: {  	v53 =	vld [tilespmem:s2+$0x5A80]  }
0x442: {  	v54 =	vld [tilespmem:s2+$0x5A90]  }
0x443: {  	v55 =	vld [tilespmem:s2+$0x5AA0]  }
0x444: {  	s8 =	sor.u32 $0x80, s4;
	v56 =	vld [tilespmem:s2+$0x5AB0]  }
0x445: {  	s18 =	simm.s32 $0x180;
	s25 =	simm.s32 $0x0;
	v57 =	vld [tilespmem:s2+$0x5AC0];
	[smem:$0x7F4] =	sst s8  }
0x446: {  	s21 =	sand.u32 $0x380, s18;
	s17 =	sand.u32 $0x3800, s25;
	v58 =	vld [tilespmem:s2+$0x5AD0]  }
0x447: {  	s12 =	sadd.s32 $0x84, s1;
	s13 =	sadd.s32 $0x85, s1;
	s9 =	spop (v2sf);
	v59 =	vld [tilespmem:s2+$0x5AE0]  }
0x448: {  	s10 =	spop (v2sf);
	s0 =	ssub.s32 s9, s26;
	v41 =	vld [tilespmem:s2+$0x5AF0];
	[dreg:$0x7] =	wrdreg s26  }
0x449: {  	s14 =	sadd.s32 $0x86, s1;
	s3 =	ssub.s32 s10, s26;
	p2 =	sgt.s32 s0, $0x0;
	v42 =	vld [tilespmem:s2+$0x5E80]  }
0x44a: {  	s1 =	sadd.s32 $0xEA80, s17;
	p3 =	sgt.s32 s3, $0x0;
	s0 =	simm.s32 @!p2 $0x0;
	v43 =	vld [tilespmem:s2+$0x5E90]  }
0x44b: {  	s3 =	simm.s32 @!p3 $0x0;
	p3 =	slt.s32 s12, s20;
	s0 =	smin.u32 s0, $0x47;
	v44 =	vld [tilespmem:s2+$0x5EA0]  }
0x44c: {  	s22 =	sadd.s32 s21, s1;
	v45 =	vld [tilespmem:s2+$0x5EB0];
	s0 =	simm.s32 @!p3 $0x48  }
0x44d: {  	v60 =	vld [tilespmem:s2+$0x5EC0];
	s15 =	sshll.u32 s0, $0x8;
	s0 =	sshll.u32 s0, $0x7;
	s11 =	spop (v2sf)  }
0x44e: {  	v61 =	vld [tilespmem:s2+$0x5ED0];
	s16 =	sand.u32 $0x7800, s15;
	s0 =	sand.u32 $0x380, s0;
	s4 =	ssub.s32 s11, s26  }
0x44f: {  	s3 =	smin.u32 s3, $0x47;
	v62 =	vld [tilespmem:s2+$0x5EE0];
	s0 =	sor.u32 s0, s16;
	p2 =	sgt.s32 s4, $0x0  }
0x450: {  	v63 =	vld [tilespmem:s2+$0x5EF0];
	[tilespmem:s22+$0x0] =	vst v53;
	s26 =	sand.u32 $0x7, s25;
	s4 =	simm.s32 @!p2 $0x0;
	p2 =	slt.s32 s13, s20  }
0x451: {  	[tilespmem:s22+$0x10] =	vst v54;
	v50 =	vld [tilespmem:s0+$0x5A80];
	s2 =	smin.u32 s4, $0x47;
	s3 =	simm.s32 @!p2 $0x48;
	p2 =	slt.s32 s14, s20  }
0x452: {  	[tilespmem:s22+$0x20] =	vst v55;
	v51 =	vld [tilespmem:s0+$0x5A90];
	s7 =	sshll.u32 s26, $0x7;
	s2 =	simm.s32 @!p2 $0x48;
	s23 =	sshll.u32 s3, $0x8  }
0x453: {  	[tilespmem:s22+$0x30] =	vst v56;
	v52 =	vld [tilespmem:s0+$0x5AA0];
	s3 =	sshll.u32 s3, $0x7;
	s24 =	sshll.u32 s2, $0x8;
	s2 =	sshll.u32 s2, $0x7  }
0x454: {  	[tilespmem:s22+$0x40] =	vst v57;
	v53 =	vld [tilespmem:s0+$0x5AB0];
	s4 =	sand.u32 $0x7800, s23;
	s3 =	sand.u32 $0x380, s3;
	s6 =	sand.u32 $0x7800, s24  }
0x455: {  	[tilespmem:s22+$0x50] =	vst v58;
	v54 =	vld [tilespmem:s0+$0x5AC0];
	s9 =	sor.u32 s3, s4;
	s2 =	sand.u32 $0x380, s2;
	s3 =	sadd.s32 $0x0, s7  }
0x456: {  	[tilespmem:s22+$0x60] =	vst v59;
	v55 =	vld [tilespmem:s0+$0x5AD0];
	s7 =	sor.u32 s2, s6;
	s2 =	sadd.s32 $0x180, s3  }
0x457: {  	[tilespmem:s22+$0x70] =	vst v41;
	v56 =	vld [tilespmem:s0+$0x5AE0];
	s12 =	sor.u32 $0x400, s2  }
0x458: {  	s10 =	sand.u32 $0x3, s25;
	v57 =	vld [tilespmem:s0+$0x5AF0];
	s14 =	sor.u32 $0x410, s2;
	[tilespmem:s12+$0xEA80] =	vst v42  }
0x459: {  	v34 =	vld [tilespmem:s0+$0x5E80];
	s4 =	sshll.u32 s10, $0x8;
	s21 =	sor.u32 $0x420, s2;
	[tilespmem:s14+$0xEA80] =	vst v43  }
0x45a: {  	p0 =	por $0x0, $0x0;
	v35 =	vld [tilespmem:s0+$0x5E90];
	s4 =	sadd.s32 $0x0, s4;
	s22 =	sor.u32 $0x430, s2;
	[tilespmem:s21+$0xEA80] =	vst v44  }
0x45b: {  	s8 =	simm.s32 $0x1;
	v36 =	vld [tilespmem:s0+$0x5EA0];
	s4 =	sadd.s32 $0x100, s4;
	s23 =	sor.u32 $0x440, s2;
	[tilespmem:s22+$0xEA80] =	vst v45  }
0x45c: {  	s8 =	simm.s32 @!p0 $0x0;
	v37 =	vld [tilespmem:s0+$0x5EB0];
	s26 =	sor.u32 $0x420, s4;
	[tilespmem:s23+$0xEA80] =	vst v60  }
0x45d: {  	v38 =	vld [tilespmem:s0+$0x5EC0];
	s13 =	simm.s32 $0x0;
	s24 =	sor.u32 $0x450, s2;
	[dreg:$0xf] =	wrdreg s26  }
0x45e: {  	s11 =	sshll.u32 s8, $0x9;
	s8 =	sand.u32 $0x200, s13;
	s13 =	sor.u32 $0x430, s4;
	[tilespmem:s24+$0xEA80] =	vst v61  }
0x45f: {  	s14 =	sor.u32 $0x440, s4;
	v39 =	vld [tilespmem:s0+$0x5ED0];
	[dreg:$0x11] =	wrdreg s13  }
0x460: {  	s15 =	simm.s32 $0x80;
	s12 =	sor.u32 $0x460, s2;
	[dreg:$0xd] =	wrdreg s14  }
0x461: {  	s6 =	sand.u32 $0x280, s15;
	s15 =	sor.u32 $0x450, s4;
	[tilespmem:s12+$0xEA80] =	vst v62  }
0x462: {  	s2 =	sor.u32 $0x470, s2;
	v40 =	vld [tilespmem:s0+$0x5EE0];
	[dreg:$0x10] =	wrdreg s15  }
0x463: {  	s21 =	sor.u32 $0x460, s4;
	[tilespmem:s2+$0xEA80] =	vst v63  }
0x464: {  	s3 =	sadd.s32 $0x80, s3;
	s24 =	sadd.s32 s8, s1;
	v42 =	vld [tilespmem:s0+$0x5EF0];
	[dreg:$0xb] =	wrdreg s21  }
0x465: {  	s22 =	sor.u32 $0x410, s3;
	[tilespmem:s24+$0x0] =	vst v50  }
0x466: {  	s17 =	simm.s32 $0x100;
	s16 =	sadd.s32 $0x0, s11;
	[dreg:$0x17] =	wrdreg s22  }
0x467: {  	s11 =	sand.u32 $0x300, s17;
	s29 =	sor.u32 $0x400, s16;
	s23 =	sor.u32 $0x440, s3;
	[tilespmem:s24+$0x10] =	vst v51  }
0x468: {  	s30 =	sor.u32 $0x410, s16;
	s10 =	sor.u32 $0x420, s3;
	v41 =	vld [tilespmem:s9+$0x5A80];
	[dreg:$0x15] =	wrdreg s23  }
0x469: {  	s5 =	sor.u32 $0x430, s3;
	s31 =	sadd.s32 s6, s1;
	s26 =	sor.u32 $0x450, s3;
	[tilespmem:s24+$0x20] =	vst v52  }
0x46a: {  	s6 =	sadd.s32 s11, s1;
	s11 =	sor.u32 $0x460, s16;
	v43 =	vld [tilespmem:s9+$0x5A90];
	[dreg:$0x14] =	wrdreg s26  }
0x46b: {  	s28 =	sor.u32 $0x400, s4;
	s17 =	sor.u32 $0x410, s4;
	s8 =	sor.u32 $0x460, s3;
	[tilespmem:s24+$0x30] =	vst v53;
	v44 =	vld [tilespmem:s9+$0x5AA0]  }
0x46c: {  	s1 =	simm.s32 $0x0;
	s14 =	sor.u32 $0x470, s3;
	s13 =	sor.u32 $0x420, s16;
	[tilespmem:s24+$0x40] =	vst v54;
	v45 =	vld [tilespmem:s9+$0x5AB0]  }
0x46d: {  	s12 =	sor.u32 $0x430, s16;
	s15 =	sor.u32 $0x450, s16;
	s0 =	sor.u32 $0x400, s3;
	[tilespmem:s24+$0x50] =	vst v55;
	v46 =	vld [tilespmem:s9+$0x5AC0]  }
0x46e: {  	s3 =	sadd.s32 $0x4, s19;
	s21 =	sor.u32 $0x470, s4;
	s4 =	simm.s32 $0x0;
	[tilespmem:s24+$0x60] =	vst v56;
	v47 =	vld [tilespmem:s9+$0x5AD0]  }
0x46f: {  	s22 =	simm.s32 $0x0;
	s23 =	sor.u32 $0x440, s16;
	s26 =	sor.u32 $0x470, s16;
	[tilespmem:s24+$0x70] =	vst v57;
	v48 =	vld [tilespmem:s9+$0x5AE0]  }
.LBB2_5:
0x470: {  	v49 =	vld [tilespmem:s3+$0x0]  }
0x471: {  	v50 =	vld [tilespmem:s3+$0xFFFFFFFE]  }
0x472: {  	v51 =	vld [tilespmem:s3+$0xFFFFFFFF]  }
0x473: {  	v52 =	vld [tilespmem:s9+$0x5AF0]  }
0x474: {  	v53 =	vld [tilespmem:s9+$0x5E80]  }
0x475: {  	v54 =	vld [tilespmem:s9+$0x5EC0];
	[tilespmem:s29+$0xEA80] =	vst v34;
	(v2sf) =	vpush v49, $0x0  }
0x476: {  	v34 =	vld [tilespmem:s3+$0xFFFFFFFD];
	[tilespmem:s30+$0xEA80] =	vst v35  }
0x477: {  	v55 =	vld [tilespmem:s9+$0x5ED0];
	[tilespmem:s13+$0xEA80] =	vst v36  }
0x478: {  	v56 =	vld [tilespmem:s9+$0x5EE0];
	[tilespmem:s12+$0xEA80] =	vst v37  }
0x479: {  	v57 =	vld [tilespmem:s9+$0x5EF0];
	[tilespmem:s23+$0xEA80] =	vst v38  }
0x47a: {  	v35 =	vld [tilespmem:s9+$0x5EA0];
	[tilespmem:s15+$0xEA80] =	vst v39  }
0x47b: {  	v36 =	vld [tilespmem:s9+$0x5EB0];
	[tilespmem:s11+$0xEA80] =	vst v40  }
0x47c: {  	(v2sf) =	vpush v34, $0x0;
	v34 =	vld [tilespmem:s9+$0x5E90];
	[tilespmem:s31+$0x0] =	vst v41  }
0x47d: {  	v58 =	vld [tilespmem:s7+$0x5A80];
	[tilespmem:s31+$0x10] =	vst v43  }
0x47e: {  	v59 =	vld [tilespmem:s7+$0x5A90];
	[tilespmem:s31+$0x20] =	vst v44;
	(v2sf) =	vpush v50, $0x0  }
0x47f: {  	v60 =	vld [tilespmem:s7+$0x5AA0];
	[tilespmem:s31+$0x30] =	vst v45;
	(v2sf) =	vpush v51, $0x0  }
0x480: {  	v61 =	vld [tilespmem:s7+$0x5AB0];
	[tilespmem:s31+$0x40] =	vst v46  }
0x481: {  	v62 =	vld [tilespmem:s7+$0x5AC0];
	[tilespmem:s31+$0x50] =	vst v47  }
0x482: {  	v63 =	vld [tilespmem:s7+$0x5AD0];
	[tilespmem:s31+$0x60] =	vst v48  }
0x483: {  	s2 =	rddreg [dreg:$0x17];
	v39 =	vld [tilespmem:s7+$0x5EB0];
	[tilespmem:s31+$0x70] =	vst v52  }
0x484: {  	s13 =	rddreg [dreg:$0x7];
	v52 =	vld [tilespmem:s7+$0x5AE0];
	[tilespmem:s26+$0xEA80] =	vst v42;
	s12 =	spop (v2sf)  }
0x485: {  	s19 =	rddreg [dreg:$0x5];
	[tilespmem:s0+$0xEA80] =	vst v53;
	v53 =	vld [tilespmem:s7+$0x5AF0];
	s0 =	ssub.s32 s12, s13  }
0x486: {  	s11 =	sadd.s32 s22, s19;
	[tilespmem:s2+$0xEA80] =	vst v34;
	v34 =	vld [tilespmem:s7+$0x5E80];
	p2 =	sgt.s32 s0, $0x0  }
0x487: {  	s24 =	sadd.s32 $0x87, s11;
	[tilespmem:s10+$0xEA80] =	vst v35;
	v35 =	vld [tilespmem:s7+$0x5E90];
	s0 =	simm.s32 @!p2 $0x0  }
0x488: {  	s9 =	rddreg [dreg:$0x15];
	[tilespmem:s5+$0xEA80] =	vst v36;
	v36 =	vld [tilespmem:s7+$0x5EA0];
	p2 =	slt.s32 s24, s20;
	s0 =	smin.u32 s0, $0x47  }
0x489: {  	p0 =	por !p0, !p0;
	s10 =	rddreg [dreg:$0x14];
	[tilespmem:s9+$0xEA80] =	vst v54;
	v54 =	vld [tilespmem:s7+$0x5EC0];
	s0 =	simm.s32 @!p2 $0x48  }
0x48a: {  	s1 =	sadd.s32 $0x400, s1;
	[tilespmem:s10+$0xEA80] =	vst v55;
	v55 =	vld [tilespmem:s7+$0x5ED0];
	s12 =	sshll.u32 s0, $0x8;
	s0 =	sshll.u32 s0, $0x7  }
0x48b: {  	s18 =	sadd.s32 $0x200, s18;
	[tilespmem:s8+$0xEA80] =	vst v56;
	v56 =	vld [tilespmem:s7+$0x5EE0];
	s9 =	sand.u32 $0x7800, s12;
	s0 =	sand.u32 $0x380, s0  }
0x48c: {  	s15 =	sadd.s32 $0x86, s11;
	[tilespmem:s14+$0xEA80] =	vst v57;
	v57 =	vld [tilespmem:s7+$0x5EF0];
	s16 =	spop (v2sf);
	s0 =	sor.u32 s0, s9  }
0x48d: {  	[tilespmem:s6+$0x0] =	vst v58;
	s14 =	sadd.s32 $0x85, s11;
	s23 =	spop (v2sf);
	s5 =	ssub.s32 s16, s13;
	v58 =	vld [tilespmem:s0+$0x5A80]  }
0x48e: {  	[tilespmem:s6+$0x10] =	vst v59;
	s26 =	spop (v2sf);
	s2 =	ssub.s32 s23, s13;
	p3 =	sgt.s32 s5, $0x0;
	v59 =	vld [tilespmem:s0+$0x5A90]  }
0x48f: {  	[tilespmem:s6+$0x20] =	vst v60;
	s8 =	ssub.s32 s26, s13;
	p4 =	sgt.s32 s2, $0x0;
	s5 =	simm.s32 @!p3 $0x0;
	v60 =	vld [tilespmem:s0+$0x5AA0]  }
0x490: {  	[tilespmem:s6+$0x30] =	vst v61;
	s13 =	sadd.s32 $0x84, s11;
	s2 =	simm.s32 @!p4 $0x0;
	p3 =	sgt.s32 s8, $0x0;
	v61 =	vld [tilespmem:s0+$0x5AB0]  }
0x491: {  	[tilespmem:s6+$0x40] =	vst v62;
	s5 =	smin.u32 s5, $0x47;
	v62 =	vld [tilespmem:s0+$0x5AC0];
	s8 =	simm.s32 @!p3 $0x0;
	p3 =	slt.s32 s13, s20  }
0x492: {  	[tilespmem:s6+$0x50] =	vst v63;
	v63 =	vld [tilespmem:s0+$0x5AD0];
	s7 =	smin.u32 s8, $0x47;
	s5 =	simm.s32 @!p3 $0x48;
	p3 =	slt.s32 s15, s20  }
0x493: {  	[tilespmem:s6+$0x60] =	vst v52;
	p4 =	slt.s32 s14, s20;
	v52 =	vld [tilespmem:s0+$0x5AE0];
	s2 =	smin.u32 s2, $0x47;
	s7 =	simm.s32 @!p3 $0x48  }
0x494: {  	[tilespmem:s6+$0x70] =	vst v53;
	v53 =	vld [tilespmem:s0+$0x5AF0];
	s16 =	sshll.u32 s5, $0x8;
	s5 =	sshll.u32 s5, $0x7;
	s20 =	sshll.u32 s7, $0x8  }
0x495: {  	[tilespmem:s28+$0xEA80] =	vst v34;
	v34 =	vld [tilespmem:s0+$0x5E80];
	s23 =	sand.u32 $0x7800, s16;
	s5 =	sand.u32 $0x380, s5;
	s7 =	sshll.u32 s7, $0x7  }
0x496: {  	[tilespmem:s17+$0xEA80] =	vst v35;
	v35 =	vld [tilespmem:s0+$0x5E90];
	s10 =	sand.u32 $0x7800, s20;
	s26 =	sand.u32 $0x380, s7;
	s7 =	rddreg [dreg:$0xf]  }
0x497: {  	s28 =	sor.u32 s5, s23;
	[tilespmem:s7+$0xEA80] =	vst v36;
	s7 =	sor.u32 s26, s10;
	v36 =	vld [tilespmem:s0+$0x5EA0];
	s10 =	rddreg [dreg:$0x11]  }
0x498: {  	s6 =	simm.s32 $0x1;
	s13 =	rddreg [dreg:$0xd];
	s2 =	simm.s32 @!p4 $0x48;
	v50 =	vld [tilespmem:s28+$0x5AE0];
	[tilespmem:s10+$0xEA80] =	vst v39  }
0x499: {  	s6 =	simm.s32 @!p0 $0x0;
	s15 =	rddreg [dreg:$0x10];
	s19 =	sshll.u32 s2, $0x8;
	v39 =	vld [tilespmem:s0+$0x5EB0];
	[tilespmem:s13+$0xEA80] =	vst v54  }
0x49a: {  	s14 =	sand.u32 $0x3800, s1;
	s24 =	sand.u32 $0x7800, s19;
	s19 =	rddreg [dreg:$0xb];
	v54 =	vld [tilespmem:s0+$0x5EC0];
	[tilespmem:s15+$0xEA80] =	vst v55  }
0x49b: {  	s17 =	sand.u32 $0x380, s18;
	s12 =	sshll.u32 s6, $0x9;
	s6 =	sadd.s32 $0xEA80, s14;
	v55 =	vld [tilespmem:s0+$0x5ED0];
	[tilespmem:s19+$0xEA80] =	vst v56  }
0x49c: {  	s25 =	sadd.s32 $0x2, s25;
	s4 =	sadd.s32 $0x4, s4;
	s10 =	sadd.s32 s17, s6;
	v56 =	vld [tilespmem:s0+$0x5EE0];
	[tilespmem:s21+$0xEA80] =	vst v57  }
0x49d: {  	s3 =	sadd.s32 $0x4, s3;
	s22 =	sadd.s32 $0x4, s22;
	s2 =	sshll.u32 s2, $0x7;
	v57 =	vld [tilespmem:s0+$0x5EF0];
	[tilespmem:s10+$0x0] =	vst v58  }
0x49e: {  	p2 =	slt.u32 s22, $0x3C;
	s8 =	sand.u32 $0x3, s25;
	s2 =	sand.u32 $0x380, s2;
	v51 =	vld [tilespmem:s28+$0x5AF0];
	[tilespmem:s10+$0x10] =	vst v59  }
0x49f: {  	s11 =	sshll.u32 s8, $0x8;
	s16 =	sadd.s32 $0xFFFFFE80, s18;
	s9 =	sor.u32 s2, s24;
	v37 =	vld [tilespmem:s28+$0x5EB0];
	[tilespmem:s10+$0x20] =	vst v60  }
0x4a0: {  	s2 =	sadd.s32 s1, s11;
	s20 =	sadd.s32 $0xFFFFFF00, s18;
	s11 =	sand.u32 $0x7, s4;
	v38 =	vld [tilespmem:s28+$0x5EC0];
	[tilespmem:s10+$0x30] =	vst v61  }
0x4a1: {  	s23 =	sadd.s32 $0xFFFFFF80, s18;
	s31 =	sand.u32 $0x200, s16;
	v40 =	vld [tilespmem:s28+$0x5EE0];
	s0 =	sshll.u32 s11, $0x7;
	[tilespmem:s10+$0x40] =	vst v62  }
0x4a2: {  	s26 =	sadd.s32 s12, s1;
	s2 =	sadd.s32 $0x100, s2;
	v42 =	vld [tilespmem:s28+$0x5EF0];
	[tilespmem:s10+$0x50] =	vst v63;
	s0 =	sadd.s32 s1, s0  }
0x4a3: {  	s24 =	sand.u32 $0x280, s20;
	s16 =	sand.u32 $0x300, s23;
	v58 =	vld [tilespmem:s28+$0x5A80];
	[tilespmem:s10+$0x60] =	vst v52;
	s20 =	sadd.s32 $0x180, s0  }
0x4a4: {  	s5 =	sor.u32 $0x400, s2;
	s17 =	sor.u32 $0x410, s2;
	v59 =	vld [tilespmem:s28+$0x5A90];
	[tilespmem:s10+$0x70] =	vst v53;
	s21 =	sor.u32 $0x400, s20  }
0x4a5: {  	s15 =	sor.u32 $0x460, s2;
	v60 =	vld [tilespmem:s28+$0x5AA0];
	s11 =	sadd.s32 $0x80, s0;
	s23 =	sor.u32 $0x410, s20;
	[tilespmem:s21+$0xEA80] =	vst v34  }
0x4a6: {  	[dreg:$0xb] =	wrdreg s15;
	v61 =	vld [tilespmem:s28+$0x5AB0];
	s19 =	sor.u32 $0x410, s11;
	s15 =	sor.u32 $0x420, s20;
	[tilespmem:s23+$0xEA80] =	vst v35  }
0x4a7: {  	s8 =	sor.u32 $0x420, s2;
	v62 =	vld [tilespmem:s28+$0x5AC0];
	[dreg:$0x17] =	wrdreg s19;
	s19 =	sor.u32 $0x430, s20;
	[tilespmem:s15+$0xEA80] =	vst v36  }
0x4a8: {  	s12 =	sor.u32 $0x430, s2;
	s14 =	sor.u32 $0x450, s2;
	v63 =	vld [tilespmem:s28+$0x5AD0];
	s21 =	sor.u32 $0x440, s20;
	[tilespmem:s19+$0xEA80] =	vst v39  }
0x4a9: {  	s29 =	sor.u32 $0x400, s26;
	[dreg:$0x19] =	wrdreg s5;
	v34 =	vld [tilespmem:s28+$0x5E80];
	s19 =	sor.u32 $0x450, s20;
	[tilespmem:s21+$0xEA80] =	vst v54  }
0x4aa: {  	[dreg:$0xf] =	wrdreg s8;
	v35 =	vld [tilespmem:s28+$0x5E90];
	s21 =	smov.u32 s25;
	s25 =	sor.u32 $0x460, s20;
	[tilespmem:s19+$0xEA80] =	vst v55  }
0x4ab: {  	s30 =	sor.u32 $0x410, s26;
	[dreg:$0x11] =	wrdreg s12;
	v36 =	vld [tilespmem:s28+$0x5EA0];
	s19 =	sadd.s32 s31, s6;
	[tilespmem:s25+$0xEA80] =	vst v56  }
0x4ac: {  	s13 =	sor.u32 $0x440, s2;
	[dreg:$0x10] =	wrdreg s14;
	s12 =	sor.u32 $0x430, s26;
	v39 =	vld [tilespmem:s28+$0x5ED0];
	[tilespmem:s19+$0x0] =	vst v58  }
0x4ad: {  	[dreg:$0xd] =	wrdreg s13;
	s2 =	sor.u32 $0x470, s2;
	s0 =	sor.u32 $0x400, s11;
	[tilespmem:s19+$0x10] =	vst v59  }
0x4ae: {  	v41 =	vld [tilespmem:s9+$0x5A80];
	s10 =	sor.u32 $0x420, s11;
	s5 =	sor.u32 $0x430, s11;
	s13 =	sor.u32 $0x440, s11;
	[tilespmem:s19+$0x20] =	vst v60  }
0x4af: {  	v43 =	vld [tilespmem:s9+$0x5A90];
	s14 =	sor.u32 $0x450, s11;
	s8 =	sor.u32 $0x460, s11;
	[dreg:$0x15] =	wrdreg s13;
	[tilespmem:s19+$0x30] =	vst v61  }
.Ltmp1:
0x4b0: {  	v44 =	vld [tilespmem:s9+$0x5AA0];
	[dreg:$0x14] =	wrdreg s14;
	s14 =	sor.u32 $0x470, s11;
	[tilespmem:s19+$0x40] =	vst v62;
	(pc) =	sbr.rel @p2 .LBB2_5-.Ltmp1, $4  }
0x4b1: {  	v45 =	vld [tilespmem:s9+$0x5AB0];
	s13 =	sor.u32 $0x420, s26;
	s11 =	sor.u32 $0x460, s26;
	s23 =	sor.u32 $0x440, s26;
	[tilespmem:s19+$0x50] =	vst v63  }
0x4b2: {  	v46 =	vld [tilespmem:s9+$0x5AC0];
	s15 =	sor.u32 $0x450, s26;
	s26 =	sor.u32 $0x470, s26;
	s28 =	rddreg [dreg:$0x19];
	[tilespmem:s19+$0x60] =	vst v50  }
0x4b3: {  	v47 =	vld [tilespmem:s9+$0x5AD0];
	s20 =	sor.u32 $0x470, s20;
	s31 =	sadd.s32 s24, s6;
	s6 =	sadd.s32 s16, s6;
	[tilespmem:s19+$0x70] =	vst v51  }
0x4b4: {  	v48 =	vld [tilespmem:s9+$0x5AE0];
	s25 =	smov.u32 s21;
	s21 =	smov.u32 s2;
	[tilespmem:s20+$0xEA80] =	vst v57;
	s20 =	rddreg [dreg:$0x4]  }
0x4b5: {  	v49 =	vld [tilespmem:s9+$0x5AF0]  }
0x4b6: {  	v56 =	vld [tilespmem:s9+$0x5E80]  }
0x4b7: {  	v57 =	vld [tilespmem:s9+$0x5E90]  }
0x4b8: {  	v58 =	vld [tilespmem:s9+$0x5EA0]  }
0x4b9: {  	v59 =	vld [tilespmem:s9+$0x5EB0]  }
0x4ba: {  	v60 =	vld [tilespmem:s9+$0x5EC0]  }
0x4bb: {  	v61 =	vld [tilespmem:s9+$0x5ED0]  }
0x4bc: {  	[tilespmem:s29+$0xEA80] =	vst v34;
	v62 =	vld [tilespmem:s9+$0x5EE0]  }
0x4bd: {  	v63 =	vld [tilespmem:s9+$0x5EF0];
	[tilespmem:s31+$0x0] =	vst v41  }
0x4be: {  	[tilespmem:s31+$0x10] =	vst v43  }
0x4bf: {  	[tilespmem:s31+$0x20] =	vst v44  }
0x4c0: {  	[tilespmem:s30+$0xEA80] =	vst v35  }
0x4c1: {  	[tilespmem:s31+$0x30] =	vst v45  }
0x4c2: {  	[tilespmem:s13+$0xEA80] =	vst v36  }
0x4c3: {  	[tilespmem:s31+$0x40] =	vst v46  }
0x4c4: {  	[tilespmem:s12+$0xEA80] =	vst v37  }
0x4c5: {  	[tilespmem:s31+$0x50] =	vst v47  }
0x4c6: {  	[tilespmem:s23+$0xEA80] =	vst v38  }
0x4c7: {  	[tilespmem:s31+$0x60] =	vst v48  }
0x4c8: {  	v41 =	vld [tilespmem:s7+$0x5A80];
	[tilespmem:s15+$0xEA80] =	vst v39  }
0x4c9: {  	v43 =	vld [tilespmem:s7+$0x5A90];
	[tilespmem:s31+$0x70] =	vst v49  }
0x4ca: {  	v44 =	vld [tilespmem:s7+$0x5AA0];
	[tilespmem:s11+$0xEA80] =	vst v40  }
0x4cb: {  	v52 =	vld [tilespmem:s7+$0x5AC0];
	[tilespmem:s0+$0xEA80] =	vst v56  }
0x4cc: {  	v53 =	vld [tilespmem:s7+$0x5AD0];
	[tilespmem:s26+$0xEA80] =	vst v42  }
0x4cd: {  	v54 =	vld [tilespmem:s7+$0x5AE0];
	s0 =	rddreg [dreg:$0x17]  }
0x4ce: {  	v55 =	vld [tilespmem:s7+$0x5AF0];
	[tilespmem:s0+$0xEA80] =	vst v57  }
0x4cf: {  	v45 =	vld [tilespmem:s7+$0x5AB0];
	[tilespmem:s10+$0xEA80] =	vst v58  }
0x4d0: {  	v56 =	vld [tilespmem:s7+$0x5E80];
	[tilespmem:s5+$0xEA80] =	vst v59  }
0x4d1: {  	v57 =	vld [tilespmem:s7+$0x5E90];
	s0 =	rddreg [dreg:$0x15]  }
0x4d2: {  	v58 =	vld [tilespmem:s7+$0x5EA0];
	[tilespmem:s0+$0xEA80] =	vst v60  }
0x4d3: {  	v59 =	vld [tilespmem:s7+$0x5EB0];
	s0 =	rddreg [dreg:$0x14]  }
0x4d4: {  	v60 =	vld [tilespmem:s7+$0x5EC0];
	[tilespmem:s0+$0xEA80] =	vst v61  }
0x4d5: {  	v61 =	vld [tilespmem:s7+$0x5ED0];
	[tilespmem:s8+$0xEA80] =	vst v62  }
0x4d6: {  	v62 =	vld [tilespmem:s7+$0x5EE0];
	[tilespmem:s14+$0xEA80] =	vst v63  }
0x4d7: {  	v63 =	vld [tilespmem:s7+$0x5EF0];
	[tilespmem:s6+$0x0] =	vst v41  }
0x4d8: {  	[tilespmem:s6+$0x10] =	vst v43  }
0x4d9: {  	[tilespmem:s6+$0x20] =	vst v44  }
0x4da: {  	[tilespmem:s6+$0x30] =	vst v45  }
0x4db: {  	[tilespmem:s6+$0x40] =	vst v52  }
0x4dc: {  	[tilespmem:s6+$0x50] =	vst v53  }
0x4dd: {  	[tilespmem:s6+$0x60] =	vst v54  }
0x4de: {  	[tilespmem:s6+$0x70] =	vst v55  }
0x4df: {  	[tilespmem:s28+$0xEA80] =	vst v56  }
0x4e0: {  	[tilespmem:s17+$0xEA80] =	vst v57  }
0x4e1: {  	s0 =	rddreg [dreg:$0xf]  }
0x4e2: {  	[tilespmem:s0+$0xEA80] =	vst v58  }
0x4e3: {  	s0 =	rddreg [dreg:$0x11]  }
0x4e4: {  	[tilespmem:s0+$0xEA80] =	vst v59  }
0x4e5: {  	s0 =	rddreg [dreg:$0xd]  }
0x4e6: {  	[tilespmem:s0+$0xEA80] =	vst v60  }
0x4e7: {  	s0 =	rddreg [dreg:$0x10]  }
0x4e8: {  	[tilespmem:s0+$0xEA80] =	vst v61  }
0x4e9: {  	s0 =	sld [smem:$0x7F8]  }
0x4ea: {  	s1 =	rddreg [dreg:$0xb]  }
0x4eb: {  	[tilespmem:s1+$0xEA80] =	vst v62  }
0x4ec: {  	[tilespmem:s21+$0xEA80] =	vst v63;
	s0 =	smin.u32 s0, $0xC  }
0x4ed: {  	s1 =	rddreg [dreg:$0x1c];
	s0 =	sshll.u32 s0, $0x7  }
0x4ee: {  	s0 =	sor.u32 s1, s0  }
0x4ef: {  	v34 =	vld [tilespmem:s0+$0x380];
	_ =	sdelay $0x4  }
0x4f0: {  	(v2sf) =	vpush v34, $0x0;
	_ =	sdelay $0xe  }
0x4f1: {  	s19 =	rddreg [dreg:$0x1a];
	s23 =	spop (v2sf)  }
0x4f2: {  	s0 =	ssub.s32 s23, s19  }
0x4f3: {  	p0 =	sgt.s32 s0, $0x0  }
0x4f4: {  	s0 =	simm.s32 @!p0 $0x0  }
0x4f5: {  	s0 =	smin.u32 s0, $0x1B8  }
0x4f6: {  	s1 =	sor.u32 @!p1 s19, s0  }
0x4f7: {  	s2 =	rddreg [dreg:$0x0];
	s1 =	sshll.u32 @!p1 s1, $0x5  }
0x4f8: {  	s3 =	simm.s32 @!p1 $0x5A80;
	s25 =	sld [smem:$0x7F4];
	s1 =	sand.u32 @!p1 $0xFFFFF00, s1  }
0x4f9: {  	s24 =	rddreg [dreg:$0x1e];
	s1 =	sadd.s32 @!p1 s2, s1;
	s2 =	simm.s32 @!p1 $0x0  }
0x4fa: {  	[tilespmem:s3], [sflag:$0x2] =	stream.linear.gather @!p1 [hbm4b:s1+s2], $0x4800, $0x38;
	[tilespmem:$0x12A80] =	vst v63  }
0x4fb: {  	s1 =	sadd.s32 s24, s25;
	s25 =	sld [smem:$0x7F7];
	_ =	sdelay $0x1  }
0x4fc: {  	s29 =	simm.s32 $0xEA80;
	s26 =	rddreg [dreg:$0x2]  }
0x4fd: {  	s28 =	simm.s32 $0x0;
	s30 =	rddreg [dreg:$0x5];
	s25 =	sadd.s32 $0x1, s25  }
0x4fe: {  	s31 =	sld [smem:$0x7FB];
	s1 =	sshll.u32 s1, $0x5;
	p0 =	sne.s32 s25, $0x8  }
.Ltmp2:
0x4ff: {  	s24 =	sld [smem:$0x7F9];
	s1 =	sadd.s32 s26, s1;
	(pc) =	sbr.rel @p0 .LBB2_2-.Ltmp2, $4  }
0x500: {  	[hbm4b:s1+s28] =	stream.linear.scatter [tilespmem:s29], [sflag:$0x4], $0x4000, $0x38;
	[tilespmem:$0x12A80] =	vst v63  }
0x501: {  	s7 =	sld [smem:$0x7F3];
	s1 =	sadd.s32 $0x100, s30  }
0x502: {  	[dreg:$0x5] =	wrdreg s1;
	s1 =	sadd.s32 $0x100, s31  }
0x503: {  	s24 =	sadd.s32 $0x100, s24;
	[smem:$0x7FB] =	sst s1  }
0x504: {  	s0 =	simm.s32 $0x3  }
0x505: {  	_ =	swait.ge [sflag:s0], $0x4000  }
0x506: {  	[sflag:s0] =	ssyncset.done $0x0  }
0x507: {  	s1 =	simm.s32 $0x4;
	[sflag:s0] =	ssyncadd.s32 $0xFFFFC000  }
0x508: {  	_ =	swait.ge [sflag:s1], $0x4000  }
0x509: {  	s2 =	sld [smem:$0x7FA];
	_ =	sdelay $0x2  }
0x50a: {  	s31 =	rddreg [dreg:$0x1f];
	s2 =	sadd.s32 $0x1, s2  }
0x50b: {  	p0 =	sne.s32 s2, s31  }
.Ltmp3:
0x50c: {  	_ = 	snop;
	(pc) =	sbr.rel @p0 .LBB2_1-.Ltmp3, $3  }
0x50d: {  	_ =	sdelay $0x1  }
0x50e: {  	[sflag:s1] =	ssyncset.done $0x0  }
0x50f: {  	[sflag:s1] =	ssyncadd.s32 $0xFFFFC000  }
0x510: {  	_ =	sfence.sel $0x180000  }
0x511: {  	[bflag:$0x0] =	sbarrier.arrive $0xFFFF  }
0x512: {  	_ =	strace $0x90000047  }
0x513: {  	s0 =	stileid.u32;
	[bflag:$0x2] =	sbarrier.arrive $0xFFFF  }
0x514: {  	p0 =	sne.s32 s0, $0x0;
	s0 =	rddreg [dreg:$0x3]  }
0x515: {  	s0 =	sadd.s32 @!p0 $0x100000, s0  }
0x516: {  	[sflag:s0] =	ssyncadd.tile.s32 @!p0 $0x1;
	_ =	shalt  }
.Lfunc_end2:
_tile_overlayer_lowered:
.L_overlay_start_2:
0x517: {  	(tag) =	ssettag $0x2  }
0x518: {  	s0 =	rddreg [dreg:$0x0];
	s2 =	stileid.u32  }
0x519: {  	s1 =	rddreg [dreg:$0x1];
	p0 =	sne.s32 s2, $0x0  }
0x51a: {  	s3 =	rddreg [dreg:$0x2];
	[bflag:$0x3] =	sbarrier.arrive $0xFFFF;
	s2 =	simm.s32 @!p0 $0x1C05  }
0x51b: {  	[timem:s3], [sflag:s2] =	dma.local @!p0 [hbm:s0], s1  }
0x51c: {  	s0 =	simm.s32 @!p0 $0x5  }
0x51d: {  	_ =	swait.ge @!p0 [sflag:s0], s1  }
0x51e: {  	s1 =	ssub.s32 @!p0 $0x0, s1;
	[sflag:s0] =	ssyncset.done @!p0 $0x0  }
0x51f: {  	[sflag:s0] =	ssyncadd.s32 @!p0 s1  }
0x520: {  	[bflag:$0x3] =	sbarrier.arrive $0xFFFF  }
0x521: {  	_ =	shalt  }

</sc_bundles>
